<compile_context>
chip_gen: v7x
topology: tpu7x:2x2x1
jax: 0.10.2.dev20260603
libtpu: 0.0.44.dev20260713+nightly
codegen_flags: <defaults>
</compile_context>

<pallas_src>
import functools

import jax
import jax.numpy as jnp
from jax import lax
from jax.experimental import pallas as pl
from jax.experimental.pallas import tpu as pltpu
from jax.experimental.pallas import tpu_sc as plsc

K = 8
S = 8192
C = 128
B = 64
BT = 8
BS = B - BT
L = 16
QROWS = 2048
NQ = S // QROWS
CH = 16
NCHUNK = QROWS // CH
NW = 32
TASKS_PER_W = (BS * (C // L)) // NW
NG = TASKS_PER_W * NQ
NEG = float("-inf")



def _tc_body(x_ref, o_ref):
    x = x_ref[0]
    iota = lax.broadcasted_iota(jnp.int32, (S, C), 0)
    neg = jnp.float32(NEG)
    for r in range(K):
        m = jnp.max(x, axis=0)
        o_ref[0, r, :] = m
        idx = jnp.min(jnp.where(x == m[None, :], iota, jnp.int32(S)), axis=0)
        x = jnp.where(iota == idx[None, :], neg, x)


def _topk_tc(inputs):
    return pl.pallas_call(
        _tc_body,
        grid=(BT,),
        in_specs=[pl.BlockSpec((1, S, C), lambda i: (i, 0, 0))],
        out_specs=pl.BlockSpec((1, K, C), lambda i: (i, 0, 0)),
        out_shape=jax.ShapeDtypeStruct((BT, K, C), jnp.float32),
    )(inputs)



def _bcast_bool(pred):
    return jnp.broadcast_to(pred, (L,))


def _insert_val(t, v):
    t = list(t)
    for l in range(K):
        gt = v > t[l]
        t[l], v = jnp.where(gt, v, t[l]), jnp.where(gt, t[l], v)
    return t


def _task_coords(g, wid):
    q = lax.rem(g, NQ)
    t = lax.div(g, NQ)
    tid = wid * TASKS_PER_W + t
    b = lax.div(tid, C // L)
    cb = lax.rem(tid, C // L)
    return b, cb, q


def _issue(x_hbm, buf, sem, g, wid):
    @pl.when(g < NG)
    def _():
        b, cb, q = _task_coords(g, wid)
        pltpu.async_copy(
            x_hbm.at[BT + b, pl.ds(q * QROWS, QROWS), pl.ds(cb * L, L)],
            buf, sem)


def _process(x_hbm, out_hbm, buf, outb, sem, g, wid, tops):
    b, cb, q = _task_coords(g, wid)
    pltpu.make_async_copy(
        x_hbm.at[BT + b, pl.ds(q * QROWS, QROWS), pl.ds(cb * L, L)], buf,
        sem).wait()

    def p12_body(c, car):
        kv = list(car)
        base = c * CH
        m = buf[base]
        for j in range(1, CH):
            m = jnp.maximum(m, buf[base + j])
        kb = lax.bitcast_convert_type(m, jnp.int32)
        mono = kb ^ ((kb >> 31) & jnp.int32(0x7FFFFFFF))
        key = (mono & jnp.int32(~(NCHUNK - 1))) | c
        for l in range(K):
            kv[l], key = jnp.maximum(kv[l], key), jnp.minimum(kv[l], key)
        return tuple(kv)

    init = tuple(jnp.full((L,), jnp.int32(-2**31), jnp.int32)
                 for _ in range(K))
    sel = lax.fori_loop(0, NCHUNK, p12_body, init, unroll=2)
    chunk_idx = [kv & jnp.int32(NCHUNK - 1) for kv in sel]

    fresh = _bcast_bool(q == 0)
    tops = [jnp.where(fresh, jnp.float32(NEG), tv) for tv in tops]

    lane = lax.broadcasted_iota(jnp.int32, (L,), 0)
    for r in range(K):
        base = chunk_idx[r] * CH

        def p3_body(j, car, base=base):
            rows = base + j
            gv = plsc.load_gather(buf, [rows, lane])
            return tuple(_insert_val(list(car), gv))

        tops = list(lax.fori_loop(0, CH, p3_body, tuple(tops), unroll=4))

    @pl.when(q == NQ - 1)
    def _():
        for r in range(K):
            outb[r] = tops[r]
        pltpu.sync_copy(outb, out_hbm.at[b, :, pl.ds(cb * L, L)])

    return tops


def _topk_sc(inputs):
    mesh = plsc.VectorSubcoreMesh(core_axis_name="c", subcore_axis_name="s")

    @functools.partial(
        pl.kernel,
        mesh=mesh,
        out_type=jax.ShapeDtypeStruct((BS, K, C), jnp.float32),
        compiler_params=pltpu.CompilerParams(use_tc_tiling_on_sc=False,
                                             needs_layout_passes=False),
        scratch_types=[
            pltpu.VMEM((QROWS, L), jnp.float32),
            pltpu.VMEM((QROWS, L), jnp.float32),
            pltpu.VMEM((K, L), jnp.float32),
            pltpu.SemaphoreType.DMA,
            pltpu.SemaphoreType.DMA,
        ],
    )
    def run(x_hbm, out_hbm, buf_a, buf_b, outb, sem_a, sem_b):
        wid = lax.axis_index("s") * 2 + lax.axis_index("c")
        _issue(x_hbm, buf_a, sem_a, jnp.int32(0), wid)
        _issue(x_hbm, buf_b, sem_b, jnp.int32(1), wid)

        def body(i, tops):
            g0 = i * 2
            tops = _process(x_hbm, out_hbm, buf_a, outb, sem_a, g0, wid,
                            list(tops))
            _issue(x_hbm, buf_a, sem_a, g0 + 2, wid)
            tops = _process(x_hbm, out_hbm, buf_b, outb, sem_b, g0 + 1,
                            wid, tops)
            _issue(x_hbm, buf_b, sem_b, g0 + 3, wid)
            return tuple(tops)

        init = tuple(jnp.full((L,), NEG, jnp.float32) for _ in range(K))
        lax.fori_loop(0, NG // 2, body, init)

    return run(inputs)


def kernel(inputs):
    out_tc = _topk_tc(inputs)
    out_sc = _topk_sc(inputs)
    return jnp.concatenate([out_tc, out_sc], axis=0)

# --- scband reference (transcript-rebuilt; emitter-appended) ---
"""Pipeline reference for scband-kmax-pooling-37417755083449 (READ-ONLY COPY).

The authoritative reference and input builder live on the scoring server;
editing this copy changes nothing except your own understanding.
"""

import jax, jax.numpy as jnp
import numpy as np

K_TOPK = 8

def setup_inputs(seed: int = 0) -> dict:
    key = jax.random.key(seed)
    x = jax.random.normal(key, (64, 8192, 128), dtype=jnp.float32)
    return {"inputs": x}

def reference(inputs):
    # inputs: [B, S, C]
    # Keras layer: expand_dims -> transpose (0,3,2,1) -> top_k over seq -> transpose back -> squeeze
    # Net effect: per-channel top-k along the sequence dimension, output [B, k, C]
    x = jnp.expand_dims(inputs, 2)              # [B, S, 1, C]
    shifted = jnp.transpose(x, (0, 3, 2, 1))    # [B, C, 1, S]
    top_vals, _ = jax.lax.top_k(shifted, K_TOPK)  # [B, C, 1, k], sorted descending
    top_vals = jnp.transpose(top_vals, (0, 2, 3, 1))  # [B, 1, k, C]
    return jnp.squeeze(top_vals, axis=1)        # [B, k, C]

if __name__ == "__main__":
    import jax
    _d = setup_inputs()
    print(jax.jit(kernel)(*tuple(_d.values())))

</pallas_src>

<mosaic_0001>
#map = affine_map<(d0, d1) -> (0, 0, 0)>
module attributes {stable_mosaic.version = 14 : i64} {
  func.func @run(%arg0: i32, %arg1: i32, %arg2: memref<64x8192x128xf32, #tpu.memory_space<hbm>>, %arg3: memref<56x8x128xf32, #tpu.memory_space<hbm>>, %arg4: memref<2048x16xf32, #tpu.memory_space<vmem>>, %arg5: memref<2048x16xf32, #tpu.memory_space<vmem>>, %arg6: memref<8x16xf32, #tpu.memory_space<vmem>>, %arg7: memref<!tpu.dma_semaphore, #tpu.memory_space<semaphore_mem>>, %arg8: memref<!tpu.dma_semaphore, #tpu.memory_space<semaphore_mem>>) attributes {dimension_semantics = [#tpu.dimension_semantics<core_parallel>, #tpu.dimension_semantics<subcore_parallel>], iteration_bounds = array<i64: 2, 16>, scalar_prefetch = 0 : i64, scratch_operands = 5 : i64, tpu.core_type = #tpu.core_type<sc_vector_subcore>, window_params = [{transform_indices = #map}, {transform_indices = #map}]} {
    %mul3A = arith.constant 2 : i32
    %mul3A_0 = arith.muli %arg1, %mul3A : i32
    %add3A = arith.addi %mul3A_0, %arg0 : i32
    %lt3A = arith.constant 0 : i32
    %lt3A_1 = arith.constant 56 : i32
    %lt3A_2 = arith.cmpi slt, %lt3A, %lt3A_1 : i32
    %convert_element_type3A = arith.extui %lt3A_2 : i1 to i32
    %cond3A = arith.constant 0 : i32
    %cond3A_3 = arith.constant 0 : i32
    %cond3A_4 = arith.cmpi ne, %convert_element_type3A, %cond3A_3 : i32
    scf.if %cond3A_4 {
      %rem3A = arith.constant 4 : i32
      %rem3A_32 = arith.remsi %cond3A, %rem3A : i32
      %div3A = arith.constant 4 : i32
      %div3A_33 = arith.divsi %cond3A, %div3A : i32
      %mul3A_34 = arith.constant 14 : i32
      %mul3A_35 = arith.muli %add3A, %mul3A_34 : i32
      %add3A_36 = arith.addi %mul3A_35, %div3A_33 : i32
      %div3A_37 = arith.constant 8 : i32
      %div3A_38 = arith.divsi %add3A_36, %div3A_37 : i32
      %rem3A_39 = arith.constant 8 : i32
      %rem3A_40 = arith.remsi %add3A_36, %rem3A_39 : i32
      %add3A_41 = arith.constant 8 : i32
      %add3A_42 = arith.addi %add3A_41, %div3A_38 : i32
      %mul3A_43 = arith.constant 2048 : i32
      %mul3A_44 = arith.muli %rem3A_32, %mul3A_43 : i32
      %mul3A_45 = arith.constant 16 : i32
      %mul3A_46 = arith.muli %rem3A_40, %mul3A_45 : i32
      %dma_start3A = tpu.memref_slice %arg2[%add3A_42, %mul3A_44, %mul3A_46] : memref<64x8192x128xf32, #tpu.memory_space<hbm>> -> memref<1x2048x16xf32, #tpu.memory_space<hbm>>
      %dma_start3A_47 = tpu.memref_squeeze %dma_start3A : memref<1x2048x16xf32, #tpu.memory_space<hbm>> -> memref<2048x16xf32, #tpu.memory_space<hbm>>
      %dma_start3A_48 = tpu.memref_slice %arg2[%add3A_42, %mul3A_44, %mul3A_46] : memref<64x8192x128xf32, #tpu.memory_space<hbm>> -> memref<1x2048x16xf32, #tpu.memory_space<hbm>>
      %dma_start3A_49 = tpu.memref_squeeze %dma_start3A_48 : memref<1x2048x16xf32, #tpu.memory_space<hbm>> -> memref<2048x16xf32, #tpu.memory_space<hbm>>
      tpu.enqueue_dma source(%dma_start3A_49 : memref<2048x16xf32, #tpu.memory_space<hbm>>) target(%arg4 : memref<2048x16xf32, #tpu.memory_space<vmem>>) target_semaphore(%arg7 : memref<!tpu.dma_semaphore, #tpu.memory_space<semaphore_mem>>)
    } else {
    }
    %lt3A_5 = arith.constant 1 : i32
    %lt3A_6 = arith.constant 56 : i32
    %lt3A_7 = arith.cmpi slt, %lt3A_5, %lt3A_6 : i32
    %convert_element_type3A_8 = arith.extui %lt3A_7 : i1 to i32
    %cond3A_9 = arith.constant 1 : i32
    %cond3A_10 = arith.constant 0 : i32
    %cond3A_11 = arith.cmpi ne, %convert_element_type3A_8, %cond3A_10 : i32
    scf.if %cond3A_11 {
      %rem3A = arith.constant 4 : i32
      %rem3A_32 = arith.remsi %cond3A_9, %rem3A : i32
      %div3A = arith.constant 4 : i32
      %div3A_33 = arith.divsi %cond3A_9, %div3A : i32
      %mul3A_34 = arith.constant 14 : i32
      %mul3A_35 = arith.muli %add3A, %mul3A_34 : i32
      %add3A_36 = arith.addi %mul3A_35, %div3A_33 : i32
      %div3A_37 = arith.constant 8 : i32
      %div3A_38 = arith.divsi %add3A_36, %div3A_37 : i32
      %rem3A_39 = arith.constant 8 : i32
      %rem3A_40 = arith.remsi %add3A_36, %rem3A_39 : i32
      %add3A_41 = arith.constant 8 : i32
      %add3A_42 = arith.addi %add3A_41, %div3A_38 : i32
      %mul3A_43 = arith.constant 2048 : i32
      %mul3A_44 = arith.muli %rem3A_32, %mul3A_43 : i32
      %mul3A_45 = arith.constant 16 : i32
      %mul3A_46 = arith.muli %rem3A_40, %mul3A_45 : i32
      %dma_start3A = tpu.memref_slice %arg2[%add3A_42, %mul3A_44, %mul3A_46] : memref<64x8192x128xf32, #tpu.memory_space<hbm>> -> memref<1x2048x16xf32, #tpu.memory_space<hbm>>
      %dma_start3A_47 = tpu.memref_squeeze %dma_start3A : memref<1x2048x16xf32, #tpu.memory_space<hbm>> -> memref<2048x16xf32, #tpu.memory_space<hbm>>
      %dma_start3A_48 = tpu.memref_slice %arg2[%add3A_42, %mul3A_44, %mul3A_46] : memref<64x8192x128xf32, #tpu.memory_space<hbm>> -> memref<1x2048x16xf32, #tpu.memory_space<hbm>>
      %dma_start3A_49 = tpu.memref_squeeze %dma_start3A_48 : memref<1x2048x16xf32, #tpu.memory_space<hbm>> -> memref<2048x16xf32, #tpu.memory_space<hbm>>
      tpu.enqueue_dma source(%dma_start3A_49 : memref<2048x16xf32, #tpu.memory_space<hbm>>) target(%arg5 : memref<2048x16xf32, #tpu.memory_space<vmem>>) target_semaphore(%arg8 : memref<!tpu.dma_semaphore, #tpu.memory_space<semaphore_mem>>)
    } else {
    }
    %broadcast_in_dim3A = arith.constant 0xFF800000 : f32
    %broadcast_in_dim3A_12 = vector.broadcast %broadcast_in_dim3A : f32 to vector<16xf32>
    %broadcast_in_dim3A_13 = arith.constant 0xFF800000 : f32
    %broadcast_in_dim3A_14 = vector.broadcast %broadcast_in_dim3A_13 : f32 to vector<16xf32>
    %broadcast_in_dim3A_15 = arith.constant 0xFF800000 : f32
    %broadcast_in_dim3A_16 = vector.broadcast %broadcast_in_dim3A_15 : f32 to vector<16xf32>
    %broadcast_in_dim3A_17 = arith.constant 0xFF800000 : f32
    %broadcast_in_dim3A_18 = vector.broadcast %broadcast_in_dim3A_17 : f32 to vector<16xf32>
    %broadcast_in_dim3A_19 = arith.constant 0xFF800000 : f32
    %broadcast_in_dim3A_20 = vector.broadcast %broadcast_in_dim3A_19 : f32 to vector<16xf32>
    %broadcast_in_dim3A_21 = arith.constant 0xFF800000 : f32
    %broadcast_in_dim3A_22 = vector.broadcast %broadcast_in_dim3A_21 : f32 to vector<16xf32>
    %broadcast_in_dim3A_23 = arith.constant 0xFF800000 : f32
    %broadcast_in_dim3A_24 = vector.broadcast %broadcast_in_dim3A_23 : f32 to vector<16xf32>
    %broadcast_in_dim3A_25 = arith.constant 0xFF800000 : f32
    %broadcast_in_dim3A_26 = vector.broadcast %broadcast_in_dim3A_25 : f32 to vector<16xf32>
    %scan3A = arith.constant 0 : i32
    %scan3A_27 = arith.constant 28 : i32
    %scan3A_28 = arith.addi %scan3A, %scan3A_27 : i32
    %scan3A_29 = arith.constant 1 : i32
    %scan3A_30:8 = scf.for %scan3A_32 = %scan3A to %scan3A_28 step %scan3A_29 iter_args(%scan3A_33 = %broadcast_in_dim3A_12, %scan3A_34 = %broadcast_in_dim3A_14, %scan3A_35 = %broadcast_in_dim3A_16, %scan3A_36 = %broadcast_in_dim3A_18, %scan3A_37 = %broadcast_in_dim3A_20, %scan3A_38 = %broadcast_in_dim3A_22, %scan3A_39 = %broadcast_in_dim3A_24, %scan3A_40 = %broadcast_in_dim3A_26) -> (vector<16xf32>, vector<16xf32>, vector<16xf32>, vector<16xf32>, vector<16xf32>, vector<16xf32>, vector<16xf32>, vector<16xf32>)  : i32 {
      %mul3A_41 = arith.constant 2 : i32
      %mul3A_42 = arith.muli %scan3A_32, %mul3A_41 : i32
      %rem3A = arith.constant 4 : i32
      %rem3A_43 = arith.remsi %mul3A_42, %rem3A : i32
      %div3A = arith.constant 4 : i32
      %div3A_44 = arith.divsi %mul3A_42, %div3A : i32
      %mul3A_45 = arith.constant 14 : i32
      %mul3A_46 = arith.muli %add3A, %mul3A_45 : i32
      %add3A_47 = arith.addi %mul3A_46, %div3A_44 : i32
      %div3A_48 = arith.constant 8 : i32
      %div3A_49 = arith.divsi %add3A_47, %div3A_48 : i32
      %rem3A_50 = arith.constant 8 : i32
      %rem3A_51 = arith.remsi %add3A_47, %rem3A_50 : i32
      %add3A_52 = arith.constant 8 : i32
      %add3A_53 = arith.addi %add3A_52, %div3A_49 : i32
      %mul3A_54 = arith.constant 2048 : i32
      %mul3A_55 = arith.muli %rem3A_43, %mul3A_54 : i32
      %mul3A_56 = arith.constant 16 : i32
      %mul3A_57 = arith.muli %rem3A_51, %mul3A_56 : i32
      %dma_wait3A = tpu.memref_slice %arg2[%add3A_53, %mul3A_55, %mul3A_57] : memref<64x8192x128xf32, #tpu.memory_space<hbm>> -> memref<1x2048x16xf32, #tpu.memory_space<hbm>>
      %dma_wait3A_58 = tpu.memref_squeeze %dma_wait3A : memref<1x2048x16xf32, #tpu.memory_space<hbm>> -> memref<2048x16xf32, #tpu.memory_space<hbm>>
      %dma_wait3A_59 = tpu.memref_slice %arg2[%add3A_53, %mul3A_55, %mul3A_57] : memref<64x8192x128xf32, #tpu.memory_space<hbm>> -> memref<1x2048x16xf32, #tpu.memory_space<hbm>>
      %dma_wait3A_60 = tpu.memref_squeeze %dma_wait3A_59 : memref<1x2048x16xf32, #tpu.memory_space<hbm>> -> memref<2048x16xf32, #tpu.memory_space<hbm>>
      tpu.wait_dma2 semaphore(%arg7 : memref<!tpu.dma_semaphore, #tpu.memory_space<semaphore_mem>>) src(%dma_wait3A_60 : memref<2048x16xf32, #tpu.memory_space<hbm>>) dst(%arg4 : memref<2048x16xf32, #tpu.memory_space<vmem>>)
      %broadcast_in_dim3A_61 = arith.constant -2147483648 : i32
      %broadcast_in_dim3A_62 = vector.broadcast %broadcast_in_dim3A_61 : i32 to vector<16xi32>
      %broadcast_in_dim3A_63 = arith.constant -2147483648 : i32
      %broadcast_in_dim3A_64 = vector.broadcast %broadcast_in_dim3A_63 : i32 to vector<16xi32>
      %broadcast_in_dim3A_65 = arith.constant -2147483648 : i32
      %broadcast_in_dim3A_66 = vector.broadcast %broadcast_in_dim3A_65 : i32 to vector<16xi32>
      %broadcast_in_dim3A_67 = arith.constant -2147483648 : i32
      %broadcast_in_dim3A_68 = vector.broadcast %broadcast_in_dim3A_67 : i32 to vector<16xi32>
      %broadcast_in_dim3A_69 = arith.constant -2147483648 : i32
      %broadcast_in_dim3A_70 = vector.broadcast %broadcast_in_dim3A_69 : i32 to vector<16xi32>
      %broadcast_in_dim3A_71 = arith.constant -2147483648 : i32
      %broadcast_in_dim3A_72 = vector.broadcast %broadcast_in_dim3A_71 : i32 to vector<16xi32>
      %broadcast_in_dim3A_73 = arith.constant -2147483648 : i32
      %broadcast_in_dim3A_74 = vector.broadcast %broadcast_in_dim3A_73 : i32 to vector<16xi32>
      %broadcast_in_dim3A_75 = arith.constant -2147483648 : i32
      %broadcast_in_dim3A_76 = vector.broadcast %broadcast_in_dim3A_75 : i32 to vector<16xi32>
      %scan3A_77 = arith.constant 0 : i32
      %scan3A_78 = arith.constant 128 : i32
      %scan3A_79 = arith.addi %scan3A_77, %scan3A_78 : i32
      %scan3A_80 = arith.constant 2 : i32
      %scan3A_81:8 = scf.for %scan3A_395 = %scan3A_77 to %scan3A_79 step %scan3A_80 iter_args(%scan3A_396 = %broadcast_in_dim3A_62, %scan3A_397 = %broadcast_in_dim3A_64, %scan3A_398 = %broadcast_in_dim3A_66, %scan3A_399 = %broadcast_in_dim3A_68, %scan3A_400 = %broadcast_in_dim3A_70, %scan3A_401 = %broadcast_in_dim3A_72, %scan3A_402 = %broadcast_in_dim3A_74, %scan3A_403 = %broadcast_in_dim3A_76) -> (vector<16xi32>, vector<16xi32>, vector<16xi32>, vector<16xi32>, vector<16xi32>, vector<16xi32>, vector<16xi32>, vector<16xi32>)  : i32 {
        %mul3A_404 = arith.constant 16 : i32
        %mul3A_405 = arith.muli %scan3A_395, %mul3A_404 : i32
        %get3A = arith.index_cast %mul3A_405 : i32 to index
        %get3A_406 = arith.constant 0 : index
        %get3A_407 = tpu.vector_load %arg4[%get3A, %get3A_406] {strides = array<i32>} : memref<2048x16xf32, #tpu.memory_space<vmem>>, vector<16xf32>,
        %add3A_408 = arith.constant 1 : i32
        %add3A_409 = arith.addi %mul3A_405, %add3A_408 : i32
        %get3A_410 = arith.index_cast %add3A_409 : i32 to index
        %get3A_411 = arith.constant 0 : index
        %get3A_412 = tpu.vector_load %arg4[%get3A_410, %get3A_411] {strides = array<i32>} : memref<2048x16xf32, #tpu.memory_space<vmem>>, vector<16xf32>,
        %max3A = arith.maximumf %get3A_407, %get3A_412 : vector<16xf32>
        %add3A_413 = arith.constant 2 : i32
        %add3A_414 = arith.addi %mul3A_405, %add3A_413 : i32
        %get3A_415 = arith.index_cast %add3A_414 : i32 to index
        %get3A_416 = arith.constant 0 : index
        %get3A_417 = tpu.vector_load %arg4[%get3A_415, %get3A_416] {strides = array<i32>} : memref<2048x16xf32, #tpu.memory_space<vmem>>, vector<16xf32>,
        %max3A_418 = arith.maximumf %max3A, %get3A_417 : vector<16xf32>
        %add3A_419 = arith.constant 3 : i32
        %add3A_420 = arith.addi %mul3A_405, %add3A_419 : i32
        %get3A_421 = arith.index_cast %add3A_420 : i32 to index
        %get3A_422 = arith.constant 0 : index
        %get3A_423 = tpu.vector_load %arg4[%get3A_421, %get3A_422] {strides = array<i32>} : memref<2048x16xf32, #tpu.memory_space<vmem>>, vector<16xf32>,
        %max3A_424 = arith.maximumf %max3A_418, %get3A_423 : vector<16xf32>
        %add3A_425 = arith.constant 4 : i32
        %add3A_426 = arith.addi %mul3A_405, %add3A_425 : i32
        %get3A_427 = arith.index_cast %add3A_426 : i32 to index
        %get3A_428 = arith.constant 0 : index
        %get3A_429 = tpu.vector_load %arg4[%get3A_427, %get3A_428] {strides = array<i32>} : memref<2048x16xf32, #tpu.memory_space<vmem>>, vector<16xf32>,
        %max3A_430 = arith.maximumf %max3A_424, %get3A_429 : vector<16xf32>
        %add3A_431 = arith.constant 5 : i32
        %add3A_432 = arith.addi %mul3A_405, %add3A_431 : i32
        %get3A_433 = arith.index_cast %add3A_432 : i32 to index
        %get3A_434 = arith.constant 0 : index
        %get3A_435 = tpu.vector_load %arg4[%get3A_433, %get3A_434] {strides = array<i32>} : memref<2048x16xf32, #tpu.memory_space<vmem>>, vector<16xf32>,
        %max3A_436 = arith.maximumf %max3A_430, %get3A_435 : vector<16xf32>
        %add3A_437 = arith.constant 6 : i32
        %add3A_438 = arith.addi %mul3A_405, %add3A_437 : i32
        %get3A_439 = arith.index_cast %add3A_438 : i32 to index
        %get3A_440 = arith.constant 0 : index
        %get3A_441 = tpu.vector_load %arg4[%get3A_439, %get3A_440] {strides = array<i32>} : memref<2048x16xf32, #tpu.memory_space<vmem>>, vector<16xf32>,
        %max3A_442 = arith.maximumf %max3A_436, %get3A_441 : vector<16xf32>
        %add3A_443 = arith.constant 7 : i32
        %add3A_444 = arith.addi %mul3A_405, %add3A_443 : i32
        %get3A_445 = arith.index_cast %add3A_444 : i32 to index
        %get3A_446 = arith.constant 0 : index
        %get3A_447 = tpu.vector_load %arg4[%get3A_445, %get3A_446] {strides = array<i32>} : memref<2048x16xf32, #tpu.memory_space<vmem>>, vector<16xf32>,
        %max3A_448 = arith.maximumf %max3A_442, %get3A_447 : vector<16xf32>
        %add3A_449 = arith.constant 8 : i32
        %add3A_450 = arith.addi %mul3A_405, %add3A_449 : i32
        %get3A_451 = arith.index_cast %add3A_450 : i32 to index
        %get3A_452 = arith.constant 0 : index
        %get3A_453 = tpu.vector_load %arg4[%get3A_451, %get3A_452] {strides = array<i32>} : memref<2048x16xf32, #tpu.memory_space<vmem>>, vector<16xf32>,
        %max3A_454 = arith.maximumf %max3A_448, %get3A_453 : vector<16xf32>
        %add3A_455 = arith.constant 9 : i32
        %add3A_456 = arith.addi %mul3A_405, %add3A_455 : i32
        %get3A_457 = arith.index_cast %add3A_456 : i32 to index
        %get3A_458 = arith.constant 0 : index
        %get3A_459 = tpu.vector_load %arg4[%get3A_457, %get3A_458] {strides = array<i32>} : memref<2048x16xf32, #tpu.memory_space<vmem>>, vector<16xf32>,
        %max3A_460 = arith.maximumf %max3A_454, %get3A_459 : vector<16xf32>
        %add3A_461 = arith.constant 10 : i32
        %add3A_462 = arith.addi %mul3A_405, %add3A_461 : i32
        %get3A_463 = arith.index_cast %add3A_462 : i32 to index
        %get3A_464 = arith.constant 0 : index
        %get3A_465 = tpu.vector_load %arg4[%get3A_463, %get3A_464] {strides = array<i32>} : memref<2048x16xf32, #tpu.memory_space<vmem>>, vector<16xf32>,
        %max3A_466 = arith.maximumf %max3A_460, %get3A_465 : vector<16xf32>
        %add3A_467 = arith.constant 11 : i32
        %add3A_468 = arith.addi %mul3A_405, %add3A_467 : i32
        %get3A_469 = arith.index_cast %add3A_468 : i32 to index
        %get3A_470 = arith.constant 0 : index
        %get3A_471 = tpu.vector_load %arg4[%get3A_469, %get3A_470] {strides = array<i32>} : memref<2048x16xf32, #tpu.memory_space<vmem>>, vector<16xf32>,
        %max3A_472 = arith.maximumf %max3A_466, %get3A_471 : vector<16xf32>
        %add3A_473 = arith.constant 12 : i32
        %add3A_474 = arith.addi %mul3A_405, %add3A_473 : i32
        %get3A_475 = arith.index_cast %add3A_474 : i32 to index
        %get3A_476 = arith.constant 0 : index
        %get3A_477 = tpu.vector_load %arg4[%get3A_475, %get3A_476] {strides = array<i32>} : memref<2048x16xf32, #tpu.memory_space<vmem>>, vector<16xf32>,
        %max3A_478 = arith.maximumf %max3A_472, %get3A_477 : vector<16xf32>
        %add3A_479 = arith.constant 13 : i32
        %add3A_480 = arith.addi %mul3A_405, %add3A_479 : i32
        %get3A_481 = arith.index_cast %add3A_480 : i32 to index
        %get3A_482 = arith.constant 0 : index
        %get3A_483 = tpu.vector_load %arg4[%get3A_481, %get3A_482] {strides = array<i32>} : memref<2048x16xf32, #tpu.memory_space<vmem>>, vector<16xf32>,
        %max3A_484 = arith.maximumf %max3A_478, %get3A_483 : vector<16xf32>
        %add3A_485 = arith.constant 14 : i32
        %add3A_486 = arith.addi %mul3A_405, %add3A_485 : i32
        %get3A_487 = arith.index_cast %add3A_486 : i32 to index
        %get3A_488 = arith.constant 0 : index
        %get3A_489 = tpu.vector_load %arg4[%get3A_487, %get3A_488] {strides = array<i32>} : memref<2048x16xf32, #tpu.memory_space<vmem>>, vector<16xf32>,
        %max3A_490 = arith.maximumf %max3A_484, %get3A_489 : vector<16xf32>
        %add3A_491 = arith.constant 15 : i32
        %add3A_492 = arith.addi %mul3A_405, %add3A_491 : i32
        %get3A_493 = arith.index_cast %add3A_492 : i32 to index
        %get3A_494 = arith.constant 0 : index
        %get3A_495 = tpu.vector_load %arg4[%get3A_493, %get3A_494] {strides = array<i32>} : memref<2048x16xf32, #tpu.memory_space<vmem>>, vector<16xf32>,
        %max3A_496 = arith.maximumf %max3A_490, %get3A_495 : vector<16xf32>
        %bitcast_convert_type3A = tpu.bitcast %max3A_496 : vector<16xf32> -> vector<16xi32>
        %shift_right_arithmetic3A = arith.constant 31 : i32
        %shift_right_arithmetic3A_497 = vector.broadcast %shift_right_arithmetic3A : i32 to vector<16xi32>
        %shift_right_arithmetic3A_498 = arith.shrsi %bitcast_convert_type3A, %shift_right_arithmetic3A_497 : vector<16xi32>
        %and3A_499 = arith.constant 2147483647 : i32
        %and3A_500 = vector.broadcast %and3A_499 : i32 to vector<16xi32>
        %and3A_501 = arith.andi %shift_right_arithmetic3A_498, %and3A_500 : vector<16xi32>
        %xor3A = arith.xori %bitcast_convert_type3A, %and3A_501 : vector<16xi32>
        %and3A_502 = arith.constant -128 : i32
        %and3A_503 = vector.broadcast %and3A_502 : i32 to vector<16xi32>
        %and3A_504 = arith.andi %xor3A, %and3A_503 : vector<16xi32>
        %or3A = vector.broadcast %scan3A_395 : i32 to vector<16xi32>
        %or3A_505 = arith.ori %and3A_504, %or3A : vector<16xi32>
        %max3A_506 = arith.maxsi %scan3A_396, %or3A_505 : vector<16xi32>
        %min3A = arith.minsi %scan3A_396, %or3A_505 : vector<16xi32>
        %max3A_507 = arith.maxsi %scan3A_397, %min3A : vector<16xi32>
        %min3A_508 = arith.minsi %scan3A_397, %min3A : vector<16xi32>
        %max3A_509 = arith.maxsi %scan3A_398, %min3A_508 : vector<16xi32>
        %min3A_510 = arith.minsi %scan3A_398, %min3A_508 : vector<16xi32>
        %max3A_511 = arith.maxsi %scan3A_399, %min3A_510 : vector<16xi32>
        %min3A_512 = arith.minsi %scan3A_399, %min3A_510 : vector<16xi32>
        %max3A_513 = arith.maxsi %scan3A_400, %min3A_512 : vector<16xi32>
        %min3A_514 = arith.minsi %scan3A_400, %min3A_512 : vector<16xi32>
        %max3A_515 = arith.maxsi %scan3A_401, %min3A_514 : vector<16xi32>
        %min3A_516 = arith.minsi %scan3A_401, %min3A_514 : vector<16xi32>
        %max3A_517 = arith.maxsi %scan3A_402, %min3A_516 : vector<16xi32>
        %min3A_518 = arith.minsi %scan3A_402, %min3A_516 : vector<16xi32>
        %max3A_519 = arith.maxsi %scan3A_403, %min3A_518 : vector<16xi32>
        %min3A_520 = arith.minsi %scan3A_403, %min3A_518 : vector<16xi32>
        %scan3A_521 = arith.constant 1 : i32
        %scan3A_522 = arith.addi %scan3A_395, %scan3A_521 : i32
        %mul3A_523 = arith.constant 16 : i32
        %mul3A_524 = arith.muli %scan3A_522, %mul3A_523 : i32
        %get3A_525 = arith.index_cast %mul3A_524 : i32 to index
        %get3A_526 = arith.constant 0 : index
        %get3A_527 = tpu.vector_load %arg4[%get3A_525, %get3A_526] {strides = array<i32>} : memref<2048x16xf32, #tpu.memory_space<vmem>>, vector<16xf32>,
        %add3A_528 = arith.constant 1 : i32
        %add3A_529 = arith.addi %mul3A_524, %add3A_528 : i32
        %get3A_530 = arith.index_cast %add3A_529 : i32 to index
        %get3A_531 = arith.constant 0 : index
        %get3A_532 = tpu.vector_load %arg4[%get3A_530, %get3A_531] {strides = array<i32>} : memref<2048x16xf32, #tpu.memory_space<vmem>>, vector<16xf32>,
        %max3A_533 = arith.maximumf %get3A_527, %get3A_532 : vector<16xf32>
        %add3A_534 = arith.constant 2 : i32
        %add3A_535 = arith.addi %mul3A_524, %add3A_534 : i32
        %get3A_536 = arith.index_cast %add3A_535 : i32 to index
        %get3A_537 = arith.constant 0 : index
        %get3A_538 = tpu.vector_load %arg4[%get3A_536, %get3A_537] {strides = array<i32>} : memref<2048x16xf32, #tpu.memory_space<vmem>>, vector<16xf32>,
        %max3A_539 = arith.maximumf %max3A_533, %get3A_538 : vector<16xf32>
        %add3A_540 = arith.constant 3 : i32
        %add3A_541 = arith.addi %mul3A_524, %add3A_540 : i32
        %get3A_542 = arith.index_cast %add3A_541 : i32 to index
        %get3A_543 = arith.constant 0 : index
        %get3A_544 = tpu.vector_load %arg4[%get3A_542, %get3A_543] {strides = array<i32>} : memref<2048x16xf32, #tpu.memory_space<vmem>>, vector<16xf32>,
        %max3A_545 = arith.maximumf %max3A_539, %get3A_544 : vector<16xf32>
        %add3A_546 = arith.constant 4 : i32
        %add3A_547 = arith.addi %mul3A_524, %add3A_546 : i32
        %get3A_548 = arith.index_cast %add3A_547 : i32 to index
        %get3A_549 = arith.constant 0 : index
        %get3A_550 = tpu.vector_load %arg4[%get3A_548, %get3A_549] {strides = array<i32>} : memref<2048x16xf32, #tpu.memory_space<vmem>>, vector<16xf32>,
        %max3A_551 = arith.maximumf %max3A_545, %get3A_550 : vector<16xf32>
        %add3A_552 = arith.constant 5 : i32
        %add3A_553 = arith.addi %mul3A_524, %add3A_552 : i32
        %get3A_554 = arith.index_cast %add3A_553 : i32 to index
        %get3A_555 = arith.constant 0 : index
        %get3A_556 = tpu.vector_load %arg4[%get3A_554, %get3A_555] {strides = array<i32>} : memref<2048x16xf32, #tpu.memory_space<vmem>>, vector<16xf32>,
        %max3A_557 = arith.maximumf %max3A_551, %get3A_556 : vector<16xf32>
        %add3A_558 = arith.constant 6 : i32
        %add3A_559 = arith.addi %mul3A_524, %add3A_558 : i32
        %get3A_560 = arith.index_cast %add3A_559 : i32 to index
        %get3A_561 = arith.constant 0 : index
        %get3A_562 = tpu.vector_load %arg4[%get3A_560, %get3A_561] {strides = array<i32>} : memref<2048x16xf32, #tpu.memory_space<vmem>>, vector<16xf32>,
        %max3A_563 = arith.maximumf %max3A_557, %get3A_562 : vector<16xf32>
        %add3A_564 = arith.constant 7 : i32
        %add3A_565 = arith.addi %mul3A_524, %add3A_564 : i32
        %get3A_566 = arith.index_cast %add3A_565 : i32 to index
        %get3A_567 = arith.constant 0 : index
        %get3A_568 = tpu.vector_load %arg4[%get3A_566, %get3A_567] {strides = array<i32>} : memref<2048x16xf32, #tpu.memory_space<vmem>>, vector<16xf32>,
        %max3A_569 = arith.maximumf %max3A_563, %get3A_568 : vector<16xf32>
        %add3A_570 = arith.constant 8 : i32
        %add3A_571 = arith.addi %mul3A_524, %add3A_570 : i32
        %get3A_572 = arith.index_cast %add3A_571 : i32 to index
        %get3A_573 = arith.constant 0 : index
        %get3A_574 = tpu.vector_load %arg4[%get3A_572, %get3A_573] {strides = array<i32>} : memref<2048x16xf32, #tpu.memory_space<vmem>>, vector<16xf32>,
        %max3A_575 = arith.maximumf %max3A_569, %get3A_574 : vector<16xf32>
        %add3A_576 = arith.constant 9 : i32
        %add3A_577 = arith.addi %mul3A_524, %add3A_576 : i32
        %get3A_578 = arith.index_cast %add3A_577 : i32 to index
        %get3A_579 = arith.constant 0 : index
        %get3A_580 = tpu.vector_load %arg4[%get3A_578, %get3A_579] {strides = array<i32>} : memref<2048x16xf32, #tpu.memory_space<vmem>>, vector<16xf32>,
        %max3A_581 = arith.maximumf %max3A_575, %get3A_580 : vector<16xf32>
        %add3A_582 = arith.constant 10 : i32
        %add3A_583 = arith.addi %mul3A_524, %add3A_582 : i32
        %get3A_584 = arith.index_cast %add3A_583 : i32 to index
        %get3A_585 = arith.constant 0 : index
        %get3A_586 = tpu.vector_load %arg4[%get3A_584, %get3A_585] {strides = array<i32>} : memref<2048x16xf32, #tpu.memory_space<vmem>>, vector<16xf32>,
        %max3A_587 = arith.maximumf %max3A_581, %get3A_586 : vector<16xf32>
        %add3A_588 = arith.constant 11 : i32
        %add3A_589 = arith.addi %mul3A_524, %add3A_588 : i32
        %get3A_590 = arith.index_cast %add3A_589 : i32 to index
        %get3A_591 = arith.constant 0 : index
        %get3A_592 = tpu.vector_load %arg4[%get3A_590, %get3A_591] {strides = array<i32>} : memref<2048x16xf32, #tpu.memory_space<vmem>>, vector<16xf32>,
        %max3A_593 = arith.maximumf %max3A_587, %get3A_592 : vector<16xf32>
        %add3A_594 = arith.constant 12 : i32
        %add3A_595 = arith.addi %mul3A_524, %add3A_594 : i32
        %get3A_596 = arith.index_cast %add3A_595 : i32 to index
        %get3A_597 = arith.constant 0 : index
        %get3A_598 = tpu.vector_load %arg4[%get3A_596, %get3A_597] {strides = array<i32>} : memref<2048x16xf32, #tpu.memory_space<vmem>>, vector<16xf32>,
        %max3A_599 = arith.maximumf %max3A_593, %get3A_598 : vector<16xf32>
        %add3A_600 = arith.constant 13 : i32
        %add3A_601 = arith.addi %mul3A_524, %add3A_600 : i32
        %get3A_602 = arith.index_cast %add3A_601 : i32 to index
        %get3A_603 = arith.constant 0 : index
        %get3A_604 = tpu.vector_load %arg4[%get3A_602, %get3A_603] {strides = array<i32>} : memref<2048x16xf32, #tpu.memory_space<vmem>>, vector<16xf32>,
        %max3A_605 = arith.maximumf %max3A_599, %get3A_604 : vector<16xf32>
        %add3A_606 = arith.constant 14 : i32
        %add3A_607 = arith.addi %mul3A_524, %add3A_606 : i32
        %get3A_608 = arith.index_cast %add3A_607 : i32 to index
        %get3A_609 = arith.constant 0 : index
        %get3A_610 = tpu.vector_load %arg4[%get3A_608, %get3A_609] {strides = array<i32>} : memref<2048x16xf32, #tpu.memory_space<vmem>>, vector<16xf32>,
        %max3A_611 = arith.maximumf %max3A_605, %get3A_610 : vector<16xf32>
        %add3A_612 = arith.constant 15 : i32
        %add3A_613 = arith.addi %mul3A_524, %add3A_612 : i32
        %get3A_614 = arith.index_cast %add3A_613 : i32 to index
        %get3A_615 = arith.constant 0 : index
        %get3A_616 = tpu.vector_load %arg4[%get3A_614, %get3A_615] {strides = array<i32>} : memref<2048x16xf32, #tpu.memory_space<vmem>>, vector<16xf32>,
        %max3A_617 = arith.maximumf %max3A_611, %get3A_616 : vector<16xf32>
        %bitcast_convert_type3A_618 = tpu.bitcast %max3A_617 : vector<16xf32> -> vector<16xi32>
        %shift_right_arithmetic3A_619 = arith.constant 31 : i32
        %shift_right_arithmetic3A_620 = vector.broadcast %shift_right_arithmetic3A_619 : i32 to vector<16xi32>
        %shift_right_arithmetic3A_621 = arith.shrsi %bitcast_convert_type3A_618, %shift_right_arithmetic3A_620 : vector<16xi32>
        %and3A_622 = arith.constant 2147483647 : i32
        %and3A_623 = vector.broadcast %and3A_622 : i32 to vector<16xi32>
        %and3A_624 = arith.andi %shift_right_arithmetic3A_621, %and3A_623 : vector<16xi32>
        %xor3A_625 = arith.xori %bitcast_convert_type3A_618, %and3A_624 : vector<16xi32>
        %and3A_626 = arith.constant -128 : i32
        %and3A_627 = vector.broadcast %and3A_626 : i32 to vector<16xi32>
        %and3A_628 = arith.andi %xor3A_625, %and3A_627 : vector<16xi32>
        %or3A_629 = vector.broadcast %scan3A_522 : i32 to vector<16xi32>
        %or3A_630 = arith.ori %and3A_628, %or3A_629 : vector<16xi32>
        %max3A_631 = arith.maxsi %max3A_506, %or3A_630 : vector<16xi32>
        %min3A_632 = arith.minsi %max3A_506, %or3A_630 : vector<16xi32>
        %max3A_633 = arith.maxsi %max3A_507, %min3A_632 : vector<16xi32>
        %min3A_634 = arith.minsi %max3A_507, %min3A_632 : vector<16xi32>
        %max3A_635 = arith.maxsi %max3A_509, %min3A_634 : vector<16xi32>
        %min3A_636 = arith.minsi %max3A_509, %min3A_634 : vector<16xi32>
        %max3A_637 = arith.maxsi %max3A_511, %min3A_636 : vector<16xi32>
        %min3A_638 = arith.minsi %max3A_511, %min3A_636 : vector<16xi32>
        %max3A_639 = arith.maxsi %max3A_513, %min3A_638 : vector<16xi32>
        %min3A_640 = arith.minsi %max3A_513, %min3A_638 : vector<16xi32>
        %max3A_641 = arith.maxsi %max3A_515, %min3A_640 : vector<16xi32>
        %min3A_642 = arith.minsi %max3A_515, %min3A_640 : vector<16xi32>
        %max3A_643 = arith.maxsi %max3A_517, %min3A_642 : vector<16xi32>
        %min3A_644 = arith.minsi %max3A_517, %min3A_642 : vector<16xi32>
        %max3A_645 = arith.maxsi %max3A_519, %min3A_644 : vector<16xi32>
        %min3A_646 = arith.minsi %max3A_519, %min3A_644 : vector<16xi32>
        scf.yield %max3A_631, %max3A_633, %max3A_635, %max3A_637, %max3A_639, %max3A_641, %max3A_643, %max3A_645 : vector<16xi32>, vector<16xi32>, vector<16xi32>, vector<16xi32>, vector<16xi32>, vector<16xi32>, vector<16xi32>, vector<16xi32>
      }
      %scan3A_82 = arith.constant 128 : i32
      %and3A = arith.constant 127 : i32
      %and3A_83 = vector.broadcast %and3A : i32 to vector<16xi32>
      %and3A_84 = arith.andi %scan3A_81#0, %and3A_83 : vector<16xi32>
      %and3A_85 = arith.constant 127 : i32
      %and3A_86 = vector.broadcast %and3A_85 : i32 to vector<16xi32>
      %and3A_87 = arith.andi %scan3A_81#1, %and3A_86 : vector<16xi32>
      %and3A_88 = arith.constant 127 : i32
      %and3A_89 = vector.broadcast %and3A_88 : i32 to vector<16xi32>
      %and3A_90 = arith.andi %scan3A_81#2, %and3A_89 : vector<16xi32>
      %and3A_91 = arith.constant 127 : i32
      %and3A_92 = vector.broadcast %and3A_91 : i32 to vector<16xi32>
      %and3A_93 = arith.andi %scan3A_81#3, %and3A_92 : vector<16xi32>
      %and3A_94 = arith.constant 127 : i32
      %and3A_95 = vector.broadcast %and3A_94 : i32 to vector<16xi32>
      %and3A_96 = arith.andi %scan3A_81#4, %and3A_95 : vector<16xi32>
      %and3A_97 = arith.constant 127 : i32
      %and3A_98 = vector.broadcast %and3A_97 : i32 to vector<16xi32>
      %and3A_99 = arith.andi %scan3A_81#5, %and3A_98 : vector<16xi32>
      %and3A_100 = arith.constant 127 : i32
      %and3A_101 = vector.broadcast %and3A_100 : i32 to vector<16xi32>
      %and3A_102 = arith.andi %scan3A_81#6, %and3A_101 : vector<16xi32>
      %and3A_103 = arith.constant 127 : i32
      %and3A_104 = vector.broadcast %and3A_103 : i32 to vector<16xi32>
      %and3A_105 = arith.andi %scan3A_81#7, %and3A_104 : vector<16xi32>
      %eq3A = arith.constant 0 : i32
      %eq3A_106 = arith.cmpi eq, %rem3A_43, %eq3A : i32
      %broadcast_in_dim3A_107 = vector.broadcast %eq3A_106 : i1 to vector<16xi1>
      %jit3A = arith.constant 0xFF800000 : f32
      %broadcast_in_dim3A_108 = vector.broadcast %jit3A : f32 to vector<16xf32>
      %select_n3A = arith.select %broadcast_in_dim3A_107, %broadcast_in_dim3A_108, %scan3A_33 : vector<16xi1>, vector<16xf32>
      %jit3A_109 = arith.constant 0xFF800000 : f32
      %broadcast_in_dim3A_110 = vector.broadcast %jit3A_109 : f32 to vector<16xf32>
      %select_n3A_111 = arith.select %broadcast_in_dim3A_107, %broadcast_in_dim3A_110, %scan3A_34 : vector<16xi1>, vector<16xf32>
      %jit3A_112 = arith.constant 0xFF800000 : f32
      %broadcast_in_dim3A_113 = vector.broadcast %jit3A_112 : f32 to vector<16xf32>
      %select_n3A_114 = arith.select %broadcast_in_dim3A_107, %broadcast_in_dim3A_113, %scan3A_35 : vector<16xi1>, vector<16xf32>
      %jit3A_115 = arith.constant 0xFF800000 : f32
      %broadcast_in_dim3A_116 = vector.broadcast %jit3A_115 : f32 to vector<16xf32>
      %select_n3A_117 = arith.select %broadcast_in_dim3A_107, %broadcast_in_dim3A_116, %scan3A_36 : vector<16xi1>, vector<16xf32>
      %jit3A_118 = arith.constant 0xFF800000 : f32
      %broadcast_in_dim3A_119 = vector.broadcast %jit3A_118 : f32 to vector<16xf32>
      %select_n3A_120 = arith.select %broadcast_in_dim3A_107, %broadcast_in_dim3A_119, %scan3A_37 : vector<16xi1>, vector<16xf32>
      %jit3A_121 = arith.constant 0xFF800000 : f32
      %broadcast_in_dim3A_122 = vector.broadcast %jit3A_121 : f32 to vector<16xf32>
      %select_n3A_123 = arith.select %broadcast_in_dim3A_107, %broadcast_in_dim3A_122, %scan3A_38 : vector<16xi1>, vector<16xf32>
      %jit3A_124 = arith.constant 0xFF800000 : f32
      %broadcast_in_dim3A_125 = vector.broadcast %jit3A_124 : f32 to vector<16xf32>
      %select_n3A_126 = arith.select %broadcast_in_dim3A_107, %broadcast_in_dim3A_125, %scan3A_39 : vector<16xi1>, vector<16xf32>
      %jit3A_127 = arith.constant 0xFF800000 : f32
      %broadcast_in_dim3A_128 = vector.broadcast %jit3A_127 : f32 to vector<16xf32>
      %select_n3A_129 = arith.select %broadcast_in_dim3A_107, %broadcast_in_dim3A_128, %scan3A_40 : vector<16xi1>, vector<16xf32>
      %iota3A = tpu.iota {dimensions = array<i32: 0>} : vector<16xi32>
      %mul3A_130 = arith.constant 16 : i32
      %mul3A_131 = vector.broadcast %mul3A_130 : i32 to vector<16xi32>
      %mul3A_132 = arith.muli %and3A_84, %mul3A_131 : vector<16xi32>
      %scan3A_133 = arith.constant 0 : i32
      %scan3A_134 = arith.constant 16 : i32
      %scan3A_135 = arith.addi %scan3A_133, %scan3A_134 : i32
      %scan3A_136 = arith.constant 4 : i32
      %scan3A_137:8 = scf.for %scan3A_395 = %scan3A_133 to %scan3A_135 step %scan3A_136 iter_args(%scan3A_396 = %select_n3A, %scan3A_397 = %select_n3A_111, %scan3A_398 = %select_n3A_114, %scan3A_399 = %select_n3A_117, %scan3A_400 = %select_n3A_120, %scan3A_401 = %select_n3A_123, %scan3A_402 = %select_n3A_126, %scan3A_403 = %select_n3A_129) -> (vector<16xf32>, vector<16xf32>, vector<16xf32>, vector<16xf32>, vector<16xf32>, vector<16xf32>, vector<16xf32>, vector<16xf32>)  : i32 {
        %add3A_404 = vector.broadcast %scan3A_395 : i32 to vector<16xi32>
        %add3A_405 = arith.addi %mul3A_132, %add3A_404 : vector<16xi32>
        %gather3A = tpu.vector_load_idx %arg4[%add3A_405, %iota3A] : memref<2048x16xf32, #tpu.memory_space<vmem>>[vector<16xi32>, vector<16xi32>], vector<16xf32>,
        %gt3A = arith.cmpf ogt, %gather3A, %scan3A_396 : vector<16xf32>
        %select_n3A_406 = arith.select %gt3A, %gather3A, %scan3A_396 : vector<16xi1>, vector<16xf32>
        %select_n3A_407 = arith.select %gt3A, %scan3A_396, %gather3A : vector<16xi1>, vector<16xf32>
        %gt3A_408 = arith.cmpf ogt, %select_n3A_407, %scan3A_397 : vector<16xf32>
        %select_n3A_409 = arith.select %gt3A_408, %select_n3A_407, %scan3A_397 : vector<16xi1>, vector<16xf32>
        %select_n3A_410 = arith.select %gt3A_408, %scan3A_397, %select_n3A_407 : vector<16xi1>, vector<16xf32>
        %gt3A_411 = arith.cmpf ogt, %select_n3A_410, %scan3A_398 : vector<16xf32>
        %select_n3A_412 = arith.select %gt3A_411, %select_n3A_410, %scan3A_398 : vector<16xi1>, vector<16xf32>
        %select_n3A_413 = arith.select %gt3A_411, %scan3A_398, %select_n3A_410 : vector<16xi1>, vector<16xf32>
        %gt3A_414 = arith.cmpf ogt, %select_n3A_413, %scan3A_399 : vector<16xf32>
        %select_n3A_415 = arith.select %gt3A_414, %select_n3A_413, %scan3A_399 : vector<16xi1>, vector<16xf32>
        %select_n3A_416 = arith.select %gt3A_414, %scan3A_399, %select_n3A_413 : vector<16xi1>, vector<16xf32>
        %gt3A_417 = arith.cmpf ogt, %select_n3A_416, %scan3A_400 : vector<16xf32>
        %select_n3A_418 = arith.select %gt3A_417, %select_n3A_416, %scan3A_400 : vector<16xi1>, vector<16xf32>
        %select_n3A_419 = arith.select %gt3A_417, %scan3A_400, %select_n3A_416 : vector<16xi1>, vector<16xf32>
        %gt3A_420 = arith.cmpf ogt, %select_n3A_419, %scan3A_401 : vector<16xf32>
        %select_n3A_421 = arith.select %gt3A_420, %select_n3A_419, %scan3A_401 : vector<16xi1>, vector<16xf32>
        %select_n3A_422 = arith.select %gt3A_420, %scan3A_401, %select_n3A_419 : vector<16xi1>, vector<16xf32>
        %gt3A_423 = arith.cmpf ogt, %select_n3A_422, %scan3A_402 : vector<16xf32>
        %select_n3A_424 = arith.select %gt3A_423, %select_n3A_422, %scan3A_402 : vector<16xi1>, vector<16xf32>
        %select_n3A_425 = arith.select %gt3A_423, %scan3A_402, %select_n3A_422 : vector<16xi1>, vector<16xf32>
        %gt3A_426 = arith.cmpf ogt, %select_n3A_425, %scan3A_403 : vector<16xf32>
        %select_n3A_427 = arith.select %gt3A_426, %select_n3A_425, %scan3A_403 : vector<16xi1>, vector<16xf32>
        %select_n3A_428 = arith.select %gt3A_426, %scan3A_403, %select_n3A_425 : vector<16xi1>, vector<16xf32>
        %scan3A_429 = arith.constant 1 : i32
        %scan3A_430 = arith.addi %scan3A_395, %scan3A_429 : i32
        %add3A_431 = vector.broadcast %scan3A_430 : i32 to vector<16xi32>
        %add3A_432 = arith.addi %mul3A_132, %add3A_431 : vector<16xi32>
        %gather3A_433 = tpu.vector_load_idx %arg4[%add3A_432, %iota3A] : memref<2048x16xf32, #tpu.memory_space<vmem>>[vector<16xi32>, vector<16xi32>], vector<16xf32>,
        %gt3A_434 = arith.cmpf ogt, %gather3A_433, %select_n3A_406 : vector<16xf32>
        %select_n3A_435 = arith.select %gt3A_434, %gather3A_433, %select_n3A_406 : vector<16xi1>, vector<16xf32>
        %select_n3A_436 = arith.select %gt3A_434, %select_n3A_406, %gather3A_433 : vector<16xi1>, vector<16xf32>
        %gt3A_437 = arith.cmpf ogt, %select_n3A_436, %select_n3A_409 : vector<16xf32>
        %select_n3A_438 = arith.select %gt3A_437, %select_n3A_436, %select_n3A_409 : vector<16xi1>, vector<16xf32>
        %select_n3A_439 = arith.select %gt3A_437, %select_n3A_409, %select_n3A_436 : vector<16xi1>, vector<16xf32>
        %gt3A_440 = arith.cmpf ogt, %select_n3A_439, %select_n3A_412 : vector<16xf32>
        %select_n3A_441 = arith.select %gt3A_440, %select_n3A_439, %select_n3A_412 : vector<16xi1>, vector<16xf32>
        %select_n3A_442 = arith.select %gt3A_440, %select_n3A_412, %select_n3A_439 : vector<16xi1>, vector<16xf32>
        %gt3A_443 = arith.cmpf ogt, %select_n3A_442, %select_n3A_415 : vector<16xf32>
        %select_n3A_444 = arith.select %gt3A_443, %select_n3A_442, %select_n3A_415 : vector<16xi1>, vector<16xf32>
        %select_n3A_445 = arith.select %gt3A_443, %select_n3A_415, %select_n3A_442 : vector<16xi1>, vector<16xf32>
        %gt3A_446 = arith.cmpf ogt, %select_n3A_445, %select_n3A_418 : vector<16xf32>
        %select_n3A_447 = arith.select %gt3A_446, %select_n3A_445, %select_n3A_418 : vector<16xi1>, vector<16xf32>
        %select_n3A_448 = arith.select %gt3A_446, %select_n3A_418, %select_n3A_445 : vector<16xi1>, vector<16xf32>
        %gt3A_449 = arith.cmpf ogt, %select_n3A_448, %select_n3A_421 : vector<16xf32>
        %select_n3A_450 = arith.select %gt3A_449, %select_n3A_448, %select_n3A_421 : vector<16xi1>, vector<16xf32>
        %select_n3A_451 = arith.select %gt3A_449, %select_n3A_421, %select_n3A_448 : vector<16xi1>, vector<16xf32>
        %gt3A_452 = arith.cmpf ogt, %select_n3A_451, %select_n3A_424 : vector<16xf32>
        %select_n3A_453 = arith.select %gt3A_452, %select_n3A_451, %select_n3A_424 : vector<16xi1>, vector<16xf32>
        %select_n3A_454 = arith.select %gt3A_452, %select_n3A_424, %select_n3A_451 : vector<16xi1>, vector<16xf32>
        %gt3A_455 = arith.cmpf ogt, %select_n3A_454, %select_n3A_427 : vector<16xf32>
        %select_n3A_456 = arith.select %gt3A_455, %select_n3A_454, %select_n3A_427 : vector<16xi1>, vector<16xf32>
        %select_n3A_457 = arith.select %gt3A_455, %select_n3A_427, %select_n3A_454 : vector<16xi1>, vector<16xf32>
        %scan3A_458 = arith.constant 2 : i32
        %scan3A_459 = arith.addi %scan3A_395, %scan3A_458 : i32
        %add3A_460 = vector.broadcast %scan3A_459 : i32 to vector<16xi32>
        %add3A_461 = arith.addi %mul3A_132, %add3A_460 : vector<16xi32>
        %gather3A_462 = tpu.vector_load_idx %arg4[%add3A_461, %iota3A] : memref<2048x16xf32, #tpu.memory_space<vmem>>[vector<16xi32>, vector<16xi32>], vector<16xf32>,
        %gt3A_463 = arith.cmpf ogt, %gather3A_462, %select_n3A_435 : vector<16xf32>
        %select_n3A_464 = arith.select %gt3A_463, %gather3A_462, %select_n3A_435 : vector<16xi1>, vector<16xf32>
        %select_n3A_465 = arith.select %gt3A_463, %select_n3A_435, %gather3A_462 : vector<16xi1>, vector<16xf32>
        %gt3A_466 = arith.cmpf ogt, %select_n3A_465, %select_n3A_438 : vector<16xf32>
        %select_n3A_467 = arith.select %gt3A_466, %select_n3A_465, %select_n3A_438 : vector<16xi1>, vector<16xf32>
        %select_n3A_468 = arith.select %gt3A_466, %select_n3A_438, %select_n3A_465 : vector<16xi1>, vector<16xf32>
        %gt3A_469 = arith.cmpf ogt, %select_n3A_468, %select_n3A_441 : vector<16xf32>
        %select_n3A_470 = arith.select %gt3A_469, %select_n3A_468, %select_n3A_441 : vector<16xi1>, vector<16xf32>
        %select_n3A_471 = arith.select %gt3A_469, %select_n3A_441, %select_n3A_468 : vector<16xi1>, vector<16xf32>
        %gt3A_472 = arith.cmpf ogt, %select_n3A_471, %select_n3A_444 : vector<16xf32>
        %select_n3A_473 = arith.select %gt3A_472, %select_n3A_471, %select_n3A_444 : vector<16xi1>, vector<16xf32>
        %select_n3A_474 = arith.select %gt3A_472, %select_n3A_444, %select_n3A_471 : vector<16xi1>, vector<16xf32>
        %gt3A_475 = arith.cmpf ogt, %select_n3A_474, %select_n3A_447 : vector<16xf32>
        %select_n3A_476 = arith.select %gt3A_475, %select_n3A_474, %select_n3A_447 : vector<16xi1>, vector<16xf32>
        %select_n3A_477 = arith.select %gt3A_475, %select_n3A_447, %select_n3A_474 : vector<16xi1>, vector<16xf32>
        %gt3A_478 = arith.cmpf ogt, %select_n3A_477, %select_n3A_450 : vector<16xf32>
        %select_n3A_479 = arith.select %gt3A_478, %select_n3A_477, %select_n3A_450 : vector<16xi1>, vector<16xf32>
        %select_n3A_480 = arith.select %gt3A_478, %select_n3A_450, %select_n3A_477 : vector<16xi1>, vector<16xf32>
        %gt3A_481 = arith.cmpf ogt, %select_n3A_480, %select_n3A_453 : vector<16xf32>
        %select_n3A_482 = arith.select %gt3A_481, %select_n3A_480, %select_n3A_453 : vector<16xi1>, vector<16xf32>
        %select_n3A_483 = arith.select %gt3A_481, %select_n3A_453, %select_n3A_480 : vector<16xi1>, vector<16xf32>
        %gt3A_484 = arith.cmpf ogt, %select_n3A_483, %select_n3A_456 : vector<16xf32>
        %select_n3A_485 = arith.select %gt3A_484, %select_n3A_483, %select_n3A_456 : vector<16xi1>, vector<16xf32>
        %select_n3A_486 = arith.select %gt3A_484, %select_n3A_456, %select_n3A_483 : vector<16xi1>, vector<16xf32>
        %scan3A_487 = arith.constant 3 : i32
        %scan3A_488 = arith.addi %scan3A_395, %scan3A_487 : i32
        %add3A_489 = vector.broadcast %scan3A_488 : i32 to vector<16xi32>
        %add3A_490 = arith.addi %mul3A_132, %add3A_489 : vector<16xi32>
        %gather3A_491 = tpu.vector_load_idx %arg4[%add3A_490, %iota3A] : memref<2048x16xf32, #tpu.memory_space<vmem>>[vector<16xi32>, vector<16xi32>], vector<16xf32>,
        %gt3A_492 = arith.cmpf ogt, %gather3A_491, %select_n3A_464 : vector<16xf32>
        %select_n3A_493 = arith.select %gt3A_492, %gather3A_491, %select_n3A_464 : vector<16xi1>, vector<16xf32>
        %select_n3A_494 = arith.select %gt3A_492, %select_n3A_464, %gather3A_491 : vector<16xi1>, vector<16xf32>
        %gt3A_495 = arith.cmpf ogt, %select_n3A_494, %select_n3A_467 : vector<16xf32>
        %select_n3A_496 = arith.select %gt3A_495, %select_n3A_494, %select_n3A_467 : vector<16xi1>, vector<16xf32>
        %select_n3A_497 = arith.select %gt3A_495, %select_n3A_467, %select_n3A_494 : vector<16xi1>, vector<16xf32>
        %gt3A_498 = arith.cmpf ogt, %select_n3A_497, %select_n3A_470 : vector<16xf32>
        %select_n3A_499 = arith.select %gt3A_498, %select_n3A_497, %select_n3A_470 : vector<16xi1>, vector<16xf32>
        %select_n3A_500 = arith.select %gt3A_498, %select_n3A_470, %select_n3A_497 : vector<16xi1>, vector<16xf32>
        %gt3A_501 = arith.cmpf ogt, %select_n3A_500, %select_n3A_473 : vector<16xf32>
        %select_n3A_502 = arith.select %gt3A_501, %select_n3A_500, %select_n3A_473 : vector<16xi1>, vector<16xf32>
        %select_n3A_503 = arith.select %gt3A_501, %select_n3A_473, %select_n3A_500 : vector<16xi1>, vector<16xf32>
        %gt3A_504 = arith.cmpf ogt, %select_n3A_503, %select_n3A_476 : vector<16xf32>
        %select_n3A_505 = arith.select %gt3A_504, %select_n3A_503, %select_n3A_476 : vector<16xi1>, vector<16xf32>
        %select_n3A_506 = arith.select %gt3A_504, %select_n3A_476, %select_n3A_503 : vector<16xi1>, vector<16xf32>
        %gt3A_507 = arith.cmpf ogt, %select_n3A_506, %select_n3A_479 : vector<16xf32>
        %select_n3A_508 = arith.select %gt3A_507, %select_n3A_506, %select_n3A_479 : vector<16xi1>, vector<16xf32>
        %select_n3A_509 = arith.select %gt3A_507, %select_n3A_479, %select_n3A_506 : vector<16xi1>, vector<16xf32>
        %gt3A_510 = arith.cmpf ogt, %select_n3A_509, %select_n3A_482 : vector<16xf32>
        %select_n3A_511 = arith.select %gt3A_510, %select_n3A_509, %select_n3A_482 : vector<16xi1>, vector<16xf32>
        %select_n3A_512 = arith.select %gt3A_510, %select_n3A_482, %select_n3A_509 : vector<16xi1>, vector<16xf32>
        %gt3A_513 = arith.cmpf ogt, %select_n3A_512, %select_n3A_485 : vector<16xf32>
        %select_n3A_514 = arith.select %gt3A_513, %select_n3A_512, %select_n3A_485 : vector<16xi1>, vector<16xf32>
        %select_n3A_515 = arith.select %gt3A_513, %select_n3A_485, %select_n3A_512 : vector<16xi1>, vector<16xf32>
        scf.yield %select_n3A_493, %select_n3A_496, %select_n3A_499, %select_n3A_502, %select_n3A_505, %select_n3A_508, %select_n3A_511, %select_n3A_514 : vector<16xf32>, vector<16xf32>, vector<16xf32>, vector<16xf32>, vector<16xf32>, vector<16xf32>, vector<16xf32>, vector<16xf32>
      }
      %scan3A_138 = arith.constant 16 : i32
      %mul3A_139 = arith.constant 16 : i32
      %mul3A_140 = vector.broadcast %mul3A_139 : i32 to vector<16xi32>
      %mul3A_141 = arith.muli %and3A_87, %mul3A_140 : vector<16xi32>
      %scan3A_142 = arith.constant 0 : i32
      %scan3A_143 = arith.constant 16 : i32
      %scan3A_144 = arith.addi %scan3A_142, %scan3A_143 : i32
      %scan3A_145 = arith.constant 4 : i32
      %scan3A_146:8 = scf.for %scan3A_395 = %scan3A_142 to %scan3A_144 step %scan3A_145 iter_args(%scan3A_396 = %scan3A_137#0, %scan3A_397 = %scan3A_137#1, %scan3A_398 = %scan3A_137#2, %scan3A_399 = %scan3A_137#3, %scan3A_400 = %scan3A_137#4, %scan3A_401 = %scan3A_137#5, %scan3A_402 = %scan3A_137#6, %scan3A_403 = %scan3A_137#7) -> (vector<16xf32>, vector<16xf32>, vector<16xf32>, vector<16xf32>, vector<16xf32>, vector<16xf32>, vector<16xf32>, vector<16xf32>)  : i32 {
        %add3A_404 = vector.broadcast %scan3A_395 : i32 to vector<16xi32>
        %add3A_405 = arith.addi %mul3A_141, %add3A_404 : vector<16xi32>
        %gather3A = tpu.vector_load_idx %arg4[%add3A_405, %iota3A] : memref<2048x16xf32, #tpu.memory_space<vmem>>[vector<16xi32>, vector<16xi32>], vector<16xf32>,
        %gt3A = arith.cmpf ogt, %gather3A, %scan3A_396 : vector<16xf32>
        %select_n3A_406 = arith.select %gt3A, %gather3A, %scan3A_396 : vector<16xi1>, vector<16xf32>
        %select_n3A_407 = arith.select %gt3A, %scan3A_396, %gather3A : vector<16xi1>, vector<16xf32>
        %gt3A_408 = arith.cmpf ogt, %select_n3A_407, %scan3A_397 : vector<16xf32>
        %select_n3A_409 = arith.select %gt3A_408, %select_n3A_407, %scan3A_397 : vector<16xi1>, vector<16xf32>
        %select_n3A_410 = arith.select %gt3A_408, %scan3A_397, %select_n3A_407 : vector<16xi1>, vector<16xf32>
        %gt3A_411 = arith.cmpf ogt, %select_n3A_410, %scan3A_398 : vector<16xf32>
        %select_n3A_412 = arith.select %gt3A_411, %select_n3A_410, %scan3A_398 : vector<16xi1>, vector<16xf32>
        %select_n3A_413 = arith.select %gt3A_411, %scan3A_398, %select_n3A_410 : vector<16xi1>, vector<16xf32>
        %gt3A_414 = arith.cmpf ogt, %select_n3A_413, %scan3A_399 : vector<16xf32>
        %select_n3A_415 = arith.select %gt3A_414, %select_n3A_413, %scan3A_399 : vector<16xi1>, vector<16xf32>
        %select_n3A_416 = arith.select %gt3A_414, %scan3A_399, %select_n3A_413 : vector<16xi1>, vector<16xf32>
        %gt3A_417 = arith.cmpf ogt, %select_n3A_416, %scan3A_400 : vector<16xf32>
        %select_n3A_418 = arith.select %gt3A_417, %select_n3A_416, %scan3A_400 : vector<16xi1>, vector<16xf32>
        %select_n3A_419 = arith.select %gt3A_417, %scan3A_400, %select_n3A_416 : vector<16xi1>, vector<16xf32>
        %gt3A_420 = arith.cmpf ogt, %select_n3A_419, %scan3A_401 : vector<16xf32>
        %select_n3A_421 = arith.select %gt3A_420, %select_n3A_419, %scan3A_401 : vector<16xi1>, vector<16xf32>
        %select_n3A_422 = arith.select %gt3A_420, %scan3A_401, %select_n3A_419 : vector<16xi1>, vector<16xf32>
        %gt3A_423 = arith.cmpf ogt, %select_n3A_422, %scan3A_402 : vector<16xf32>
        %select_n3A_424 = arith.select %gt3A_423, %select_n3A_422, %scan3A_402 : vector<16xi1>, vector<16xf32>
        %select_n3A_425 = arith.select %gt3A_423, %scan3A_402, %select_n3A_422 : vector<16xi1>, vector<16xf32>
        %gt3A_426 = arith.cmpf ogt, %select_n3A_425, %scan3A_403 : vector<16xf32>
        %select_n3A_427 = arith.select %gt3A_426, %select_n3A_425, %scan3A_403 : vector<16xi1>, vector<16xf32>
        %select_n3A_428 = arith.select %gt3A_426, %scan3A_403, %select_n3A_425 : vector<16xi1>, vector<16xf32>
        %scan3A_429 = arith.constant 1 : i32
        %scan3A_430 = arith.addi %scan3A_395, %scan3A_429 : i32
        %add3A_431 = vector.broadcast %scan3A_430 : i32 to vector<16xi32>
        %add3A_432 = arith.addi %mul3A_141, %add3A_431 : vector<16xi32>
        %gather3A_433 = tpu.vector_load_idx %arg4[%add3A_432, %iota3A] : memref<2048x16xf32, #tpu.memory_space<vmem>>[vector<16xi32>, vector<16xi32>], vector<16xf32>,
        %gt3A_434 = arith.cmpf ogt, %gather3A_433, %select_n3A_406 : vector<16xf32>
        %select_n3A_435 = arith.select %gt3A_434, %gather3A_433, %select_n3A_406 : vector<16xi1>, vector<16xf32>
        %select_n3A_436 = arith.select %gt3A_434, %select_n3A_406, %gather3A_433 : vector<16xi1>, vector<16xf32>
        %gt3A_437 = arith.cmpf ogt, %select_n3A_436, %select_n3A_409 : vector<16xf32>
        %select_n3A_438 = arith.select %gt3A_437, %select_n3A_436, %select_n3A_409 : vector<16xi1>, vector<16xf32>
        %select_n3A_439 = arith.select %gt3A_437, %select_n3A_409, %select_n3A_436 : vector<16xi1>, vector<16xf32>
        %gt3A_440 = arith.cmpf ogt, %select_n3A_439, %select_n3A_412 : vector<16xf32>
        %select_n3A_441 = arith.select %gt3A_440, %select_n3A_439, %select_n3A_412 : vector<16xi1>, vector<16xf32>
        %select_n3A_442 = arith.select %gt3A_440, %select_n3A_412, %select_n3A_439 : vector<16xi1>, vector<16xf32>
        %gt3A_443 = arith.cmpf ogt, %select_n3A_442, %select_n3A_415 : vector<16xf32>
        %select_n3A_444 = arith.select %gt3A_443, %select_n3A_442, %select_n3A_415 : vector<16xi1>, vector<16xf32>
        %select_n3A_445 = arith.select %gt3A_443, %select_n3A_415, %select_n3A_442 : vector<16xi1>, vector<16xf32>
        %gt3A_446 = arith.cmpf ogt, %select_n3A_445, %select_n3A_418 : vector<16xf32>
        %select_n3A_447 = arith.select %gt3A_446, %select_n3A_445, %select_n3A_418 : vector<16xi1>, vector<16xf32>
        %select_n3A_448 = arith.select %gt3A_446, %select_n3A_418, %select_n3A_445 : vector<16xi1>, vector<16xf32>
        %gt3A_449 = arith.cmpf ogt, %select_n3A_448, %select_n3A_421 : vector<16xf32>
        %select_n3A_450 = arith.select %gt3A_449, %select_n3A_448, %select_n3A_421 : vector<16xi1>, vector<16xf32>
        %select_n3A_451 = arith.select %gt3A_449, %select_n3A_421, %select_n3A_448 : vector<16xi1>, vector<16xf32>
        %gt3A_452 = arith.cmpf ogt, %select_n3A_451, %select_n3A_424 : vector<16xf32>
        %select_n3A_453 = arith.select %gt3A_452, %select_n3A_451, %select_n3A_424 : vector<16xi1>, vector<16xf32>
        %select_n3A_454 = arith.select %gt3A_452, %select_n3A_424, %select_n3A_451 : vector<16xi1>, vector<16xf32>
        %gt3A_455 = arith.cmpf ogt, %select_n3A_454, %select_n3A_427 : vector<16xf32>
        %select_n3A_456 = arith.select %gt3A_455, %select_n3A_454, %select_n3A_427 : vector<16xi1>, vector<16xf32>
        %select_n3A_457 = arith.select %gt3A_455, %select_n3A_427, %select_n3A_454 : vector<16xi1>, vector<16xf32>
        %scan3A_458 = arith.constant 2 : i32
        %scan3A_459 = arith.addi %scan3A_395, %scan3A_458 : i32
        %add3A_460 = vector.broadcast %scan3A_459 : i32 to vector<16xi32>
        %add3A_461 = arith.addi %mul3A_141, %add3A_460 : vector<16xi32>
        %gather3A_462 = tpu.vector_load_idx %arg4[%add3A_461, %iota3A] : memref<2048x16xf32, #tpu.memory_space<vmem>>[vector<16xi32>, vector<16xi32>], vector<16xf32>,
        %gt3A_463 = arith.cmpf ogt, %gather3A_462, %select_n3A_435 : vector<16xf32>
        %select_n3A_464 = arith.select %gt3A_463, %gather3A_462, %select_n3A_435 : vector<16xi1>, vector<16xf32>
        %select_n3A_465 = arith.select %gt3A_463, %select_n3A_435, %gather3A_462 : vector<16xi1>, vector<16xf32>
        %gt3A_466 = arith.cmpf ogt, %select_n3A_465, %select_n3A_438 : vector<16xf32>
        %select_n3A_467 = arith.select %gt3A_466, %select_n3A_465, %select_n3A_438 : vector<16xi1>, vector<16xf32>
        %select_n3A_468 = arith.select %gt3A_466, %select_n3A_438, %select_n3A_465 : vector<16xi1>, vector<16xf32>
        %gt3A_469 = arith.cmpf ogt, %select_n3A_468, %select_n3A_441 : vector<16xf32>
        %select_n3A_470 = arith.select %gt3A_469, %select_n3A_468, %select_n3A_441 : vector<16xi1>, vector<16xf32>
        %select_n3A_471 = arith.select %gt3A_469, %select_n3A_441, %select_n3A_468 : vector<16xi1>, vector<16xf32>
        %gt3A_472 = arith.cmpf ogt, %select_n3A_471, %select_n3A_444 : vector<16xf32>
        %select_n3A_473 = arith.select %gt3A_472, %select_n3A_471, %select_n3A_444 : vector<16xi1>, vector<16xf32>
        %select_n3A_474 = arith.select %gt3A_472, %select_n3A_444, %select_n3A_471 : vector<16xi1>, vector<16xf32>
        %gt3A_475 = arith.cmpf ogt, %select_n3A_474, %select_n3A_447 : vector<16xf32>
        %select_n3A_476 = arith.select %gt3A_475, %select_n3A_474, %select_n3A_447 : vector<16xi1>, vector<16xf32>
        %select_n3A_477 = arith.select %gt3A_475, %select_n3A_447, %select_n3A_474 : vector<16xi1>, vector<16xf32>
        %gt3A_478 = arith.cmpf ogt, %select_n3A_477, %select_n3A_450 : vector<16xf32>
        %select_n3A_479 = arith.select %gt3A_478, %select_n3A_477, %select_n3A_450 : vector<16xi1>, vector<16xf32>
        %select_n3A_480 = arith.select %gt3A_478, %select_n3A_450, %select_n3A_477 : vector<16xi1>, vector<16xf32>
        %gt3A_481 = arith.cmpf ogt, %select_n3A_480, %select_n3A_453 : vector<16xf32>
        %select_n3A_482 = arith.select %gt3A_481, %select_n3A_480, %select_n3A_453 : vector<16xi1>, vector<16xf32>
        %select_n3A_483 = arith.select %gt3A_481, %select_n3A_453, %select_n3A_480 : vector<16xi1>, vector<16xf32>
        %gt3A_484 = arith.cmpf ogt, %select_n3A_483, %select_n3A_456 : vector<16xf32>
        %select_n3A_485 = arith.select %gt3A_484, %select_n3A_483, %select_n3A_456 : vector<16xi1>, vector<16xf32>
        %select_n3A_486 = arith.select %gt3A_484, %select_n3A_456, %select_n3A_483 : vector<16xi1>, vector<16xf32>
        %scan3A_487 = arith.constant 3 : i32
        %scan3A_488 = arith.addi %scan3A_395, %scan3A_487 : i32
        %add3A_489 = vector.broadcast %scan3A_488 : i32 to vector<16xi32>
        %add3A_490 = arith.addi %mul3A_141, %add3A_489 : vector<16xi32>
        %gather3A_491 = tpu.vector_load_idx %arg4[%add3A_490, %iota3A] : memref<2048x16xf32, #tpu.memory_space<vmem>>[vector<16xi32>, vector<16xi32>], vector<16xf32>,
        %gt3A_492 = arith.cmpf ogt, %gather3A_491, %select_n3A_464 : vector<16xf32>
        %select_n3A_493 = arith.select %gt3A_492, %gather3A_491, %select_n3A_464 : vector<16xi1>, vector<16xf32>
        %select_n3A_494 = arith.select %gt3A_492, %select_n3A_464, %gather3A_491 : vector<16xi1>, vector<16xf32>
        %gt3A_495 = arith.cmpf ogt, %select_n3A_494, %select_n3A_467 : vector<16xf32>
        %select_n3A_496 = arith.select %gt3A_495, %select_n3A_494, %select_n3A_467 : vector<16xi1>, vector<16xf32>
        %select_n3A_497 = arith.select %gt3A_495, %select_n3A_467, %select_n3A_494 : vector<16xi1>, vector<16xf32>
        %gt3A_498 = arith.cmpf ogt, %select_n3A_497, %select_n3A_470 : vector<16xf32>
        %select_n3A_499 = arith.select %gt3A_498, %select_n3A_497, %select_n3A_470 : vector<16xi1>, vector<16xf32>
        %select_n3A_500 = arith.select %gt3A_498, %select_n3A_470, %select_n3A_497 : vector<16xi1>, vector<16xf32>
        %gt3A_501 = arith.cmpf ogt, %select_n3A_500, %select_n3A_473 : vector<16xf32>
        %select_n3A_502 = arith.select %gt3A_501, %select_n3A_500, %select_n3A_473 : vector<16xi1>, vector<16xf32>
        %select_n3A_503 = arith.select %gt3A_501, %select_n3A_473, %select_n3A_500 : vector<16xi1>, vector<16xf32>
        %gt3A_504 = arith.cmpf ogt, %select_n3A_503, %select_n3A_476 : vector<16xf32>
        %select_n3A_505 = arith.select %gt3A_504, %select_n3A_503, %select_n3A_476 : vector<16xi1>, vector<16xf32>
        %select_n3A_506 = arith.select %gt3A_504, %select_n3A_476, %select_n3A_503 : vector<16xi1>, vector<16xf32>
        %gt3A_507 = arith.cmpf ogt, %select_n3A_506, %select_n3A_479 : vector<16xf32>
        %select_n3A_508 = arith.select %gt3A_507, %select_n3A_506, %select_n3A_479 : vector<16xi1>, vector<16xf32>
        %select_n3A_509 = arith.select %gt3A_507, %select_n3A_479, %select_n3A_506 : vector<16xi1>, vector<16xf32>
        %gt3A_510 = arith.cmpf ogt, %select_n3A_509, %select_n3A_482 : vector<16xf32>
        %select_n3A_511 = arith.select %gt3A_510, %select_n3A_509, %select_n3A_482 : vector<16xi1>, vector<16xf32>
        %select_n3A_512 = arith.select %gt3A_510, %select_n3A_482, %select_n3A_509 : vector<16xi1>, vector<16xf32>
        %gt3A_513 = arith.cmpf ogt, %select_n3A_512, %select_n3A_485 : vector<16xf32>
        %select_n3A_514 = arith.select %gt3A_513, %select_n3A_512, %select_n3A_485 : vector<16xi1>, vector<16xf32>
        %select_n3A_515 = arith.select %gt3A_513, %select_n3A_485, %select_n3A_512 : vector<16xi1>, vector<16xf32>
        scf.yield %select_n3A_493, %select_n3A_496, %select_n3A_499, %select_n3A_502, %select_n3A_505, %select_n3A_508, %select_n3A_511, %select_n3A_514 : vector<16xf32>, vector<16xf32>, vector<16xf32>, vector<16xf32>, vector<16xf32>, vector<16xf32>, vector<16xf32>, vector<16xf32>
      }
      %scan3A_147 = arith.constant 16 : i32
      %mul3A_148 = arith.constant 16 : i32
      %mul3A_149 = vector.broadcast %mul3A_148 : i32 to vector<16xi32>
      %mul3A_150 = arith.muli %and3A_90, %mul3A_149 : vector<16xi32>
      %scan3A_151 = arith.constant 0 : i32
      %scan3A_152 = arith.constant 16 : i32
      %scan3A_153 = arith.addi %scan3A_151, %scan3A_152 : i32
      %scan3A_154 = arith.constant 4 : i32
      %scan3A_155:8 = scf.for %scan3A_395 = %scan3A_151 to %scan3A_153 step %scan3A_154 iter_args(%scan3A_396 = %scan3A_146#0, %scan3A_397 = %scan3A_146#1, %scan3A_398 = %scan3A_146#2, %scan3A_399 = %scan3A_146#3, %scan3A_400 = %scan3A_146#4, %scan3A_401 = %scan3A_146#5, %scan3A_402 = %scan3A_146#6, %scan3A_403 = %scan3A_146#7) -> (vector<16xf32>, vector<16xf32>, vector<16xf32>, vector<16xf32>, vector<16xf32>, vector<16xf32>, vector<16xf32>, vector<16xf32>)  : i32 {
        %add3A_404 = vector.broadcast %scan3A_395 : i32 to vector<16xi32>
        %add3A_405 = arith.addi %mul3A_150, %add3A_404 : vector<16xi32>
        %gather3A = tpu.vector_load_idx %arg4[%add3A_405, %iota3A] : memref<2048x16xf32, #tpu.memory_space<vmem>>[vector<16xi32>, vector<16xi32>], vector<16xf32>,
        %gt3A = arith.cmpf ogt, %gather3A, %scan3A_396 : vector<16xf32>
        %select_n3A_406 = arith.select %gt3A, %gather3A, %scan3A_396 : vector<16xi1>, vector<16xf32>
        %select_n3A_407 = arith.select %gt3A, %scan3A_396, %gather3A : vector<16xi1>, vector<16xf32>
        %gt3A_408 = arith.cmpf ogt, %select_n3A_407, %scan3A_397 : vector<16xf32>
        %select_n3A_409 = arith.select %gt3A_408, %select_n3A_407, %scan3A_397 : vector<16xi1>, vector<16xf32>
        %select_n3A_410 = arith.select %gt3A_408, %scan3A_397, %select_n3A_407 : vector<16xi1>, vector<16xf32>
        %gt3A_411 = arith.cmpf ogt, %select_n3A_410, %scan3A_398 : vector<16xf32>
        %select_n3A_412 = arith.select %gt3A_411, %select_n3A_410, %scan3A_398 : vector<16xi1>, vector<16xf32>
        %select_n3A_413 = arith.select %gt3A_411, %scan3A_398, %select_n3A_410 : vector<16xi1>, vector<16xf32>
        %gt3A_414 = arith.cmpf ogt, %select_n3A_413, %scan3A_399 : vector<16xf32>
        %select_n3A_415 = arith.select %gt3A_414, %select_n3A_413, %scan3A_399 : vector<16xi1>, vector<16xf32>
        %select_n3A_416 = arith.select %gt3A_414, %scan3A_399, %select_n3A_413 : vector<16xi1>, vector<16xf32>
        %gt3A_417 = arith.cmpf ogt, %select_n3A_416, %scan3A_400 : vector<16xf32>
        %select_n3A_418 = arith.select %gt3A_417, %select_n3A_416, %scan3A_400 : vector<16xi1>, vector<16xf32>
        %select_n3A_419 = arith.select %gt3A_417, %scan3A_400, %select_n3A_416 : vector<16xi1>, vector<16xf32>
        %gt3A_420 = arith.cmpf ogt, %select_n3A_419, %scan3A_401 : vector<16xf32>
        %select_n3A_421 = arith.select %gt3A_420, %select_n3A_419, %scan3A_401 : vector<16xi1>, vector<16xf32>
        %select_n3A_422 = arith.select %gt3A_420, %scan3A_401, %select_n3A_419 : vector<16xi1>, vector<16xf32>
        %gt3A_423 = arith.cmpf ogt, %select_n3A_422, %scan3A_402 : vector<16xf32>
        %select_n3A_424 = arith.select %gt3A_423, %select_n3A_422, %scan3A_402 : vector<16xi1>, vector<16xf32>
        %select_n3A_425 = arith.select %gt3A_423, %scan3A_402, %select_n3A_422 : vector<16xi1>, vector<16xf32>
        %gt3A_426 = arith.cmpf ogt, %select_n3A_425, %scan3A_403 : vector<16xf32>
        %select_n3A_427 = arith.select %gt3A_426, %select_n3A_425, %scan3A_403 : vector<16xi1>, vector<16xf32>
        %select_n3A_428 = arith.select %gt3A_426, %scan3A_403, %select_n3A_425 : vector<16xi1>, vector<16xf32>
        %scan3A_429 = arith.constant 1 : i32
        %scan3A_430 = arith.addi %scan3A_395, %scan3A_429 : i32
        %add3A_431 = vector.broadcast %scan3A_430 : i32 to vector<16xi32>
        %add3A_432 = arith.addi %mul3A_150, %add3A_431 : vector<16xi32>
        %gather3A_433 = tpu.vector_load_idx %arg4[%add3A_432, %iota3A] : memref<2048x16xf32, #tpu.memory_space<vmem>>[vector<16xi32>, vector<16xi32>], vector<16xf32>,
        %gt3A_434 = arith.cmpf ogt, %gather3A_433, %select_n3A_406 : vector<16xf32>
        %select_n3A_435 = arith.select %gt3A_434, %gather3A_433, %select_n3A_406 : vector<16xi1>, vector<16xf32>
        %select_n3A_436 = arith.select %gt3A_434, %select_n3A_406, %gather3A_433 : vector<16xi1>, vector<16xf32>
        %gt3A_437 = arith.cmpf ogt, %select_n3A_436, %select_n3A_409 : vector<16xf32>
        %select_n3A_438 = arith.select %gt3A_437, %select_n3A_436, %select_n3A_409 : vector<16xi1>, vector<16xf32>
        %select_n3A_439 = arith.select %gt3A_437, %select_n3A_409, %select_n3A_436 : vector<16xi1>, vector<16xf32>
        %gt3A_440 = arith.cmpf ogt, %select_n3A_439, %select_n3A_412 : vector<16xf32>
        %select_n3A_441 = arith.select %gt3A_440, %select_n3A_439, %select_n3A_412 : vector<16xi1>, vector<16xf32>
        %select_n3A_442 = arith.select %gt3A_440, %select_n3A_412, %select_n3A_439 : vector<16xi1>, vector<16xf32>
        %gt3A_443 = arith.cmpf ogt, %select_n3A_442, %select_n3A_415 : vector<16xf32>
        %select_n3A_444 = arith.select %gt3A_443, %select_n3A_442, %select_n3A_415 : vector<16xi1>, vector<16xf32>
        %select_n3A_445 = arith.select %gt3A_443, %select_n3A_415, %select_n3A_442 : vector<16xi1>, vector<16xf32>
        %gt3A_446 = arith.cmpf ogt, %select_n3A_445, %select_n3A_418 : vector<16xf32>
        %select_n3A_447 = arith.select %gt3A_446, %select_n3A_445, %select_n3A_418 : vector<16xi1>, vector<16xf32>
        %select_n3A_448 = arith.select %gt3A_446, %select_n3A_418, %select_n3A_445 : vector<16xi1>, vector<16xf32>
        %gt3A_449 = arith.cmpf ogt, %select_n3A_448, %select_n3A_421 : vector<16xf32>
        %select_n3A_450 = arith.select %gt3A_449, %select_n3A_448, %select_n3A_421 : vector<16xi1>, vector<16xf32>
        %select_n3A_451 = arith.select %gt3A_449, %select_n3A_421, %select_n3A_448 : vector<16xi1>, vector<16xf32>
        %gt3A_452 = arith.cmpf ogt, %select_n3A_451, %select_n3A_424 : vector<16xf32>
        %select_n3A_453 = arith.select %gt3A_452, %select_n3A_451, %select_n3A_424 : vector<16xi1>, vector<16xf32>
        %select_n3A_454 = arith.select %gt3A_452, %select_n3A_424, %select_n3A_451 : vector<16xi1>, vector<16xf32>
        %gt3A_455 = arith.cmpf ogt, %select_n3A_454, %select_n3A_427 : vector<16xf32>
        %select_n3A_456 = arith.select %gt3A_455, %select_n3A_454, %select_n3A_427 : vector<16xi1>, vector<16xf32>
        %select_n3A_457 = arith.select %gt3A_455, %select_n3A_427, %select_n3A_454 : vector<16xi1>, vector<16xf32>
        %scan3A_458 = arith.constant 2 : i32
        %scan3A_459 = arith.addi %scan3A_395, %scan3A_458 : i32
        %add3A_460 = vector.broadcast %scan3A_459 : i32 to vector<16xi32>
        %add3A_461 = arith.addi %mul3A_150, %add3A_460 : vector<16xi32>
        %gather3A_462 = tpu.vector_load_idx %arg4[%add3A_461, %iota3A] : memref<2048x16xf32, #tpu.memory_space<vmem>>[vector<16xi32>, vector<16xi32>], vector<16xf32>,
        %gt3A_463 = arith.cmpf ogt, %gather3A_462, %select_n3A_435 : vector<16xf32>
        %select_n3A_464 = arith.select %gt3A_463, %gather3A_462, %select_n3A_435 : vector<16xi1>, vector<16xf32>
        %select_n3A_465 = arith.select %gt3A_463, %select_n3A_435, %gather3A_462 : vector<16xi1>, vector<16xf32>
        %gt3A_466 = arith.cmpf ogt, %select_n3A_465, %select_n3A_438 : vector<16xf32>
        %select_n3A_467 = arith.select %gt3A_466, %select_n3A_465, %select_n3A_438 : vector<16xi1>, vector<16xf32>
        %select_n3A_468 = arith.select %gt3A_466, %select_n3A_438, %select_n3A_465 : vector<16xi1>, vector<16xf32>
        %gt3A_469 = arith.cmpf ogt, %select_n3A_468, %select_n3A_441 : vector<16xf32>
        %select_n3A_470 = arith.select %gt3A_469, %select_n3A_468, %select_n3A_441 : vector<16xi1>, vector<16xf32>
        %select_n3A_471 = arith.select %gt3A_469, %select_n3A_441, %select_n3A_468 : vector<16xi1>, vector<16xf32>
        %gt3A_472 = arith.cmpf ogt, %select_n3A_471, %select_n3A_444 : vector<16xf32>
        %select_n3A_473 = arith.select %gt3A_472, %select_n3A_471, %select_n3A_444 : vector<16xi1>, vector<16xf32>
        %select_n3A_474 = arith.select %gt3A_472, %select_n3A_444, %select_n3A_471 : vector<16xi1>, vector<16xf32>
        %gt3A_475 = arith.cmpf ogt, %select_n3A_474, %select_n3A_447 : vector<16xf32>
        %select_n3A_476 = arith.select %gt3A_475, %select_n3A_474, %select_n3A_447 : vector<16xi1>, vector<16xf32>
        %select_n3A_477 = arith.select %gt3A_475, %select_n3A_447, %select_n3A_474 : vector<16xi1>, vector<16xf32>
        %gt3A_478 = arith.cmpf ogt, %select_n3A_477, %select_n3A_450 : vector<16xf32>
        %select_n3A_479 = arith.select %gt3A_478, %select_n3A_477, %select_n3A_450 : vector<16xi1>, vector<16xf32>
        %select_n3A_480 = arith.select %gt3A_478, %select_n3A_450, %select_n3A_477 : vector<16xi1>, vector<16xf32>
        %gt3A_481 = arith.cmpf ogt, %select_n3A_480, %select_n3A_453 : vector<16xf32>
        %select_n3A_482 = arith.select %gt3A_481, %select_n3A_480, %select_n3A_453 : vector<16xi1>, vector<16xf32>
        %select_n3A_483 = arith.select %gt3A_481, %select_n3A_453, %select_n3A_480 : vector<16xi1>, vector<16xf32>
        %gt3A_484 = arith.cmpf ogt, %select_n3A_483, %select_n3A_456 : vector<16xf32>
        %select_n3A_485 = arith.select %gt3A_484, %select_n3A_483, %select_n3A_456 : vector<16xi1>, vector<16xf32>
        %select_n3A_486 = arith.select %gt3A_484, %select_n3A_456, %select_n3A_483 : vector<16xi1>, vector<16xf32>
        %scan3A_487 = arith.constant 3 : i32
        %scan3A_488 = arith.addi %scan3A_395, %scan3A_487 : i32
        %add3A_489 = vector.broadcast %scan3A_488 : i32 to vector<16xi32>
        %add3A_490 = arith.addi %mul3A_150, %add3A_489 : vector<16xi32>
        %gather3A_491 = tpu.vector_load_idx %arg4[%add3A_490, %iota3A] : memref<2048x16xf32, #tpu.memory_space<vmem>>[vector<16xi32>, vector<16xi32>], vector<16xf32>,
        %gt3A_492 = arith.cmpf ogt, %gather3A_491, %select_n3A_464 : vector<16xf32>
        %select_n3A_493 = arith.select %gt3A_492, %gather3A_491, %select_n3A_464 : vector<16xi1>, vector<16xf32>
        %select_n3A_494 = arith.select %gt3A_492, %select_n3A_464, %gather3A_491 : vector<16xi1>, vector<16xf32>
        %gt3A_495 = arith.cmpf ogt, %select_n3A_494, %select_n3A_467 : vector<16xf32>
        %select_n3A_496 = arith.select %gt3A_495, %select_n3A_494, %select_n3A_467 : vector<16xi1>, vector<16xf32>
        %select_n3A_497 = arith.select %gt3A_495, %select_n3A_467, %select_n3A_494 : vector<16xi1>, vector<16xf32>
        %gt3A_498 = arith.cmpf ogt, %select_n3A_497, %select_n3A_470 : vector<16xf32>
        %select_n3A_499 = arith.select %gt3A_498, %select_n3A_497, %select_n3A_470 : vector<16xi1>, vector<16xf32>
        %select_n3A_500 = arith.select %gt3A_498, %select_n3A_470, %select_n3A_497 : vector<16xi1>, vector<16xf32>
        %gt3A_501 = arith.cmpf ogt, %select_n3A_500, %select_n3A_473 : vector<16xf32>
        %select_n3A_502 = arith.select %gt3A_501, %select_n3A_500, %select_n3A_473 : vector<16xi1>, vector<16xf32>
        %select_n3A_503 = arith.select %gt3A_501, %select_n3A_473, %select_n3A_500 : vector<16xi1>, vector<16xf32>
        %gt3A_504 = arith.cmpf ogt, %select_n3A_503, %select_n3A_476 : vector<16xf32>
        %select_n3A_505 = arith.select %gt3A_504, %select_n3A_503, %select_n3A_476 : vector<16xi1>, vector<16xf32>
        %select_n3A_506 = arith.select %gt3A_504, %select_n3A_476, %select_n3A_503 : vector<16xi1>, vector<16xf32>
        %gt3A_507 = arith.cmpf ogt, %select_n3A_506, %select_n3A_479 : vector<16xf32>
        %select_n3A_508 = arith.select %gt3A_507, %select_n3A_506, %select_n3A_479 : vector<16xi1>, vector<16xf32>
        %select_n3A_509 = arith.select %gt3A_507, %select_n3A_479, %select_n3A_506 : vector<16xi1>, vector<16xf32>
        %gt3A_510 = arith.cmpf ogt, %select_n3A_509, %select_n3A_482 : vector<16xf32>
        %select_n3A_511 = arith.select %gt3A_510, %select_n3A_509, %select_n3A_482 : vector<16xi1>, vector<16xf32>
        %select_n3A_512 = arith.select %gt3A_510, %select_n3A_482, %select_n3A_509 : vector<16xi1>, vector<16xf32>
        %gt3A_513 = arith.cmpf ogt, %select_n3A_512, %select_n3A_485 : vector<16xf32>
        %select_n3A_514 = arith.select %gt3A_513, %select_n3A_512, %select_n3A_485 : vector<16xi1>, vector<16xf32>
        %select_n3A_515 = arith.select %gt3A_513, %select_n3A_485, %select_n3A_512 : vector<16xi1>, vector<16xf32>
        scf.yield %select_n3A_493, %select_n3A_496, %select_n3A_499, %select_n3A_502, %select_n3A_505, %select_n3A_508, %select_n3A_511, %select_n3A_514 : vector<16xf32>, vector<16xf32>, vector<16xf32>, vector<16xf32>, vector<16xf32>, vector<16xf32>, vector<16xf32>, vector<16xf32>
      }
      %scan3A_156 = arith.constant 16 : i32
      %mul3A_157 = arith.constant 16 : i32
      %mul3A_158 = vector.broadcast %mul3A_157 : i32 to vector<16xi32>
      %mul3A_159 = arith.muli %and3A_93, %mul3A_158 : vector<16xi32>
      %scan3A_160 = arith.constant 0 : i32
      %scan3A_161 = arith.constant 16 : i32
      %scan3A_162 = arith.addi %scan3A_160, %scan3A_161 : i32
      %scan3A_163 = arith.constant 4 : i32
      %scan3A_164:8 = scf.for %scan3A_395 = %scan3A_160 to %scan3A_162 step %scan3A_163 iter_args(%scan3A_396 = %scan3A_155#0, %scan3A_397 = %scan3A_155#1, %scan3A_398 = %scan3A_155#2, %scan3A_399 = %scan3A_155#3, %scan3A_400 = %scan3A_155#4, %scan3A_401 = %scan3A_155#5, %scan3A_402 = %scan3A_155#6, %scan3A_403 = %scan3A_155#7) -> (vector<16xf32>, vector<16xf32>, vector<16xf32>, vector<16xf32>, vector<16xf32>, vector<16xf32>, vector<16xf32>, vector<16xf32>)  : i32 {
        %add3A_404 = vector.broadcast %scan3A_395 : i32 to vector<16xi32>
        %add3A_405 = arith.addi %mul3A_159, %add3A_404 : vector<16xi32>
        %gather3A = tpu.vector_load_idx %arg4[%add3A_405, %iota3A] : memref<2048x16xf32, #tpu.memory_space<vmem>>[vector<16xi32>, vector<16xi32>], vector<16xf32>,
        %gt3A = arith.cmpf ogt, %gather3A, %scan3A_396 : vector<16xf32>
        %select_n3A_406 = arith.select %gt3A, %gather3A, %scan3A_396 : vector<16xi1>, vector<16xf32>
        %select_n3A_407 = arith.select %gt3A, %scan3A_396, %gather3A : vector<16xi1>, vector<16xf32>
        %gt3A_408 = arith.cmpf ogt, %select_n3A_407, %scan3A_397 : vector<16xf32>
        %select_n3A_409 = arith.select %gt3A_408, %select_n3A_407, %scan3A_397 : vector<16xi1>, vector<16xf32>
        %select_n3A_410 = arith.select %gt3A_408, %scan3A_397, %select_n3A_407 : vector<16xi1>, vector<16xf32>
        %gt3A_411 = arith.cmpf ogt, %select_n3A_410, %scan3A_398 : vector<16xf32>
        %select_n3A_412 = arith.select %gt3A_411, %select_n3A_410, %scan3A_398 : vector<16xi1>, vector<16xf32>
        %select_n3A_413 = arith.select %gt3A_411, %scan3A_398, %select_n3A_410 : vector<16xi1>, vector<16xf32>
        %gt3A_414 = arith.cmpf ogt, %select_n3A_413, %scan3A_399 : vector<16xf32>
        %select_n3A_415 = arith.select %gt3A_414, %select_n3A_413, %scan3A_399 : vector<16xi1>, vector<16xf32>
        %select_n3A_416 = arith.select %gt3A_414, %scan3A_399, %select_n3A_413 : vector<16xi1>, vector<16xf32>
        %gt3A_417 = arith.cmpf ogt, %select_n3A_416, %scan3A_400 : vector<16xf32>
        %select_n3A_418 = arith.select %gt3A_417, %select_n3A_416, %scan3A_400 : vector<16xi1>, vector<16xf32>
        %select_n3A_419 = arith.select %gt3A_417, %scan3A_400, %select_n3A_416 : vector<16xi1>, vector<16xf32>
        %gt3A_420 = arith.cmpf ogt, %select_n3A_419, %scan3A_401 : vector<16xf32>
        %select_n3A_421 = arith.select %gt3A_420, %select_n3A_419, %scan3A_401 : vector<16xi1>, vector<16xf32>
        %select_n3A_422 = arith.select %gt3A_420, %scan3A_401, %select_n3A_419 : vector<16xi1>, vector<16xf32>
        %gt3A_423 = arith.cmpf ogt, %select_n3A_422, %scan3A_402 : vector<16xf32>
        %select_n3A_424 = arith.select %gt3A_423, %select_n3A_422, %scan3A_402 : vector<16xi1>, vector<16xf32>
        %select_n3A_425 = arith.select %gt3A_423, %scan3A_402, %select_n3A_422 : vector<16xi1>, vector<16xf32>
        %gt3A_426 = arith.cmpf ogt, %select_n3A_425, %scan3A_403 : vector<16xf32>
        %select_n3A_427 = arith.select %gt3A_426, %select_n3A_425, %scan3A_403 : vector<16xi1>, vector<16xf32>
        %select_n3A_428 = arith.select %gt3A_426, %scan3A_403, %select_n3A_425 : vector<16xi1>, vector<16xf32>
        %scan3A_429 = arith.constant 1 : i32
        %scan3A_430 = arith.addi %scan3A_395, %scan3A_429 : i32
        %add3A_431 = vector.broadcast %scan3A_430 : i32 to vector<16xi32>
        %add3A_432 = arith.addi %mul3A_159, %add3A_431 : vector<16xi32>
        %gather3A_433 = tpu.vector_load_idx %arg4[%add3A_432, %iota3A] : memref<2048x16xf32, #tpu.memory_space<vmem>>[vector<16xi32>, vector<16xi32>], vector<16xf32>,
        %gt3A_434 = arith.cmpf ogt, %gather3A_433, %select_n3A_406 : vector<16xf32>
        %select_n3A_435 = arith.select %gt3A_434, %gather3A_433, %select_n3A_406 : vector<16xi1>, vector<16xf32>
        %select_n3A_436 = arith.select %gt3A_434, %select_n3A_406, %gather3A_433 : vector<16xi1>, vector<16xf32>
        %gt3A_437 = arith.cmpf ogt, %select_n3A_436, %select_n3A_409 : vector<16xf32>
        %select_n3A_438 = arith.select %gt3A_437, %select_n3A_436, %select_n3A_409 : vector<16xi1>, vector<16xf32>
        %select_n3A_439 = arith.select %gt3A_437, %select_n3A_409, %select_n3A_436 : vector<16xi1>, vector<16xf32>
        %gt3A_440 = arith.cmpf ogt, %select_n3A_439, %select_n3A_412 : vector<16xf32>
        %select_n3A_441 = arith.select %gt3A_440, %select_n3A_439, %select_n3A_412 : vector<16xi1>, vector<16xf32>
        %select_n3A_442 = arith.select %gt3A_440, %select_n3A_412, %select_n3A_439 : vector<16xi1>, vector<16xf32>
        %gt3A_443 = arith.cmpf ogt, %select_n3A_442, %select_n3A_415 : vector<16xf32>
        %select_n3A_444 = arith.select %gt3A_443, %select_n3A_442, %select_n3A_415 : vector<16xi1>, vector<16xf32>
        %select_n3A_445 = arith.select %gt3A_443, %select_n3A_415, %select_n3A_442 : vector<16xi1>, vector<16xf32>
        %gt3A_446 = arith.cmpf ogt, %select_n3A_445, %select_n3A_418 : vector<16xf32>
        %select_n3A_447 = arith.select %gt3A_446, %select_n3A_445, %select_n3A_418 : vector<16xi1>, vector<16xf32>
        %select_n3A_448 = arith.select %gt3A_446, %select_n3A_418, %select_n3A_445 : vector<16xi1>, vector<16xf32>
        %gt3A_449 = arith.cmpf ogt, %select_n3A_448, %select_n3A_421 : vector<16xf32>
        %select_n3A_450 = arith.select %gt3A_449, %select_n3A_448, %select_n3A_421 : vector<16xi1>, vector<16xf32>
        %select_n3A_451 = arith.select %gt3A_449, %select_n3A_421, %select_n3A_448 : vector<16xi1>, vector<16xf32>
        %gt3A_452 = arith.cmpf ogt, %select_n3A_451, %select_n3A_424 : vector<16xf32>
        %select_n3A_453 = arith.select %gt3A_452, %select_n3A_451, %select_n3A_424 : vector<16xi1>, vector<16xf32>
        %select_n3A_454 = arith.select %gt3A_452, %select_n3A_424, %select_n3A_451 : vector<16xi1>, vector<16xf32>
        %gt3A_455 = arith.cmpf ogt, %select_n3A_454, %select_n3A_427 : vector<16xf32>
        %select_n3A_456 = arith.select %gt3A_455, %select_n3A_454, %select_n3A_427 : vector<16xi1>, vector<16xf32>
        %select_n3A_457 = arith.select %gt3A_455, %select_n3A_427, %select_n3A_454 : vector<16xi1>, vector<16xf32>
        %scan3A_458 = arith.constant 2 : i32
        %scan3A_459 = arith.addi %scan3A_395, %scan3A_458 : i32
        %add3A_460 = vector.broadcast %scan3A_459 : i32 to vector<16xi32>
        %add3A_461 = arith.addi %mul3A_159, %add3A_460 : vector<16xi32>
        %gather3A_462 = tpu.vector_load_idx %arg4[%add3A_461, %iota3A] : memref<2048x16xf32, #tpu.memory_space<vmem>>[vector<16xi32>, vector<16xi32>], vector<16xf32>,
        %gt3A_463 = arith.cmpf ogt, %gather3A_462, %select_n3A_435 : vector<16xf32>
        %select_n3A_464 = arith.select %gt3A_463, %gather3A_462, %select_n3A_435 : vector<16xi1>, vector<16xf32>
        %select_n3A_465 = arith.select %gt3A_463, %select_n3A_435, %gather3A_462 : vector<16xi1>, vector<16xf32>
        %gt3A_466 = arith.cmpf ogt, %select_n3A_465, %select_n3A_438 : vector<16xf32>
        %select_n3A_467 = arith.select %gt3A_466, %select_n3A_465, %select_n3A_438 : vector<16xi1>, vector<16xf32>
        %select_n3A_468 = arith.select %gt3A_466, %select_n3A_438, %select_n3A_465 : vector<16xi1>, vector<16xf32>
        %gt3A_469 = arith.cmpf ogt, %select_n3A_468, %select_n3A_441 : vector<16xf32>
        %select_n3A_470 = arith.select %gt3A_469, %select_n3A_468, %select_n3A_441 : vector<16xi1>, vector<16xf32>
        %select_n3A_471 = arith.select %gt3A_469, %select_n3A_441, %select_n3A_468 : vector<16xi1>, vector<16xf32>
        %gt3A_472 = arith.cmpf ogt, %select_n3A_471, %select_n3A_444 : vector<16xf32>
        %select_n3A_473 = arith.select %gt3A_472, %select_n3A_471, %select_n3A_444 : vector<16xi1>, vector<16xf32>
        %select_n3A_474 = arith.select %gt3A_472, %select_n3A_444, %select_n3A_471 : vector<16xi1>, vector<16xf32>
        %gt3A_475 = arith.cmpf ogt, %select_n3A_474, %select_n3A_447 : vector<16xf32>
        %select_n3A_476 = arith.select %gt3A_475, %select_n3A_474, %select_n3A_447 : vector<16xi1>, vector<16xf32>
        %select_n3A_477 = arith.select %gt3A_475, %select_n3A_447, %select_n3A_474 : vector<16xi1>, vector<16xf32>
        %gt3A_478 = arith.cmpf ogt, %select_n3A_477, %select_n3A_450 : vector<16xf32>
        %select_n3A_479 = arith.select %gt3A_478, %select_n3A_477, %select_n3A_450 : vector<16xi1>, vector<16xf32>
        %select_n3A_480 = arith.select %gt3A_478, %select_n3A_450, %select_n3A_477 : vector<16xi1>, vector<16xf32>
        %gt3A_481 = arith.cmpf ogt, %select_n3A_480, %select_n3A_453 : vector<16xf32>
        %select_n3A_482 = arith.select %gt3A_481, %select_n3A_480, %select_n3A_453 : vector<16xi1>, vector<16xf32>
        %select_n3A_483 = arith.select %gt3A_481, %select_n3A_453, %select_n3A_480 : vector<16xi1>, vector<16xf32>
        %gt3A_484 = arith.cmpf ogt, %select_n3A_483, %select_n3A_456 : vector<16xf32>
        %select_n3A_485 = arith.select %gt3A_484, %select_n3A_483, %select_n3A_456 : vector<16xi1>, vector<16xf32>
        %select_n3A_486 = arith.select %gt3A_484, %select_n3A_456, %select_n3A_483 : vector<16xi1>, vector<16xf32>
        %scan3A_487 = arith.constant 3 : i32
        %scan3A_488 = arith.addi %scan3A_395, %scan3A_487 : i32
        %add3A_489 = vector.broadcast %scan3A_488 : i32 to vector<16xi32>
        %add3A_490 = arith.addi %mul3A_159, %add3A_489 : vector<16xi32>
        %gather3A_491 = tpu.vector_load_idx %arg4[%add3A_490, %iota3A] : memref<2048x16xf32, #tpu.memory_space<vmem>>[vector<16xi32>, vector<16xi32>], vector<16xf32>,
        %gt3A_492 = arith.cmpf ogt, %gather3A_491, %select_n3A_464 : vector<16xf32>
        %select_n3A_493 = arith.select %gt3A_492, %gather3A_491, %select_n3A_464 : vector<16xi1>, vector<16xf32>
        %select_n3A_494 = arith.select %gt3A_492, %select_n3A_464, %gather3A_491 : vector<16xi1>, vector<16xf32>
        %gt3A_495 = arith.cmpf ogt, %select_n3A_494, %select_n3A_467 : vector<16xf32>
        %select_n3A_496 = arith.select %gt3A_495, %select_n3A_494, %select_n3A_467 : vector<16xi1>, vector<16xf32>
        %select_n3A_497 = arith.select %gt3A_495, %select_n3A_467, %select_n3A_494 : vector<16xi1>, vector<16xf32>
        %gt3A_498 = arith.cmpf ogt, %select_n3A_497, %select_n3A_470 : vector<16xf32>
        %select_n3A_499 = arith.select %gt3A_498, %select_n3A_497, %select_n3A_470 : vector<16xi1>, vector<16xf32>
        %select_n3A_500 = arith.select %gt3A_498, %select_n3A_470, %select_n3A_497 : vector<16xi1>, vector<16xf32>
        %gt3A_501 = arith.cmpf ogt, %select_n3A_500, %select_n3A_473 : vector<16xf32>
        %select_n3A_502 = arith.select %gt3A_501, %select_n3A_500, %select_n3A_473 : vector<16xi1>, vector<16xf32>
        %select_n3A_503 = arith.select %gt3A_501, %select_n3A_473, %select_n3A_500 : vector<16xi1>, vector<16xf32>
        %gt3A_504 = arith.cmpf ogt, %select_n3A_503, %select_n3A_476 : vector<16xf32>
        %select_n3A_505 = arith.select %gt3A_504, %select_n3A_503, %select_n3A_476 : vector<16xi1>, vector<16xf32>
        %select_n3A_506 = arith.select %gt3A_504, %select_n3A_476, %select_n3A_503 : vector<16xi1>, vector<16xf32>
        %gt3A_507 = arith.cmpf ogt, %select_n3A_506, %select_n3A_479 : vector<16xf32>
        %select_n3A_508 = arith.select %gt3A_507, %select_n3A_506, %select_n3A_479 : vector<16xi1>, vector<16xf32>
        %select_n3A_509 = arith.select %gt3A_507, %select_n3A_479, %select_n3A_506 : vector<16xi1>, vector<16xf32>
        %gt3A_510 = arith.cmpf ogt, %select_n3A_509, %select_n3A_482 : vector<16xf32>
        %select_n3A_511 = arith.select %gt3A_510, %select_n3A_509, %select_n3A_482 : vector<16xi1>, vector<16xf32>
        %select_n3A_512 = arith.select %gt3A_510, %select_n3A_482, %select_n3A_509 : vector<16xi1>, vector<16xf32>
        %gt3A_513 = arith.cmpf ogt, %select_n3A_512, %select_n3A_485 : vector<16xf32>
        %select_n3A_514 = arith.select %gt3A_513, %select_n3A_512, %select_n3A_485 : vector<16xi1>, vector<16xf32>
        %select_n3A_515 = arith.select %gt3A_513, %select_n3A_485, %select_n3A_512 : vector<16xi1>, vector<16xf32>
        scf.yield %select_n3A_493, %select_n3A_496, %select_n3A_499, %select_n3A_502, %select_n3A_505, %select_n3A_508, %select_n3A_511, %select_n3A_514 : vector<16xf32>, vector<16xf32>, vector<16xf32>, vector<16xf32>, vector<16xf32>, vector<16xf32>, vector<16xf32>, vector<16xf32>
      }
      %scan3A_165 = arith.constant 16 : i32
      %mul3A_166 = arith.constant 16 : i32
      %mul3A_167 = vector.broadcast %mul3A_166 : i32 to vector<16xi32>
      %mul3A_168 = arith.muli %and3A_96, %mul3A_167 : vector<16xi32>
      %scan3A_169 = arith.constant 0 : i32
      %scan3A_170 = arith.constant 16 : i32
      %scan3A_171 = arith.addi %scan3A_169, %scan3A_170 : i32
      %scan3A_172 = arith.constant 4 : i32
      %scan3A_173:8 = scf.for %scan3A_395 = %scan3A_169 to %scan3A_171 step %scan3A_172 iter_args(%scan3A_396 = %scan3A_164#0, %scan3A_397 = %scan3A_164#1, %scan3A_398 = %scan3A_164#2, %scan3A_399 = %scan3A_164#3, %scan3A_400 = %scan3A_164#4, %scan3A_401 = %scan3A_164#5, %scan3A_402 = %scan3A_164#6, %scan3A_403 = %scan3A_164#7) -> (vector<16xf32>, vector<16xf32>, vector<16xf32>, vector<16xf32>, vector<16xf32>, vector<16xf32>, vector<16xf32>, vector<16xf32>)  : i32 {
        %add3A_404 = vector.broadcast %scan3A_395 : i32 to vector<16xi32>
        %add3A_405 = arith.addi %mul3A_168, %add3A_404 : vector<16xi32>
        %gather3A = tpu.vector_load_idx %arg4[%add3A_405, %iota3A] : memref<2048x16xf32, #tpu.memory_space<vmem>>[vector<16xi32>, vector<16xi32>], vector<16xf32>,
        %gt3A = arith.cmpf ogt, %gather3A, %scan3A_396 : vector<16xf32>
        %select_n3A_406 = arith.select %gt3A, %gather3A, %scan3A_396 : vector<16xi1>, vector<16xf32>
        %select_n3A_407 = arith.select %gt3A, %scan3A_396, %gather3A : vector<16xi1>, vector<16xf32>
        %gt3A_408 = arith.cmpf ogt, %select_n3A_407, %scan3A_397 : vector<16xf32>
        %select_n3A_409 = arith.select %gt3A_408, %select_n3A_407, %scan3A_397 : vector<16xi1>, vector<16xf32>
        %select_n3A_410 = arith.select %gt3A_408, %scan3A_397, %select_n3A_407 : vector<16xi1>, vector<16xf32>
        %gt3A_411 = arith.cmpf ogt, %select_n3A_410, %scan3A_398 : vector<16xf32>
        %select_n3A_412 = arith.select %gt3A_411, %select_n3A_410, %scan3A_398 : vector<16xi1>, vector<16xf32>
        %select_n3A_413 = arith.select %gt3A_411, %scan3A_398, %select_n3A_410 : vector<16xi1>, vector<16xf32>
        %gt3A_414 = arith.cmpf ogt, %select_n3A_413, %scan3A_399 : vector<16xf32>
        %select_n3A_415 = arith.select %gt3A_414, %select_n3A_413, %scan3A_399 : vector<16xi1>, vector<16xf32>
        %select_n3A_416 = arith.select %gt3A_414, %scan3A_399, %select_n3A_413 : vector<16xi1>, vector<16xf32>
        %gt3A_417 = arith.cmpf ogt, %select_n3A_416, %scan3A_400 : vector<16xf32>
        %select_n3A_418 = arith.select %gt3A_417, %select_n3A_416, %scan3A_400 : vector<16xi1>, vector<16xf32>
        %select_n3A_419 = arith.select %gt3A_417, %scan3A_400, %select_n3A_416 : vector<16xi1>, vector<16xf32>
        %gt3A_420 = arith.cmpf ogt, %select_n3A_419, %scan3A_401 : vector<16xf32>
        %select_n3A_421 = arith.select %gt3A_420, %select_n3A_419, %scan3A_401 : vector<16xi1>, vector<16xf32>
        %select_n3A_422 = arith.select %gt3A_420, %scan3A_401, %select_n3A_419 : vector<16xi1>, vector<16xf32>
        %gt3A_423 = arith.cmpf ogt, %select_n3A_422, %scan3A_402 : vector<16xf32>
        %select_n3A_424 = arith.select %gt3A_423, %select_n3A_422, %scan3A_402 : vector<16xi1>, vector<16xf32>
        %select_n3A_425 = arith.select %gt3A_423, %scan3A_402, %select_n3A_422 : vector<16xi1>, vector<16xf32>
        %gt3A_426 = arith.cmpf ogt, %select_n3A_425, %scan3A_403 : vector<16xf32>
        %select_n3A_427 = arith.select %gt3A_426, %select_n3A_425, %scan3A_403 : vector<16xi1>, vector<16xf32>
        %select_n3A_428 = arith.select %gt3A_426, %scan3A_403, %select_n3A_425 : vector<16xi1>, vector<16xf32>
        %scan3A_429 = arith.constant 1 : i32
        %scan3A_430 = arith.addi %scan3A_395, %scan3A_429 : i32
        %add3A_431 = vector.broadcast %scan3A_430 : i32 to vector<16xi32>
        %add3A_432 = arith.addi %mul3A_168, %add3A_431 : vector<16xi32>
        %gather3A_433 = tpu.vector_load_idx %arg4[%add3A_432, %iota3A] : memref<2048x16xf32, #tpu.memory_space<vmem>>[vector<16xi32>, vector<16xi32>], vector<16xf32>,
        %gt3A_434 = arith.cmpf ogt, %gather3A_433, %select_n3A_406 : vector<16xf32>
        %select_n3A_435 = arith.select %gt3A_434, %gather3A_433, %select_n3A_406 : vector<16xi1>, vector<16xf32>
        %select_n3A_436 = arith.select %gt3A_434, %select_n3A_406, %gather3A_433 : vector<16xi1>, vector<16xf32>
        %gt3A_437 = arith.cmpf ogt, %select_n3A_436, %select_n3A_409 : vector<16xf32>
        %select_n3A_438 = arith.select %gt3A_437, %select_n3A_436, %select_n3A_409 : vector<16xi1>, vector<16xf32>
        %select_n3A_439 = arith.select %gt3A_437, %select_n3A_409, %select_n3A_436 : vector<16xi1>, vector<16xf32>
        %gt3A_440 = arith.cmpf ogt, %select_n3A_439, %select_n3A_412 : vector<16xf32>
        %select_n3A_441 = arith.select %gt3A_440, %select_n3A_439, %select_n3A_412 : vector<16xi1>, vector<16xf32>
        %select_n3A_442 = arith.select %gt3A_440, %select_n3A_412, %select_n3A_439 : vector<16xi1>, vector<16xf32>
        %gt3A_443 = arith.cmpf ogt, %select_n3A_442, %select_n3A_415 : vector<16xf32>
        %select_n3A_444 = arith.select %gt3A_443, %select_n3A_442, %select_n3A_415 : vector<16xi1>, vector<16xf32>
        %select_n3A_445 = arith.select %gt3A_443, %select_n3A_415, %select_n3A_442 : vector<16xi1>, vector<16xf32>
        %gt3A_446 = arith.cmpf ogt, %select_n3A_445, %select_n3A_418 : vector<16xf32>
        %select_n3A_447 = arith.select %gt3A_446, %select_n3A_445, %select_n3A_418 : vector<16xi1>, vector<16xf32>
        %select_n3A_448 = arith.select %gt3A_446, %select_n3A_418, %select_n3A_445 : vector<16xi1>, vector<16xf32>
        %gt3A_449 = arith.cmpf ogt, %select_n3A_448, %select_n3A_421 : vector<16xf32>
        %select_n3A_450 = arith.select %gt3A_449, %select_n3A_448, %select_n3A_421 : vector<16xi1>, vector<16xf32>
        %select_n3A_451 = arith.select %gt3A_449, %select_n3A_421, %select_n3A_448 : vector<16xi1>, vector<16xf32>
        %gt3A_452 = arith.cmpf ogt, %select_n3A_451, %select_n3A_424 : vector<16xf32>
        %select_n3A_453 = arith.select %gt3A_452, %select_n3A_451, %select_n3A_424 : vector<16xi1>, vector<16xf32>
        %select_n3A_454 = arith.select %gt3A_452, %select_n3A_424, %select_n3A_451 : vector<16xi1>, vector<16xf32>
        %gt3A_455 = arith.cmpf ogt, %select_n3A_454, %select_n3A_427 : vector<16xf32>
        %select_n3A_456 = arith.select %gt3A_455, %select_n3A_454, %select_n3A_427 : vector<16xi1>, vector<16xf32>
        %select_n3A_457 = arith.select %gt3A_455, %select_n3A_427, %select_n3A_454 : vector<16xi1>, vector<16xf32>
        %scan3A_458 = arith.constant 2 : i32
        %scan3A_459 = arith.addi %scan3A_395, %scan3A_458 : i32
        %add3A_460 = vector.broadcast %scan3A_459 : i32 to vector<16xi32>
        %add3A_461 = arith.addi %mul3A_168, %add3A_460 : vector<16xi32>
        %gather3A_462 = tpu.vector_load_idx %arg4[%add3A_461, %iota3A] : memref<2048x16xf32, #tpu.memory_space<vmem>>[vector<16xi32>, vector<16xi32>], vector<16xf32>,
        %gt3A_463 = arith.cmpf ogt, %gather3A_462, %select_n3A_435 : vector<16xf32>
        %select_n3A_464 = arith.select %gt3A_463, %gather3A_462, %select_n3A_435 : vector<16xi1>, vector<16xf32>
        %select_n3A_465 = arith.select %gt3A_463, %select_n3A_435, %gather3A_462 : vector<16xi1>, vector<16xf32>
        %gt3A_466 = arith.cmpf ogt, %select_n3A_465, %select_n3A_438 : vector<16xf32>
        %select_n3A_467 = arith.select %gt3A_466, %select_n3A_465, %select_n3A_438 : vector<16xi1>, vector<16xf32>
        %select_n3A_468 = arith.select %gt3A_466, %select_n3A_438, %select_n3A_465 : vector<16xi1>, vector<16xf32>
        %gt3A_469 = arith.cmpf ogt, %select_n3A_468, %select_n3A_441 : vector<16xf32>
        %select_n3A_470 = arith.select %gt3A_469, %select_n3A_468, %select_n3A_441 : vector<16xi1>, vector<16xf32>
        %select_n3A_471 = arith.select %gt3A_469, %select_n3A_441, %select_n3A_468 : vector<16xi1>, vector<16xf32>
        %gt3A_472 = arith.cmpf ogt, %select_n3A_471, %select_n3A_444 : vector<16xf32>
        %select_n3A_473 = arith.select %gt3A_472, %select_n3A_471, %select_n3A_444 : vector<16xi1>, vector<16xf32>
        %select_n3A_474 = arith.select %gt3A_472, %select_n3A_444, %select_n3A_471 : vector<16xi1>, vector<16xf32>
        %gt3A_475 = arith.cmpf ogt, %select_n3A_474, %select_n3A_447 : vector<16xf32>
        %select_n3A_476 = arith.select %gt3A_475, %select_n3A_474, %select_n3A_447 : vector<16xi1>, vector<16xf32>
        %select_n3A_477 = arith.select %gt3A_475, %select_n3A_447, %select_n3A_474 : vector<16xi1>, vector<16xf32>
        %gt3A_478 = arith.cmpf ogt, %select_n3A_477, %select_n3A_450 : vector<16xf32>
        %select_n3A_479 = arith.select %gt3A_478, %select_n3A_477, %select_n3A_450 : vector<16xi1>, vector<16xf32>
        %select_n3A_480 = arith.select %gt3A_478, %select_n3A_450, %select_n3A_477 : vector<16xi1>, vector<16xf32>
        %gt3A_481 = arith.cmpf ogt, %select_n3A_480, %select_n3A_453 : vector<16xf32>
        %select_n3A_482 = arith.select %gt3A_481, %select_n3A_480, %select_n3A_453 : vector<16xi1>, vector<16xf32>
        %select_n3A_483 = arith.select %gt3A_481, %select_n3A_453, %select_n3A_480 : vector<16xi1>, vector<16xf32>
        %gt3A_484 = arith.cmpf ogt, %select_n3A_483, %select_n3A_456 : vector<16xf32>
        %select_n3A_485 = arith.select %gt3A_484, %select_n3A_483, %select_n3A_456 : vector<16xi1>, vector<16xf32>
        %select_n3A_486 = arith.select %gt3A_484, %select_n3A_456, %select_n3A_483 : vector<16xi1>, vector<16xf32>
        %scan3A_487 = arith.constant 3 : i32
        %scan3A_488 = arith.addi %scan3A_395, %scan3A_487 : i32
        %add3A_489 = vector.broadcast %scan3A_488 : i32 to vector<16xi32>
        %add3A_490 = arith.addi %mul3A_168, %add3A_489 : vector<16xi32>
        %gather3A_491 = tpu.vector_load_idx %arg4[%add3A_490, %iota3A] : memref<2048x16xf32, #tpu.memory_space<vmem>>[vector<16xi32>, vector<16xi32>], vector<16xf32>,
        %gt3A_492 = arith.cmpf ogt, %gather3A_491, %select_n3A_464 : vector<16xf32>
        %select_n3A_493 = arith.select %gt3A_492, %gather3A_491, %select_n3A_464 : vector<16xi1>, vector<16xf32>
        %select_n3A_494 = arith.select %gt3A_492, %select_n3A_464, %gather3A_491 : vector<16xi1>, vector<16xf32>
        %gt3A_495 = arith.cmpf ogt, %select_n3A_494, %select_n3A_467 : vector<16xf32>
        %select_n3A_496 = arith.select %gt3A_495, %select_n3A_494, %select_n3A_467 : vector<16xi1>, vector<16xf32>
        %select_n3A_497 = arith.select %gt3A_495, %select_n3A_467, %select_n3A_494 : vector<16xi1>, vector<16xf32>
        %gt3A_498 = arith.cmpf ogt, %select_n3A_497, %select_n3A_470 : vector<16xf32>
        %select_n3A_499 = arith.select %gt3A_498, %select_n3A_497, %select_n3A_470 : vector<16xi1>, vector<16xf32>
        %select_n3A_500 = arith.select %gt3A_498, %select_n3A_470, %select_n3A_497 : vector<16xi1>, vector<16xf32>
        %gt3A_501 = arith.cmpf ogt, %select_n3A_500, %select_n3A_473 : vector<16xf32>
        %select_n3A_502 = arith.select %gt3A_501, %select_n3A_500, %select_n3A_473 : vector<16xi1>, vector<16xf32>
        %select_n3A_503 = arith.select %gt3A_501, %select_n3A_473, %select_n3A_500 : vector<16xi1>, vector<16xf32>
        %gt3A_504 = arith.cmpf ogt, %select_n3A_503, %select_n3A_476 : vector<16xf32>
        %select_n3A_505 = arith.select %gt3A_504, %select_n3A_503, %select_n3A_476 : vector<16xi1>, vector<16xf32>
        %select_n3A_506 = arith.select %gt3A_504, %select_n3A_476, %select_n3A_503 : vector<16xi1>, vector<16xf32>
        %gt3A_507 = arith.cmpf ogt, %select_n3A_506, %select_n3A_479 : vector<16xf32>
        %select_n3A_508 = arith.select %gt3A_507, %select_n3A_506, %select_n3A_479 : vector<16xi1>, vector<16xf32>
        %select_n3A_509 = arith.select %gt3A_507, %select_n3A_479, %select_n3A_506 : vector<16xi1>, vector<16xf32>
        %gt3A_510 = arith.cmpf ogt, %select_n3A_509, %select_n3A_482 : vector<16xf32>
        %select_n3A_511 = arith.select %gt3A_510, %select_n3A_509, %select_n3A_482 : vector<16xi1>, vector<16xf32>
        %select_n3A_512 = arith.select %gt3A_510, %select_n3A_482, %select_n3A_509 : vector<16xi1>, vector<16xf32>
        %gt3A_513 = arith.cmpf ogt, %select_n3A_512, %select_n3A_485 : vector<16xf32>
        %select_n3A_514 = arith.select %gt3A_513, %select_n3A_512, %select_n3A_485 : vector<16xi1>, vector<16xf32>
        %select_n3A_515 = arith.select %gt3A_513, %select_n3A_485, %select_n3A_512 : vector<16xi1>, vector<16xf32>
        scf.yield %select_n3A_493, %select_n3A_496, %select_n3A_499, %select_n3A_502, %select_n3A_505, %select_n3A_508, %select_n3A_511, %select_n3A_514 : vector<16xf32>, vector<16xf32>, vector<16xf32>, vector<16xf32>, vector<16xf32>, vector<16xf32>, vector<16xf32>, vector<16xf32>
      }
      %scan3A_174 = arith.constant 16 : i32
      %mul3A_175 = arith.constant 16 : i32
      %mul3A_176 = vector.broadcast %mul3A_175 : i32 to vector<16xi32>
      %mul3A_177 = arith.muli %and3A_99, %mul3A_176 : vector<16xi32>
      %scan3A_178 = arith.constant 0 : i32
      %scan3A_179 = arith.constant 16 : i32
      %scan3A_180 = arith.addi %scan3A_178, %scan3A_179 : i32
      %scan3A_181 = arith.constant 4 : i32
      %scan3A_182:8 = scf.for %scan3A_395 = %scan3A_178 to %scan3A_180 step %scan3A_181 iter_args(%scan3A_396 = %scan3A_173#0, %scan3A_397 = %scan3A_173#1, %scan3A_398 = %scan3A_173#2, %scan3A_399 = %scan3A_173#3, %scan3A_400 = %scan3A_173#4, %scan3A_401 = %scan3A_173#5, %scan3A_402 = %scan3A_173#6, %scan3A_403 = %scan3A_173#7) -> (vector<16xf32>, vector<16xf32>, vector<16xf32>, vector<16xf32>, vector<16xf32>, vector<16xf32>, vector<16xf32>, vector<16xf32>)  : i32 {
        %add3A_404 = vector.broadcast %scan3A_395 : i32 to vector<16xi32>
        %add3A_405 = arith.addi %mul3A_177, %add3A_404 : vector<16xi32>
        %gather3A = tpu.vector_load_idx %arg4[%add3A_405, %iota3A] : memref<2048x16xf32, #tpu.memory_space<vmem>>[vector<16xi32>, vector<16xi32>], vector<16xf32>,
        %gt3A = arith.cmpf ogt, %gather3A, %scan3A_396 : vector<16xf32>
        %select_n3A_406 = arith.select %gt3A, %gather3A, %scan3A_396 : vector<16xi1>, vector<16xf32>
        %select_n3A_407 = arith.select %gt3A, %scan3A_396, %gather3A : vector<16xi1>, vector<16xf32>
        %gt3A_408 = arith.cmpf ogt, %select_n3A_407, %scan3A_397 : vector<16xf32>
        %select_n3A_409 = arith.select %gt3A_408, %select_n3A_407, %scan3A_397 : vector<16xi1>, vector<16xf32>
        %select_n3A_410 = arith.select %gt3A_408, %scan3A_397, %select_n3A_407 : vector<16xi1>, vector<16xf32>
        %gt3A_411 = arith.cmpf ogt, %select_n3A_410, %scan3A_398 : vector<16xf32>
        %select_n3A_412 = arith.select %gt3A_411, %select_n3A_410, %scan3A_398 : vector<16xi1>, vector<16xf32>
        %select_n3A_413 = arith.select %gt3A_411, %scan3A_398, %select_n3A_410 : vector<16xi1>, vector<16xf32>
        %gt3A_414 = arith.cmpf ogt, %select_n3A_413, %scan3A_399 : vector<16xf32>
        %select_n3A_415 = arith.select %gt3A_414, %select_n3A_413, %scan3A_399 : vector<16xi1>, vector<16xf32>
        %select_n3A_416 = arith.select %gt3A_414, %scan3A_399, %select_n3A_413 : vector<16xi1>, vector<16xf32>
        %gt3A_417 = arith.cmpf ogt, %select_n3A_416, %scan3A_400 : vector<16xf32>
        %select_n3A_418 = arith.select %gt3A_417, %select_n3A_416, %scan3A_400 : vector<16xi1>, vector<16xf32>
        %select_n3A_419 = arith.select %gt3A_417, %scan3A_400, %select_n3A_416 : vector<16xi1>, vector<16xf32>
        %gt3A_420 = arith.cmpf ogt, %select_n3A_419, %scan3A_401 : vector<16xf32>
        %select_n3A_421 = arith.select %gt3A_420, %select_n3A_419, %scan3A_401 : vector<16xi1>, vector<16xf32>
        %select_n3A_422 = arith.select %gt3A_420, %scan3A_401, %select_n3A_419 : vector<16xi1>, vector<16xf32>
        %gt3A_423 = arith.cmpf ogt, %select_n3A_422, %scan3A_402 : vector<16xf32>
        %select_n3A_424 = arith.select %gt3A_423, %select_n3A_422, %scan3A_402 : vector<16xi1>, vector<16xf32>
        %select_n3A_425 = arith.select %gt3A_423, %scan3A_402, %select_n3A_422 : vector<16xi1>, vector<16xf32>
        %gt3A_426 = arith.cmpf ogt, %select_n3A_425, %scan3A_403 : vector<16xf32>
        %select_n3A_427 = arith.select %gt3A_426, %select_n3A_425, %scan3A_403 : vector<16xi1>, vector<16xf32>
        %select_n3A_428 = arith.select %gt3A_426, %scan3A_403, %select_n3A_425 : vector<16xi1>, vector<16xf32>
        %scan3A_429 = arith.constant 1 : i32
        %scan3A_430 = arith.addi %scan3A_395, %scan3A_429 : i32
        %add3A_431 = vector.broadcast %scan3A_430 : i32 to vector<16xi32>
        %add3A_432 = arith.addi %mul3A_177, %add3A_431 : vector<16xi32>
        %gather3A_433 = tpu.vector_load_idx %arg4[%add3A_432, %iota3A] : memref<2048x16xf32, #tpu.memory_space<vmem>>[vector<16xi32>, vector<16xi32>], vector<16xf32>,
        %gt3A_434 = arith.cmpf ogt, %gather3A_433, %select_n3A_406 : vector<16xf32>
        %select_n3A_435 = arith.select %gt3A_434, %gather3A_433, %select_n3A_406 : vector<16xi1>, vector<16xf32>
        %select_n3A_436 = arith.select %gt3A_434, %select_n3A_406, %gather3A_433 : vector<16xi1>, vector<16xf32>
        %gt3A_437 = arith.cmpf ogt, %select_n3A_436, %select_n3A_409 : vector<16xf32>
        %select_n3A_438 = arith.select %gt3A_437, %select_n3A_436, %select_n3A_409 : vector<16xi1>, vector<16xf32>
        %select_n3A_439 = arith.select %gt3A_437, %select_n3A_409, %select_n3A_436 : vector<16xi1>, vector<16xf32>
        %gt3A_440 = arith.cmpf ogt, %select_n3A_439, %select_n3A_412 : vector<16xf32>
        %select_n3A_441 = arith.select %gt3A_440, %select_n3A_439, %select_n3A_412 : vector<16xi1>, vector<16xf32>
        %select_n3A_442 = arith.select %gt3A_440, %select_n3A_412, %select_n3A_439 : vector<16xi1>, vector<16xf32>
        %gt3A_443 = arith.cmpf ogt, %select_n3A_442, %select_n3A_415 : vector<16xf32>
        %select_n3A_444 = arith.select %gt3A_443, %select_n3A_442, %select_n3A_415 : vector<16xi1>, vector<16xf32>
        %select_n3A_445 = arith.select %gt3A_443, %select_n3A_415, %select_n3A_442 : vector<16xi1>, vector<16xf32>
        %gt3A_446 = arith.cmpf ogt, %select_n3A_445, %select_n3A_418 : vector<16xf32>
        %select_n3A_447 = arith.select %gt3A_446, %select_n3A_445, %select_n3A_418 : vector<16xi1>, vector<16xf32>
        %select_n3A_448 = arith.select %gt3A_446, %select_n3A_418, %select_n3A_445 : vector<16xi1>, vector<16xf32>
        %gt3A_449 = arith.cmpf ogt, %select_n3A_448, %select_n3A_421 : vector<16xf32>
        %select_n3A_450 = arith.select %gt3A_449, %select_n3A_448, %select_n3A_421 : vector<16xi1>, vector<16xf32>
        %select_n3A_451 = arith.select %gt3A_449, %select_n3A_421, %select_n3A_448 : vector<16xi1>, vector<16xf32>
        %gt3A_452 = arith.cmpf ogt, %select_n3A_451, %select_n3A_424 : vector<16xf32>
        %select_n3A_453 = arith.select %gt3A_452, %select_n3A_451, %select_n3A_424 : vector<16xi1>, vector<16xf32>
        %select_n3A_454 = arith.select %gt3A_452, %select_n3A_424, %select_n3A_451 : vector<16xi1>, vector<16xf32>
        %gt3A_455 = arith.cmpf ogt, %select_n3A_454, %select_n3A_427 : vector<16xf32>
        %select_n3A_456 = arith.select %gt3A_455, %select_n3A_454, %select_n3A_427 : vector<16xi1>, vector<16xf32>
        %select_n3A_457 = arith.select %gt3A_455, %select_n3A_427, %select_n3A_454 : vector<16xi1>, vector<16xf32>
        %scan3A_458 = arith.constant 2 : i32
        %scan3A_459 = arith.addi %scan3A_395, %scan3A_458 : i32
        %add3A_460 = vector.broadcast %scan3A_459 : i32 to vector<16xi32>
        %add3A_461 = arith.addi %mul3A_177, %add3A_460 : vector<16xi32>
        %gather3A_462 = tpu.vector_load_idx %arg4[%add3A_461, %iota3A] : memref<2048x16xf32, #tpu.memory_space<vmem>>[vector<16xi32>, vector<16xi32>], vector<16xf32>,
        %gt3A_463 = arith.cmpf ogt, %gather3A_462, %select_n3A_435 : vector<16xf32>
        %select_n3A_464 = arith.select %gt3A_463, %gather3A_462, %select_n3A_435 : vector<16xi1>, vector<16xf32>
        %select_n3A_465 = arith.select %gt3A_463, %select_n3A_435, %gather3A_462 : vector<16xi1>, vector<16xf32>
        %gt3A_466 = arith.cmpf ogt, %select_n3A_465, %select_n3A_438 : vector<16xf32>
        %select_n3A_467 = arith.select %gt3A_466, %select_n3A_465, %select_n3A_438 : vector<16xi1>, vector<16xf32>
        %select_n3A_468 = arith.select %gt3A_466, %select_n3A_438, %select_n3A_465 : vector<16xi1>, vector<16xf32>
        %gt3A_469 = arith.cmpf ogt, %select_n3A_468, %select_n3A_441 : vector<16xf32>
        %select_n3A_470 = arith.select %gt3A_469, %select_n3A_468, %select_n3A_441 : vector<16xi1>, vector<16xf32>
        %select_n3A_471 = arith.select %gt3A_469, %select_n3A_441, %select_n3A_468 : vector<16xi1>, vector<16xf32>
        %gt3A_472 = arith.cmpf ogt, %select_n3A_471, %select_n3A_444 : vector<16xf32>
        %select_n3A_473 = arith.select %gt3A_472, %select_n3A_471, %select_n3A_444 : vector<16xi1>, vector<16xf32>
        %select_n3A_474 = arith.select %gt3A_472, %select_n3A_444, %select_n3A_471 : vector<16xi1>, vector<16xf32>
        %gt3A_475 = arith.cmpf ogt, %select_n3A_474, %select_n3A_447 : vector<16xf32>
        %select_n3A_476 = arith.select %gt3A_475, %select_n3A_474, %select_n3A_447 : vector<16xi1>, vector<16xf32>
        %select_n3A_477 = arith.select %gt3A_475, %select_n3A_447, %select_n3A_474 : vector<16xi1>, vector<16xf32>
        %gt3A_478 = arith.cmpf ogt, %select_n3A_477, %select_n3A_450 : vector<16xf32>
        %select_n3A_479 = arith.select %gt3A_478, %select_n3A_477, %select_n3A_450 : vector<16xi1>, vector<16xf32>
        %select_n3A_480 = arith.select %gt3A_478, %select_n3A_450, %select_n3A_477 : vector<16xi1>, vector<16xf32>
        %gt3A_481 = arith.cmpf ogt, %select_n3A_480, %select_n3A_453 : vector<16xf32>
        %select_n3A_482 = arith.select %gt3A_481, %select_n3A_480, %select_n3A_453 : vector<16xi1>, vector<16xf32>
        %select_n3A_483 = arith.select %gt3A_481, %select_n3A_453, %select_n3A_480 : vector<16xi1>, vector<16xf32>
        %gt3A_484 = arith.cmpf ogt, %select_n3A_483, %select_n3A_456 : vector<16xf32>
        %select_n3A_485 = arith.select %gt3A_484, %select_n3A_483, %select_n3A_456 : vector<16xi1>, vector<16xf32>
        %select_n3A_486 = arith.select %gt3A_484, %select_n3A_456, %select_n3A_483 : vector<16xi1>, vector<16xf32>
        %scan3A_487 = arith.constant 3 : i32
        %scan3A_488 = arith.addi %scan3A_395, %scan3A_487 : i32
        %add3A_489 = vector.broadcast %scan3A_488 : i32 to vector<16xi32>
        %add3A_490 = arith.addi %mul3A_177, %add3A_489 : vector<16xi32>
        %gather3A_491 = tpu.vector_load_idx %arg4[%add3A_490, %iota3A] : memref<2048x16xf32, #tpu.memory_space<vmem>>[vector<16xi32>, vector<16xi32>], vector<16xf32>,
        %gt3A_492 = arith.cmpf ogt, %gather3A_491, %select_n3A_464 : vector<16xf32>
        %select_n3A_493 = arith.select %gt3A_492, %gather3A_491, %select_n3A_464 : vector<16xi1>, vector<16xf32>
        %select_n3A_494 = arith.select %gt3A_492, %select_n3A_464, %gather3A_491 : vector<16xi1>, vector<16xf32>
        %gt3A_495 = arith.cmpf ogt, %select_n3A_494, %select_n3A_467 : vector<16xf32>
        %select_n3A_496 = arith.select %gt3A_495, %select_n3A_494, %select_n3A_467 : vector<16xi1>, vector<16xf32>
        %select_n3A_497 = arith.select %gt3A_495, %select_n3A_467, %select_n3A_494 : vector<16xi1>, vector<16xf32>
        %gt3A_498 = arith.cmpf ogt, %select_n3A_497, %select_n3A_470 : vector<16xf32>
        %select_n3A_499 = arith.select %gt3A_498, %select_n3A_497, %select_n3A_470 : vector<16xi1>, vector<16xf32>
        %select_n3A_500 = arith.select %gt3A_498, %select_n3A_470, %select_n3A_497 : vector<16xi1>, vector<16xf32>
        %gt3A_501 = arith.cmpf ogt, %select_n3A_500, %select_n3A_473 : vector<16xf32>
        %select_n3A_502 = arith.select %gt3A_501, %select_n3A_500, %select_n3A_473 : vector<16xi1>, vector<16xf32>
        %select_n3A_503 = arith.select %gt3A_501, %select_n3A_473, %select_n3A_500 : vector<16xi1>, vector<16xf32>
        %gt3A_504 = arith.cmpf ogt, %select_n3A_503, %select_n3A_476 : vector<16xf32>
        %select_n3A_505 = arith.select %gt3A_504, %select_n3A_503, %select_n3A_476 : vector<16xi1>, vector<16xf32>
        %select_n3A_506 = arith.select %gt3A_504, %select_n3A_476, %select_n3A_503 : vector<16xi1>, vector<16xf32>
        %gt3A_507 = arith.cmpf ogt, %select_n3A_506, %select_n3A_479 : vector<16xf32>
        %select_n3A_508 = arith.select %gt3A_507, %select_n3A_506, %select_n3A_479 : vector<16xi1>, vector<16xf32>
        %select_n3A_509 = arith.select %gt3A_507, %select_n3A_479, %select_n3A_506 : vector<16xi1>, vector<16xf32>
        %gt3A_510 = arith.cmpf ogt, %select_n3A_509, %select_n3A_482 : vector<16xf32>
        %select_n3A_511 = arith.select %gt3A_510, %select_n3A_509, %select_n3A_482 : vector<16xi1>, vector<16xf32>
        %select_n3A_512 = arith.select %gt3A_510, %select_n3A_482, %select_n3A_509 : vector<16xi1>, vector<16xf32>
        %gt3A_513 = arith.cmpf ogt, %select_n3A_512, %select_n3A_485 : vector<16xf32>
        %select_n3A_514 = arith.select %gt3A_513, %select_n3A_512, %select_n3A_485 : vector<16xi1>, vector<16xf32>
        %select_n3A_515 = arith.select %gt3A_513, %select_n3A_485, %select_n3A_512 : vector<16xi1>, vector<16xf32>
        scf.yield %select_n3A_493, %select_n3A_496, %select_n3A_499, %select_n3A_502, %select_n3A_505, %select_n3A_508, %select_n3A_511, %select_n3A_514 : vector<16xf32>, vector<16xf32>, vector<16xf32>, vector<16xf32>, vector<16xf32>, vector<16xf32>, vector<16xf32>, vector<16xf32>
      }
      %scan3A_183 = arith.constant 16 : i32
      %mul3A_184 = arith.constant 16 : i32
      %mul3A_185 = vector.broadcast %mul3A_184 : i32 to vector<16xi32>
      %mul3A_186 = arith.muli %and3A_102, %mul3A_185 : vector<16xi32>
      %scan3A_187 = arith.constant 0 : i32
      %scan3A_188 = arith.constant 16 : i32
      %scan3A_189 = arith.addi %scan3A_187, %scan3A_188 : i32
      %scan3A_190 = arith.constant 4 : i32
      %scan3A_191:8 = scf.for %scan3A_395 = %scan3A_187 to %scan3A_189 step %scan3A_190 iter_args(%scan3A_396 = %scan3A_182#0, %scan3A_397 = %scan3A_182#1, %scan3A_398 = %scan3A_182#2, %scan3A_399 = %scan3A_182#3, %scan3A_400 = %scan3A_182#4, %scan3A_401 = %scan3A_182#5, %scan3A_402 = %scan3A_182#6, %scan3A_403 = %scan3A_182#7) -> (vector<16xf32>, vector<16xf32>, vector<16xf32>, vector<16xf32>, vector<16xf32>, vector<16xf32>, vector<16xf32>, vector<16xf32>)  : i32 {
        %add3A_404 = vector.broadcast %scan3A_395 : i32 to vector<16xi32>
        %add3A_405 = arith.addi %mul3A_186, %add3A_404 : vector<16xi32>
        %gather3A = tpu.vector_load_idx %arg4[%add3A_405, %iota3A] : memref<2048x16xf32, #tpu.memory_space<vmem>>[vector<16xi32>, vector<16xi32>], vector<16xf32>,
        %gt3A = arith.cmpf ogt, %gather3A, %scan3A_396 : vector<16xf32>
        %select_n3A_406 = arith.select %gt3A, %gather3A, %scan3A_396 : vector<16xi1>, vector<16xf32>
        %select_n3A_407 = arith.select %gt3A, %scan3A_396, %gather3A : vector<16xi1>, vector<16xf32>
        %gt3A_408 = arith.cmpf ogt, %select_n3A_407, %scan3A_397 : vector<16xf32>
        %select_n3A_409 = arith.select %gt3A_408, %select_n3A_407, %scan3A_397 : vector<16xi1>, vector<16xf32>
        %select_n3A_410 = arith.select %gt3A_408, %scan3A_397, %select_n3A_407 : vector<16xi1>, vector<16xf32>
        %gt3A_411 = arith.cmpf ogt, %select_n3A_410, %scan3A_398 : vector<16xf32>
        %select_n3A_412 = arith.select %gt3A_411, %select_n3A_410, %scan3A_398 : vector<16xi1>, vector<16xf32>
        %select_n3A_413 = arith.select %gt3A_411, %scan3A_398, %select_n3A_410 : vector<16xi1>, vector<16xf32>
        %gt3A_414 = arith.cmpf ogt, %select_n3A_413, %scan3A_399 : vector<16xf32>
        %select_n3A_415 = arith.select %gt3A_414, %select_n3A_413, %scan3A_399 : vector<16xi1>, vector<16xf32>
        %select_n3A_416 = arith.select %gt3A_414, %scan3A_399, %select_n3A_413 : vector<16xi1>, vector<16xf32>
        %gt3A_417 = arith.cmpf ogt, %select_n3A_416, %scan3A_400 : vector<16xf32>
        %select_n3A_418 = arith.select %gt3A_417, %select_n3A_416, %scan3A_400 : vector<16xi1>, vector<16xf32>
        %select_n3A_419 = arith.select %gt3A_417, %scan3A_400, %select_n3A_416 : vector<16xi1>, vector<16xf32>
        %gt3A_420 = arith.cmpf ogt, %select_n3A_419, %scan3A_401 : vector<16xf32>
        %select_n3A_421 = arith.select %gt3A_420, %select_n3A_419, %scan3A_401 : vector<16xi1>, vector<16xf32>
        %select_n3A_422 = arith.select %gt3A_420, %scan3A_401, %select_n3A_419 : vector<16xi1>, vector<16xf32>
        %gt3A_423 = arith.cmpf ogt, %select_n3A_422, %scan3A_402 : vector<16xf32>
        %select_n3A_424 = arith.select %gt3A_423, %select_n3A_422, %scan3A_402 : vector<16xi1>, vector<16xf32>
        %select_n3A_425 = arith.select %gt3A_423, %scan3A_402, %select_n3A_422 : vector<16xi1>, vector<16xf32>
        %gt3A_426 = arith.cmpf ogt, %select_n3A_425, %scan3A_403 : vector<16xf32>
        %select_n3A_427 = arith.select %gt3A_426, %select_n3A_425, %scan3A_403 : vector<16xi1>, vector<16xf32>
        %select_n3A_428 = arith.select %gt3A_426, %scan3A_403, %select_n3A_425 : vector<16xi1>, vector<16xf32>
        %scan3A_429 = arith.constant 1 : i32
        %scan3A_430 = arith.addi %scan3A_395, %scan3A_429 : i32
        %add3A_431 = vector.broadcast %scan3A_430 : i32 to vector<16xi32>
        %add3A_432 = arith.addi %mul3A_186, %add3A_431 : vector<16xi32>
        %gather3A_433 = tpu.vector_load_idx %arg4[%add3A_432, %iota3A] : memref<2048x16xf32, #tpu.memory_space<vmem>>[vector<16xi32>, vector<16xi32>], vector<16xf32>,
        %gt3A_434 = arith.cmpf ogt, %gather3A_433, %select_n3A_406 : vector<16xf32>
        %select_n3A_435 = arith.select %gt3A_434, %gather3A_433, %select_n3A_406 : vector<16xi1>, vector<16xf32>
        %select_n3A_436 = arith.select %gt3A_434, %select_n3A_406, %gather3A_433 : vector<16xi1>, vector<16xf32>
        %gt3A_437 = arith.cmpf ogt, %select_n3A_436, %select_n3A_409 : vector<16xf32>
        %select_n3A_438 = arith.select %gt3A_437, %select_n3A_436, %select_n3A_409 : vector<16xi1>, vector<16xf32>
        %select_n3A_439 = arith.select %gt3A_437, %select_n3A_409, %select_n3A_436 : vector<16xi1>, vector<16xf32>
        %gt3A_440 = arith.cmpf ogt, %select_n3A_439, %select_n3A_412 : vector<16xf32>
        %select_n3A_441 = arith.select %gt3A_440, %select_n3A_439, %select_n3A_412 : vector<16xi1>, vector<16xf32>
        %select_n3A_442 = arith.select %gt3A_440, %select_n3A_412, %select_n3A_439 : vector<16xi1>, vector<16xf32>
        %gt3A_443 = arith.cmpf ogt, %select_n3A_442, %select_n3A_415 : vector<16xf32>
        %select_n3A_444 = arith.select %gt3A_443, %select_n3A_442, %select_n3A_415 : vector<16xi1>, vector<16xf32>
        %select_n3A_445 = arith.select %gt3A_443, %select_n3A_415, %select_n3A_442 : vector<16xi1>, vector<16xf32>
        %gt3A_446 = arith.cmpf ogt, %select_n3A_445, %select_n3A_418 : vector<16xf32>
        %select_n3A_447 = arith.select %gt3A_446, %select_n3A_445, %select_n3A_418 : vector<16xi1>, vector<16xf32>
        %select_n3A_448 = arith.select %gt3A_446, %select_n3A_418, %select_n3A_445 : vector<16xi1>, vector<16xf32>
        %gt3A_449 = arith.cmpf ogt, %select_n3A_448, %select_n3A_421 : vector<16xf32>
        %select_n3A_450 = arith.select %gt3A_449, %select_n3A_448, %select_n3A_421 : vector<16xi1>, vector<16xf32>
        %select_n3A_451 = arith.select %gt3A_449, %select_n3A_421, %select_n3A_448 : vector<16xi1>, vector<16xf32>
        %gt3A_452 = arith.cmpf ogt, %select_n3A_451, %select_n3A_424 : vector<16xf32>
        %select_n3A_453 = arith.select %gt3A_452, %select_n3A_451, %select_n3A_424 : vector<16xi1>, vector<16xf32>
        %select_n3A_454 = arith.select %gt3A_452, %select_n3A_424, %select_n3A_451 : vector<16xi1>, vector<16xf32>
        %gt3A_455 = arith.cmpf ogt, %select_n3A_454, %select_n3A_427 : vector<16xf32>
        %select_n3A_456 = arith.select %gt3A_455, %select_n3A_454, %select_n3A_427 : vector<16xi1>, vector<16xf32>
        %select_n3A_457 = arith.select %gt3A_455, %select_n3A_427, %select_n3A_454 : vector<16xi1>, vector<16xf32>
        %scan3A_458 = arith.constant 2 : i32
        %scan3A_459 = arith.addi %scan3A_395, %scan3A_458 : i32
        %add3A_460 = vector.broadcast %scan3A_459 : i32 to vector<16xi32>
        %add3A_461 = arith.addi %mul3A_186, %add3A_460 : vector<16xi32>
        %gather3A_462 = tpu.vector_load_idx %arg4[%add3A_461, %iota3A] : memref<2048x16xf32, #tpu.memory_space<vmem>>[vector<16xi32>, vector<16xi32>], vector<16xf32>,
        %gt3A_463 = arith.cmpf ogt, %gather3A_462, %select_n3A_435 : vector<16xf32>
        %select_n3A_464 = arith.select %gt3A_463, %gather3A_462, %select_n3A_435 : vector<16xi1>, vector<16xf32>
        %select_n3A_465 = arith.select %gt3A_463, %select_n3A_435, %gather3A_462 : vector<16xi1>, vector<16xf32>
        %gt3A_466 = arith.cmpf ogt, %select_n3A_465, %select_n3A_438 : vector<16xf32>
        %select_n3A_467 = arith.select %gt3A_466, %select_n3A_465, %select_n3A_438 : vector<16xi1>, vector<16xf32>
        %select_n3A_468 = arith.select %gt3A_466, %select_n3A_438, %select_n3A_465 : vector<16xi1>, vector<16xf32>
        %gt3A_469 = arith.cmpf ogt, %select_n3A_468, %select_n3A_441 : vector<16xf32>
        %select_n3A_470 = arith.select %gt3A_469, %select_n3A_468, %select_n3A_441 : vector<16xi1>, vector<16xf32>
        %select_n3A_471 = arith.select %gt3A_469, %select_n3A_441, %select_n3A_468 : vector<16xi1>, vector<16xf32>
        %gt3A_472 = arith.cmpf ogt, %select_n3A_471, %select_n3A_444 : vector<16xf32>
        %select_n3A_473 = arith.select %gt3A_472, %select_n3A_471, %select_n3A_444 : vector<16xi1>, vector<16xf32>
        %select_n3A_474 = arith.select %gt3A_472, %select_n3A_444, %select_n3A_471 : vector<16xi1>, vector<16xf32>
        %gt3A_475 = arith.cmpf ogt, %select_n3A_474, %select_n3A_447 : vector<16xf32>
        %select_n3A_476 = arith.select %gt3A_475, %select_n3A_474, %select_n3A_447 : vector<16xi1>, vector<16xf32>
        %select_n3A_477 = arith.select %gt3A_475, %select_n3A_447, %select_n3A_474 : vector<16xi1>, vector<16xf32>
        %gt3A_478 = arith.cmpf ogt, %select_n3A_477, %select_n3A_450 : vector<16xf32>
        %select_n3A_479 = arith.select %gt3A_478, %select_n3A_477, %select_n3A_450 : vector<16xi1>, vector<16xf32>
        %select_n3A_480 = arith.select %gt3A_478, %select_n3A_450, %select_n3A_477 : vector<16xi1>, vector<16xf32>
        %gt3A_481 = arith.cmpf ogt, %select_n3A_480, %select_n3A_453 : vector<16xf32>
        %select_n3A_482 = arith.select %gt3A_481, %select_n3A_480, %select_n3A_453 : vector<16xi1>, vector<16xf32>
        %select_n3A_483 = arith.select %gt3A_481, %select_n3A_453, %select_n3A_480 : vector<16xi1>, vector<16xf32>
        %gt3A_484 = arith.cmpf ogt, %select_n3A_483, %select_n3A_456 : vector<16xf32>
        %select_n3A_485 = arith.select %gt3A_484, %select_n3A_483, %select_n3A_456 : vector<16xi1>, vector<16xf32>
        %select_n3A_486 = arith.select %gt3A_484, %select_n3A_456, %select_n3A_483 : vector<16xi1>, vector<16xf32>
        %scan3A_487 = arith.constant 3 : i32
        %scan3A_488 = arith.addi %scan3A_395, %scan3A_487 : i32
        %add3A_489 = vector.broadcast %scan3A_488 : i32 to vector<16xi32>
        %add3A_490 = arith.addi %mul3A_186, %add3A_489 : vector<16xi32>
        %gather3A_491 = tpu.vector_load_idx %arg4[%add3A_490, %iota3A] : memref<2048x16xf32, #tpu.memory_space<vmem>>[vector<16xi32>, vector<16xi32>], vector<16xf32>,
        %gt3A_492 = arith.cmpf ogt, %gather3A_491, %select_n3A_464 : vector<16xf32>
        %select_n3A_493 = arith.select %gt3A_492, %gather3A_491, %select_n3A_464 : vector<16xi1>, vector<16xf32>
        %select_n3A_494 = arith.select %gt3A_492, %select_n3A_464, %gather3A_491 : vector<16xi1>, vector<16xf32>
        %gt3A_495 = arith.cmpf ogt, %select_n3A_494, %select_n3A_467 : vector<16xf32>
        %select_n3A_496 = arith.select %gt3A_495, %select_n3A_494, %select_n3A_467 : vector<16xi1>, vector<16xf32>
        %select_n3A_497 = arith.select %gt3A_495, %select_n3A_467, %select_n3A_494 : vector<16xi1>, vector<16xf32>
        %gt3A_498 = arith.cmpf ogt, %select_n3A_497, %select_n3A_470 : vector<16xf32>
        %select_n3A_499 = arith.select %gt3A_498, %select_n3A_497, %select_n3A_470 : vector<16xi1>, vector<16xf32>
        %select_n3A_500 = arith.select %gt3A_498, %select_n3A_470, %select_n3A_497 : vector<16xi1>, vector<16xf32>
        %gt3A_501 = arith.cmpf ogt, %select_n3A_500, %select_n3A_473 : vector<16xf32>
        %select_n3A_502 = arith.select %gt3A_501, %select_n3A_500, %select_n3A_473 : vector<16xi1>, vector<16xf32>
        %select_n3A_503 = arith.select %gt3A_501, %select_n3A_473, %select_n3A_500 : vector<16xi1>, vector<16xf32>
        %gt3A_504 = arith.cmpf ogt, %select_n3A_503, %select_n3A_476 : vector<16xf32>
        %select_n3A_505 = arith.select %gt3A_504, %select_n3A_503, %select_n3A_476 : vector<16xi1>, vector<16xf32>
        %select_n3A_506 = arith.select %gt3A_504, %select_n3A_476, %select_n3A_503 : vector<16xi1>, vector<16xf32>
        %gt3A_507 = arith.cmpf ogt, %select_n3A_506, %select_n3A_479 : vector<16xf32>
        %select_n3A_508 = arith.select %gt3A_507, %select_n3A_506, %select_n3A_479 : vector<16xi1>, vector<16xf32>
        %select_n3A_509 = arith.select %gt3A_507, %select_n3A_479, %select_n3A_506 : vector<16xi1>, vector<16xf32>
        %gt3A_510 = arith.cmpf ogt, %select_n3A_509, %select_n3A_482 : vector<16xf32>
        %select_n3A_511 = arith.select %gt3A_510, %select_n3A_509, %select_n3A_482 : vector<16xi1>, vector<16xf32>
        %select_n3A_512 = arith.select %gt3A_510, %select_n3A_482, %select_n3A_509 : vector<16xi1>, vector<16xf32>
        %gt3A_513 = arith.cmpf ogt, %select_n3A_512, %select_n3A_485 : vector<16xf32>
        %select_n3A_514 = arith.select %gt3A_513, %select_n3A_512, %select_n3A_485 : vector<16xi1>, vector<16xf32>
        %select_n3A_515 = arith.select %gt3A_513, %select_n3A_485, %select_n3A_512 : vector<16xi1>, vector<16xf32>
        scf.yield %select_n3A_493, %select_n3A_496, %select_n3A_499, %select_n3A_502, %select_n3A_505, %select_n3A_508, %select_n3A_511, %select_n3A_514 : vector<16xf32>, vector<16xf32>, vector<16xf32>, vector<16xf32>, vector<16xf32>, vector<16xf32>, vector<16xf32>, vector<16xf32>
      }
      %scan3A_192 = arith.constant 16 : i32
      %mul3A_193 = arith.constant 16 : i32
      %mul3A_194 = vector.broadcast %mul3A_193 : i32 to vector<16xi32>
      %mul3A_195 = arith.muli %and3A_105, %mul3A_194 : vector<16xi32>
      %scan3A_196 = arith.constant 0 : i32
      %scan3A_197 = arith.constant 16 : i32
      %scan3A_198 = arith.addi %scan3A_196, %scan3A_197 : i32
      %scan3A_199 = arith.constant 4 : i32
      %scan3A_200:8 = scf.for %scan3A_395 = %scan3A_196 to %scan3A_198 step %scan3A_199 iter_args(%scan3A_396 = %scan3A_191#0, %scan3A_397 = %scan3A_191#1, %scan3A_398 = %scan3A_191#2, %scan3A_399 = %scan3A_191#3, %scan3A_400 = %scan3A_191#4, %scan3A_401 = %scan3A_191#5, %scan3A_402 = %scan3A_191#6, %scan3A_403 = %scan3A_191#7) -> (vector<16xf32>, vector<16xf32>, vector<16xf32>, vector<16xf32>, vector<16xf32>, vector<16xf32>, vector<16xf32>, vector<16xf32>)  : i32 {
        %add3A_404 = vector.broadcast %scan3A_395 : i32 to vector<16xi32>
        %add3A_405 = arith.addi %mul3A_195, %add3A_404 : vector<16xi32>
        %gather3A = tpu.vector_load_idx %arg4[%add3A_405, %iota3A] : memref<2048x16xf32, #tpu.memory_space<vmem>>[vector<16xi32>, vector<16xi32>], vector<16xf32>,
        %gt3A = arith.cmpf ogt, %gather3A, %scan3A_396 : vector<16xf32>
        %select_n3A_406 = arith.select %gt3A, %gather3A, %scan3A_396 : vector<16xi1>, vector<16xf32>
        %select_n3A_407 = arith.select %gt3A, %scan3A_396, %gather3A : vector<16xi1>, vector<16xf32>
        %gt3A_408 = arith.cmpf ogt, %select_n3A_407, %scan3A_397 : vector<16xf32>
        %select_n3A_409 = arith.select %gt3A_408, %select_n3A_407, %scan3A_397 : vector<16xi1>, vector<16xf32>
        %select_n3A_410 = arith.select %gt3A_408, %scan3A_397, %select_n3A_407 : vector<16xi1>, vector<16xf32>
        %gt3A_411 = arith.cmpf ogt, %select_n3A_410, %scan3A_398 : vector<16xf32>
        %select_n3A_412 = arith.select %gt3A_411, %select_n3A_410, %scan3A_398 : vector<16xi1>, vector<16xf32>
        %select_n3A_413 = arith.select %gt3A_411, %scan3A_398, %select_n3A_410 : vector<16xi1>, vector<16xf32>
        %gt3A_414 = arith.cmpf ogt, %select_n3A_413, %scan3A_399 : vector<16xf32>
        %select_n3A_415 = arith.select %gt3A_414, %select_n3A_413, %scan3A_399 : vector<16xi1>, vector<16xf32>
        %select_n3A_416 = arith.select %gt3A_414, %scan3A_399, %select_n3A_413 : vector<16xi1>, vector<16xf32>
        %gt3A_417 = arith.cmpf ogt, %select_n3A_416, %scan3A_400 : vector<16xf32>
        %select_n3A_418 = arith.select %gt3A_417, %select_n3A_416, %scan3A_400 : vector<16xi1>, vector<16xf32>
        %select_n3A_419 = arith.select %gt3A_417, %scan3A_400, %select_n3A_416 : vector<16xi1>, vector<16xf32>
        %gt3A_420 = arith.cmpf ogt, %select_n3A_419, %scan3A_401 : vector<16xf32>
        %select_n3A_421 = arith.select %gt3A_420, %select_n3A_419, %scan3A_401 : vector<16xi1>, vector<16xf32>
        %select_n3A_422 = arith.select %gt3A_420, %scan3A_401, %select_n3A_419 : vector<16xi1>, vector<16xf32>
        %gt3A_423 = arith.cmpf ogt, %select_n3A_422, %scan3A_402 : vector<16xf32>
        %select_n3A_424 = arith.select %gt3A_423, %select_n3A_422, %scan3A_402 : vector<16xi1>, vector<16xf32>
        %select_n3A_425 = arith.select %gt3A_423, %scan3A_402, %select_n3A_422 : vector<16xi1>, vector<16xf32>
        %gt3A_426 = arith.cmpf ogt, %select_n3A_425, %scan3A_403 : vector<16xf32>
        %select_n3A_427 = arith.select %gt3A_426, %select_n3A_425, %scan3A_403 : vector<16xi1>, vector<16xf32>
        %select_n3A_428 = arith.select %gt3A_426, %scan3A_403, %select_n3A_425 : vector<16xi1>, vector<16xf32>
        %scan3A_429 = arith.constant 1 : i32
        %scan3A_430 = arith.addi %scan3A_395, %scan3A_429 : i32
        %add3A_431 = vector.broadcast %scan3A_430 : i32 to vector<16xi32>
        %add3A_432 = arith.addi %mul3A_195, %add3A_431 : vector<16xi32>
        %gather3A_433 = tpu.vector_load_idx %arg4[%add3A_432, %iota3A] : memref<2048x16xf32, #tpu.memory_space<vmem>>[vector<16xi32>, vector<16xi32>], vector<16xf32>,
        %gt3A_434 = arith.cmpf ogt, %gather3A_433, %select_n3A_406 : vector<16xf32>
        %select_n3A_435 = arith.select %gt3A_434, %gather3A_433, %select_n3A_406 : vector<16xi1>, vector<16xf32>
        %select_n3A_436 = arith.select %gt3A_434, %select_n3A_406, %gather3A_433 : vector<16xi1>, vector<16xf32>
        %gt3A_437 = arith.cmpf ogt, %select_n3A_436, %select_n3A_409 : vector<16xf32>
        %select_n3A_438 = arith.select %gt3A_437, %select_n3A_436, %select_n3A_409 : vector<16xi1>, vector<16xf32>
        %select_n3A_439 = arith.select %gt3A_437, %select_n3A_409, %select_n3A_436 : vector<16xi1>, vector<16xf32>
        %gt3A_440 = arith.cmpf ogt, %select_n3A_439, %select_n3A_412 : vector<16xf32>
        %select_n3A_441 = arith.select %gt3A_440, %select_n3A_439, %select_n3A_412 : vector<16xi1>, vector<16xf32>
        %select_n3A_442 = arith.select %gt3A_440, %select_n3A_412, %select_n3A_439 : vector<16xi1>, vector<16xf32>
        %gt3A_443 = arith.cmpf ogt, %select_n3A_442, %select_n3A_415 : vector<16xf32>
        %select_n3A_444 = arith.select %gt3A_443, %select_n3A_442, %select_n3A_415 : vector<16xi1>, vector<16xf32>
        %select_n3A_445 = arith.select %gt3A_443, %select_n3A_415, %select_n3A_442 : vector<16xi1>, vector<16xf32>
        %gt3A_446 = arith.cmpf ogt, %select_n3A_445, %select_n3A_418 : vector<16xf32>
        %select_n3A_447 = arith.select %gt3A_446, %select_n3A_445, %select_n3A_418 : vector<16xi1>, vector<16xf32>
        %select_n3A_448 = arith.select %gt3A_446, %select_n3A_418, %select_n3A_445 : vector<16xi1>, vector<16xf32>
        %gt3A_449 = arith.cmpf ogt, %select_n3A_448, %select_n3A_421 : vector<16xf32>
        %select_n3A_450 = arith.select %gt3A_449, %select_n3A_448, %select_n3A_421 : vector<16xi1>, vector<16xf32>
        %select_n3A_451 = arith.select %gt3A_449, %select_n3A_421, %select_n3A_448 : vector<16xi1>, vector<16xf32>
        %gt3A_452 = arith.cmpf ogt, %select_n3A_451, %select_n3A_424 : vector<16xf32>
        %select_n3A_453 = arith.select %gt3A_452, %select_n3A_451, %select_n3A_424 : vector<16xi1>, vector<16xf32>
        %select_n3A_454 = arith.select %gt3A_452, %select_n3A_424, %select_n3A_451 : vector<16xi1>, vector<16xf32>
        %gt3A_455 = arith.cmpf ogt, %select_n3A_454, %select_n3A_427 : vector<16xf32>
        %select_n3A_456 = arith.select %gt3A_455, %select_n3A_454, %select_n3A_427 : vector<16xi1>, vector<16xf32>
        %select_n3A_457 = arith.select %gt3A_455, %select_n3A_427, %select_n3A_454 : vector<16xi1>, vector<16xf32>
        %scan3A_458 = arith.constant 2 : i32
        %scan3A_459 = arith.addi %scan3A_395, %scan3A_458 : i32
        %add3A_460 = vector.broadcast %scan3A_459 : i32 to vector<16xi32>
        %add3A_461 = arith.addi %mul3A_195, %add3A_460 : vector<16xi32>
        %gather3A_462 = tpu.vector_load_idx %arg4[%add3A_461, %iota3A] : memref<2048x16xf32, #tpu.memory_space<vmem>>[vector<16xi32>, vector<16xi32>], vector<16xf32>,
        %gt3A_463 = arith.cmpf ogt, %gather3A_462, %select_n3A_435 : vector<16xf32>
        %select_n3A_464 = arith.select %gt3A_463, %gather3A_462, %select_n3A_435 : vector<16xi1>, vector<16xf32>
        %select_n3A_465 = arith.select %gt3A_463, %select_n3A_435, %gather3A_462 : vector<16xi1>, vector<16xf32>
        %gt3A_466 = arith.cmpf ogt, %select_n3A_465, %select_n3A_438 : vector<16xf32>
        %select_n3A_467 = arith.select %gt3A_466, %select_n3A_465, %select_n3A_438 : vector<16xi1>, vector<16xf32>
        %select_n3A_468 = arith.select %gt3A_466, %select_n3A_438, %select_n3A_465 : vector<16xi1>, vector<16xf32>
        %gt3A_469 = arith.cmpf ogt, %select_n3A_468, %select_n3A_441 : vector<16xf32>
        %select_n3A_470 = arith.select %gt3A_469, %select_n3A_468, %select_n3A_441 : vector<16xi1>, vector<16xf32>
        %select_n3A_471 = arith.select %gt3A_469, %select_n3A_441, %select_n3A_468 : vector<16xi1>, vector<16xf32>
        %gt3A_472 = arith.cmpf ogt, %select_n3A_471, %select_n3A_444 : vector<16xf32>
        %select_n3A_473 = arith.select %gt3A_472, %select_n3A_471, %select_n3A_444 : vector<16xi1>, vector<16xf32>
        %select_n3A_474 = arith.select %gt3A_472, %select_n3A_444, %select_n3A_471 : vector<16xi1>, vector<16xf32>
        %gt3A_475 = arith.cmpf ogt, %select_n3A_474, %select_n3A_447 : vector<16xf32>
        %select_n3A_476 = arith.select %gt3A_475, %select_n3A_474, %select_n3A_447 : vector<16xi1>, vector<16xf32>
        %select_n3A_477 = arith.select %gt3A_475, %select_n3A_447, %select_n3A_474 : vector<16xi1>, vector<16xf32>
        %gt3A_478 = arith.cmpf ogt, %select_n3A_477, %select_n3A_450 : vector<16xf32>
        %select_n3A_479 = arith.select %gt3A_478, %select_n3A_477, %select_n3A_450 : vector<16xi1>, vector<16xf32>
        %select_n3A_480 = arith.select %gt3A_478, %select_n3A_450, %select_n3A_477 : vector<16xi1>, vector<16xf32>
        %gt3A_481 = arith.cmpf ogt, %select_n3A_480, %select_n3A_453 : vector<16xf32>
        %select_n3A_482 = arith.select %gt3A_481, %select_n3A_480, %select_n3A_453 : vector<16xi1>, vector<16xf32>
        %select_n3A_483 = arith.select %gt3A_481, %select_n3A_453, %select_n3A_480 : vector<16xi1>, vector<16xf32>
        %gt3A_484 = arith.cmpf ogt, %select_n3A_483, %select_n3A_456 : vector<16xf32>
        %select_n3A_485 = arith.select %gt3A_484, %select_n3A_483, %select_n3A_456 : vector<16xi1>, vector<16xf32>
        %select_n3A_486 = arith.select %gt3A_484, %select_n3A_456, %select_n3A_483 : vector<16xi1>, vector<16xf32>
        %scan3A_487 = arith.constant 3 : i32
        %scan3A_488 = arith.addi %scan3A_395, %scan3A_487 : i32
        %add3A_489 = vector.broadcast %scan3A_488 : i32 to vector<16xi32>
        %add3A_490 = arith.addi %mul3A_195, %add3A_489 : vector<16xi32>
        %gather3A_491 = tpu.vector_load_idx %arg4[%add3A_490, %iota3A] : memref<2048x16xf32, #tpu.memory_space<vmem>>[vector<16xi32>, vector<16xi32>], vector<16xf32>,
        %gt3A_492 = arith.cmpf ogt, %gather3A_491, %select_n3A_464 : vector<16xf32>
        %select_n3A_493 = arith.select %gt3A_492, %gather3A_491, %select_n3A_464 : vector<16xi1>, vector<16xf32>
        %select_n3A_494 = arith.select %gt3A_492, %select_n3A_464, %gather3A_491 : vector<16xi1>, vector<16xf32>
        %gt3A_495 = arith.cmpf ogt, %select_n3A_494, %select_n3A_467 : vector<16xf32>
        %select_n3A_496 = arith.select %gt3A_495, %select_n3A_494, %select_n3A_467 : vector<16xi1>, vector<16xf32>
        %select_n3A_497 = arith.select %gt3A_495, %select_n3A_467, %select_n3A_494 : vector<16xi1>, vector<16xf32>
        %gt3A_498 = arith.cmpf ogt, %select_n3A_497, %select_n3A_470 : vector<16xf32>
        %select_n3A_499 = arith.select %gt3A_498, %select_n3A_497, %select_n3A_470 : vector<16xi1>, vector<16xf32>
        %select_n3A_500 = arith.select %gt3A_498, %select_n3A_470, %select_n3A_497 : vector<16xi1>, vector<16xf32>
        %gt3A_501 = arith.cmpf ogt, %select_n3A_500, %select_n3A_473 : vector<16xf32>
        %select_n3A_502 = arith.select %gt3A_501, %select_n3A_500, %select_n3A_473 : vector<16xi1>, vector<16xf32>
        %select_n3A_503 = arith.select %gt3A_501, %select_n3A_473, %select_n3A_500 : vector<16xi1>, vector<16xf32>
        %gt3A_504 = arith.cmpf ogt, %select_n3A_503, %select_n3A_476 : vector<16xf32>
        %select_n3A_505 = arith.select %gt3A_504, %select_n3A_503, %select_n3A_476 : vector<16xi1>, vector<16xf32>
        %select_n3A_506 = arith.select %gt3A_504, %select_n3A_476, %select_n3A_503 : vector<16xi1>, vector<16xf32>
        %gt3A_507 = arith.cmpf ogt, %select_n3A_506, %select_n3A_479 : vector<16xf32>
        %select_n3A_508 = arith.select %gt3A_507, %select_n3A_506, %select_n3A_479 : vector<16xi1>, vector<16xf32>
        %select_n3A_509 = arith.select %gt3A_507, %select_n3A_479, %select_n3A_506 : vector<16xi1>, vector<16xf32>
        %gt3A_510 = arith.cmpf ogt, %select_n3A_509, %select_n3A_482 : vector<16xf32>
        %select_n3A_511 = arith.select %gt3A_510, %select_n3A_509, %select_n3A_482 : vector<16xi1>, vector<16xf32>
        %select_n3A_512 = arith.select %gt3A_510, %select_n3A_482, %select_n3A_509 : vector<16xi1>, vector<16xf32>
        %gt3A_513 = arith.cmpf ogt, %select_n3A_512, %select_n3A_485 : vector<16xf32>
        %select_n3A_514 = arith.select %gt3A_513, %select_n3A_512, %select_n3A_485 : vector<16xi1>, vector<16xf32>
        %select_n3A_515 = arith.select %gt3A_513, %select_n3A_485, %select_n3A_512 : vector<16xi1>, vector<16xf32>
        scf.yield %select_n3A_493, %select_n3A_496, %select_n3A_499, %select_n3A_502, %select_n3A_505, %select_n3A_508, %select_n3A_511, %select_n3A_514 : vector<16xf32>, vector<16xf32>, vector<16xf32>, vector<16xf32>, vector<16xf32>, vector<16xf32>, vector<16xf32>, vector<16xf32>
      }
      %scan3A_201 = arith.constant 16 : i32
      %eq3A_202 = arith.constant 3 : i32
      %eq3A_203 = arith.cmpi eq, %rem3A_43, %eq3A_202 : i32
      %convert_element_type3A_204 = arith.extui %eq3A_203 : i1 to i32
      %cond3A_205 = arith.constant 0 : i32
      %cond3A_206 = arith.cmpi ne, %convert_element_type3A_204, %cond3A_205 : i32
      scf.if %cond3A_206 {
        %swap3A = arith.constant 0 : i32
        %swap3A_395 = arith.index_cast %swap3A : i32 to index
        %swap3A_396 = arith.constant 0 : index
        %swap3A_397 = tpu.vector_load %arg6[%swap3A_395, %swap3A_396] {strides = array<i32>} : memref<8x16xf32, #tpu.memory_space<vmem>>, vector<16xf32>,
        tpu.vector_store %arg6[%swap3A_395, %swap3A_396], %scan3A_200#0 {strides = array<i32>} : memref<8x16xf32, #tpu.memory_space<vmem>>, vector<16xf32>,
        %swap3A_398 = arith.constant 1 : i32
        %swap3A_399 = arith.index_cast %swap3A_398 : i32 to index
        %swap3A_400 = arith.constant 0 : index
        %swap3A_401 = tpu.vector_load %arg6[%swap3A_399, %swap3A_400] {strides = array<i32>} : memref<8x16xf32, #tpu.memory_space<vmem>>, vector<16xf32>,
        tpu.vector_store %arg6[%swap3A_399, %swap3A_400], %scan3A_200#1 {strides = array<i32>} : memref<8x16xf32, #tpu.memory_space<vmem>>, vector<16xf32>,
        %swap3A_402 = arith.constant 2 : i32
        %swap3A_403 = arith.index_cast %swap3A_402 : i32 to index
        %swap3A_404 = arith.constant 0 : index
        %swap3A_405 = tpu.vector_load %arg6[%swap3A_403, %swap3A_404] {strides = array<i32>} : memref<8x16xf32, #tpu.memory_space<vmem>>, vector<16xf32>,
        tpu.vector_store %arg6[%swap3A_403, %swap3A_404], %scan3A_200#2 {strides = array<i32>} : memref<8x16xf32, #tpu.memory_space<vmem>>, vector<16xf32>,
        %swap3A_406 = arith.constant 3 : i32
        %swap3A_407 = arith.index_cast %swap3A_406 : i32 to index
        %swap3A_408 = arith.constant 0 : index
        %swap3A_409 = tpu.vector_load %arg6[%swap3A_407, %swap3A_408] {strides = array<i32>} : memref<8x16xf32, #tpu.memory_space<vmem>>, vector<16xf32>,
        tpu.vector_store %arg6[%swap3A_407, %swap3A_408], %scan3A_200#3 {strides = array<i32>} : memref<8x16xf32, #tpu.memory_space<vmem>>, vector<16xf32>,
        %swap3A_410 = arith.constant 4 : i32
        %swap3A_411 = arith.index_cast %swap3A_410 : i32 to index
        %swap3A_412 = arith.constant 0 : index
        %swap3A_413 = tpu.vector_load %arg6[%swap3A_411, %swap3A_412] {strides = array<i32>} : memref<8x16xf32, #tpu.memory_space<vmem>>, vector<16xf32>,
        tpu.vector_store %arg6[%swap3A_411, %swap3A_412], %scan3A_200#4 {strides = array<i32>} : memref<8x16xf32, #tpu.memory_space<vmem>>, vector<16xf32>,
        %swap3A_414 = arith.constant 5 : i32
        %swap3A_415 = arith.index_cast %swap3A_414 : i32 to index
        %swap3A_416 = arith.constant 0 : index
        %swap3A_417 = tpu.vector_load %arg6[%swap3A_415, %swap3A_416] {strides = array<i32>} : memref<8x16xf32, #tpu.memory_space<vmem>>, vector<16xf32>,
        tpu.vector_store %arg6[%swap3A_415, %swap3A_416], %scan3A_200#5 {strides = array<i32>} : memref<8x16xf32, #tpu.memory_space<vmem>>, vector<16xf32>,
        %swap3A_418 = arith.constant 6 : i32
        %swap3A_419 = arith.index_cast %swap3A_418 : i32 to index
        %swap3A_420 = arith.constant 0 : index
        %swap3A_421 = tpu.vector_load %arg6[%swap3A_419, %swap3A_420] {strides = array<i32>} : memref<8x16xf32, #tpu.memory_space<vmem>>, vector<16xf32>,
        tpu.vector_store %arg6[%swap3A_419, %swap3A_420], %scan3A_200#6 {strides = array<i32>} : memref<8x16xf32, #tpu.memory_space<vmem>>, vector<16xf32>,
        %swap3A_422 = arith.constant 7 : i32
        %swap3A_423 = arith.index_cast %swap3A_422 : i32 to index
        %swap3A_424 = arith.constant 0 : index
        %swap3A_425 = tpu.vector_load %arg6[%swap3A_423, %swap3A_424] {strides = array<i32>} : memref<8x16xf32, #tpu.memory_space<vmem>>, vector<16xf32>,
        tpu.vector_store %arg6[%swap3A_423, %swap3A_424], %scan3A_200#7 {strides = array<i32>} : memref<8x16xf32, #tpu.memory_space<vmem>>, vector<16xf32>,
        %mul3A_426 = arith.constant 16 : i32
        %mul3A_427 = arith.muli %rem3A_51, %mul3A_426 : i32
        "tpu.region"() ({
          %run_scoped3A = tpu.sem_alloc : memref<!tpu.dma_semaphore, #tpu.memory_space<semaphore_mem>>
          %dma_start3A = arith.constant 0 : i32
          %dma_start3A_428 = tpu.memref_slice %arg3[%div3A_49, %dma_start3A, %mul3A_427] : memref<56x8x128xf32, #tpu.memory_space<hbm>> -> memref<1x8x16xf32, #tpu.memory_space<hbm>>
          %dma_start3A_429 = tpu.memref_squeeze %dma_start3A_428 : memref<1x8x16xf32, #tpu.memory_space<hbm>> -> memref<8x16xf32, #tpu.memory_space<hbm>>
          %dma_start3A_430 = arith.constant 0 : i32
          %dma_start3A_431 = tpu.memref_slice %arg3[%div3A_49, %dma_start3A_430, %mul3A_427] : memref<56x8x128xf32, #tpu.memory_space<hbm>> -> memref<1x8x16xf32, #tpu.memory_space<hbm>>
          %dma_start3A_432 = tpu.memref_squeeze %dma_start3A_431 : memref<1x8x16xf32, #tpu.memory_space<hbm>> -> memref<8x16xf32, #tpu.memory_space<hbm>>
          tpu.enqueue_dma source(%arg6 : memref<8x16xf32, #tpu.memory_space<vmem>>) target(%dma_start3A_432 : memref<8x16xf32, #tpu.memory_space<hbm>>) target_semaphore(%run_scoped3A : memref<!tpu.dma_semaphore, #tpu.memory_space<semaphore_mem>>)
          %dma_wait3A_433 = arith.constant 0 : i32
          %dma_wait3A_434 = tpu.memref_slice %arg3[%div3A_49, %dma_wait3A_433, %mul3A_427] : memref<56x8x128xf32, #tpu.memory_space<hbm>> -> memref<1x8x16xf32, #tpu.memory_space<hbm>>
          %dma_wait3A_435 = tpu.memref_squeeze %dma_wait3A_434 : memref<1x8x16xf32, #tpu.memory_space<hbm>> -> memref<8x16xf32, #tpu.memory_space<hbm>>
          %dma_wait3A_436 = arith.constant 0 : i32
          %dma_wait3A_437 = tpu.memref_slice %arg3[%div3A_49, %dma_wait3A_436, %mul3A_427] : memref<56x8x128xf32, #tpu.memory_space<hbm>> -> memref<1x8x16xf32, #tpu.memory_space<hbm>>
          %dma_wait3A_438 = tpu.memref_squeeze %dma_wait3A_437 : memref<1x8x16xf32, #tpu.memory_space<hbm>> -> memref<8x16xf32, #tpu.memory_space<hbm>>
          tpu.wait_dma2 semaphore(%run_scoped3A : memref<!tpu.dma_semaphore, #tpu.memory_space<semaphore_mem>>) src(%arg6 : memref<8x16xf32, #tpu.memory_space<vmem>>) dst(%dma_wait3A_438 : memref<8x16xf32, #tpu.memory_space<hbm>>)
          tpu.yield
        }) : () -> ()
      } else {
      }
      %add3A_207 = arith.constant 2 : i32
      %add3A_208 = arith.addi %mul3A_42, %add3A_207 : i32
      %lt3A_209 = arith.constant 56 : i32
      %lt3A_210 = arith.cmpi slt, %add3A_208, %lt3A_209 : i32
      %convert_element_type3A_211 = arith.extui %lt3A_210 : i1 to i32
      %cond3A_212 = arith.constant 0 : i32
      %cond3A_213 = arith.cmpi ne, %convert_element_type3A_211, %cond3A_212 : i32
      scf.if %cond3A_213 {
        %rem3A_395 = arith.constant 4 : i32
        %rem3A_396 = arith.remsi %add3A_208, %rem3A_395 : i32
        %div3A_397 = arith.constant 4 : i32
        %div3A_398 = arith.divsi %add3A_208, %div3A_397 : i32
        %mul3A_399 = arith.constant 14 : i32
        %mul3A_400 = arith.muli %add3A, %mul3A_399 : i32
        %add3A_401 = arith.addi %mul3A_400, %div3A_398 : i32
        %div3A_402 = arith.constant 8 : i32
        %div3A_403 = arith.divsi %add3A_401, %div3A_402 : i32
        %rem3A_404 = arith.constant 8 : i32
        %rem3A_405 = arith.remsi %add3A_401, %rem3A_404 : i32
        %add3A_406 = arith.constant 8 : i32
        %add3A_407 = arith.addi %add3A_406, %div3A_403 : i32
        %mul3A_408 = arith.constant 2048 : i32
        %mul3A_409 = arith.muli %rem3A_396, %mul3A_408 : i32
        %mul3A_410 = arith.constant 16 : i32
        %mul3A_411 = arith.muli %rem3A_405, %mul3A_410 : i32
        %dma_start3A = tpu.memref_slice %arg2[%add3A_407, %mul3A_409, %mul3A_411] : memref<64x8192x128xf32, #tpu.memory_space<hbm>> -> memref<1x2048x16xf32, #tpu.memory_space<hbm>>
        %dma_start3A_412 = tpu.memref_squeeze %dma_start3A : memref<1x2048x16xf32, #tpu.memory_space<hbm>> -> memref<2048x16xf32, #tpu.memory_space<hbm>>
        %dma_start3A_413 = tpu.memref_slice %arg2[%add3A_407, %mul3A_409, %mul3A_411] : memref<64x8192x128xf32, #tpu.memory_space<hbm>> -> memref<1x2048x16xf32, #tpu.memory_space<hbm>>
        %dma_start3A_414 = tpu.memref_squeeze %dma_start3A_413 : memref<1x2048x16xf32, #tpu.memory_space<hbm>> -> memref<2048x16xf32, #tpu.memory_space<hbm>>
        tpu.enqueue_dma source(%dma_start3A_414 : memref<2048x16xf32, #tpu.memory_space<hbm>>) target(%arg4 : memref<2048x16xf32, #tpu.memory_space<vmem>>) target_semaphore(%arg7 : memref<!tpu.dma_semaphore, #tpu.memory_space<semaphore_mem>>)
      } else {
      }
      %add3A_214 = arith.constant 1 : i32
      %add3A_215 = arith.addi %mul3A_42, %add3A_214 : i32
      %rem3A_216 = arith.constant 4 : i32
      %rem3A_217 = arith.remsi %add3A_215, %rem3A_216 : i32
      %div3A_218 = arith.constant 4 : i32
      %div3A_219 = arith.divsi %add3A_215, %div3A_218 : i32
      %mul3A_220 = arith.constant 14 : i32
      %mul3A_221 = arith.muli %add3A, %mul3A_220 : i32
      %add3A_222 = arith.addi %mul3A_221, %div3A_219 : i32
      %div3A_223 = arith.constant 8 : i32
      %div3A_224 = arith.divsi %add3A_222, %div3A_223 : i32
      %rem3A_225 = arith.constant 8 : i32
      %rem3A_226 = arith.remsi %add3A_222, %rem3A_225 : i32
      %add3A_227 = arith.constant 8 : i32
      %add3A_228 = arith.addi %add3A_227, %div3A_224 : i32
      %mul3A_229 = arith.constant 2048 : i32
      %mul3A_230 = arith.muli %rem3A_217, %mul3A_229 : i32
      %mul3A_231 = arith.constant 16 : i32
      %mul3A_232 = arith.muli %rem3A_226, %mul3A_231 : i32
      %dma_wait3A_233 = tpu.memref_slice %arg2[%add3A_228, %mul3A_230, %mul3A_232] : memref<64x8192x128xf32, #tpu.memory_space<hbm>> -> memref<1x2048x16xf32, #tpu.memory_space<hbm>>
      %dma_wait3A_234 = tpu.memref_squeeze %dma_wait3A_233 : memref<1x2048x16xf32, #tpu.memory_space<hbm>> -> memref<2048x16xf32, #tpu.memory_space<hbm>>
      %dma_wait3A_235 = tpu.memref_slice %arg2[%add3A_228, %mul3A_230, %mul3A_232] : memref<64x8192x128xf32, #tpu.memory_space<hbm>> -> memref<1x2048x16xf32, #tpu.memory_space<hbm>>
      %dma_wait3A_236 = tpu.memref_squeeze %dma_wait3A_235 : memref<1x2048x16xf32, #tpu.memory_space<hbm>> -> memref<2048x16xf32, #tpu.memory_space<hbm>>
      tpu.wait_dma2 semaphore(%arg8 : memref<!tpu.dma_semaphore, #tpu.memory_space<semaphore_mem>>) src(%dma_wait3A_236 : memref<2048x16xf32, #tpu.memory_space<hbm>>) dst(%arg5 : memref<2048x16xf32, #tpu.memory_space<vmem>>)
      %broadcast_in_dim3A_237 = arith.constant -2147483648 : i32
      %broadcast_in_dim3A_238 = vector.broadcast %broadcast_in_dim3A_237 : i32 to vector<16xi32>
      %broadcast_in_dim3A_239 = arith.constant -2147483648 : i32
      %broadcast_in_dim3A_240 = vector.broadcast %broadcast_in_dim3A_239 : i32 to vector<16xi32>
      %broadcast_in_dim3A_241 = arith.constant -2147483648 : i32
      %broadcast_in_dim3A_242 = vector.broadcast %broadcast_in_dim3A_241 : i32 to vector<16xi32>
      %broadcast_in_dim3A_243 = arith.constant -2147483648 : i32
      %broadcast_in_dim3A_244 = vector.broadcast %broadcast_in_dim3A_243 : i32 to vector<16xi32>
      %broadcast_in_dim3A_245 = arith.constant -2147483648 : i32
      %broadcast_in_dim3A_246 = vector.broadcast %broadcast_in_dim3A_245 : i32 to vector<16xi32>
      %broadcast_in_dim3A_247 = arith.constant -2147483648 : i32
      %broadcast_in_dim3A_248 = vector.broadcast %broadcast_in_dim3A_247 : i32 to vector<16xi32>
      %broadcast_in_dim3A_249 = arith.constant -2147483648 : i32
      %broadcast_in_dim3A_250 = vector.broadcast %broadcast_in_dim3A_249 : i32 to vector<16xi32>
      %broadcast_in_dim3A_251 = arith.constant -2147483648 : i32
      %broadcast_in_dim3A_252 = vector.broadcast %broadcast_in_dim3A_251 : i32 to vector<16xi32>
      %scan3A_253 = arith.constant 0 : i32
      %scan3A_254 = arith.constant 128 : i32
      %scan3A_255 = arith.addi %scan3A_253, %scan3A_254 : i32
      %scan3A_256 = arith.constant 2 : i32
      %scan3A_257:8 = scf.for %scan3A_395 = %scan3A_253 to %scan3A_255 step %scan3A_256 iter_args(%scan3A_396 = %broadcast_in_dim3A_238, %scan3A_397 = %broadcast_in_dim3A_240, %scan3A_398 = %broadcast_in_dim3A_242, %scan3A_399 = %broadcast_in_dim3A_244, %scan3A_400 = %broadcast_in_dim3A_246, %scan3A_401 = %broadcast_in_dim3A_248, %scan3A_402 = %broadcast_in_dim3A_250, %scan3A_403 = %broadcast_in_dim3A_252) -> (vector<16xi32>, vector<16xi32>, vector<16xi32>, vector<16xi32>, vector<16xi32>, vector<16xi32>, vector<16xi32>, vector<16xi32>)  : i32 {
        %mul3A_404 = arith.constant 16 : i32
        %mul3A_405 = arith.muli %scan3A_395, %mul3A_404 : i32
        %get3A = arith.index_cast %mul3A_405 : i32 to index
        %get3A_406 = arith.constant 0 : index
        %get3A_407 = tpu.vector_load %arg5[%get3A, %get3A_406] {strides = array<i32>} : memref<2048x16xf32, #tpu.memory_space<vmem>>, vector<16xf32>,
        %add3A_408 = arith.constant 1 : i32
        %add3A_409 = arith.addi %mul3A_405, %add3A_408 : i32
        %get3A_410 = arith.index_cast %add3A_409 : i32 to index
        %get3A_411 = arith.constant 0 : index
        %get3A_412 = tpu.vector_load %arg5[%get3A_410, %get3A_411] {strides = array<i32>} : memref<2048x16xf32, #tpu.memory_space<vmem>>, vector<16xf32>,
        %max3A = arith.maximumf %get3A_407, %get3A_412 : vector<16xf32>
        %add3A_413 = arith.constant 2 : i32
        %add3A_414 = arith.addi %mul3A_405, %add3A_413 : i32
        %get3A_415 = arith.index_cast %add3A_414 : i32 to index
        %get3A_416 = arith.constant 0 : index
        %get3A_417 = tpu.vector_load %arg5[%get3A_415, %get3A_416] {strides = array<i32>} : memref<2048x16xf32, #tpu.memory_space<vmem>>, vector<16xf32>,
        %max3A_418 = arith.maximumf %max3A, %get3A_417 : vector<16xf32>
        %add3A_419 = arith.constant 3 : i32
        %add3A_420 = arith.addi %mul3A_405, %add3A_419 : i32
        %get3A_421 = arith.index_cast %add3A_420 : i32 to index
        %get3A_422 = arith.constant 0 : index
        %get3A_423 = tpu.vector_load %arg5[%get3A_421, %get3A_422] {strides = array<i32>} : memref<2048x16xf32, #tpu.memory_space<vmem>>, vector<16xf32>,
        %max3A_424 = arith.maximumf %max3A_418, %get3A_423 : vector<16xf32>
        %add3A_425 = arith.constant 4 : i32
        %add3A_426 = arith.addi %mul3A_405, %add3A_425 : i32
        %get3A_427 = arith.index_cast %add3A_426 : i32 to index
        %get3A_428 = arith.constant 0 : index
        %get3A_429 = tpu.vector_load %arg5[%get3A_427, %get3A_428] {strides = array<i32>} : memref<2048x16xf32, #tpu.memory_space<vmem>>, vector<16xf32>,
        %max3A_430 = arith.maximumf %max3A_424, %get3A_429 : vector<16xf32>
        %add3A_431 = arith.constant 5 : i32
        %add3A_432 = arith.addi %mul3A_405, %add3A_431 : i32
        %get3A_433 = arith.index_cast %add3A_432 : i32 to index
        %get3A_434 = arith.constant 0 : index
        %get3A_435 = tpu.vector_load %arg5[%get3A_433, %get3A_434] {strides = array<i32>} : memref<2048x16xf32, #tpu.memory_space<vmem>>, vector<16xf32>,
        %max3A_436 = arith.maximumf %max3A_430, %get3A_435 : vector<16xf32>
        %add3A_437 = arith.constant 6 : i32
        %add3A_438 = arith.addi %mul3A_405, %add3A_437 : i32
        %get3A_439 = arith.index_cast %add3A_438 : i32 to index
        %get3A_440 = arith.constant 0 : index
        %get3A_441 = tpu.vector_load %arg5[%get3A_439, %get3A_440] {strides = array<i32>} : memref<2048x16xf32, #tpu.memory_space<vmem>>, vector<16xf32>,
        %max3A_442 = arith.maximumf %max3A_436, %get3A_441 : vector<16xf32>
        %add3A_443 = arith.constant 7 : i32
        %add3A_444 = arith.addi %mul3A_405, %add3A_443 : i32
        %get3A_445 = arith.index_cast %add3A_444 : i32 to index
        %get3A_446 = arith.constant 0 : index
        %get3A_447 = tpu.vector_load %arg5[%get3A_445, %get3A_446] {strides = array<i32>} : memref<2048x16xf32, #tpu.memory_space<vmem>>, vector<16xf32>,
        %max3A_448 = arith.maximumf %max3A_442, %get3A_447 : vector<16xf32>
        %add3A_449 = arith.constant 8 : i32
        %add3A_450 = arith.addi %mul3A_405, %add3A_449 : i32
        %get3A_451 = arith.index_cast %add3A_450 : i32 to index
        %get3A_452 = arith.constant 0 : index
        %get3A_453 = tpu.vector_load %arg5[%get3A_451, %get3A_452] {strides = array<i32>} : memref<2048x16xf32, #tpu.memory_space<vmem>>, vector<16xf32>,
        %max3A_454 = arith.maximumf %max3A_448, %get3A_453 : vector<16xf32>
        %add3A_455 = arith.constant 9 : i32
        %add3A_456 = arith.addi %mul3A_405, %add3A_455 : i32
        %get3A_457 = arith.index_cast %add3A_456 : i32 to index
        %get3A_458 = arith.constant 0 : index
        %get3A_459 = tpu.vector_load %arg5[%get3A_457, %get3A_458] {strides = array<i32>} : memref<2048x16xf32, #tpu.memory_space<vmem>>, vector<16xf32>,
        %max3A_460 = arith.maximumf %max3A_454, %get3A_459 : vector<16xf32>
        %add3A_461 = arith.constant 10 : i32
        %add3A_462 = arith.addi %mul3A_405, %add3A_461 : i32
        %get3A_463 = arith.index_cast %add3A_462 : i32 to index
        %get3A_464 = arith.constant 0 : index
        %get3A_465 = tpu.vector_load %arg5[%get3A_463, %get3A_464] {strides = array<i32>} : memref<2048x16xf32, #tpu.memory_space<vmem>>, vector<16xf32>,
        %max3A_466 = arith.maximumf %max3A_460, %get3A_465 : vector<16xf32>
        %add3A_467 = arith.constant 11 : i32
        %add3A_468 = arith.addi %mul3A_405, %add3A_467 : i32
        %get3A_469 = arith.index_cast %add3A_468 : i32 to index
        %get3A_470 = arith.constant 0 : index
        %get3A_471 = tpu.vector_load %arg5[%get3A_469, %get3A_470] {strides = array<i32>} : memref<2048x16xf32, #tpu.memory_space<vmem>>, vector<16xf32>,
        %max3A_472 = arith.maximumf %max3A_466, %get3A_471 : vector<16xf32>
        %add3A_473 = arith.constant 12 : i32
        %add3A_474 = arith.addi %mul3A_405, %add3A_473 : i32
        %get3A_475 = arith.index_cast %add3A_474 : i32 to index
        %get3A_476 = arith.constant 0 : index
        %get3A_477 = tpu.vector_load %arg5[%get3A_475, %get3A_476] {strides = array<i32>} : memref<2048x16xf32, #tpu.memory_space<vmem>>, vector<16xf32>,
        %max3A_478 = arith.maximumf %max3A_472, %get3A_477 : vector<16xf32>
        %add3A_479 = arith.constant 13 : i32
        %add3A_480 = arith.addi %mul3A_405, %add3A_479 : i32
        %get3A_481 = arith.index_cast %add3A_480 : i32 to index
        %get3A_482 = arith.constant 0 : index
        %get3A_483 = tpu.vector_load %arg5[%get3A_481, %get3A_482] {strides = array<i32>} : memref<2048x16xf32, #tpu.memory_space<vmem>>, vector<16xf32>,
        %max3A_484 = arith.maximumf %max3A_478, %get3A_483 : vector<16xf32>
        %add3A_485 = arith.constant 14 : i32
        %add3A_486 = arith.addi %mul3A_405, %add3A_485 : i32
        %get3A_487 = arith.index_cast %add3A_486 : i32 to index
        %get3A_488 = arith.constant 0 : index
        %get3A_489 = tpu.vector_load %arg5[%get3A_487, %get3A_488] {strides = array<i32>} : memref<2048x16xf32, #tpu.memory_space<vmem>>, vector<16xf32>,
        %max3A_490 = arith.maximumf %max3A_484, %get3A_489 : vector<16xf32>
        %add3A_491 = arith.constant 15 : i32
        %add3A_492 = arith.addi %mul3A_405, %add3A_491 : i32
        %get3A_493 = arith.index_cast %add3A_492 : i32 to index
        %get3A_494 = arith.constant 0 : index
        %get3A_495 = tpu.vector_load %arg5[%get3A_493, %get3A_494] {strides = array<i32>} : memref<2048x16xf32, #tpu.memory_space<vmem>>, vector<16xf32>,
        %max3A_496 = arith.maximumf %max3A_490, %get3A_495 : vector<16xf32>
        %bitcast_convert_type3A = tpu.bitcast %max3A_496 : vector<16xf32> -> vector<16xi32>
        %shift_right_arithmetic3A = arith.constant 31 : i32
        %shift_right_arithmetic3A_497 = vector.broadcast %shift_right_arithmetic3A : i32 to vector<16xi32>
        %shift_right_arithmetic3A_498 = arith.shrsi %bitcast_convert_type3A, %shift_right_arithmetic3A_497 : vector<16xi32>
        %and3A_499 = arith.constant 2147483647 : i32
        %and3A_500 = vector.broadcast %and3A_499 : i32 to vector<16xi32>
        %and3A_501 = arith.andi %shift_right_arithmetic3A_498, %and3A_500 : vector<16xi32>
        %xor3A = arith.xori %bitcast_convert_type3A, %and3A_501 : vector<16xi32>
        %and3A_502 = arith.constant -128 : i32
        %and3A_503 = vector.broadcast %and3A_502 : i32 to vector<16xi32>
        %and3A_504 = arith.andi %xor3A, %and3A_503 : vector<16xi32>
        %or3A = vector.broadcast %scan3A_395 : i32 to vector<16xi32>
        %or3A_505 = arith.ori %and3A_504, %or3A : vector<16xi32>
        %max3A_506 = arith.maxsi %scan3A_396, %or3A_505 : vector<16xi32>
        %min3A = arith.minsi %scan3A_396, %or3A_505 : vector<16xi32>
        %max3A_507 = arith.maxsi %scan3A_397, %min3A : vector<16xi32>
        %min3A_508 = arith.minsi %scan3A_397, %min3A : vector<16xi32>
        %max3A_509 = arith.maxsi %scan3A_398, %min3A_508 : vector<16xi32>
        %min3A_510 = arith.minsi %scan3A_398, %min3A_508 : vector<16xi32>
        %max3A_511 = arith.maxsi %scan3A_399, %min3A_510 : vector<16xi32>
        %min3A_512 = arith.minsi %scan3A_399, %min3A_510 : vector<16xi32>
        %max3A_513 = arith.maxsi %scan3A_400, %min3A_512 : vector<16xi32>
        %min3A_514 = arith.minsi %scan3A_400, %min3A_512 : vector<16xi32>
        %max3A_515 = arith.maxsi %scan3A_401, %min3A_514 : vector<16xi32>
        %min3A_516 = arith.minsi %scan3A_401, %min3A_514 : vector<16xi32>
        %max3A_517 = arith.maxsi %scan3A_402, %min3A_516 : vector<16xi32>
        %min3A_518 = arith.minsi %scan3A_402, %min3A_516 : vector<16xi32>
        %max3A_519 = arith.maxsi %scan3A_403, %min3A_518 : vector<16xi32>
        %min3A_520 = arith.minsi %scan3A_403, %min3A_518 : vector<16xi32>
        %scan3A_521 = arith.constant 1 : i32
        %scan3A_522 = arith.addi %scan3A_395, %scan3A_521 : i32
        %mul3A_523 = arith.constant 16 : i32
        %mul3A_524 = arith.muli %scan3A_522, %mul3A_523 : i32
        %get3A_525 = arith.index_cast %mul3A_524 : i32 to index
        %get3A_526 = arith.constant 0 : index
        %get3A_527 = tpu.vector_load %arg5[%get3A_525, %get3A_526] {strides = array<i32>} : memref<2048x16xf32, #tpu.memory_space<vmem>>, vector<16xf32>,
        %add3A_528 = arith.constant 1 : i32
        %add3A_529 = arith.addi %mul3A_524, %add3A_528 : i32
        %get3A_530 = arith.index_cast %add3A_529 : i32 to index
        %get3A_531 = arith.constant 0 : index
        %get3A_532 = tpu.vector_load %arg5[%get3A_530, %get3A_531] {strides = array<i32>} : memref<2048x16xf32, #tpu.memory_space<vmem>>, vector<16xf32>,
        %max3A_533 = arith.maximumf %get3A_527, %get3A_532 : vector<16xf32>
        %add3A_534 = arith.constant 2 : i32
        %add3A_535 = arith.addi %mul3A_524, %add3A_534 : i32
        %get3A_536 = arith.index_cast %add3A_535 : i32 to index
        %get3A_537 = arith.constant 0 : index
        %get3A_538 = tpu.vector_load %arg5[%get3A_536, %get3A_537] {strides = array<i32>} : memref<2048x16xf32, #tpu.memory_space<vmem>>, vector<16xf32>,
        %max3A_539 = arith.maximumf %max3A_533, %get3A_538 : vector<16xf32>
        %add3A_540 = arith.constant 3 : i32
        %add3A_541 = arith.addi %mul3A_524, %add3A_540 : i32
        %get3A_542 = arith.index_cast %add3A_541 : i32 to index
        %get3A_543 = arith.constant 0 : index
        %get3A_544 = tpu.vector_load %arg5[%get3A_542, %get3A_543] {strides = array<i32>} : memref<2048x16xf32, #tpu.memory_space<vmem>>, vector<16xf32>,
        %max3A_545 = arith.maximumf %max3A_539, %get3A_544 : vector<16xf32>
        %add3A_546 = arith.constant 4 : i32
        %add3A_547 = arith.addi %mul3A_524, %add3A_546 : i32
        %get3A_548 = arith.index_cast %add3A_547 : i32 to index
        %get3A_549 = arith.constant 0 : index
        %get3A_550 = tpu.vector_load %arg5[%get3A_548, %get3A_549] {strides = array<i32>} : memref<2048x16xf32, #tpu.memory_space<vmem>>, vector<16xf32>,
        %max3A_551 = arith.maximumf %max3A_545, %get3A_550 : vector<16xf32>
        %add3A_552 = arith.constant 5 : i32
        %add3A_553 = arith.addi %mul3A_524, %add3A_552 : i32
        %get3A_554 = arith.index_cast %add3A_553 : i32 to index
        %get3A_555 = arith.constant 0 : index
        %get3A_556 = tpu.vector_load %arg5[%get3A_554, %get3A_555] {strides = array<i32>} : memref<2048x16xf32, #tpu.memory_space<vmem>>, vector<16xf32>,
        %max3A_557 = arith.maximumf %max3A_551, %get3A_556 : vector<16xf32>
        %add3A_558 = arith.constant 6 : i32
        %add3A_559 = arith.addi %mul3A_524, %add3A_558 : i32
        %get3A_560 = arith.index_cast %add3A_559 : i32 to index
        %get3A_561 = arith.constant 0 : index
        %get3A_562 = tpu.vector_load %arg5[%get3A_560, %get3A_561] {strides = array<i32>} : memref<2048x16xf32, #tpu.memory_space<vmem>>, vector<16xf32>,
        %max3A_563 = arith.maximumf %max3A_557, %get3A_562 : vector<16xf32>
        %add3A_564 = arith.constant 7 : i32
        %add3A_565 = arith.addi %mul3A_524, %add3A_564 : i32
        %get3A_566 = arith.index_cast %add3A_565 : i32 to index
        %get3A_567 = arith.constant 0 : index
        %get3A_568 = tpu.vector_load %arg5[%get3A_566, %get3A_567] {strides = array<i32>} : memref<2048x16xf32, #tpu.memory_space<vmem>>, vector<16xf32>,
        %max3A_569 = arith.maximumf %max3A_563, %get3A_568 : vector<16xf32>
        %add3A_570 = arith.constant 8 : i32
        %add3A_571 = arith.addi %mul3A_524, %add3A_570 : i32
        %get3A_572 = arith.index_cast %add3A_571 : i32 to index
        %get3A_573 = arith.constant 0 : index
        %get3A_574 = tpu.vector_load %arg5[%get3A_572, %get3A_573] {strides = array<i32>} : memref<2048x16xf32, #tpu.memory_space<vmem>>, vector<16xf32>,
        %max3A_575 = arith.maximumf %max3A_569, %get3A_574 : vector<16xf32>
        %add3A_576 = arith.constant 9 : i32
        %add3A_577 = arith.addi %mul3A_524, %add3A_576 : i32
        %get3A_578 = arith.index_cast %add3A_577 : i32 to index
        %get3A_579 = arith.constant 0 : index
        %get3A_580 = tpu.vector_load %arg5[%get3A_578, %get3A_579] {strides = array<i32>} : memref<2048x16xf32, #tpu.memory_space<vmem>>, vector<16xf32>,
        %max3A_581 = arith.maximumf %max3A_575, %get3A_580 : vector<16xf32>
        %add3A_582 = arith.constant 10 : i32
        %add3A_583 = arith.addi %mul3A_524, %add3A_582 : i32
        %get3A_584 = arith.index_cast %add3A_583 : i32 to index
        %get3A_585 = arith.constant 0 : index
        %get3A_586 = tpu.vector_load %arg5[%get3A_584, %get3A_585] {strides = array<i32>} : memref<2048x16xf32, #tpu.memory_space<vmem>>, vector<16xf32>,
        %max3A_587 = arith.maximumf %max3A_581, %get3A_586 : vector<16xf32>
        %add3A_588 = arith.constant 11 : i32
        %add3A_589 = arith.addi %mul3A_524, %add3A_588 : i32
        %get3A_590 = arith.index_cast %add3A_589 : i32 to index
        %get3A_591 = arith.constant 0 : index
        %get3A_592 = tpu.vector_load %arg5[%get3A_590, %get3A_591] {strides = array<i32>} : memref<2048x16xf32, #tpu.memory_space<vmem>>, vector<16xf32>,
        %max3A_593 = arith.maximumf %max3A_587, %get3A_592 : vector<16xf32>
        %add3A_594 = arith.constant 12 : i32
        %add3A_595 = arith.addi %mul3A_524, %add3A_594 : i32
        %get3A_596 = arith.index_cast %add3A_595 : i32 to index
        %get3A_597 = arith.constant 0 : index
        %get3A_598 = tpu.vector_load %arg5[%get3A_596, %get3A_597] {strides = array<i32>} : memref<2048x16xf32, #tpu.memory_space<vmem>>, vector<16xf32>,
        %max3A_599 = arith.maximumf %max3A_593, %get3A_598 : vector<16xf32>
        %add3A_600 = arith.constant 13 : i32
        %add3A_601 = arith.addi %mul3A_524, %add3A_600 : i32
        %get3A_602 = arith.index_cast %add3A_601 : i32 to index
        %get3A_603 = arith.constant 0 : index
        %get3A_604 = tpu.vector_load %arg5[%get3A_602, %get3A_603] {strides = array<i32>} : memref<2048x16xf32, #tpu.memory_space<vmem>>, vector<16xf32>,
        %max3A_605 = arith.maximumf %max3A_599, %get3A_604 : vector<16xf32>
        %add3A_606 = arith.constant 14 : i32
        %add3A_607 = arith.addi %mul3A_524, %add3A_606 : i32
        %get3A_608 = arith.index_cast %add3A_607 : i32 to index
        %get3A_609 = arith.constant 0 : index
        %get3A_610 = tpu.vector_load %arg5[%get3A_608, %get3A_609] {strides = array<i32>} : memref<2048x16xf32, #tpu.memory_space<vmem>>, vector<16xf32>,
        %max3A_611 = arith.maximumf %max3A_605, %get3A_610 : vector<16xf32>
        %add3A_612 = arith.constant 15 : i32
        %add3A_613 = arith.addi %mul3A_524, %add3A_612 : i32
        %get3A_614 = arith.index_cast %add3A_613 : i32 to index
        %get3A_615 = arith.constant 0 : index
        %get3A_616 = tpu.vector_load %arg5[%get3A_614, %get3A_615] {strides = array<i32>} : memref<2048x16xf32, #tpu.memory_space<vmem>>, vector<16xf32>,
        %max3A_617 = arith.maximumf %max3A_611, %get3A_616 : vector<16xf32>
        %bitcast_convert_type3A_618 = tpu.bitcast %max3A_617 : vector<16xf32> -> vector<16xi32>
        %shift_right_arithmetic3A_619 = arith.constant 31 : i32
        %shift_right_arithmetic3A_620 = vector.broadcast %shift_right_arithmetic3A_619 : i32 to vector<16xi32>
        %shift_right_arithmetic3A_621 = arith.shrsi %bitcast_convert_type3A_618, %shift_right_arithmetic3A_620 : vector<16xi32>
        %and3A_622 = arith.constant 2147483647 : i32
        %and3A_623 = vector.broadcast %and3A_622 : i32 to vector<16xi32>
        %and3A_624 = arith.andi %shift_right_arithmetic3A_621, %and3A_623 : vector<16xi32>
        %xor3A_625 = arith.xori %bitcast_convert_type3A_618, %and3A_624 : vector<16xi32>
        %and3A_626 = arith.constant -128 : i32
        %and3A_627 = vector.broadcast %and3A_626 : i32 to vector<16xi32>
        %and3A_628 = arith.andi %xor3A_625, %and3A_627 : vector<16xi32>
        %or3A_629 = vector.broadcast %scan3A_522 : i32 to vector<16xi32>
        %or3A_630 = arith.ori %and3A_628, %or3A_629 : vector<16xi32>
        %max3A_631 = arith.maxsi %max3A_506, %or3A_630 : vector<16xi32>
        %min3A_632 = arith.minsi %max3A_506, %or3A_630 : vector<16xi32>
        %max3A_633 = arith.maxsi %max3A_507, %min3A_632 : vector<16xi32>
        %min3A_634 = arith.minsi %max3A_507, %min3A_632 : vector<16xi32>
        %max3A_635 = arith.maxsi %max3A_509, %min3A_634 : vector<16xi32>
        %min3A_636 = arith.minsi %max3A_509, %min3A_634 : vector<16xi32>
        %max3A_637 = arith.maxsi %max3A_511, %min3A_636 : vector<16xi32>
        %min3A_638 = arith.minsi %max3A_511, %min3A_636 : vector<16xi32>
        %max3A_639 = arith.maxsi %max3A_513, %min3A_638 : vector<16xi32>
        %min3A_640 = arith.minsi %max3A_513, %min3A_638 : vector<16xi32>
        %max3A_641 = arith.maxsi %max3A_515, %min3A_640 : vector<16xi32>
        %min3A_642 = arith.minsi %max3A_515, %min3A_640 : vector<16xi32>
        %max3A_643 = arith.maxsi %max3A_517, %min3A_642 : vector<16xi32>
        %min3A_644 = arith.minsi %max3A_517, %min3A_642 : vector<16xi32>
        %max3A_645 = arith.maxsi %max3A_519, %min3A_644 : vector<16xi32>
        %min3A_646 = arith.minsi %max3A_519, %min3A_644 : vector<16xi32>
        scf.yield %max3A_631, %max3A_633, %max3A_635, %max3A_637, %max3A_639, %max3A_641, %max3A_643, %max3A_645 : vector<16xi32>, vector<16xi32>, vector<16xi32>, vector<16xi32>, vector<16xi32>, vector<16xi32>, vector<16xi32>, vector<16xi32>
      }
      %scan3A_258 = arith.constant 128 : i32
      %and3A_259 = arith.constant 127 : i32
      %and3A_260 = vector.broadcast %and3A_259 : i32 to vector<16xi32>
      %and3A_261 = arith.andi %scan3A_257#0, %and3A_260 : vector<16xi32>
      %and3A_262 = arith.constant 127 : i32
      %and3A_263 = vector.broadcast %and3A_262 : i32 to vector<16xi32>
      %and3A_264 = arith.andi %scan3A_257#1, %and3A_263 : vector<16xi32>
      %and3A_265 = arith.constant 127 : i32
      %and3A_266 = vector.broadcast %and3A_265 : i32 to vector<16xi32>
      %and3A_267 = arith.andi %scan3A_257#2, %and3A_266 : vector<16xi32>
      %and3A_268 = arith.constant 127 : i32
      %and3A_269 = vector.broadcast %and3A_268 : i32 to vector<16xi32>
      %and3A_270 = arith.andi %scan3A_257#3, %and3A_269 : vector<16xi32>
      %and3A_271 = arith.constant 127 : i32
      %and3A_272 = vector.broadcast %and3A_271 : i32 to vector<16xi32>
      %and3A_273 = arith.andi %scan3A_257#4, %and3A_272 : vector<16xi32>
      %and3A_274 = arith.constant 127 : i32
      %and3A_275 = vector.broadcast %and3A_274 : i32 to vector<16xi32>
      %and3A_276 = arith.andi %scan3A_257#5, %and3A_275 : vector<16xi32>
      %and3A_277 = arith.constant 127 : i32
      %and3A_278 = vector.broadcast %and3A_277 : i32 to vector<16xi32>
      %and3A_279 = arith.andi %scan3A_257#6, %and3A_278 : vector<16xi32>
      %and3A_280 = arith.constant 127 : i32
      %and3A_281 = vector.broadcast %and3A_280 : i32 to vector<16xi32>
      %and3A_282 = arith.andi %scan3A_257#7, %and3A_281 : vector<16xi32>
      %eq3A_283 = arith.constant 0 : i32
      %eq3A_284 = arith.cmpi eq, %rem3A_217, %eq3A_283 : i32
      %broadcast_in_dim3A_285 = vector.broadcast %eq3A_284 : i1 to vector<16xi1>
      %jit3A_286 = arith.constant 0xFF800000 : f32
      %broadcast_in_dim3A_287 = vector.broadcast %jit3A_286 : f32 to vector<16xf32>
      %select_n3A_288 = arith.select %broadcast_in_dim3A_285, %broadcast_in_dim3A_287, %scan3A_200#0 : vector<16xi1>, vector<16xf32>
      %jit3A_289 = arith.constant 0xFF800000 : f32
      %broadcast_in_dim3A_290 = vector.broadcast %jit3A_289 : f32 to vector<16xf32>
      %select_n3A_291 = arith.select %broadcast_in_dim3A_285, %broadcast_in_dim3A_290, %scan3A_200#1 : vector<16xi1>, vector<16xf32>
      %jit3A_292 = arith.constant 0xFF800000 : f32
      %broadcast_in_dim3A_293 = vector.broadcast %jit3A_292 : f32 to vector<16xf32>
      %select_n3A_294 = arith.select %broadcast_in_dim3A_285, %broadcast_in_dim3A_293, %scan3A_200#2 : vector<16xi1>, vector<16xf32>
      %jit3A_295 = arith.constant 0xFF800000 : f32
      %broadcast_in_dim3A_296 = vector.broadcast %jit3A_295 : f32 to vector<16xf32>
      %select_n3A_297 = arith.select %broadcast_in_dim3A_285, %broadcast_in_dim3A_296, %scan3A_200#3 : vector<16xi1>, vector<16xf32>
      %jit3A_298 = arith.constant 0xFF800000 : f32
      %broadcast_in_dim3A_299 = vector.broadcast %jit3A_298 : f32 to vector<16xf32>
      %select_n3A_300 = arith.select %broadcast_in_dim3A_285, %broadcast_in_dim3A_299, %scan3A_200#4 : vector<16xi1>, vector<16xf32>
      %jit3A_301 = arith.constant 0xFF800000 : f32
      %broadcast_in_dim3A_302 = vector.broadcast %jit3A_301 : f32 to vector<16xf32>
      %select_n3A_303 = arith.select %broadcast_in_dim3A_285, %broadcast_in_dim3A_302, %scan3A_200#5 : vector<16xi1>, vector<16xf32>
      %jit3A_304 = arith.constant 0xFF800000 : f32
      %broadcast_in_dim3A_305 = vector.broadcast %jit3A_304 : f32 to vector<16xf32>
      %select_n3A_306 = arith.select %broadcast_in_dim3A_285, %broadcast_in_dim3A_305, %scan3A_200#6 : vector<16xi1>, vector<16xf32>
      %jit3A_307 = arith.constant 0xFF800000 : f32
      %broadcast_in_dim3A_308 = vector.broadcast %jit3A_307 : f32 to vector<16xf32>
      %select_n3A_309 = arith.select %broadcast_in_dim3A_285, %broadcast_in_dim3A_308, %scan3A_200#7 : vector<16xi1>, vector<16xf32>
      %iota3A_310 = tpu.iota {dimensions = array<i32: 0>} : vector<16xi32>
      %mul3A_311 = arith.constant 16 : i32
      %mul3A_312 = vector.broadcast %mul3A_311 : i32 to vector<16xi32>
      %mul3A_313 = arith.muli %and3A_261, %mul3A_312 : vector<16xi32>
      %scan3A_314 = arith.constant 0 : i32
      %scan3A_315 = arith.constant 16 : i32
      %scan3A_316 = arith.addi %scan3A_314, %scan3A_315 : i32
      %scan3A_317 = arith.constant 4 : i32
      %scan3A_318:8 = scf.for %scan3A_395 = %scan3A_314 to %scan3A_316 step %scan3A_317 iter_args(%scan3A_396 = %select_n3A_288, %scan3A_397 = %select_n3A_291, %scan3A_398 = %select_n3A_294, %scan3A_399 = %select_n3A_297, %scan3A_400 = %select_n3A_300, %scan3A_401 = %select_n3A_303, %scan3A_402 = %select_n3A_306, %scan3A_403 = %select_n3A_309) -> (vector<16xf32>, vector<16xf32>, vector<16xf32>, vector<16xf32>, vector<16xf32>, vector<16xf32>, vector<16xf32>, vector<16xf32>)  : i32 {
        %add3A_404 = vector.broadcast %scan3A_395 : i32 to vector<16xi32>
        %add3A_405 = arith.addi %mul3A_313, %add3A_404 : vector<16xi32>
        %gather3A = tpu.vector_load_idx %arg5[%add3A_405, %iota3A_310] : memref<2048x16xf32, #tpu.memory_space<vmem>>[vector<16xi32>, vector<16xi32>], vector<16xf32>,
        %gt3A = arith.cmpf ogt, %gather3A, %scan3A_396 : vector<16xf32>
        %select_n3A_406 = arith.select %gt3A, %gather3A, %scan3A_396 : vector<16xi1>, vector<16xf32>
        %select_n3A_407 = arith.select %gt3A, %scan3A_396, %gather3A : vector<16xi1>, vector<16xf32>
        %gt3A_408 = arith.cmpf ogt, %select_n3A_407, %scan3A_397 : vector<16xf32>
        %select_n3A_409 = arith.select %gt3A_408, %select_n3A_407, %scan3A_397 : vector<16xi1>, vector<16xf32>
        %select_n3A_410 = arith.select %gt3A_408, %scan3A_397, %select_n3A_407 : vector<16xi1>, vector<16xf32>
        %gt3A_411 = arith.cmpf ogt, %select_n3A_410, %scan3A_398 : vector<16xf32>
        %select_n3A_412 = arith.select %gt3A_411, %select_n3A_410, %scan3A_398 : vector<16xi1>, vector<16xf32>
        %select_n3A_413 = arith.select %gt3A_411, %scan3A_398, %select_n3A_410 : vector<16xi1>, vector<16xf32>
        %gt3A_414 = arith.cmpf ogt, %select_n3A_413, %scan3A_399 : vector<16xf32>
        %select_n3A_415 = arith.select %gt3A_414, %select_n3A_413, %scan3A_399 : vector<16xi1>, vector<16xf32>
        %select_n3A_416 = arith.select %gt3A_414, %scan3A_399, %select_n3A_413 : vector<16xi1>, vector<16xf32>
        %gt3A_417 = arith.cmpf ogt, %select_n3A_416, %scan3A_400 : vector<16xf32>
        %select_n3A_418 = arith.select %gt3A_417, %select_n3A_416, %scan3A_400 : vector<16xi1>, vector<16xf32>
        %select_n3A_419 = arith.select %gt3A_417, %scan3A_400, %select_n3A_416 : vector<16xi1>, vector<16xf32>
        %gt3A_420 = arith.cmpf ogt, %select_n3A_419, %scan3A_401 : vector<16xf32>
        %select_n3A_421 = arith.select %gt3A_420, %select_n3A_419, %scan3A_401 : vector<16xi1>, vector<16xf32>
        %select_n3A_422 = arith.select %gt3A_420, %scan3A_401, %select_n3A_419 : vector<16xi1>, vector<16xf32>
        %gt3A_423 = arith.cmpf ogt, %select_n3A_422, %scan3A_402 : vector<16xf32>
        %select_n3A_424 = arith.select %gt3A_423, %select_n3A_422, %scan3A_402 : vector<16xi1>, vector<16xf32>
        %select_n3A_425 = arith.select %gt3A_423, %scan3A_402, %select_n3A_422 : vector<16xi1>, vector<16xf32>
        %gt3A_426 = arith.cmpf ogt, %select_n3A_425, %scan3A_403 : vector<16xf32>
        %select_n3A_427 = arith.select %gt3A_426, %select_n3A_425, %scan3A_403 : vector<16xi1>, vector<16xf32>
        %select_n3A_428 = arith.select %gt3A_426, %scan3A_403, %select_n3A_425 : vector<16xi1>, vector<16xf32>
        %scan3A_429 = arith.constant 1 : i32
        %scan3A_430 = arith.addi %scan3A_395, %scan3A_429 : i32
        %add3A_431 = vector.broadcast %scan3A_430 : i32 to vector<16xi32>
        %add3A_432 = arith.addi %mul3A_313, %add3A_431 : vector<16xi32>
        %gather3A_433 = tpu.vector_load_idx %arg5[%add3A_432, %iota3A_310] : memref<2048x16xf32, #tpu.memory_space<vmem>>[vector<16xi32>, vector<16xi32>], vector<16xf32>,
        %gt3A_434 = arith.cmpf ogt, %gather3A_433, %select_n3A_406 : vector<16xf32>
        %select_n3A_435 = arith.select %gt3A_434, %gather3A_433, %select_n3A_406 : vector<16xi1>, vector<16xf32>
        %select_n3A_436 = arith.select %gt3A_434, %select_n3A_406, %gather3A_433 : vector<16xi1>, vector<16xf32>
        %gt3A_437 = arith.cmpf ogt, %select_n3A_436, %select_n3A_409 : vector<16xf32>
        %select_n3A_438 = arith.select %gt3A_437, %select_n3A_436, %select_n3A_409 : vector<16xi1>, vector<16xf32>
        %select_n3A_439 = arith.select %gt3A_437, %select_n3A_409, %select_n3A_436 : vector<16xi1>, vector<16xf32>
        %gt3A_440 = arith.cmpf ogt, %select_n3A_439, %select_n3A_412 : vector<16xf32>
        %select_n3A_441 = arith.select %gt3A_440, %select_n3A_439, %select_n3A_412 : vector<16xi1>, vector<16xf32>
        %select_n3A_442 = arith.select %gt3A_440, %select_n3A_412, %select_n3A_439 : vector<16xi1>, vector<16xf32>
        %gt3A_443 = arith.cmpf ogt, %select_n3A_442, %select_n3A_415 : vector<16xf32>
        %select_n3A_444 = arith.select %gt3A_443, %select_n3A_442, %select_n3A_415 : vector<16xi1>, vector<16xf32>
        %select_n3A_445 = arith.select %gt3A_443, %select_n3A_415, %select_n3A_442 : vector<16xi1>, vector<16xf32>
        %gt3A_446 = arith.cmpf ogt, %select_n3A_445, %select_n3A_418 : vector<16xf32>
        %select_n3A_447 = arith.select %gt3A_446, %select_n3A_445, %select_n3A_418 : vector<16xi1>, vector<16xf32>
        %select_n3A_448 = arith.select %gt3A_446, %select_n3A_418, %select_n3A_445 : vector<16xi1>, vector<16xf32>
        %gt3A_449 = arith.cmpf ogt, %select_n3A_448, %select_n3A_421 : vector<16xf32>
        %select_n3A_450 = arith.select %gt3A_449, %select_n3A_448, %select_n3A_421 : vector<16xi1>, vector<16xf32>
        %select_n3A_451 = arith.select %gt3A_449, %select_n3A_421, %select_n3A_448 : vector<16xi1>, vector<16xf32>
        %gt3A_452 = arith.cmpf ogt, %select_n3A_451, %select_n3A_424 : vector<16xf32>
        %select_n3A_453 = arith.select %gt3A_452, %select_n3A_451, %select_n3A_424 : vector<16xi1>, vector<16xf32>
        %select_n3A_454 = arith.select %gt3A_452, %select_n3A_424, %select_n3A_451 : vector<16xi1>, vector<16xf32>
        %gt3A_455 = arith.cmpf ogt, %select_n3A_454, %select_n3A_427 : vector<16xf32>
        %select_n3A_456 = arith.select %gt3A_455, %select_n3A_454, %select_n3A_427 : vector<16xi1>, vector<16xf32>
        %select_n3A_457 = arith.select %gt3A_455, %select_n3A_427, %select_n3A_454 : vector<16xi1>, vector<16xf32>
        %scan3A_458 = arith.constant 2 : i32
        %scan3A_459 = arith.addi %scan3A_395, %scan3A_458 : i32
        %add3A_460 = vector.broadcast %scan3A_459 : i32 to vector<16xi32>
        %add3A_461 = arith.addi %mul3A_313, %add3A_460 : vector<16xi32>
        %gather3A_462 = tpu.vector_load_idx %arg5[%add3A_461, %iota3A_310] : memref<2048x16xf32, #tpu.memory_space<vmem>>[vector<16xi32>, vector<16xi32>], vector<16xf32>,
        %gt3A_463 = arith.cmpf ogt, %gather3A_462, %select_n3A_435 : vector<16xf32>
        %select_n3A_464 = arith.select %gt3A_463, %gather3A_462, %select_n3A_435 : vector<16xi1>, vector<16xf32>
        %select_n3A_465 = arith.select %gt3A_463, %select_n3A_435, %gather3A_462 : vector<16xi1>, vector<16xf32>
        %gt3A_466 = arith.cmpf ogt, %select_n3A_465, %select_n3A_438 : vector<16xf32>
        %select_n3A_467 = arith.select %gt3A_466, %select_n3A_465, %select_n3A_438 : vector<16xi1>, vector<16xf32>
        %select_n3A_468 = arith.select %gt3A_466, %select_n3A_438, %select_n3A_465 : vector<16xi1>, vector<16xf32>
        %gt3A_469 = arith.cmpf ogt, %select_n3A_468, %select_n3A_441 : vector<16xf32>
        %select_n3A_470 = arith.select %gt3A_469, %select_n3A_468, %select_n3A_441 : vector<16xi1>, vector<16xf32>
        %select_n3A_471 = arith.select %gt3A_469, %select_n3A_441, %select_n3A_468 : vector<16xi1>, vector<16xf32>
        %gt3A_472 = arith.cmpf ogt, %select_n3A_471, %select_n3A_444 : vector<16xf32>
        %select_n3A_473 = arith.select %gt3A_472, %select_n3A_471, %select_n3A_444 : vector<16xi1>, vector<16xf32>
        %select_n3A_474 = arith.select %gt3A_472, %select_n3A_444, %select_n3A_471 : vector<16xi1>, vector<16xf32>
        %gt3A_475 = arith.cmpf ogt, %select_n3A_474, %select_n3A_447 : vector<16xf32>
        %select_n3A_476 = arith.select %gt3A_475, %select_n3A_474, %select_n3A_447 : vector<16xi1>, vector<16xf32>
        %select_n3A_477 = arith.select %gt3A_475, %select_n3A_447, %select_n3A_474 : vector<16xi1>, vector<16xf32>
        %gt3A_478 = arith.cmpf ogt, %select_n3A_477, %select_n3A_450 : vector<16xf32>
        %select_n3A_479 = arith.select %gt3A_478, %select_n3A_477, %select_n3A_450 : vector<16xi1>, vector<16xf32>
        %select_n3A_480 = arith.select %gt3A_478, %select_n3A_450, %select_n3A_477 : vector<16xi1>, vector<16xf32>
        %gt3A_481 = arith.cmpf ogt, %select_n3A_480, %select_n3A_453 : vector<16xf32>
        %select_n3A_482 = arith.select %gt3A_481, %select_n3A_480, %select_n3A_453 : vector<16xi1>, vector<16xf32>
        %select_n3A_483 = arith.select %gt3A_481, %select_n3A_453, %select_n3A_480 : vector<16xi1>, vector<16xf32>
        %gt3A_484 = arith.cmpf ogt, %select_n3A_483, %select_n3A_456 : vector<16xf32>
        %select_n3A_485 = arith.select %gt3A_484, %select_n3A_483, %select_n3A_456 : vector<16xi1>, vector<16xf32>
        %select_n3A_486 = arith.select %gt3A_484, %select_n3A_456, %select_n3A_483 : vector<16xi1>, vector<16xf32>
        %scan3A_487 = arith.constant 3 : i32
        %scan3A_488 = arith.addi %scan3A_395, %scan3A_487 : i32
        %add3A_489 = vector.broadcast %scan3A_488 : i32 to vector<16xi32>
        %add3A_490 = arith.addi %mul3A_313, %add3A_489 : vector<16xi32>
        %gather3A_491 = tpu.vector_load_idx %arg5[%add3A_490, %iota3A_310] : memref<2048x16xf32, #tpu.memory_space<vmem>>[vector<16xi32>, vector<16xi32>], vector<16xf32>,
        %gt3A_492 = arith.cmpf ogt, %gather3A_491, %select_n3A_464 : vector<16xf32>
        %select_n3A_493 = arith.select %gt3A_492, %gather3A_491, %select_n3A_464 : vector<16xi1>, vector<16xf32>
        %select_n3A_494 = arith.select %gt3A_492, %select_n3A_464, %gather3A_491 : vector<16xi1>, vector<16xf32>
        %gt3A_495 = arith.cmpf ogt, %select_n3A_494, %select_n3A_467 : vector<16xf32>
        %select_n3A_496 = arith.select %gt3A_495, %select_n3A_494, %select_n3A_467 : vector<16xi1>, vector<16xf32>
        %select_n3A_497 = arith.select %gt3A_495, %select_n3A_467, %select_n3A_494 : vector<16xi1>, vector<16xf32>
        %gt3A_498 = arith.cmpf ogt, %select_n3A_497, %select_n3A_470 : vector<16xf32>
        %select_n3A_499 = arith.select %gt3A_498, %select_n3A_497, %select_n3A_470 : vector<16xi1>, vector<16xf32>
        %select_n3A_500 = arith.select %gt3A_498, %select_n3A_470, %select_n3A_497 : vector<16xi1>, vector<16xf32>
        %gt3A_501 = arith.cmpf ogt, %select_n3A_500, %select_n3A_473 : vector<16xf32>
        %select_n3A_502 = arith.select %gt3A_501, %select_n3A_500, %select_n3A_473 : vector<16xi1>, vector<16xf32>
        %select_n3A_503 = arith.select %gt3A_501, %select_n3A_473, %select_n3A_500 : vector<16xi1>, vector<16xf32>
        %gt3A_504 = arith.cmpf ogt, %select_n3A_503, %select_n3A_476 : vector<16xf32>
        %select_n3A_505 = arith.select %gt3A_504, %select_n3A_503, %select_n3A_476 : vector<16xi1>, vector<16xf32>
        %select_n3A_506 = arith.select %gt3A_504, %select_n3A_476, %select_n3A_503 : vector<16xi1>, vector<16xf32>
        %gt3A_507 = arith.cmpf ogt, %select_n3A_506, %select_n3A_479 : vector<16xf32>
        %select_n3A_508 = arith.select %gt3A_507, %select_n3A_506, %select_n3A_479 : vector<16xi1>, vector<16xf32>
        %select_n3A_509 = arith.select %gt3A_507, %select_n3A_479, %select_n3A_506 : vector<16xi1>, vector<16xf32>
        %gt3A_510 = arith.cmpf ogt, %select_n3A_509, %select_n3A_482 : vector<16xf32>
        %select_n3A_511 = arith.select %gt3A_510, %select_n3A_509, %select_n3A_482 : vector<16xi1>, vector<16xf32>
        %select_n3A_512 = arith.select %gt3A_510, %select_n3A_482, %select_n3A_509 : vector<16xi1>, vector<16xf32>
        %gt3A_513 = arith.cmpf ogt, %select_n3A_512, %select_n3A_485 : vector<16xf32>
        %select_n3A_514 = arith.select %gt3A_513, %select_n3A_512, %select_n3A_485 : vector<16xi1>, vector<16xf32>
        %select_n3A_515 = arith.select %gt3A_513, %select_n3A_485, %select_n3A_512 : vector<16xi1>, vector<16xf32>
        scf.yield %select_n3A_493, %select_n3A_496, %select_n3A_499, %select_n3A_502, %select_n3A_505, %select_n3A_508, %select_n3A_511, %select_n3A_514 : vector<16xf32>, vector<16xf32>, vector<16xf32>, vector<16xf32>, vector<16xf32>, vector<16xf32>, vector<16xf32>, vector<16xf32>
      }
      %scan3A_319 = arith.constant 16 : i32
      %mul3A_320 = arith.constant 16 : i32
      %mul3A_321 = vector.broadcast %mul3A_320 : i32 to vector<16xi32>
      %mul3A_322 = arith.muli %and3A_264, %mul3A_321 : vector<16xi32>
      %scan3A_323 = arith.constant 0 : i32
      %scan3A_324 = arith.constant 16 : i32
      %scan3A_325 = arith.addi %scan3A_323, %scan3A_324 : i32
      %scan3A_326 = arith.constant 4 : i32
      %scan3A_327:8 = scf.for %scan3A_395 = %scan3A_323 to %scan3A_325 step %scan3A_326 iter_args(%scan3A_396 = %scan3A_318#0, %scan3A_397 = %scan3A_318#1, %scan3A_398 = %scan3A_318#2, %scan3A_399 = %scan3A_318#3, %scan3A_400 = %scan3A_318#4, %scan3A_401 = %scan3A_318#5, %scan3A_402 = %scan3A_318#6, %scan3A_403 = %scan3A_318#7) -> (vector<16xf32>, vector<16xf32>, vector<16xf32>, vector<16xf32>, vector<16xf32>, vector<16xf32>, vector<16xf32>, vector<16xf32>)  : i32 {
        %add3A_404 = vector.broadcast %scan3A_395 : i32 to vector<16xi32>
        %add3A_405 = arith.addi %mul3A_322, %add3A_404 : vector<16xi32>
        %gather3A = tpu.vector_load_idx %arg5[%add3A_405, %iota3A_310] : memref<2048x16xf32, #tpu.memory_space<vmem>>[vector<16xi32>, vector<16xi32>], vector<16xf32>,
        %gt3A = arith.cmpf ogt, %gather3A, %scan3A_396 : vector<16xf32>
        %select_n3A_406 = arith.select %gt3A, %gather3A, %scan3A_396 : vector<16xi1>, vector<16xf32>
        %select_n3A_407 = arith.select %gt3A, %scan3A_396, %gather3A : vector<16xi1>, vector<16xf32>
        %gt3A_408 = arith.cmpf ogt, %select_n3A_407, %scan3A_397 : vector<16xf32>
        %select_n3A_409 = arith.select %gt3A_408, %select_n3A_407, %scan3A_397 : vector<16xi1>, vector<16xf32>
        %select_n3A_410 = arith.select %gt3A_408, %scan3A_397, %select_n3A_407 : vector<16xi1>, vector<16xf32>
        %gt3A_411 = arith.cmpf ogt, %select_n3A_410, %scan3A_398 : vector<16xf32>
        %select_n3A_412 = arith.select %gt3A_411, %select_n3A_410, %scan3A_398 : vector<16xi1>, vector<16xf32>
        %select_n3A_413 = arith.select %gt3A_411, %scan3A_398, %select_n3A_410 : vector<16xi1>, vector<16xf32>
        %gt3A_414 = arith.cmpf ogt, %select_n3A_413, %scan3A_399 : vector<16xf32>
        %select_n3A_415 = arith.select %gt3A_414, %select_n3A_413, %scan3A_399 : vector<16xi1>, vector<16xf32>
        %select_n3A_416 = arith.select %gt3A_414, %scan3A_399, %select_n3A_413 : vector<16xi1>, vector<16xf32>
        %gt3A_417 = arith.cmpf ogt, %select_n3A_416, %scan3A_400 : vector<16xf32>
        %select_n3A_418 = arith.select %gt3A_417, %select_n3A_416, %scan3A_400 : vector<16xi1>, vector<16xf32>
        %select_n3A_419 = arith.select %gt3A_417, %scan3A_400, %select_n3A_416 : vector<16xi1>, vector<16xf32>
        %gt3A_420 = arith.cmpf ogt, %select_n3A_419, %scan3A_401 : vector<16xf32>
        %select_n3A_421 = arith.select %gt3A_420, %select_n3A_419, %scan3A_401 : vector<16xi1>, vector<16xf32>
        %select_n3A_422 = arith.select %gt3A_420, %scan3A_401, %select_n3A_419 : vector<16xi1>, vector<16xf32>
        %gt3A_423 = arith.cmpf ogt, %select_n3A_422, %scan3A_402 : vector<16xf32>
        %select_n3A_424 = arith.select %gt3A_423, %select_n3A_422, %scan3A_402 : vector<16xi1>, vector<16xf32>
        %select_n3A_425 = arith.select %gt3A_423, %scan3A_402, %select_n3A_422 : vector<16xi1>, vector<16xf32>
        %gt3A_426 = arith.cmpf ogt, %select_n3A_425, %scan3A_403 : vector<16xf32>
        %select_n3A_427 = arith.select %gt3A_426, %select_n3A_425, %scan3A_403 : vector<16xi1>, vector<16xf32>
        %select_n3A_428 = arith.select %gt3A_426, %scan3A_403, %select_n3A_425 : vector<16xi1>, vector<16xf32>
        %scan3A_429 = arith.constant 1 : i32
        %scan3A_430 = arith.addi %scan3A_395, %scan3A_429 : i32
        %add3A_431 = vector.broadcast %scan3A_430 : i32 to vector<16xi32>
        %add3A_432 = arith.addi %mul3A_322, %add3A_431 : vector<16xi32>
        %gather3A_433 = tpu.vector_load_idx %arg5[%add3A_432, %iota3A_310] : memref<2048x16xf32, #tpu.memory_space<vmem>>[vector<16xi32>, vector<16xi32>], vector<16xf32>,
        %gt3A_434 = arith.cmpf ogt, %gather3A_433, %select_n3A_406 : vector<16xf32>
        %select_n3A_435 = arith.select %gt3A_434, %gather3A_433, %select_n3A_406 : vector<16xi1>, vector<16xf32>
        %select_n3A_436 = arith.select %gt3A_434, %select_n3A_406, %gather3A_433 : vector<16xi1>, vector<16xf32>
        %gt3A_437 = arith.cmpf ogt, %select_n3A_436, %select_n3A_409 : vector<16xf32>
        %select_n3A_438 = arith.select %gt3A_437, %select_n3A_436, %select_n3A_409 : vector<16xi1>, vector<16xf32>
        %select_n3A_439 = arith.select %gt3A_437, %select_n3A_409, %select_n3A_436 : vector<16xi1>, vector<16xf32>
        %gt3A_440 = arith.cmpf ogt, %select_n3A_439, %select_n3A_412 : vector<16xf32>
        %select_n3A_441 = arith.select %gt3A_440, %select_n3A_439, %select_n3A_412 : vector<16xi1>, vector<16xf32>
        %select_n3A_442 = arith.select %gt3A_440, %select_n3A_412, %select_n3A_439 : vector<16xi1>, vector<16xf32>
        %gt3A_443 = arith.cmpf ogt, %select_n3A_442, %select_n3A_415 : vector<16xf32>
        %select_n3A_444 = arith.select %gt3A_443, %select_n3A_442, %select_n3A_415 : vector<16xi1>, vector<16xf32>
        %select_n3A_445 = arith.select %gt3A_443, %select_n3A_415, %select_n3A_442 : vector<16xi1>, vector<16xf32>
        %gt3A_446 = arith.cmpf ogt, %select_n3A_445, %select_n3A_418 : vector<16xf32>
        %select_n3A_447 = arith.select %gt3A_446, %select_n3A_445, %select_n3A_418 : vector<16xi1>, vector<16xf32>
        %select_n3A_448 = arith.select %gt3A_446, %select_n3A_418, %select_n3A_445 : vector<16xi1>, vector<16xf32>
        %gt3A_449 = arith.cmpf ogt, %select_n3A_448, %select_n3A_421 : vector<16xf32>
        %select_n3A_450 = arith.select %gt3A_449, %select_n3A_448, %select_n3A_421 : vector<16xi1>, vector<16xf32>
        %select_n3A_451 = arith.select %gt3A_449, %select_n3A_421, %select_n3A_448 : vector<16xi1>, vector<16xf32>
        %gt3A_452 = arith.cmpf ogt, %select_n3A_451, %select_n3A_424 : vector<16xf32>
        %select_n3A_453 = arith.select %gt3A_452, %select_n3A_451, %select_n3A_424 : vector<16xi1>, vector<16xf32>
        %select_n3A_454 = arith.select %gt3A_452, %select_n3A_424, %select_n3A_451 : vector<16xi1>, vector<16xf32>
        %gt3A_455 = arith.cmpf ogt, %select_n3A_454, %select_n3A_427 : vector<16xf32>
        %select_n3A_456 = arith.select %gt3A_455, %select_n3A_454, %select_n3A_427 : vector<16xi1>, vector<16xf32>
        %select_n3A_457 = arith.select %gt3A_455, %select_n3A_427, %select_n3A_454 : vector<16xi1>, vector<16xf32>
        %scan3A_458 = arith.constant 2 : i32
        %scan3A_459 = arith.addi %scan3A_395, %scan3A_458 : i32
        %add3A_460 = vector.broadcast %scan3A_459 : i32 to vector<16xi32>
        %add3A_461 = arith.addi %mul3A_322, %add3A_460 : vector<16xi32>
        %gather3A_462 = tpu.vector_load_idx %arg5[%add3A_461, %iota3A_310] : memref<2048x16xf32, #tpu.memory_space<vmem>>[vector<16xi32>, vector<16xi32>], vector<16xf32>,
        %gt3A_463 = arith.cmpf ogt, %gather3A_462, %select_n3A_435 : vector<16xf32>
        %select_n3A_464 = arith.select %gt3A_463, %gather3A_462, %select_n3A_435 : vector<16xi1>, vector<16xf32>
        %select_n3A_465 = arith.select %gt3A_463, %select_n3A_435, %gather3A_462 : vector<16xi1>, vector<16xf32>
        %gt3A_466 = arith.cmpf ogt, %select_n3A_465, %select_n3A_438 : vector<16xf32>
        %select_n3A_467 = arith.select %gt3A_466, %select_n3A_465, %select_n3A_438 : vector<16xi1>, vector<16xf32>
        %select_n3A_468 = arith.select %gt3A_466, %select_n3A_438, %select_n3A_465 : vector<16xi1>, vector<16xf32>
        %gt3A_469 = arith.cmpf ogt, %select_n3A_468, %select_n3A_441 : vector<16xf32>
        %select_n3A_470 = arith.select %gt3A_469, %select_n3A_468, %select_n3A_441 : vector<16xi1>, vector<16xf32>
        %select_n3A_471 = arith.select %gt3A_469, %select_n3A_441, %select_n3A_468 : vector<16xi1>, vector<16xf32>
        %gt3A_472 = arith.cmpf ogt, %select_n3A_471, %select_n3A_444 : vector<16xf32>
        %select_n3A_473 = arith.select %gt3A_472, %select_n3A_471, %select_n3A_444 : vector<16xi1>, vector<16xf32>
        %select_n3A_474 = arith.select %gt3A_472, %select_n3A_444, %select_n3A_471 : vector<16xi1>, vector<16xf32>
        %gt3A_475 = arith.cmpf ogt, %select_n3A_474, %select_n3A_447 : vector<16xf32>
        %select_n3A_476 = arith.select %gt3A_475, %select_n3A_474, %select_n3A_447 : vector<16xi1>, vector<16xf32>
        %select_n3A_477 = arith.select %gt3A_475, %select_n3A_447, %select_n3A_474 : vector<16xi1>, vector<16xf32>
        %gt3A_478 = arith.cmpf ogt, %select_n3A_477, %select_n3A_450 : vector<16xf32>
        %select_n3A_479 = arith.select %gt3A_478, %select_n3A_477, %select_n3A_450 : vector<16xi1>, vector<16xf32>
        %select_n3A_480 = arith.select %gt3A_478, %select_n3A_450, %select_n3A_477 : vector<16xi1>, vector<16xf32>
        %gt3A_481 = arith.cmpf ogt, %select_n3A_480, %select_n3A_453 : vector<16xf32>
        %select_n3A_482 = arith.select %gt3A_481, %select_n3A_480, %select_n3A_453 : vector<16xi1>, vector<16xf32>
        %select_n3A_483 = arith.select %gt3A_481, %select_n3A_453, %select_n3A_480 : vector<16xi1>, vector<16xf32>
        %gt3A_484 = arith.cmpf ogt, %select_n3A_483, %select_n3A_456 : vector<16xf32>
        %select_n3A_485 = arith.select %gt3A_484, %select_n3A_483, %select_n3A_456 : vector<16xi1>, vector<16xf32>
        %select_n3A_486 = arith.select %gt3A_484, %select_n3A_456, %select_n3A_483 : vector<16xi1>, vector<16xf32>
        %scan3A_487 = arith.constant 3 : i32
        %scan3A_488 = arith.addi %scan3A_395, %scan3A_487 : i32
        %add3A_489 = vector.broadcast %scan3A_488 : i32 to vector<16xi32>
        %add3A_490 = arith.addi %mul3A_322, %add3A_489 : vector<16xi32>
        %gather3A_491 = tpu.vector_load_idx %arg5[%add3A_490, %iota3A_310] : memref<2048x16xf32, #tpu.memory_space<vmem>>[vector<16xi32>, vector<16xi32>], vector<16xf32>,
        %gt3A_492 = arith.cmpf ogt, %gather3A_491, %select_n3A_464 : vector<16xf32>
        %select_n3A_493 = arith.select %gt3A_492, %gather3A_491, %select_n3A_464 : vector<16xi1>, vector<16xf32>
        %select_n3A_494 = arith.select %gt3A_492, %select_n3A_464, %gather3A_491 : vector<16xi1>, vector<16xf32>
        %gt3A_495 = arith.cmpf ogt, %select_n3A_494, %select_n3A_467 : vector<16xf32>
        %select_n3A_496 = arith.select %gt3A_495, %select_n3A_494, %select_n3A_467 : vector<16xi1>, vector<16xf32>
        %select_n3A_497 = arith.select %gt3A_495, %select_n3A_467, %select_n3A_494 : vector<16xi1>, vector<16xf32>
        %gt3A_498 = arith.cmpf ogt, %select_n3A_497, %select_n3A_470 : vector<16xf32>
        %select_n3A_499 = arith.select %gt3A_498, %select_n3A_497, %select_n3A_470 : vector<16xi1>, vector<16xf32>
        %select_n3A_500 = arith.select %gt3A_498, %select_n3A_470, %select_n3A_497 : vector<16xi1>, vector<16xf32>
        %gt3A_501 = arith.cmpf ogt, %select_n3A_500, %select_n3A_473 : vector<16xf32>
        %select_n3A_502 = arith.select %gt3A_501, %select_n3A_500, %select_n3A_473 : vector<16xi1>, vector<16xf32>
        %select_n3A_503 = arith.select %gt3A_501, %select_n3A_473, %select_n3A_500 : vector<16xi1>, vector<16xf32>
        %gt3A_504 = arith.cmpf ogt, %select_n3A_503, %select_n3A_476 : vector<16xf32>
        %select_n3A_505 = arith.select %gt3A_504, %select_n3A_503, %select_n3A_476 : vector<16xi1>, vector<16xf32>
        %select_n3A_506 = arith.select %gt3A_504, %select_n3A_476, %select_n3A_503 : vector<16xi1>, vector<16xf32>
        %gt3A_507 = arith.cmpf ogt, %select_n3A_506, %select_n3A_479 : vector<16xf32>
        %select_n3A_508 = arith.select %gt3A_507, %select_n3A_506, %select_n3A_479 : vector<16xi1>, vector<16xf32>
        %select_n3A_509 = arith.select %gt3A_507, %select_n3A_479, %select_n3A_506 : vector<16xi1>, vector<16xf32>
        %gt3A_510 = arith.cmpf ogt, %select_n3A_509, %select_n3A_482 : vector<16xf32>
        %select_n3A_511 = arith.select %gt3A_510, %select_n3A_509, %select_n3A_482 : vector<16xi1>, vector<16xf32>
        %select_n3A_512 = arith.select %gt3A_510, %select_n3A_482, %select_n3A_509 : vector<16xi1>, vector<16xf32>
        %gt3A_513 = arith.cmpf ogt, %select_n3A_512, %select_n3A_485 : vector<16xf32>
        %select_n3A_514 = arith.select %gt3A_513, %select_n3A_512, %select_n3A_485 : vector<16xi1>, vector<16xf32>
        %select_n3A_515 = arith.select %gt3A_513, %select_n3A_485, %select_n3A_512 : vector<16xi1>, vector<16xf32>
        scf.yield %select_n3A_493, %select_n3A_496, %select_n3A_499, %select_n3A_502, %select_n3A_505, %select_n3A_508, %select_n3A_511, %select_n3A_514 : vector<16xf32>, vector<16xf32>, vector<16xf32>, vector<16xf32>, vector<16xf32>, vector<16xf32>, vector<16xf32>, vector<16xf32>
      }
      %scan3A_328 = arith.constant 16 : i32
      %mul3A_329 = arith.constant 16 : i32
      %mul3A_330 = vector.broadcast %mul3A_329 : i32 to vector<16xi32>
      %mul3A_331 = arith.muli %and3A_267, %mul3A_330 : vector<16xi32>
      %scan3A_332 = arith.constant 0 : i32
      %scan3A_333 = arith.constant 16 : i32
      %scan3A_334 = arith.addi %scan3A_332, %scan3A_333 : i32
      %scan3A_335 = arith.constant 4 : i32
      %scan3A_336:8 = scf.for %scan3A_395 = %scan3A_332 to %scan3A_334 step %scan3A_335 iter_args(%scan3A_396 = %scan3A_327#0, %scan3A_397 = %scan3A_327#1, %scan3A_398 = %scan3A_327#2, %scan3A_399 = %scan3A_327#3, %scan3A_400 = %scan3A_327#4, %scan3A_401 = %scan3A_327#5, %scan3A_402 = %scan3A_327#6, %scan3A_403 = %scan3A_327#7) -> (vector<16xf32>, vector<16xf32>, vector<16xf32>, vector<16xf32>, vector<16xf32>, vector<16xf32>, vector<16xf32>, vector<16xf32>)  : i32 {
        %add3A_404 = vector.broadcast %scan3A_395 : i32 to vector<16xi32>
        %add3A_405 = arith.addi %mul3A_331, %add3A_404 : vector<16xi32>
        %gather3A = tpu.vector_load_idx %arg5[%add3A_405, %iota3A_310] : memref<2048x16xf32, #tpu.memory_space<vmem>>[vector<16xi32>, vector<16xi32>], vector<16xf32>,
        %gt3A = arith.cmpf ogt, %gather3A, %scan3A_396 : vector<16xf32>
        %select_n3A_406 = arith.select %gt3A, %gather3A, %scan3A_396 : vector<16xi1>, vector<16xf32>
        %select_n3A_407 = arith.select %gt3A, %scan3A_396, %gather3A : vector<16xi1>, vector<16xf32>
        %gt3A_408 = arith.cmpf ogt, %select_n3A_407, %scan3A_397 : vector<16xf32>
        %select_n3A_409 = arith.select %gt3A_408, %select_n3A_407, %scan3A_397 : vector<16xi1>, vector<16xf32>
        %select_n3A_410 = arith.select %gt3A_408, %scan3A_397, %select_n3A_407 : vector<16xi1>, vector<16xf32>
        %gt3A_411 = arith.cmpf ogt, %select_n3A_410, %scan3A_398 : vector<16xf32>
        %select_n3A_412 = arith.select %gt3A_411, %select_n3A_410, %scan3A_398 : vector<16xi1>, vector<16xf32>
        %select_n3A_413 = arith.select %gt3A_411, %scan3A_398, %select_n3A_410 : vector<16xi1>, vector<16xf32>
        %gt3A_414 = arith.cmpf ogt, %select_n3A_413, %scan3A_399 : vector<16xf32>
        %select_n3A_415 = arith.select %gt3A_414, %select_n3A_413, %scan3A_399 : vector<16xi1>, vector<16xf32>
        %select_n3A_416 = arith.select %gt3A_414, %scan3A_399, %select_n3A_413 : vector<16xi1>, vector<16xf32>
        %gt3A_417 = arith.cmpf ogt, %select_n3A_416, %scan3A_400 : vector<16xf32>
        %select_n3A_418 = arith.select %gt3A_417, %select_n3A_416, %scan3A_400 : vector<16xi1>, vector<16xf32>
        %select_n3A_419 = arith.select %gt3A_417, %scan3A_400, %select_n3A_416 : vector<16xi1>, vector<16xf32>
        %gt3A_420 = arith.cmpf ogt, %select_n3A_419, %scan3A_401 : vector<16xf32>
        %select_n3A_421 = arith.select %gt3A_420, %select_n3A_419, %scan3A_401 : vector<16xi1>, vector<16xf32>
        %select_n3A_422 = arith.select %gt3A_420, %scan3A_401, %select_n3A_419 : vector<16xi1>, vector<16xf32>
        %gt3A_423 = arith.cmpf ogt, %select_n3A_422, %scan3A_402 : vector<16xf32>
        %select_n3A_424 = arith.select %gt3A_423, %select_n3A_422, %scan3A_402 : vector<16xi1>, vector<16xf32>
        %select_n3A_425 = arith.select %gt3A_423, %scan3A_402, %select_n3A_422 : vector<16xi1>, vector<16xf32>
        %gt3A_426 = arith.cmpf ogt, %select_n3A_425, %scan3A_403 : vector<16xf32>
        %select_n3A_427 = arith.select %gt3A_426, %select_n3A_425, %scan3A_403 : vector<16xi1>, vector<16xf32>
        %select_n3A_428 = arith.select %gt3A_426, %scan3A_403, %select_n3A_425 : vector<16xi1>, vector<16xf32>
        %scan3A_429 = arith.constant 1 : i32
        %scan3A_430 = arith.addi %scan3A_395, %scan3A_429 : i32
        %add3A_431 = vector.broadcast %scan3A_430 : i32 to vector<16xi32>
        %add3A_432 = arith.addi %mul3A_331, %add3A_431 : vector<16xi32>
        %gather3A_433 = tpu.vector_load_idx %arg5[%add3A_432, %iota3A_310] : memref<2048x16xf32, #tpu.memory_space<vmem>>[vector<16xi32>, vector<16xi32>], vector<16xf32>,
        %gt3A_434 = arith.cmpf ogt, %gather3A_433, %select_n3A_406 : vector<16xf32>
        %select_n3A_435 = arith.select %gt3A_434, %gather3A_433, %select_n3A_406 : vector<16xi1>, vector<16xf32>
        %select_n3A_436 = arith.select %gt3A_434, %select_n3A_406, %gather3A_433 : vector<16xi1>, vector<16xf32>
        %gt3A_437 = arith.cmpf ogt, %select_n3A_436, %select_n3A_409 : vector<16xf32>
        %select_n3A_438 = arith.select %gt3A_437, %select_n3A_436, %select_n3A_409 : vector<16xi1>, vector<16xf32>
        %select_n3A_439 = arith.select %gt3A_437, %select_n3A_409, %select_n3A_436 : vector<16xi1>, vector<16xf32>
        %gt3A_440 = arith.cmpf ogt, %select_n3A_439, %select_n3A_412 : vector<16xf32>
        %select_n3A_441 = arith.select %gt3A_440, %select_n3A_439, %select_n3A_412 : vector<16xi1>, vector<16xf32>
        %select_n3A_442 = arith.select %gt3A_440, %select_n3A_412, %select_n3A_439 : vector<16xi1>, vector<16xf32>
        %gt3A_443 = arith.cmpf ogt, %select_n3A_442, %select_n3A_415 : vector<16xf32>
        %select_n3A_444 = arith.select %gt3A_443, %select_n3A_442, %select_n3A_415 : vector<16xi1>, vector<16xf32>
        %select_n3A_445 = arith.select %gt3A_443, %select_n3A_415, %select_n3A_442 : vector<16xi1>, vector<16xf32>
        %gt3A_446 = arith.cmpf ogt, %select_n3A_445, %select_n3A_418 : vector<16xf32>
        %select_n3A_447 = arith.select %gt3A_446, %select_n3A_445, %select_n3A_418 : vector<16xi1>, vector<16xf32>
        %select_n3A_448 = arith.select %gt3A_446, %select_n3A_418, %select_n3A_445 : vector<16xi1>, vector<16xf32>
        %gt3A_449 = arith.cmpf ogt, %select_n3A_448, %select_n3A_421 : vector<16xf32>
        %select_n3A_450 = arith.select %gt3A_449, %select_n3A_448, %select_n3A_421 : vector<16xi1>, vector<16xf32>
        %select_n3A_451 = arith.select %gt3A_449, %select_n3A_421, %select_n3A_448 : vector<16xi1>, vector<16xf32>
        %gt3A_452 = arith.cmpf ogt, %select_n3A_451, %select_n3A_424 : vector<16xf32>
        %select_n3A_453 = arith.select %gt3A_452, %select_n3A_451, %select_n3A_424 : vector<16xi1>, vector<16xf32>
        %select_n3A_454 = arith.select %gt3A_452, %select_n3A_424, %select_n3A_451 : vector<16xi1>, vector<16xf32>
        %gt3A_455 = arith.cmpf ogt, %select_n3A_454, %select_n3A_427 : vector<16xf32>
        %select_n3A_456 = arith.select %gt3A_455, %select_n3A_454, %select_n3A_427 : vector<16xi1>, vector<16xf32>
        %select_n3A_457 = arith.select %gt3A_455, %select_n3A_427, %select_n3A_454 : vector<16xi1>, vector<16xf32>
        %scan3A_458 = arith.constant 2 : i32
        %scan3A_459 = arith.addi %scan3A_395, %scan3A_458 : i32
        %add3A_460 = vector.broadcast %scan3A_459 : i32 to vector<16xi32>
        %add3A_461 = arith.addi %mul3A_331, %add3A_460 : vector<16xi32>
        %gather3A_462 = tpu.vector_load_idx %arg5[%add3A_461, %iota3A_310] : memref<2048x16xf32, #tpu.memory_space<vmem>>[vector<16xi32>, vector<16xi32>], vector<16xf32>,
        %gt3A_463 = arith.cmpf ogt, %gather3A_462, %select_n3A_435 : vector<16xf32>
        %select_n3A_464 = arith.select %gt3A_463, %gather3A_462, %select_n3A_435 : vector<16xi1>, vector<16xf32>
        %select_n3A_465 = arith.select %gt3A_463, %select_n3A_435, %gather3A_462 : vector<16xi1>, vector<16xf32>
        %gt3A_466 = arith.cmpf ogt, %select_n3A_465, %select_n3A_438 : vector<16xf32>
        %select_n3A_467 = arith.select %gt3A_466, %select_n3A_465, %select_n3A_438 : vector<16xi1>, vector<16xf32>
        %select_n3A_468 = arith.select %gt3A_466, %select_n3A_438, %select_n3A_465 : vector<16xi1>, vector<16xf32>
        %gt3A_469 = arith.cmpf ogt, %select_n3A_468, %select_n3A_441 : vector<16xf32>
        %select_n3A_470 = arith.select %gt3A_469, %select_n3A_468, %select_n3A_441 : vector<16xi1>, vector<16xf32>
        %select_n3A_471 = arith.select %gt3A_469, %select_n3A_441, %select_n3A_468 : vector<16xi1>, vector<16xf32>
        %gt3A_472 = arith.cmpf ogt, %select_n3A_471, %select_n3A_444 : vector<16xf32>
        %select_n3A_473 = arith.select %gt3A_472, %select_n3A_471, %select_n3A_444 : vector<16xi1>, vector<16xf32>
        %select_n3A_474 = arith.select %gt3A_472, %select_n3A_444, %select_n3A_471 : vector<16xi1>, vector<16xf32>
        %gt3A_475 = arith.cmpf ogt, %select_n3A_474, %select_n3A_447 : vector<16xf32>
        %select_n3A_476 = arith.select %gt3A_475, %select_n3A_474, %select_n3A_447 : vector<16xi1>, vector<16xf32>
        %select_n3A_477 = arith.select %gt3A_475, %select_n3A_447, %select_n3A_474 : vector<16xi1>, vector<16xf32>
        %gt3A_478 = arith.cmpf ogt, %select_n3A_477, %select_n3A_450 : vector<16xf32>
        %select_n3A_479 = arith.select %gt3A_478, %select_n3A_477, %select_n3A_450 : vector<16xi1>, vector<16xf32>
        %select_n3A_480 = arith.select %gt3A_478, %select_n3A_450, %select_n3A_477 : vector<16xi1>, vector<16xf32>
        %gt3A_481 = arith.cmpf ogt, %select_n3A_480, %select_n3A_453 : vector<16xf32>
        %select_n3A_482 = arith.select %gt3A_481, %select_n3A_480, %select_n3A_453 : vector<16xi1>, vector<16xf32>
        %select_n3A_483 = arith.select %gt3A_481, %select_n3A_453, %select_n3A_480 : vector<16xi1>, vector<16xf32>
        %gt3A_484 = arith.cmpf ogt, %select_n3A_483, %select_n3A_456 : vector<16xf32>
        %select_n3A_485 = arith.select %gt3A_484, %select_n3A_483, %select_n3A_456 : vector<16xi1>, vector<16xf32>
        %select_n3A_486 = arith.select %gt3A_484, %select_n3A_456, %select_n3A_483 : vector<16xi1>, vector<16xf32>
        %scan3A_487 = arith.constant 3 : i32
        %scan3A_488 = arith.addi %scan3A_395, %scan3A_487 : i32
        %add3A_489 = vector.broadcast %scan3A_488 : i32 to vector<16xi32>
        %add3A_490 = arith.addi %mul3A_331, %add3A_489 : vector<16xi32>
        %gather3A_491 = tpu.vector_load_idx %arg5[%add3A_490, %iota3A_310] : memref<2048x16xf32, #tpu.memory_space<vmem>>[vector<16xi32>, vector<16xi32>], vector<16xf32>,
        %gt3A_492 = arith.cmpf ogt, %gather3A_491, %select_n3A_464 : vector<16xf32>
        %select_n3A_493 = arith.select %gt3A_492, %gather3A_491, %select_n3A_464 : vector<16xi1>, vector<16xf32>
        %select_n3A_494 = arith.select %gt3A_492, %select_n3A_464, %gather3A_491 : vector<16xi1>, vector<16xf32>
        %gt3A_495 = arith.cmpf ogt, %select_n3A_494, %select_n3A_467 : vector<16xf32>
        %select_n3A_496 = arith.select %gt3A_495, %select_n3A_494, %select_n3A_467 : vector<16xi1>, vector<16xf32>
        %select_n3A_497 = arith.select %gt3A_495, %select_n3A_467, %select_n3A_494 : vector<16xi1>, vector<16xf32>
        %gt3A_498 = arith.cmpf ogt, %select_n3A_497, %select_n3A_470 : vector<16xf32>
        %select_n3A_499 = arith.select %gt3A_498, %select_n3A_497, %select_n3A_470 : vector<16xi1>, vector<16xf32>
        %select_n3A_500 = arith.select %gt3A_498, %select_n3A_470, %select_n3A_497 : vector<16xi1>, vector<16xf32>
        %gt3A_501 = arith.cmpf ogt, %select_n3A_500, %select_n3A_473 : vector<16xf32>
        %select_n3A_502 = arith.select %gt3A_501, %select_n3A_500, %select_n3A_473 : vector<16xi1>, vector<16xf32>
        %select_n3A_503 = arith.select %gt3A_501, %select_n3A_473, %select_n3A_500 : vector<16xi1>, vector<16xf32>
        %gt3A_504 = arith.cmpf ogt, %select_n3A_503, %select_n3A_476 : vector<16xf32>
        %select_n3A_505 = arith.select %gt3A_504, %select_n3A_503, %select_n3A_476 : vector<16xi1>, vector<16xf32>
        %select_n3A_506 = arith.select %gt3A_504, %select_n3A_476, %select_n3A_503 : vector<16xi1>, vector<16xf32>
        %gt3A_507 = arith.cmpf ogt, %select_n3A_506, %select_n3A_479 : vector<16xf32>
        %select_n3A_508 = arith.select %gt3A_507, %select_n3A_506, %select_n3A_479 : vector<16xi1>, vector<16xf32>
        %select_n3A_509 = arith.select %gt3A_507, %select_n3A_479, %select_n3A_506 : vector<16xi1>, vector<16xf32>
        %gt3A_510 = arith.cmpf ogt, %select_n3A_509, %select_n3A_482 : vector<16xf32>
        %select_n3A_511 = arith.select %gt3A_510, %select_n3A_509, %select_n3A_482 : vector<16xi1>, vector<16xf32>
        %select_n3A_512 = arith.select %gt3A_510, %select_n3A_482, %select_n3A_509 : vector<16xi1>, vector<16xf32>
        %gt3A_513 = arith.cmpf ogt, %select_n3A_512, %select_n3A_485 : vector<16xf32>
        %select_n3A_514 = arith.select %gt3A_513, %select_n3A_512, %select_n3A_485 : vector<16xi1>, vector<16xf32>
        %select_n3A_515 = arith.select %gt3A_513, %select_n3A_485, %select_n3A_512 : vector<16xi1>, vector<16xf32>
        scf.yield %select_n3A_493, %select_n3A_496, %select_n3A_499, %select_n3A_502, %select_n3A_505, %select_n3A_508, %select_n3A_511, %select_n3A_514 : vector<16xf32>, vector<16xf32>, vector<16xf32>, vector<16xf32>, vector<16xf32>, vector<16xf32>, vector<16xf32>, vector<16xf32>
      }
      %scan3A_337 = arith.constant 16 : i32
      %mul3A_338 = arith.constant 16 : i32
      %mul3A_339 = vector.broadcast %mul3A_338 : i32 to vector<16xi32>
      %mul3A_340 = arith.muli %and3A_270, %mul3A_339 : vector<16xi32>
      %scan3A_341 = arith.constant 0 : i32
      %scan3A_342 = arith.constant 16 : i32
      %scan3A_343 = arith.addi %scan3A_341, %scan3A_342 : i32
      %scan3A_344 = arith.constant 4 : i32
      %scan3A_345:8 = scf.for %scan3A_395 = %scan3A_341 to %scan3A_343 step %scan3A_344 iter_args(%scan3A_396 = %scan3A_336#0, %scan3A_397 = %scan3A_336#1, %scan3A_398 = %scan3A_336#2, %scan3A_399 = %scan3A_336#3, %scan3A_400 = %scan3A_336#4, %scan3A_401 = %scan3A_336#5, %scan3A_402 = %scan3A_336#6, %scan3A_403 = %scan3A_336#7) -> (vector<16xf32>, vector<16xf32>, vector<16xf32>, vector<16xf32>, vector<16xf32>, vector<16xf32>, vector<16xf32>, vector<16xf32>)  : i32 {
        %add3A_404 = vector.broadcast %scan3A_395 : i32 to vector<16xi32>
        %add3A_405 = arith.addi %mul3A_340, %add3A_404 : vector<16xi32>
        %gather3A = tpu.vector_load_idx %arg5[%add3A_405, %iota3A_310] : memref<2048x16xf32, #tpu.memory_space<vmem>>[vector<16xi32>, vector<16xi32>], vector<16xf32>,
        %gt3A = arith.cmpf ogt, %gather3A, %scan3A_396 : vector<16xf32>
        %select_n3A_406 = arith.select %gt3A, %gather3A, %scan3A_396 : vector<16xi1>, vector<16xf32>
        %select_n3A_407 = arith.select %gt3A, %scan3A_396, %gather3A : vector<16xi1>, vector<16xf32>
        %gt3A_408 = arith.cmpf ogt, %select_n3A_407, %scan3A_397 : vector<16xf32>
        %select_n3A_409 = arith.select %gt3A_408, %select_n3A_407, %scan3A_397 : vector<16xi1>, vector<16xf32>
        %select_n3A_410 = arith.select %gt3A_408, %scan3A_397, %select_n3A_407 : vector<16xi1>, vector<16xf32>
        %gt3A_411 = arith.cmpf ogt, %select_n3A_410, %scan3A_398 : vector<16xf32>
        %select_n3A_412 = arith.select %gt3A_411, %select_n3A_410, %scan3A_398 : vector<16xi1>, vector<16xf32>
        %select_n3A_413 = arith.select %gt3A_411, %scan3A_398, %select_n3A_410 : vector<16xi1>, vector<16xf32>
        %gt3A_414 = arith.cmpf ogt, %select_n3A_413, %scan3A_399 : vector<16xf32>
        %select_n3A_415 = arith.select %gt3A_414, %select_n3A_413, %scan3A_399 : vector<16xi1>, vector<16xf32>
        %select_n3A_416 = arith.select %gt3A_414, %scan3A_399, %select_n3A_413 : vector<16xi1>, vector<16xf32>
        %gt3A_417 = arith.cmpf ogt, %select_n3A_416, %scan3A_400 : vector<16xf32>
        %select_n3A_418 = arith.select %gt3A_417, %select_n3A_416, %scan3A_400 : vector<16xi1>, vector<16xf32>
        %select_n3A_419 = arith.select %gt3A_417, %scan3A_400, %select_n3A_416 : vector<16xi1>, vector<16xf32>
        %gt3A_420 = arith.cmpf ogt, %select_n3A_419, %scan3A_401 : vector<16xf32>
        %select_n3A_421 = arith.select %gt3A_420, %select_n3A_419, %scan3A_401 : vector<16xi1>, vector<16xf32>
        %select_n3A_422 = arith.select %gt3A_420, %scan3A_401, %select_n3A_419 : vector<16xi1>, vector<16xf32>
        %gt3A_423 = arith.cmpf ogt, %select_n3A_422, %scan3A_402 : vector<16xf32>
        %select_n3A_424 = arith.select %gt3A_423, %select_n3A_422, %scan3A_402 : vector<16xi1>, vector<16xf32>
        %select_n3A_425 = arith.select %gt3A_423, %scan3A_402, %select_n3A_422 : vector<16xi1>, vector<16xf32>
        %gt3A_426 = arith.cmpf ogt, %select_n3A_425, %scan3A_403 : vector<16xf32>
        %select_n3A_427 = arith.select %gt3A_426, %select_n3A_425, %scan3A_403 : vector<16xi1>, vector<16xf32>
        %select_n3A_428 = arith.select %gt3A_426, %scan3A_403, %select_n3A_425 : vector<16xi1>, vector<16xf32>
        %scan3A_429 = arith.constant 1 : i32
        %scan3A_430 = arith.addi %scan3A_395, %scan3A_429 : i32
        %add3A_431 = vector.broadcast %scan3A_430 : i32 to vector<16xi32>
        %add3A_432 = arith.addi %mul3A_340, %add3A_431 : vector<16xi32>
        %gather3A_433 = tpu.vector_load_idx %arg5[%add3A_432, %iota3A_310] : memref<2048x16xf32, #tpu.memory_space<vmem>>[vector<16xi32>, vector<16xi32>], vector<16xf32>,
        %gt3A_434 = arith.cmpf ogt, %gather3A_433, %select_n3A_406 : vector<16xf32>
        %select_n3A_435 = arith.select %gt3A_434, %gather3A_433, %select_n3A_406 : vector<16xi1>, vector<16xf32>
        %select_n3A_436 = arith.select %gt3A_434, %select_n3A_406, %gather3A_433 : vector<16xi1>, vector<16xf32>
        %gt3A_437 = arith.cmpf ogt, %select_n3A_436, %select_n3A_409 : vector<16xf32>
        %select_n3A_438 = arith.select %gt3A_437, %select_n3A_436, %select_n3A_409 : vector<16xi1>, vector<16xf32>
        %select_n3A_439 = arith.select %gt3A_437, %select_n3A_409, %select_n3A_436 : vector<16xi1>, vector<16xf32>
        %gt3A_440 = arith.cmpf ogt, %select_n3A_439, %select_n3A_412 : vector<16xf32>
        %select_n3A_441 = arith.select %gt3A_440, %select_n3A_439, %select_n3A_412 : vector<16xi1>, vector<16xf32>
        %select_n3A_442 = arith.select %gt3A_440, %select_n3A_412, %select_n3A_439 : vector<16xi1>, vector<16xf32>
        %gt3A_443 = arith.cmpf ogt, %select_n3A_442, %select_n3A_415 : vector<16xf32>
        %select_n3A_444 = arith.select %gt3A_443, %select_n3A_442, %select_n3A_415 : vector<16xi1>, vector<16xf32>
        %select_n3A_445 = arith.select %gt3A_443, %select_n3A_415, %select_n3A_442 : vector<16xi1>, vector<16xf32>
        %gt3A_446 = arith.cmpf ogt, %select_n3A_445, %select_n3A_418 : vector<16xf32>
        %select_n3A_447 = arith.select %gt3A_446, %select_n3A_445, %select_n3A_418 : vector<16xi1>, vector<16xf32>
        %select_n3A_448 = arith.select %gt3A_446, %select_n3A_418, %select_n3A_445 : vector<16xi1>, vector<16xf32>
        %gt3A_449 = arith.cmpf ogt, %select_n3A_448, %select_n3A_421 : vector<16xf32>
        %select_n3A_450 = arith.select %gt3A_449, %select_n3A_448, %select_n3A_421 : vector<16xi1>, vector<16xf32>
        %select_n3A_451 = arith.select %gt3A_449, %select_n3A_421, %select_n3A_448 : vector<16xi1>, vector<16xf32>
        %gt3A_452 = arith.cmpf ogt, %select_n3A_451, %select_n3A_424 : vector<16xf32>
        %select_n3A_453 = arith.select %gt3A_452, %select_n3A_451, %select_n3A_424 : vector<16xi1>, vector<16xf32>
        %select_n3A_454 = arith.select %gt3A_452, %select_n3A_424, %select_n3A_451 : vector<16xi1>, vector<16xf32>
        %gt3A_455 = arith.cmpf ogt, %select_n3A_454, %select_n3A_427 : vector<16xf32>
        %select_n3A_456 = arith.select %gt3A_455, %select_n3A_454, %select_n3A_427 : vector<16xi1>, vector<16xf32>
        %select_n3A_457 = arith.select %gt3A_455, %select_n3A_427, %select_n3A_454 : vector<16xi1>, vector<16xf32>
        %scan3A_458 = arith.constant 2 : i32
        %scan3A_459 = arith.addi %scan3A_395, %scan3A_458 : i32
        %add3A_460 = vector.broadcast %scan3A_459 : i32 to vector<16xi32>
        %add3A_461 = arith.addi %mul3A_340, %add3A_460 : vector<16xi32>
        %gather3A_462 = tpu.vector_load_idx %arg5[%add3A_461, %iota3A_310] : memref<2048x16xf32, #tpu.memory_space<vmem>>[vector<16xi32>, vector<16xi32>], vector<16xf32>,
        %gt3A_463 = arith.cmpf ogt, %gather3A_462, %select_n3A_435 : vector<16xf32>
        %select_n3A_464 = arith.select %gt3A_463, %gather3A_462, %select_n3A_435 : vector<16xi1>, vector<16xf32>
        %select_n3A_465 = arith.select %gt3A_463, %select_n3A_435, %gather3A_462 : vector<16xi1>, vector<16xf32>
        %gt3A_466 = arith.cmpf ogt, %select_n3A_465, %select_n3A_438 : vector<16xf32>
        %select_n3A_467 = arith.select %gt3A_466, %select_n3A_465, %select_n3A_438 : vector<16xi1>, vector<16xf32>
        %select_n3A_468 = arith.select %gt3A_466, %select_n3A_438, %select_n3A_465 : vector<16xi1>, vector<16xf32>
        %gt3A_469 = arith.cmpf ogt, %select_n3A_468, %select_n3A_441 : vector<16xf32>
        %select_n3A_470 = arith.select %gt3A_469, %select_n3A_468, %select_n3A_441 : vector<16xi1>, vector<16xf32>
        %select_n3A_471 = arith.select %gt3A_469, %select_n3A_441, %select_n3A_468 : vector<16xi1>, vector<16xf32>
        %gt3A_472 = arith.cmpf ogt, %select_n3A_471, %select_n3A_444 : vector<16xf32>
        %select_n3A_473 = arith.select %gt3A_472, %select_n3A_471, %select_n3A_444 : vector<16xi1>, vector<16xf32>
        %select_n3A_474 = arith.select %gt3A_472, %select_n3A_444, %select_n3A_471 : vector<16xi1>, vector<16xf32>
        %gt3A_475 = arith.cmpf ogt, %select_n3A_474, %select_n3A_447 : vector<16xf32>
        %select_n3A_476 = arith.select %gt3A_475, %select_n3A_474, %select_n3A_447 : vector<16xi1>, vector<16xf32>
        %select_n3A_477 = arith.select %gt3A_475, %select_n3A_447, %select_n3A_474 : vector<16xi1>, vector<16xf32>
        %gt3A_478 = arith.cmpf ogt, %select_n3A_477, %select_n3A_450 : vector<16xf32>
        %select_n3A_479 = arith.select %gt3A_478, %select_n3A_477, %select_n3A_450 : vector<16xi1>, vector<16xf32>
        %select_n3A_480 = arith.select %gt3A_478, %select_n3A_450, %select_n3A_477 : vector<16xi1>, vector<16xf32>
        %gt3A_481 = arith.cmpf ogt, %select_n3A_480, %select_n3A_453 : vector<16xf32>
        %select_n3A_482 = arith.select %gt3A_481, %select_n3A_480, %select_n3A_453 : vector<16xi1>, vector<16xf32>
        %select_n3A_483 = arith.select %gt3A_481, %select_n3A_453, %select_n3A_480 : vector<16xi1>, vector<16xf32>
        %gt3A_484 = arith.cmpf ogt, %select_n3A_483, %select_n3A_456 : vector<16xf32>
        %select_n3A_485 = arith.select %gt3A_484, %select_n3A_483, %select_n3A_456 : vector<16xi1>, vector<16xf32>
        %select_n3A_486 = arith.select %gt3A_484, %select_n3A_456, %select_n3A_483 : vector<16xi1>, vector<16xf32>
        %scan3A_487 = arith.constant 3 : i32
        %scan3A_488 = arith.addi %scan3A_395, %scan3A_487 : i32
        %add3A_489 = vector.broadcast %scan3A_488 : i32 to vector<16xi32>
        %add3A_490 = arith.addi %mul3A_340, %add3A_489 : vector<16xi32>
        %gather3A_491 = tpu.vector_load_idx %arg5[%add3A_490, %iota3A_310] : memref<2048x16xf32, #tpu.memory_space<vmem>>[vector<16xi32>, vector<16xi32>], vector<16xf32>,
        %gt3A_492 = arith.cmpf ogt, %gather3A_491, %select_n3A_464 : vector<16xf32>
        %select_n3A_493 = arith.select %gt3A_492, %gather3A_491, %select_n3A_464 : vector<16xi1>, vector<16xf32>
        %select_n3A_494 = arith.select %gt3A_492, %select_n3A_464, %gather3A_491 : vector<16xi1>, vector<16xf32>
        %gt3A_495 = arith.cmpf ogt, %select_n3A_494, %select_n3A_467 : vector<16xf32>
        %select_n3A_496 = arith.select %gt3A_495, %select_n3A_494, %select_n3A_467 : vector<16xi1>, vector<16xf32>
        %select_n3A_497 = arith.select %gt3A_495, %select_n3A_467, %select_n3A_494 : vector<16xi1>, vector<16xf32>
        %gt3A_498 = arith.cmpf ogt, %select_n3A_497, %select_n3A_470 : vector<16xf32>
        %select_n3A_499 = arith.select %gt3A_498, %select_n3A_497, %select_n3A_470 : vector<16xi1>, vector<16xf32>
        %select_n3A_500 = arith.select %gt3A_498, %select_n3A_470, %select_n3A_497 : vector<16xi1>, vector<16xf32>
        %gt3A_501 = arith.cmpf ogt, %select_n3A_500, %select_n3A_473 : vector<16xf32>
        %select_n3A_502 = arith.select %gt3A_501, %select_n3A_500, %select_n3A_473 : vector<16xi1>, vector<16xf32>
        %select_n3A_503 = arith.select %gt3A_501, %select_n3A_473, %select_n3A_500 : vector<16xi1>, vector<16xf32>
        %gt3A_504 = arith.cmpf ogt, %select_n3A_503, %select_n3A_476 : vector<16xf32>
        %select_n3A_505 = arith.select %gt3A_504, %select_n3A_503, %select_n3A_476 : vector<16xi1>, vector<16xf32>
        %select_n3A_506 = arith.select %gt3A_504, %select_n3A_476, %select_n3A_503 : vector<16xi1>, vector<16xf32>
        %gt3A_507 = arith.cmpf ogt, %select_n3A_506, %select_n3A_479 : vector<16xf32>
        %select_n3A_508 = arith.select %gt3A_507, %select_n3A_506, %select_n3A_479 : vector<16xi1>, vector<16xf32>
        %select_n3A_509 = arith.select %gt3A_507, %select_n3A_479, %select_n3A_506 : vector<16xi1>, vector<16xf32>
        %gt3A_510 = arith.cmpf ogt, %select_n3A_509, %select_n3A_482 : vector<16xf32>
        %select_n3A_511 = arith.select %gt3A_510, %select_n3A_509, %select_n3A_482 : vector<16xi1>, vector<16xf32>
        %select_n3A_512 = arith.select %gt3A_510, %select_n3A_482, %select_n3A_509 : vector<16xi1>, vector<16xf32>
        %gt3A_513 = arith.cmpf ogt, %select_n3A_512, %select_n3A_485 : vector<16xf32>
        %select_n3A_514 = arith.select %gt3A_513, %select_n3A_512, %select_n3A_485 : vector<16xi1>, vector<16xf32>
        %select_n3A_515 = arith.select %gt3A_513, %select_n3A_485, %select_n3A_512 : vector<16xi1>, vector<16xf32>
        scf.yield %select_n3A_493, %select_n3A_496, %select_n3A_499, %select_n3A_502, %select_n3A_505, %select_n3A_508, %select_n3A_511, %select_n3A_514 : vector<16xf32>, vector<16xf32>, vector<16xf32>, vector<16xf32>, vector<16xf32>, vector<16xf32>, vector<16xf32>, vector<16xf32>
      }
      %scan3A_346 = arith.constant 16 : i32
      %mul3A_347 = arith.constant 16 : i32
      %mul3A_348 = vector.broadcast %mul3A_347 : i32 to vector<16xi32>
      %mul3A_349 = arith.muli %and3A_273, %mul3A_348 : vector<16xi32>
      %scan3A_350 = arith.constant 0 : i32
      %scan3A_351 = arith.constant 16 : i32
      %scan3A_352 = arith.addi %scan3A_350, %scan3A_351 : i32
      %scan3A_353 = arith.constant 4 : i32
      %scan3A_354:8 = scf.for %scan3A_395 = %scan3A_350 to %scan3A_352 step %scan3A_353 iter_args(%scan3A_396 = %scan3A_345#0, %scan3A_397 = %scan3A_345#1, %scan3A_398 = %scan3A_345#2, %scan3A_399 = %scan3A_345#3, %scan3A_400 = %scan3A_345#4, %scan3A_401 = %scan3A_345#5, %scan3A_402 = %scan3A_345#6, %scan3A_403 = %scan3A_345#7) -> (vector<16xf32>, vector<16xf32>, vector<16xf32>, vector<16xf32>, vector<16xf32>, vector<16xf32>, vector<16xf32>, vector<16xf32>)  : i32 {
        %add3A_404 = vector.broadcast %scan3A_395 : i32 to vector<16xi32>
        %add3A_405 = arith.addi %mul3A_349, %add3A_404 : vector<16xi32>
        %gather3A = tpu.vector_load_idx %arg5[%add3A_405, %iota3A_310] : memref<2048x16xf32, #tpu.memory_space<vmem>>[vector<16xi32>, vector<16xi32>], vector<16xf32>,
        %gt3A = arith.cmpf ogt, %gather3A, %scan3A_396 : vector<16xf32>
        %select_n3A_406 = arith.select %gt3A, %gather3A, %scan3A_396 : vector<16xi1>, vector<16xf32>
        %select_n3A_407 = arith.select %gt3A, %scan3A_396, %gather3A : vector<16xi1>, vector<16xf32>
        %gt3A_408 = arith.cmpf ogt, %select_n3A_407, %scan3A_397 : vector<16xf32>
        %select_n3A_409 = arith.select %gt3A_408, %select_n3A_407, %scan3A_397 : vector<16xi1>, vector<16xf32>
        %select_n3A_410 = arith.select %gt3A_408, %scan3A_397, %select_n3A_407 : vector<16xi1>, vector<16xf32>
        %gt3A_411 = arith.cmpf ogt, %select_n3A_410, %scan3A_398 : vector<16xf32>
        %select_n3A_412 = arith.select %gt3A_411, %select_n3A_410, %scan3A_398 : vector<16xi1>, vector<16xf32>
        %select_n3A_413 = arith.select %gt3A_411, %scan3A_398, %select_n3A_410 : vector<16xi1>, vector<16xf32>
        %gt3A_414 = arith.cmpf ogt, %select_n3A_413, %scan3A_399 : vector<16xf32>
        %select_n3A_415 = arith.select %gt3A_414, %select_n3A_413, %scan3A_399 : vector<16xi1>, vector<16xf32>
        %select_n3A_416 = arith.select %gt3A_414, %scan3A_399, %select_n3A_413 : vector<16xi1>, vector<16xf32>
        %gt3A_417 = arith.cmpf ogt, %select_n3A_416, %scan3A_400 : vector<16xf32>
        %select_n3A_418 = arith.select %gt3A_417, %select_n3A_416, %scan3A_400 : vector<16xi1>, vector<16xf32>
        %select_n3A_419 = arith.select %gt3A_417, %scan3A_400, %select_n3A_416 : vector<16xi1>, vector<16xf32>
        %gt3A_420 = arith.cmpf ogt, %select_n3A_419, %scan3A_401 : vector<16xf32>
        %select_n3A_421 = arith.select %gt3A_420, %select_n3A_419, %scan3A_401 : vector<16xi1>, vector<16xf32>
        %select_n3A_422 = arith.select %gt3A_420, %scan3A_401, %select_n3A_419 : vector<16xi1>, vector<16xf32>
        %gt3A_423 = arith.cmpf ogt, %select_n3A_422, %scan3A_402 : vector<16xf32>
        %select_n3A_424 = arith.select %gt3A_423, %select_n3A_422, %scan3A_402 : vector<16xi1>, vector<16xf32>
        %select_n3A_425 = arith.select %gt3A_423, %scan3A_402, %select_n3A_422 : vector<16xi1>, vector<16xf32>
        %gt3A_426 = arith.cmpf ogt, %select_n3A_425, %scan3A_403 : vector<16xf32>
        %select_n3A_427 = arith.select %gt3A_426, %select_n3A_425, %scan3A_403 : vector<16xi1>, vector<16xf32>
        %select_n3A_428 = arith.select %gt3A_426, %scan3A_403, %select_n3A_425 : vector<16xi1>, vector<16xf32>
        %scan3A_429 = arith.constant 1 : i32
        %scan3A_430 = arith.addi %scan3A_395, %scan3A_429 : i32
        %add3A_431 = vector.broadcast %scan3A_430 : i32 to vector<16xi32>
        %add3A_432 = arith.addi %mul3A_349, %add3A_431 : vector<16xi32>
        %gather3A_433 = tpu.vector_load_idx %arg5[%add3A_432, %iota3A_310] : memref<2048x16xf32, #tpu.memory_space<vmem>>[vector<16xi32>, vector<16xi32>], vector<16xf32>,
        %gt3A_434 = arith.cmpf ogt, %gather3A_433, %select_n3A_406 : vector<16xf32>
        %select_n3A_435 = arith.select %gt3A_434, %gather3A_433, %select_n3A_406 : vector<16xi1>, vector<16xf32>
        %select_n3A_436 = arith.select %gt3A_434, %select_n3A_406, %gather3A_433 : vector<16xi1>, vector<16xf32>
        %gt3A_437 = arith.cmpf ogt, %select_n3A_436, %select_n3A_409 : vector<16xf32>
        %select_n3A_438 = arith.select %gt3A_437, %select_n3A_436, %select_n3A_409 : vector<16xi1>, vector<16xf32>
        %select_n3A_439 = arith.select %gt3A_437, %select_n3A_409, %select_n3A_436 : vector<16xi1>, vector<16xf32>
        %gt3A_440 = arith.cmpf ogt, %select_n3A_439, %select_n3A_412 : vector<16xf32>
        %select_n3A_441 = arith.select %gt3A_440, %select_n3A_439, %select_n3A_412 : vector<16xi1>, vector<16xf32>
        %select_n3A_442 = arith.select %gt3A_440, %select_n3A_412, %select_n3A_439 : vector<16xi1>, vector<16xf32>
        %gt3A_443 = arith.cmpf ogt, %select_n3A_442, %select_n3A_415 : vector<16xf32>
        %select_n3A_444 = arith.select %gt3A_443, %select_n3A_442, %select_n3A_415 : vector<16xi1>, vector<16xf32>
        %select_n3A_445 = arith.select %gt3A_443, %select_n3A_415, %select_n3A_442 : vector<16xi1>, vector<16xf32>
        %gt3A_446 = arith.cmpf ogt, %select_n3A_445, %select_n3A_418 : vector<16xf32>
        %select_n3A_447 = arith.select %gt3A_446, %select_n3A_445, %select_n3A_418 : vector<16xi1>, vector<16xf32>
        %select_n3A_448 = arith.select %gt3A_446, %select_n3A_418, %select_n3A_445 : vector<16xi1>, vector<16xf32>
        %gt3A_449 = arith.cmpf ogt, %select_n3A_448, %select_n3A_421 : vector<16xf32>
        %select_n3A_450 = arith.select %gt3A_449, %select_n3A_448, %select_n3A_421 : vector<16xi1>, vector<16xf32>
        %select_n3A_451 = arith.select %gt3A_449, %select_n3A_421, %select_n3A_448 : vector<16xi1>, vector<16xf32>
        %gt3A_452 = arith.cmpf ogt, %select_n3A_451, %select_n3A_424 : vector<16xf32>
        %select_n3A_453 = arith.select %gt3A_452, %select_n3A_451, %select_n3A_424 : vector<16xi1>, vector<16xf32>
        %select_n3A_454 = arith.select %gt3A_452, %select_n3A_424, %select_n3A_451 : vector<16xi1>, vector<16xf32>
        %gt3A_455 = arith.cmpf ogt, %select_n3A_454, %select_n3A_427 : vector<16xf32>
        %select_n3A_456 = arith.select %gt3A_455, %select_n3A_454, %select_n3A_427 : vector<16xi1>, vector<16xf32>
        %select_n3A_457 = arith.select %gt3A_455, %select_n3A_427, %select_n3A_454 : vector<16xi1>, vector<16xf32>
        %scan3A_458 = arith.constant 2 : i32
        %scan3A_459 = arith.addi %scan3A_395, %scan3A_458 : i32
        %add3A_460 = vector.broadcast %scan3A_459 : i32 to vector<16xi32>
        %add3A_461 = arith.addi %mul3A_349, %add3A_460 : vector<16xi32>
        %gather3A_462 = tpu.vector_load_idx %arg5[%add3A_461, %iota3A_310] : memref<2048x16xf32, #tpu.memory_space<vmem>>[vector<16xi32>, vector<16xi32>], vector<16xf32>,
        %gt3A_463 = arith.cmpf ogt, %gather3A_462, %select_n3A_435 : vector<16xf32>
        %select_n3A_464 = arith.select %gt3A_463, %gather3A_462, %select_n3A_435 : vector<16xi1>, vector<16xf32>
        %select_n3A_465 = arith.select %gt3A_463, %select_n3A_435, %gather3A_462 : vector<16xi1>, vector<16xf32>
        %gt3A_466 = arith.cmpf ogt, %select_n3A_465, %select_n3A_438 : vector<16xf32>
        %select_n3A_467 = arith.select %gt3A_466, %select_n3A_465, %select_n3A_438 : vector<16xi1>, vector<16xf32>
        %select_n3A_468 = arith.select %gt3A_466, %select_n3A_438, %select_n3A_465 : vector<16xi1>, vector<16xf32>
        %gt3A_469 = arith.cmpf ogt, %select_n3A_468, %select_n3A_441 : vector<16xf32>
        %select_n3A_470 = arith.select %gt3A_469, %select_n3A_468, %select_n3A_441 : vector<16xi1>, vector<16xf32>
        %select_n3A_471 = arith.select %gt3A_469, %select_n3A_441, %select_n3A_468 : vector<16xi1>, vector<16xf32>
        %gt3A_472 = arith.cmpf ogt, %select_n3A_471, %select_n3A_444 : vector<16xf32>
        %select_n3A_473 = arith.select %gt3A_472, %select_n3A_471, %select_n3A_444 : vector<16xi1>, vector<16xf32>
        %select_n3A_474 = arith.select %gt3A_472, %select_n3A_444, %select_n3A_471 : vector<16xi1>, vector<16xf32>
        %gt3A_475 = arith.cmpf ogt, %select_n3A_474, %select_n3A_447 : vector<16xf32>
        %select_n3A_476 = arith.select %gt3A_475, %select_n3A_474, %select_n3A_447 : vector<16xi1>, vector<16xf32>
        %select_n3A_477 = arith.select %gt3A_475, %select_n3A_447, %select_n3A_474 : vector<16xi1>, vector<16xf32>
        %gt3A_478 = arith.cmpf ogt, %select_n3A_477, %select_n3A_450 : vector<16xf32>
        %select_n3A_479 = arith.select %gt3A_478, %select_n3A_477, %select_n3A_450 : vector<16xi1>, vector<16xf32>
        %select_n3A_480 = arith.select %gt3A_478, %select_n3A_450, %select_n3A_477 : vector<16xi1>, vector<16xf32>
        %gt3A_481 = arith.cmpf ogt, %select_n3A_480, %select_n3A_453 : vector<16xf32>
        %select_n3A_482 = arith.select %gt3A_481, %select_n3A_480, %select_n3A_453 : vector<16xi1>, vector<16xf32>
        %select_n3A_483 = arith.select %gt3A_481, %select_n3A_453, %select_n3A_480 : vector<16xi1>, vector<16xf32>
        %gt3A_484 = arith.cmpf ogt, %select_n3A_483, %select_n3A_456 : vector<16xf32>
        %select_n3A_485 = arith.select %gt3A_484, %select_n3A_483, %select_n3A_456 : vector<16xi1>, vector<16xf32>
        %select_n3A_486 = arith.select %gt3A_484, %select_n3A_456, %select_n3A_483 : vector<16xi1>, vector<16xf32>
        %scan3A_487 = arith.constant 3 : i32
        %scan3A_488 = arith.addi %scan3A_395, %scan3A_487 : i32
        %add3A_489 = vector.broadcast %scan3A_488 : i32 to vector<16xi32>
        %add3A_490 = arith.addi %mul3A_349, %add3A_489 : vector<16xi32>
        %gather3A_491 = tpu.vector_load_idx %arg5[%add3A_490, %iota3A_310] : memref<2048x16xf32, #tpu.memory_space<vmem>>[vector<16xi32>, vector<16xi32>], vector<16xf32>,
        %gt3A_492 = arith.cmpf ogt, %gather3A_491, %select_n3A_464 : vector<16xf32>
        %select_n3A_493 = arith.select %gt3A_492, %gather3A_491, %select_n3A_464 : vector<16xi1>, vector<16xf32>
        %select_n3A_494 = arith.select %gt3A_492, %select_n3A_464, %gather3A_491 : vector<16xi1>, vector<16xf32>
        %gt3A_495 = arith.cmpf ogt, %select_n3A_494, %select_n3A_467 : vector<16xf32>
        %select_n3A_496 = arith.select %gt3A_495, %select_n3A_494, %select_n3A_467 : vector<16xi1>, vector<16xf32>
        %select_n3A_497 = arith.select %gt3A_495, %select_n3A_467, %select_n3A_494 : vector<16xi1>, vector<16xf32>
        %gt3A_498 = arith.cmpf ogt, %select_n3A_497, %select_n3A_470 : vector<16xf32>
        %select_n3A_499 = arith.select %gt3A_498, %select_n3A_497, %select_n3A_470 : vector<16xi1>, vector<16xf32>
        %select_n3A_500 = arith.select %gt3A_498, %select_n3A_470, %select_n3A_497 : vector<16xi1>, vector<16xf32>
        %gt3A_501 = arith.cmpf ogt, %select_n3A_500, %select_n3A_473 : vector<16xf32>
        %select_n3A_502 = arith.select %gt3A_501, %select_n3A_500, %select_n3A_473 : vector<16xi1>, vector<16xf32>
        %select_n3A_503 = arith.select %gt3A_501, %select_n3A_473, %select_n3A_500 : vector<16xi1>, vector<16xf32>
        %gt3A_504 = arith.cmpf ogt, %select_n3A_503, %select_n3A_476 : vector<16xf32>
        %select_n3A_505 = arith.select %gt3A_504, %select_n3A_503, %select_n3A_476 : vector<16xi1>, vector<16xf32>
        %select_n3A_506 = arith.select %gt3A_504, %select_n3A_476, %select_n3A_503 : vector<16xi1>, vector<16xf32>
        %gt3A_507 = arith.cmpf ogt, %select_n3A_506, %select_n3A_479 : vector<16xf32>
        %select_n3A_508 = arith.select %gt3A_507, %select_n3A_506, %select_n3A_479 : vector<16xi1>, vector<16xf32>
        %select_n3A_509 = arith.select %gt3A_507, %select_n3A_479, %select_n3A_506 : vector<16xi1>, vector<16xf32>
        %gt3A_510 = arith.cmpf ogt, %select_n3A_509, %select_n3A_482 : vector<16xf32>
        %select_n3A_511 = arith.select %gt3A_510, %select_n3A_509, %select_n3A_482 : vector<16xi1>, vector<16xf32>
        %select_n3A_512 = arith.select %gt3A_510, %select_n3A_482, %select_n3A_509 : vector<16xi1>, vector<16xf32>
        %gt3A_513 = arith.cmpf ogt, %select_n3A_512, %select_n3A_485 : vector<16xf32>
        %select_n3A_514 = arith.select %gt3A_513, %select_n3A_512, %select_n3A_485 : vector<16xi1>, vector<16xf32>
        %select_n3A_515 = arith.select %gt3A_513, %select_n3A_485, %select_n3A_512 : vector<16xi1>, vector<16xf32>
        scf.yield %select_n3A_493, %select_n3A_496, %select_n3A_499, %select_n3A_502, %select_n3A_505, %select_n3A_508, %select_n3A_511, %select_n3A_514 : vector<16xf32>, vector<16xf32>, vector<16xf32>, vector<16xf32>, vector<16xf32>, vector<16xf32>, vector<16xf32>, vector<16xf32>
      }
      %scan3A_355 = arith.constant 16 : i32
      %mul3A_356 = arith.constant 16 : i32
      %mul3A_357 = vector.broadcast %mul3A_356 : i32 to vector<16xi32>
      %mul3A_358 = arith.muli %and3A_276, %mul3A_357 : vector<16xi32>
      %scan3A_359 = arith.constant 0 : i32
      %scan3A_360 = arith.constant 16 : i32
      %scan3A_361 = arith.addi %scan3A_359, %scan3A_360 : i32
      %scan3A_362 = arith.constant 4 : i32
      %scan3A_363:8 = scf.for %scan3A_395 = %scan3A_359 to %scan3A_361 step %scan3A_362 iter_args(%scan3A_396 = %scan3A_354#0, %scan3A_397 = %scan3A_354#1, %scan3A_398 = %scan3A_354#2, %scan3A_399 = %scan3A_354#3, %scan3A_400 = %scan3A_354#4, %scan3A_401 = %scan3A_354#5, %scan3A_402 = %scan3A_354#6, %scan3A_403 = %scan3A_354#7) -> (vector<16xf32>, vector<16xf32>, vector<16xf32>, vector<16xf32>, vector<16xf32>, vector<16xf32>, vector<16xf32>, vector<16xf32>)  : i32 {
        %add3A_404 = vector.broadcast %scan3A_395 : i32 to vector<16xi32>
        %add3A_405 = arith.addi %mul3A_358, %add3A_404 : vector<16xi32>
        %gather3A = tpu.vector_load_idx %arg5[%add3A_405, %iota3A_310] : memref<2048x16xf32, #tpu.memory_space<vmem>>[vector<16xi32>, vector<16xi32>], vector<16xf32>,
        %gt3A = arith.cmpf ogt, %gather3A, %scan3A_396 : vector<16xf32>
        %select_n3A_406 = arith.select %gt3A, %gather3A, %scan3A_396 : vector<16xi1>, vector<16xf32>
        %select_n3A_407 = arith.select %gt3A, %scan3A_396, %gather3A : vector<16xi1>, vector<16xf32>
        %gt3A_408 = arith.cmpf ogt, %select_n3A_407, %scan3A_397 : vector<16xf32>
        %select_n3A_409 = arith.select %gt3A_408, %select_n3A_407, %scan3A_397 : vector<16xi1>, vector<16xf32>
        %select_n3A_410 = arith.select %gt3A_408, %scan3A_397, %select_n3A_407 : vector<16xi1>, vector<16xf32>
        %gt3A_411 = arith.cmpf ogt, %select_n3A_410, %scan3A_398 : vector<16xf32>
        %select_n3A_412 = arith.select %gt3A_411, %select_n3A_410, %scan3A_398 : vector<16xi1>, vector<16xf32>
        %select_n3A_413 = arith.select %gt3A_411, %scan3A_398, %select_n3A_410 : vector<16xi1>, vector<16xf32>
        %gt3A_414 = arith.cmpf ogt, %select_n3A_413, %scan3A_399 : vector<16xf32>
        %select_n3A_415 = arith.select %gt3A_414, %select_n3A_413, %scan3A_399 : vector<16xi1>, vector<16xf32>
        %select_n3A_416 = arith.select %gt3A_414, %scan3A_399, %select_n3A_413 : vector<16xi1>, vector<16xf32>
        %gt3A_417 = arith.cmpf ogt, %select_n3A_416, %scan3A_400 : vector<16xf32>
        %select_n3A_418 = arith.select %gt3A_417, %select_n3A_416, %scan3A_400 : vector<16xi1>, vector<16xf32>
        %select_n3A_419 = arith.select %gt3A_417, %scan3A_400, %select_n3A_416 : vector<16xi1>, vector<16xf32>
        %gt3A_420 = arith.cmpf ogt, %select_n3A_419, %scan3A_401 : vector<16xf32>
        %select_n3A_421 = arith.select %gt3A_420, %select_n3A_419, %scan3A_401 : vector<16xi1>, vector<16xf32>
        %select_n3A_422 = arith.select %gt3A_420, %scan3A_401, %select_n3A_419 : vector<16xi1>, vector<16xf32>
        %gt3A_423 = arith.cmpf ogt, %select_n3A_422, %scan3A_402 : vector<16xf32>
        %select_n3A_424 = arith.select %gt3A_423, %select_n3A_422, %scan3A_402 : vector<16xi1>, vector<16xf32>
        %select_n3A_425 = arith.select %gt3A_423, %scan3A_402, %select_n3A_422 : vector<16xi1>, vector<16xf32>
        %gt3A_426 = arith.cmpf ogt, %select_n3A_425, %scan3A_403 : vector<16xf32>
        %select_n3A_427 = arith.select %gt3A_426, %select_n3A_425, %scan3A_403 : vector<16xi1>, vector<16xf32>
        %select_n3A_428 = arith.select %gt3A_426, %scan3A_403, %select_n3A_425 : vector<16xi1>, vector<16xf32>
        %scan3A_429 = arith.constant 1 : i32
        %scan3A_430 = arith.addi %scan3A_395, %scan3A_429 : i32
        %add3A_431 = vector.broadcast %scan3A_430 : i32 to vector<16xi32>
        %add3A_432 = arith.addi %mul3A_358, %add3A_431 : vector<16xi32>
        %gather3A_433 = tpu.vector_load_idx %arg5[%add3A_432, %iota3A_310] : memref<2048x16xf32, #tpu.memory_space<vmem>>[vector<16xi32>, vector<16xi32>], vector<16xf32>,
        %gt3A_434 = arith.cmpf ogt, %gather3A_433, %select_n3A_406 : vector<16xf32>
        %select_n3A_435 = arith.select %gt3A_434, %gather3A_433, %select_n3A_406 : vector<16xi1>, vector<16xf32>
        %select_n3A_436 = arith.select %gt3A_434, %select_n3A_406, %gather3A_433 : vector<16xi1>, vector<16xf32>
        %gt3A_437 = arith.cmpf ogt, %select_n3A_436, %select_n3A_409 : vector<16xf32>
        %select_n3A_438 = arith.select %gt3A_437, %select_n3A_436, %select_n3A_409 : vector<16xi1>, vector<16xf32>
        %select_n3A_439 = arith.select %gt3A_437, %select_n3A_409, %select_n3A_436 : vector<16xi1>, vector<16xf32>
        %gt3A_440 = arith.cmpf ogt, %select_n3A_439, %select_n3A_412 : vector<16xf32>
        %select_n3A_441 = arith.select %gt3A_440, %select_n3A_439, %select_n3A_412 : vector<16xi1>, vector<16xf32>
        %select_n3A_442 = arith.select %gt3A_440, %select_n3A_412, %select_n3A_439 : vector<16xi1>, vector<16xf32>
        %gt3A_443 = arith.cmpf ogt, %select_n3A_442, %select_n3A_415 : vector<16xf32>
        %select_n3A_444 = arith.select %gt3A_443, %select_n3A_442, %select_n3A_415 : vector<16xi1>, vector<16xf32>
        %select_n3A_445 = arith.select %gt3A_443, %select_n3A_415, %select_n3A_442 : vector<16xi1>, vector<16xf32>
        %gt3A_446 = arith.cmpf ogt, %select_n3A_445, %select_n3A_418 : vector<16xf32>
        %select_n3A_447 = arith.select %gt3A_446, %select_n3A_445, %select_n3A_418 : vector<16xi1>, vector<16xf32>
        %select_n3A_448 = arith.select %gt3A_446, %select_n3A_418, %select_n3A_445 : vector<16xi1>, vector<16xf32>
        %gt3A_449 = arith.cmpf ogt, %select_n3A_448, %select_n3A_421 : vector<16xf32>
        %select_n3A_450 = arith.select %gt3A_449, %select_n3A_448, %select_n3A_421 : vector<16xi1>, vector<16xf32>
        %select_n3A_451 = arith.select %gt3A_449, %select_n3A_421, %select_n3A_448 : vector<16xi1>, vector<16xf32>
        %gt3A_452 = arith.cmpf ogt, %select_n3A_451, %select_n3A_424 : vector<16xf32>
        %select_n3A_453 = arith.select %gt3A_452, %select_n3A_451, %select_n3A_424 : vector<16xi1>, vector<16xf32>
        %select_n3A_454 = arith.select %gt3A_452, %select_n3A_424, %select_n3A_451 : vector<16xi1>, vector<16xf32>
        %gt3A_455 = arith.cmpf ogt, %select_n3A_454, %select_n3A_427 : vector<16xf32>
        %select_n3A_456 = arith.select %gt3A_455, %select_n3A_454, %select_n3A_427 : vector<16xi1>, vector<16xf32>
        %select_n3A_457 = arith.select %gt3A_455, %select_n3A_427, %select_n3A_454 : vector<16xi1>, vector<16xf32>
        %scan3A_458 = arith.constant 2 : i32
        %scan3A_459 = arith.addi %scan3A_395, %scan3A_458 : i32
        %add3A_460 = vector.broadcast %scan3A_459 : i32 to vector<16xi32>
        %add3A_461 = arith.addi %mul3A_358, %add3A_460 : vector<16xi32>
        %gather3A_462 = tpu.vector_load_idx %arg5[%add3A_461, %iota3A_310] : memref<2048x16xf32, #tpu.memory_space<vmem>>[vector<16xi32>, vector<16xi32>], vector<16xf32>,
        %gt3A_463 = arith.cmpf ogt, %gather3A_462, %select_n3A_435 : vector<16xf32>
        %select_n3A_464 = arith.select %gt3A_463, %gather3A_462, %select_n3A_435 : vector<16xi1>, vector<16xf32>
        %select_n3A_465 = arith.select %gt3A_463, %select_n3A_435, %gather3A_462 : vector<16xi1>, vector<16xf32>
        %gt3A_466 = arith.cmpf ogt, %select_n3A_465, %select_n3A_438 : vector<16xf32>
        %select_n3A_467 = arith.select %gt3A_466, %select_n3A_465, %select_n3A_438 : vector<16xi1>, vector<16xf32>
        %select_n3A_468 = arith.select %gt3A_466, %select_n3A_438, %select_n3A_465 : vector<16xi1>, vector<16xf32>
        %gt3A_469 = arith.cmpf ogt, %select_n3A_468, %select_n3A_441 : vector<16xf32>
        %select_n3A_470 = arith.select %gt3A_469, %select_n3A_468, %select_n3A_441 : vector<16xi1>, vector<16xf32>
        %select_n3A_471 = arith.select %gt3A_469, %select_n3A_441, %select_n3A_468 : vector<16xi1>, vector<16xf32>
        %gt3A_472 = arith.cmpf ogt, %select_n3A_471, %select_n3A_444 : vector<16xf32>
        %select_n3A_473 = arith.select %gt3A_472, %select_n3A_471, %select_n3A_444 : vector<16xi1>, vector<16xf32>
        %select_n3A_474 = arith.select %gt3A_472, %select_n3A_444, %select_n3A_471 : vector<16xi1>, vector<16xf32>
        %gt3A_475 = arith.cmpf ogt, %select_n3A_474, %select_n3A_447 : vector<16xf32>
        %select_n3A_476 = arith.select %gt3A_475, %select_n3A_474, %select_n3A_447 : vector<16xi1>, vector<16xf32>
        %select_n3A_477 = arith.select %gt3A_475, %select_n3A_447, %select_n3A_474 : vector<16xi1>, vector<16xf32>
        %gt3A_478 = arith.cmpf ogt, %select_n3A_477, %select_n3A_450 : vector<16xf32>
        %select_n3A_479 = arith.select %gt3A_478, %select_n3A_477, %select_n3A_450 : vector<16xi1>, vector<16xf32>
        %select_n3A_480 = arith.select %gt3A_478, %select_n3A_450, %select_n3A_477 : vector<16xi1>, vector<16xf32>
        %gt3A_481 = arith.cmpf ogt, %select_n3A_480, %select_n3A_453 : vector<16xf32>
        %select_n3A_482 = arith.select %gt3A_481, %select_n3A_480, %select_n3A_453 : vector<16xi1>, vector<16xf32>
        %select_n3A_483 = arith.select %gt3A_481, %select_n3A_453, %select_n3A_480 : vector<16xi1>, vector<16xf32>
        %gt3A_484 = arith.cmpf ogt, %select_n3A_483, %select_n3A_456 : vector<16xf32>
        %select_n3A_485 = arith.select %gt3A_484, %select_n3A_483, %select_n3A_456 : vector<16xi1>, vector<16xf32>
        %select_n3A_486 = arith.select %gt3A_484, %select_n3A_456, %select_n3A_483 : vector<16xi1>, vector<16xf32>
        %scan3A_487 = arith.constant 3 : i32
        %scan3A_488 = arith.addi %scan3A_395, %scan3A_487 : i32
        %add3A_489 = vector.broadcast %scan3A_488 : i32 to vector<16xi32>
        %add3A_490 = arith.addi %mul3A_358, %add3A_489 : vector<16xi32>
        %gather3A_491 = tpu.vector_load_idx %arg5[%add3A_490, %iota3A_310] : memref<2048x16xf32, #tpu.memory_space<vmem>>[vector<16xi32>, vector<16xi32>], vector<16xf32>,
        %gt3A_492 = arith.cmpf ogt, %gather3A_491, %select_n3A_464 : vector<16xf32>
        %select_n3A_493 = arith.select %gt3A_492, %gather3A_491, %select_n3A_464 : vector<16xi1>, vector<16xf32>
        %select_n3A_494 = arith.select %gt3A_492, %select_n3A_464, %gather3A_491 : vector<16xi1>, vector<16xf32>
        %gt3A_495 = arith.cmpf ogt, %select_n3A_494, %select_n3A_467 : vector<16xf32>
        %select_n3A_496 = arith.select %gt3A_495, %select_n3A_494, %select_n3A_467 : vector<16xi1>, vector<16xf32>
        %select_n3A_497 = arith.select %gt3A_495, %select_n3A_467, %select_n3A_494 : vector<16xi1>, vector<16xf32>
        %gt3A_498 = arith.cmpf ogt, %select_n3A_497, %select_n3A_470 : vector<16xf32>
        %select_n3A_499 = arith.select %gt3A_498, %select_n3A_497, %select_n3A_470 : vector<16xi1>, vector<16xf32>
        %select_n3A_500 = arith.select %gt3A_498, %select_n3A_470, %select_n3A_497 : vector<16xi1>, vector<16xf32>
        %gt3A_501 = arith.cmpf ogt, %select_n3A_500, %select_n3A_473 : vector<16xf32>
        %select_n3A_502 = arith.select %gt3A_501, %select_n3A_500, %select_n3A_473 : vector<16xi1>, vector<16xf32>
        %select_n3A_503 = arith.select %gt3A_501, %select_n3A_473, %select_n3A_500 : vector<16xi1>, vector<16xf32>
        %gt3A_504 = arith.cmpf ogt, %select_n3A_503, %select_n3A_476 : vector<16xf32>
        %select_n3A_505 = arith.select %gt3A_504, %select_n3A_503, %select_n3A_476 : vector<16xi1>, vector<16xf32>
        %select_n3A_506 = arith.select %gt3A_504, %select_n3A_476, %select_n3A_503 : vector<16xi1>, vector<16xf32>
        %gt3A_507 = arith.cmpf ogt, %select_n3A_506, %select_n3A_479 : vector<16xf32>
        %select_n3A_508 = arith.select %gt3A_507, %select_n3A_506, %select_n3A_479 : vector<16xi1>, vector<16xf32>
        %select_n3A_509 = arith.select %gt3A_507, %select_n3A_479, %select_n3A_506 : vector<16xi1>, vector<16xf32>
        %gt3A_510 = arith.cmpf ogt, %select_n3A_509, %select_n3A_482 : vector<16xf32>
        %select_n3A_511 = arith.select %gt3A_510, %select_n3A_509, %select_n3A_482 : vector<16xi1>, vector<16xf32>
        %select_n3A_512 = arith.select %gt3A_510, %select_n3A_482, %select_n3A_509 : vector<16xi1>, vector<16xf32>
        %gt3A_513 = arith.cmpf ogt, %select_n3A_512, %select_n3A_485 : vector<16xf32>
        %select_n3A_514 = arith.select %gt3A_513, %select_n3A_512, %select_n3A_485 : vector<16xi1>, vector<16xf32>
        %select_n3A_515 = arith.select %gt3A_513, %select_n3A_485, %select_n3A_512 : vector<16xi1>, vector<16xf32>
        scf.yield %select_n3A_493, %select_n3A_496, %select_n3A_499, %select_n3A_502, %select_n3A_505, %select_n3A_508, %select_n3A_511, %select_n3A_514 : vector<16xf32>, vector<16xf32>, vector<16xf32>, vector<16xf32>, vector<16xf32>, vector<16xf32>, vector<16xf32>, vector<16xf32>
      }
      %scan3A_364 = arith.constant 16 : i32
      %mul3A_365 = arith.constant 16 : i32
      %mul3A_366 = vector.broadcast %mul3A_365 : i32 to vector<16xi32>
      %mul3A_367 = arith.muli %and3A_279, %mul3A_366 : vector<16xi32>
      %scan3A_368 = arith.constant 0 : i32
      %scan3A_369 = arith.constant 16 : i32
      %scan3A_370 = arith.addi %scan3A_368, %scan3A_369 : i32
      %scan3A_371 = arith.constant 4 : i32
      %scan3A_372:8 = scf.for %scan3A_395 = %scan3A_368 to %scan3A_370 step %scan3A_371 iter_args(%scan3A_396 = %scan3A_363#0, %scan3A_397 = %scan3A_363#1, %scan3A_398 = %scan3A_363#2, %scan3A_399 = %scan3A_363#3, %scan3A_400 = %scan3A_363#4, %scan3A_401 = %scan3A_363#5, %scan3A_402 = %scan3A_363#6, %scan3A_403 = %scan3A_363#7) -> (vector<16xf32>, vector<16xf32>, vector<16xf32>, vector<16xf32>, vector<16xf32>, vector<16xf32>, vector<16xf32>, vector<16xf32>)  : i32 {
        %add3A_404 = vector.broadcast %scan3A_395 : i32 to vector<16xi32>
        %add3A_405 = arith.addi %mul3A_367, %add3A_404 : vector<16xi32>
        %gather3A = tpu.vector_load_idx %arg5[%add3A_405, %iota3A_310] : memref<2048x16xf32, #tpu.memory_space<vmem>>[vector<16xi32>, vector<16xi32>], vector<16xf32>,
        %gt3A = arith.cmpf ogt, %gather3A, %scan3A_396 : vector<16xf32>
        %select_n3A_406 = arith.select %gt3A, %gather3A, %scan3A_396 : vector<16xi1>, vector<16xf32>
        %select_n3A_407 = arith.select %gt3A, %scan3A_396, %gather3A : vector<16xi1>, vector<16xf32>
        %gt3A_408 = arith.cmpf ogt, %select_n3A_407, %scan3A_397 : vector<16xf32>
        %select_n3A_409 = arith.select %gt3A_408, %select_n3A_407, %scan3A_397 : vector<16xi1>, vector<16xf32>
        %select_n3A_410 = arith.select %gt3A_408, %scan3A_397, %select_n3A_407 : vector<16xi1>, vector<16xf32>
        %gt3A_411 = arith.cmpf ogt, %select_n3A_410, %scan3A_398 : vector<16xf32>
        %select_n3A_412 = arith.select %gt3A_411, %select_n3A_410, %scan3A_398 : vector<16xi1>, vector<16xf32>
        %select_n3A_413 = arith.select %gt3A_411, %scan3A_398, %select_n3A_410 : vector<16xi1>, vector<16xf32>
        %gt3A_414 = arith.cmpf ogt, %select_n3A_413, %scan3A_399 : vector<16xf32>
        %select_n3A_415 = arith.select %gt3A_414, %select_n3A_413, %scan3A_399 : vector<16xi1>, vector<16xf32>
        %select_n3A_416 = arith.select %gt3A_414, %scan3A_399, %select_n3A_413 : vector<16xi1>, vector<16xf32>
        %gt3A_417 = arith.cmpf ogt, %select_n3A_416, %scan3A_400 : vector<16xf32>
        %select_n3A_418 = arith.select %gt3A_417, %select_n3A_416, %scan3A_400 : vector<16xi1>, vector<16xf32>
        %select_n3A_419 = arith.select %gt3A_417, %scan3A_400, %select_n3A_416 : vector<16xi1>, vector<16xf32>
        %gt3A_420 = arith.cmpf ogt, %select_n3A_419, %scan3A_401 : vector<16xf32>
        %select_n3A_421 = arith.select %gt3A_420, %select_n3A_419, %scan3A_401 : vector<16xi1>, vector<16xf32>
        %select_n3A_422 = arith.select %gt3A_420, %scan3A_401, %select_n3A_419 : vector<16xi1>, vector<16xf32>
        %gt3A_423 = arith.cmpf ogt, %select_n3A_422, %scan3A_402 : vector<16xf32>
        %select_n3A_424 = arith.select %gt3A_423, %select_n3A_422, %scan3A_402 : vector<16xi1>, vector<16xf32>
        %select_n3A_425 = arith.select %gt3A_423, %scan3A_402, %select_n3A_422 : vector<16xi1>, vector<16xf32>
        %gt3A_426 = arith.cmpf ogt, %select_n3A_425, %scan3A_403 : vector<16xf32>
        %select_n3A_427 = arith.select %gt3A_426, %select_n3A_425, %scan3A_403 : vector<16xi1>, vector<16xf32>
        %select_n3A_428 = arith.select %gt3A_426, %scan3A_403, %select_n3A_425 : vector<16xi1>, vector<16xf32>
        %scan3A_429 = arith.constant 1 : i32
        %scan3A_430 = arith.addi %scan3A_395, %scan3A_429 : i32
        %add3A_431 = vector.broadcast %scan3A_430 : i32 to vector<16xi32>
        %add3A_432 = arith.addi %mul3A_367, %add3A_431 : vector<16xi32>
        %gather3A_433 = tpu.vector_load_idx %arg5[%add3A_432, %iota3A_310] : memref<2048x16xf32, #tpu.memory_space<vmem>>[vector<16xi32>, vector<16xi32>], vector<16xf32>,
        %gt3A_434 = arith.cmpf ogt, %gather3A_433, %select_n3A_406 : vector<16xf32>
        %select_n3A_435 = arith.select %gt3A_434, %gather3A_433, %select_n3A_406 : vector<16xi1>, vector<16xf32>
        %select_n3A_436 = arith.select %gt3A_434, %select_n3A_406, %gather3A_433 : vector<16xi1>, vector<16xf32>
        %gt3A_437 = arith.cmpf ogt, %select_n3A_436, %select_n3A_409 : vector<16xf32>
        %select_n3A_438 = arith.select %gt3A_437, %select_n3A_436, %select_n3A_409 : vector<16xi1>, vector<16xf32>
        %select_n3A_439 = arith.select %gt3A_437, %select_n3A_409, %select_n3A_436 : vector<16xi1>, vector<16xf32>
        %gt3A_440 = arith.cmpf ogt, %select_n3A_439, %select_n3A_412 : vector<16xf32>
        %select_n3A_441 = arith.select %gt3A_440, %select_n3A_439, %select_n3A_412 : vector<16xi1>, vector<16xf32>
        %select_n3A_442 = arith.select %gt3A_440, %select_n3A_412, %select_n3A_439 : vector<16xi1>, vector<16xf32>
        %gt3A_443 = arith.cmpf ogt, %select_n3A_442, %select_n3A_415 : vector<16xf32>
        %select_n3A_444 = arith.select %gt3A_443, %select_n3A_442, %select_n3A_415 : vector<16xi1>, vector<16xf32>
        %select_n3A_445 = arith.select %gt3A_443, %select_n3A_415, %select_n3A_442 : vector<16xi1>, vector<16xf32>
        %gt3A_446 = arith.cmpf ogt, %select_n3A_445, %select_n3A_418 : vector<16xf32>
        %select_n3A_447 = arith.select %gt3A_446, %select_n3A_445, %select_n3A_418 : vector<16xi1>, vector<16xf32>
        %select_n3A_448 = arith.select %gt3A_446, %select_n3A_418, %select_n3A_445 : vector<16xi1>, vector<16xf32>
        %gt3A_449 = arith.cmpf ogt, %select_n3A_448, %select_n3A_421 : vector<16xf32>
        %select_n3A_450 = arith.select %gt3A_449, %select_n3A_448, %select_n3A_421 : vector<16xi1>, vector<16xf32>
        %select_n3A_451 = arith.select %gt3A_449, %select_n3A_421, %select_n3A_448 : vector<16xi1>, vector<16xf32>
        %gt3A_452 = arith.cmpf ogt, %select_n3A_451, %select_n3A_424 : vector<16xf32>
        %select_n3A_453 = arith.select %gt3A_452, %select_n3A_451, %select_n3A_424 : vector<16xi1>, vector<16xf32>
        %select_n3A_454 = arith.select %gt3A_452, %select_n3A_424, %select_n3A_451 : vector<16xi1>, vector<16xf32>
        %gt3A_455 = arith.cmpf ogt, %select_n3A_454, %select_n3A_427 : vector<16xf32>
        %select_n3A_456 = arith.select %gt3A_455, %select_n3A_454, %select_n3A_427 : vector<16xi1>, vector<16xf32>
        %select_n3A_457 = arith.select %gt3A_455, %select_n3A_427, %select_n3A_454 : vector<16xi1>, vector<16xf32>
        %scan3A_458 = arith.constant 2 : i32
        %scan3A_459 = arith.addi %scan3A_395, %scan3A_458 : i32
        %add3A_460 = vector.broadcast %scan3A_459 : i32 to vector<16xi32>
        %add3A_461 = arith.addi %mul3A_367, %add3A_460 : vector<16xi32>
        %gather3A_462 = tpu.vector_load_idx %arg5[%add3A_461, %iota3A_310] : memref<2048x16xf32, #tpu.memory_space<vmem>>[vector<16xi32>, vector<16xi32>], vector<16xf32>,
        %gt3A_463 = arith.cmpf ogt, %gather3A_462, %select_n3A_435 : vector<16xf32>
        %select_n3A_464 = arith.select %gt3A_463, %gather3A_462, %select_n3A_435 : vector<16xi1>, vector<16xf32>
        %select_n3A_465 = arith.select %gt3A_463, %select_n3A_435, %gather3A_462 : vector<16xi1>, vector<16xf32>
        %gt3A_466 = arith.cmpf ogt, %select_n3A_465, %select_n3A_438 : vector<16xf32>
        %select_n3A_467 = arith.select %gt3A_466, %select_n3A_465, %select_n3A_438 : vector<16xi1>, vector<16xf32>
        %select_n3A_468 = arith.select %gt3A_466, %select_n3A_438, %select_n3A_465 : vector<16xi1>, vector<16xf32>
        %gt3A_469 = arith.cmpf ogt, %select_n3A_468, %select_n3A_441 : vector<16xf32>
        %select_n3A_470 = arith.select %gt3A_469, %select_n3A_468, %select_n3A_441 : vector<16xi1>, vector<16xf32>
        %select_n3A_471 = arith.select %gt3A_469, %select_n3A_441, %select_n3A_468 : vector<16xi1>, vector<16xf32>
        %gt3A_472 = arith.cmpf ogt, %select_n3A_471, %select_n3A_444 : vector<16xf32>
        %select_n3A_473 = arith.select %gt3A_472, %select_n3A_471, %select_n3A_444 : vector<16xi1>, vector<16xf32>
        %select_n3A_474 = arith.select %gt3A_472, %select_n3A_444, %select_n3A_471 : vector<16xi1>, vector<16xf32>
        %gt3A_475 = arith.cmpf ogt, %select_n3A_474, %select_n3A_447 : vector<16xf32>
        %select_n3A_476 = arith.select %gt3A_475, %select_n3A_474, %select_n3A_447 : vector<16xi1>, vector<16xf32>
        %select_n3A_477 = arith.select %gt3A_475, %select_n3A_447, %select_n3A_474 : vector<16xi1>, vector<16xf32>
        %gt3A_478 = arith.cmpf ogt, %select_n3A_477, %select_n3A_450 : vector<16xf32>
        %select_n3A_479 = arith.select %gt3A_478, %select_n3A_477, %select_n3A_450 : vector<16xi1>, vector<16xf32>
        %select_n3A_480 = arith.select %gt3A_478, %select_n3A_450, %select_n3A_477 : vector<16xi1>, vector<16xf32>
        %gt3A_481 = arith.cmpf ogt, %select_n3A_480, %select_n3A_453 : vector<16xf32>
        %select_n3A_482 = arith.select %gt3A_481, %select_n3A_480, %select_n3A_453 : vector<16xi1>, vector<16xf32>
        %select_n3A_483 = arith.select %gt3A_481, %select_n3A_453, %select_n3A_480 : vector<16xi1>, vector<16xf32>
        %gt3A_484 = arith.cmpf ogt, %select_n3A_483, %select_n3A_456 : vector<16xf32>
        %select_n3A_485 = arith.select %gt3A_484, %select_n3A_483, %select_n3A_456 : vector<16xi1>, vector<16xf32>
        %select_n3A_486 = arith.select %gt3A_484, %select_n3A_456, %select_n3A_483 : vector<16xi1>, vector<16xf32>
        %scan3A_487 = arith.constant 3 : i32
        %scan3A_488 = arith.addi %scan3A_395, %scan3A_487 : i32
        %add3A_489 = vector.broadcast %scan3A_488 : i32 to vector<16xi32>
        %add3A_490 = arith.addi %mul3A_367, %add3A_489 : vector<16xi32>
        %gather3A_491 = tpu.vector_load_idx %arg5[%add3A_490, %iota3A_310] : memref<2048x16xf32, #tpu.memory_space<vmem>>[vector<16xi32>, vector<16xi32>], vector<16xf32>,
        %gt3A_492 = arith.cmpf ogt, %gather3A_491, %select_n3A_464 : vector<16xf32>
        %select_n3A_493 = arith.select %gt3A_492, %gather3A_491, %select_n3A_464 : vector<16xi1>, vector<16xf32>
        %select_n3A_494 = arith.select %gt3A_492, %select_n3A_464, %gather3A_491 : vector<16xi1>, vector<16xf32>
        %gt3A_495 = arith.cmpf ogt, %select_n3A_494, %select_n3A_467 : vector<16xf32>
        %select_n3A_496 = arith.select %gt3A_495, %select_n3A_494, %select_n3A_467 : vector<16xi1>, vector<16xf32>
        %select_n3A_497 = arith.select %gt3A_495, %select_n3A_467, %select_n3A_494 : vector<16xi1>, vector<16xf32>
        %gt3A_498 = arith.cmpf ogt, %select_n3A_497, %select_n3A_470 : vector<16xf32>
        %select_n3A_499 = arith.select %gt3A_498, %select_n3A_497, %select_n3A_470 : vector<16xi1>, vector<16xf32>
        %select_n3A_500 = arith.select %gt3A_498, %select_n3A_470, %select_n3A_497 : vector<16xi1>, vector<16xf32>
        %gt3A_501 = arith.cmpf ogt, %select_n3A_500, %select_n3A_473 : vector<16xf32>
        %select_n3A_502 = arith.select %gt3A_501, %select_n3A_500, %select_n3A_473 : vector<16xi1>, vector<16xf32>
        %select_n3A_503 = arith.select %gt3A_501, %select_n3A_473, %select_n3A_500 : vector<16xi1>, vector<16xf32>
        %gt3A_504 = arith.cmpf ogt, %select_n3A_503, %select_n3A_476 : vector<16xf32>
        %select_n3A_505 = arith.select %gt3A_504, %select_n3A_503, %select_n3A_476 : vector<16xi1>, vector<16xf32>
        %select_n3A_506 = arith.select %gt3A_504, %select_n3A_476, %select_n3A_503 : vector<16xi1>, vector<16xf32>
        %gt3A_507 = arith.cmpf ogt, %select_n3A_506, %select_n3A_479 : vector<16xf32>
        %select_n3A_508 = arith.select %gt3A_507, %select_n3A_506, %select_n3A_479 : vector<16xi1>, vector<16xf32>
        %select_n3A_509 = arith.select %gt3A_507, %select_n3A_479, %select_n3A_506 : vector<16xi1>, vector<16xf32>
        %gt3A_510 = arith.cmpf ogt, %select_n3A_509, %select_n3A_482 : vector<16xf32>
        %select_n3A_511 = arith.select %gt3A_510, %select_n3A_509, %select_n3A_482 : vector<16xi1>, vector<16xf32>
        %select_n3A_512 = arith.select %gt3A_510, %select_n3A_482, %select_n3A_509 : vector<16xi1>, vector<16xf32>
        %gt3A_513 = arith.cmpf ogt, %select_n3A_512, %select_n3A_485 : vector<16xf32>
        %select_n3A_514 = arith.select %gt3A_513, %select_n3A_512, %select_n3A_485 : vector<16xi1>, vector<16xf32>
        %select_n3A_515 = arith.select %gt3A_513, %select_n3A_485, %select_n3A_512 : vector<16xi1>, vector<16xf32>
        scf.yield %select_n3A_493, %select_n3A_496, %select_n3A_499, %select_n3A_502, %select_n3A_505, %select_n3A_508, %select_n3A_511, %select_n3A_514 : vector<16xf32>, vector<16xf32>, vector<16xf32>, vector<16xf32>, vector<16xf32>, vector<16xf32>, vector<16xf32>, vector<16xf32>
      }
      %scan3A_373 = arith.constant 16 : i32
      %mul3A_374 = arith.constant 16 : i32
      %mul3A_375 = vector.broadcast %mul3A_374 : i32 to vector<16xi32>
      %mul3A_376 = arith.muli %and3A_282, %mul3A_375 : vector<16xi32>
      %scan3A_377 = arith.constant 0 : i32
      %scan3A_378 = arith.constant 16 : i32
      %scan3A_379 = arith.addi %scan3A_377, %scan3A_378 : i32
      %scan3A_380 = arith.constant 4 : i32
      %scan3A_381:8 = scf.for %scan3A_395 = %scan3A_377 to %scan3A_379 step %scan3A_380 iter_args(%scan3A_396 = %scan3A_372#0, %scan3A_397 = %scan3A_372#1, %scan3A_398 = %scan3A_372#2, %scan3A_399 = %scan3A_372#3, %scan3A_400 = %scan3A_372#4, %scan3A_401 = %scan3A_372#5, %scan3A_402 = %scan3A_372#6, %scan3A_403 = %scan3A_372#7) -> (vector<16xf32>, vector<16xf32>, vector<16xf32>, vector<16xf32>, vector<16xf32>, vector<16xf32>, vector<16xf32>, vector<16xf32>)  : i32 {
        %add3A_404 = vector.broadcast %scan3A_395 : i32 to vector<16xi32>
        %add3A_405 = arith.addi %mul3A_376, %add3A_404 : vector<16xi32>
        %gather3A = tpu.vector_load_idx %arg5[%add3A_405, %iota3A_310] : memref<2048x16xf32, #tpu.memory_space<vmem>>[vector<16xi32>, vector<16xi32>], vector<16xf32>,
        %gt3A = arith.cmpf ogt, %gather3A, %scan3A_396 : vector<16xf32>
        %select_n3A_406 = arith.select %gt3A, %gather3A, %scan3A_396 : vector<16xi1>, vector<16xf32>
        %select_n3A_407 = arith.select %gt3A, %scan3A_396, %gather3A : vector<16xi1>, vector<16xf32>
        %gt3A_408 = arith.cmpf ogt, %select_n3A_407, %scan3A_397 : vector<16xf32>
        %select_n3A_409 = arith.select %gt3A_408, %select_n3A_407, %scan3A_397 : vector<16xi1>, vector<16xf32>
        %select_n3A_410 = arith.select %gt3A_408, %scan3A_397, %select_n3A_407 : vector<16xi1>, vector<16xf32>
        %gt3A_411 = arith.cmpf ogt, %select_n3A_410, %scan3A_398 : vector<16xf32>
        %select_n3A_412 = arith.select %gt3A_411, %select_n3A_410, %scan3A_398 : vector<16xi1>, vector<16xf32>
        %select_n3A_413 = arith.select %gt3A_411, %scan3A_398, %select_n3A_410 : vector<16xi1>, vector<16xf32>
        %gt3A_414 = arith.cmpf ogt, %select_n3A_413, %scan3A_399 : vector<16xf32>
        %select_n3A_415 = arith.select %gt3A_414, %select_n3A_413, %scan3A_399 : vector<16xi1>, vector<16xf32>
        %select_n3A_416 = arith.select %gt3A_414, %scan3A_399, %select_n3A_413 : vector<16xi1>, vector<16xf32>
        %gt3A_417 = arith.cmpf ogt, %select_n3A_416, %scan3A_400 : vector<16xf32>
        %select_n3A_418 = arith.select %gt3A_417, %select_n3A_416, %scan3A_400 : vector<16xi1>, vector<16xf32>
        %select_n3A_419 = arith.select %gt3A_417, %scan3A_400, %select_n3A_416 : vector<16xi1>, vector<16xf32>
        %gt3A_420 = arith.cmpf ogt, %select_n3A_419, %scan3A_401 : vector<16xf32>
        %select_n3A_421 = arith.select %gt3A_420, %select_n3A_419, %scan3A_401 : vector<16xi1>, vector<16xf32>
        %select_n3A_422 = arith.select %gt3A_420, %scan3A_401, %select_n3A_419 : vector<16xi1>, vector<16xf32>
        %gt3A_423 = arith.cmpf ogt, %select_n3A_422, %scan3A_402 : vector<16xf32>
        %select_n3A_424 = arith.select %gt3A_423, %select_n3A_422, %scan3A_402 : vector<16xi1>, vector<16xf32>
        %select_n3A_425 = arith.select %gt3A_423, %scan3A_402, %select_n3A_422 : vector<16xi1>, vector<16xf32>
        %gt3A_426 = arith.cmpf ogt, %select_n3A_425, %scan3A_403 : vector<16xf32>
        %select_n3A_427 = arith.select %gt3A_426, %select_n3A_425, %scan3A_403 : vector<16xi1>, vector<16xf32>
        %select_n3A_428 = arith.select %gt3A_426, %scan3A_403, %select_n3A_425 : vector<16xi1>, vector<16xf32>
        %scan3A_429 = arith.constant 1 : i32
        %scan3A_430 = arith.addi %scan3A_395, %scan3A_429 : i32
        %add3A_431 = vector.broadcast %scan3A_430 : i32 to vector<16xi32>
        %add3A_432 = arith.addi %mul3A_376, %add3A_431 : vector<16xi32>
        %gather3A_433 = tpu.vector_load_idx %arg5[%add3A_432, %iota3A_310] : memref<2048x16xf32, #tpu.memory_space<vmem>>[vector<16xi32>, vector<16xi32>], vector<16xf32>,
        %gt3A_434 = arith.cmpf ogt, %gather3A_433, %select_n3A_406 : vector<16xf32>
        %select_n3A_435 = arith.select %gt3A_434, %gather3A_433, %select_n3A_406 : vector<16xi1>, vector<16xf32>
        %select_n3A_436 = arith.select %gt3A_434, %select_n3A_406, %gather3A_433 : vector<16xi1>, vector<16xf32>
        %gt3A_437 = arith.cmpf ogt, %select_n3A_436, %select_n3A_409 : vector<16xf32>
        %select_n3A_438 = arith.select %gt3A_437, %select_n3A_436, %select_n3A_409 : vector<16xi1>, vector<16xf32>
        %select_n3A_439 = arith.select %gt3A_437, %select_n3A_409, %select_n3A_436 : vector<16xi1>, vector<16xf32>
        %gt3A_440 = arith.cmpf ogt, %select_n3A_439, %select_n3A_412 : vector<16xf32>
        %select_n3A_441 = arith.select %gt3A_440, %select_n3A_439, %select_n3A_412 : vector<16xi1>, vector<16xf32>
        %select_n3A_442 = arith.select %gt3A_440, %select_n3A_412, %select_n3A_439 : vector<16xi1>, vector<16xf32>
        %gt3A_443 = arith.cmpf ogt, %select_n3A_442, %select_n3A_415 : vector<16xf32>
        %select_n3A_444 = arith.select %gt3A_443, %select_n3A_442, %select_n3A_415 : vector<16xi1>, vector<16xf32>
        %select_n3A_445 = arith.select %gt3A_443, %select_n3A_415, %select_n3A_442 : vector<16xi1>, vector<16xf32>
        %gt3A_446 = arith.cmpf ogt, %select_n3A_445, %select_n3A_418 : vector<16xf32>
        %select_n3A_447 = arith.select %gt3A_446, %select_n3A_445, %select_n3A_418 : vector<16xi1>, vector<16xf32>
        %select_n3A_448 = arith.select %gt3A_446, %select_n3A_418, %select_n3A_445 : vector<16xi1>, vector<16xf32>
        %gt3A_449 = arith.cmpf ogt, %select_n3A_448, %select_n3A_421 : vector<16xf32>
        %select_n3A_450 = arith.select %gt3A_449, %select_n3A_448, %select_n3A_421 : vector<16xi1>, vector<16xf32>
        %select_n3A_451 = arith.select %gt3A_449, %select_n3A_421, %select_n3A_448 : vector<16xi1>, vector<16xf32>
        %gt3A_452 = arith.cmpf ogt, %select_n3A_451, %select_n3A_424 : vector<16xf32>
        %select_n3A_453 = arith.select %gt3A_452, %select_n3A_451, %select_n3A_424 : vector<16xi1>, vector<16xf32>
        %select_n3A_454 = arith.select %gt3A_452, %select_n3A_424, %select_n3A_451 : vector<16xi1>, vector<16xf32>
        %gt3A_455 = arith.cmpf ogt, %select_n3A_454, %select_n3A_427 : vector<16xf32>
        %select_n3A_456 = arith.select %gt3A_455, %select_n3A_454, %select_n3A_427 : vector<16xi1>, vector<16xf32>
        %select_n3A_457 = arith.select %gt3A_455, %select_n3A_427, %select_n3A_454 : vector<16xi1>, vector<16xf32>
        %scan3A_458 = arith.constant 2 : i32
        %scan3A_459 = arith.addi %scan3A_395, %scan3A_458 : i32
        %add3A_460 = vector.broadcast %scan3A_459 : i32 to vector<16xi32>
        %add3A_461 = arith.addi %mul3A_376, %add3A_460 : vector<16xi32>
        %gather3A_462 = tpu.vector_load_idx %arg5[%add3A_461, %iota3A_310] : memref<2048x16xf32, #tpu.memory_space<vmem>>[vector<16xi32>, vector<16xi32>], vector<16xf32>,
        %gt3A_463 = arith.cmpf ogt, %gather3A_462, %select_n3A_435 : vector<16xf32>
        %select_n3A_464 = arith.select %gt3A_463, %gather3A_462, %select_n3A_435 : vector<16xi1>, vector<16xf32>
        %select_n3A_465 = arith.select %gt3A_463, %select_n3A_435, %gather3A_462 : vector<16xi1>, vector<16xf32>
        %gt3A_466 = arith.cmpf ogt, %select_n3A_465, %select_n3A_438 : vector<16xf32>
        %select_n3A_467 = arith.select %gt3A_466, %select_n3A_465, %select_n3A_438 : vector<16xi1>, vector<16xf32>
        %select_n3A_468 = arith.select %gt3A_466, %select_n3A_438, %select_n3A_465 : vector<16xi1>, vector<16xf32>
        %gt3A_469 = arith.cmpf ogt, %select_n3A_468, %select_n3A_441 : vector<16xf32>
        %select_n3A_470 = arith.select %gt3A_469, %select_n3A_468, %select_n3A_441 : vector<16xi1>, vector<16xf32>
        %select_n3A_471 = arith.select %gt3A_469, %select_n3A_441, %select_n3A_468 : vector<16xi1>, vector<16xf32>
        %gt3A_472 = arith.cmpf ogt, %select_n3A_471, %select_n3A_444 : vector<16xf32>
        %select_n3A_473 = arith.select %gt3A_472, %select_n3A_471, %select_n3A_444 : vector<16xi1>, vector<16xf32>
        %select_n3A_474 = arith.select %gt3A_472, %select_n3A_444, %select_n3A_471 : vector<16xi1>, vector<16xf32>
        %gt3A_475 = arith.cmpf ogt, %select_n3A_474, %select_n3A_447 : vector<16xf32>
        %select_n3A_476 = arith.select %gt3A_475, %select_n3A_474, %select_n3A_447 : vector<16xi1>, vector<16xf32>
        %select_n3A_477 = arith.select %gt3A_475, %select_n3A_447, %select_n3A_474 : vector<16xi1>, vector<16xf32>
        %gt3A_478 = arith.cmpf ogt, %select_n3A_477, %select_n3A_450 : vector<16xf32>
        %select_n3A_479 = arith.select %gt3A_478, %select_n3A_477, %select_n3A_450 : vector<16xi1>, vector<16xf32>
        %select_n3A_480 = arith.select %gt3A_478, %select_n3A_450, %select_n3A_477 : vector<16xi1>, vector<16xf32>
        %gt3A_481 = arith.cmpf ogt, %select_n3A_480, %select_n3A_453 : vector<16xf32>
        %select_n3A_482 = arith.select %gt3A_481, %select_n3A_480, %select_n3A_453 : vector<16xi1>, vector<16xf32>
        %select_n3A_483 = arith.select %gt3A_481, %select_n3A_453, %select_n3A_480 : vector<16xi1>, vector<16xf32>
        %gt3A_484 = arith.cmpf ogt, %select_n3A_483, %select_n3A_456 : vector<16xf32>
        %select_n3A_485 = arith.select %gt3A_484, %select_n3A_483, %select_n3A_456 : vector<16xi1>, vector<16xf32>
        %select_n3A_486 = arith.select %gt3A_484, %select_n3A_456, %select_n3A_483 : vector<16xi1>, vector<16xf32>
        %scan3A_487 = arith.constant 3 : i32
        %scan3A_488 = arith.addi %scan3A_395, %scan3A_487 : i32
        %add3A_489 = vector.broadcast %scan3A_488 : i32 to vector<16xi32>
        %add3A_490 = arith.addi %mul3A_376, %add3A_489 : vector<16xi32>
        %gather3A_491 = tpu.vector_load_idx %arg5[%add3A_490, %iota3A_310] : memref<2048x16xf32, #tpu.memory_space<vmem>>[vector<16xi32>, vector<16xi32>], vector<16xf32>,
        %gt3A_492 = arith.cmpf ogt, %gather3A_491, %select_n3A_464 : vector<16xf32>
        %select_n3A_493 = arith.select %gt3A_492, %gather3A_491, %select_n3A_464 : vector<16xi1>, vector<16xf32>
        %select_n3A_494 = arith.select %gt3A_492, %select_n3A_464, %gather3A_491 : vector<16xi1>, vector<16xf32>
        %gt3A_495 = arith.cmpf ogt, %select_n3A_494, %select_n3A_467 : vector<16xf32>
        %select_n3A_496 = arith.select %gt3A_495, %select_n3A_494, %select_n3A_467 : vector<16xi1>, vector<16xf32>
        %select_n3A_497 = arith.select %gt3A_495, %select_n3A_467, %select_n3A_494 : vector<16xi1>, vector<16xf32>
        %gt3A_498 = arith.cmpf ogt, %select_n3A_497, %select_n3A_470 : vector<16xf32>
        %select_n3A_499 = arith.select %gt3A_498, %select_n3A_497, %select_n3A_470 : vector<16xi1>, vector<16xf32>
        %select_n3A_500 = arith.select %gt3A_498, %select_n3A_470, %select_n3A_497 : vector<16xi1>, vector<16xf32>
        %gt3A_501 = arith.cmpf ogt, %select_n3A_500, %select_n3A_473 : vector<16xf32>
        %select_n3A_502 = arith.select %gt3A_501, %select_n3A_500, %select_n3A_473 : vector<16xi1>, vector<16xf32>
        %select_n3A_503 = arith.select %gt3A_501, %select_n3A_473, %select_n3A_500 : vector<16xi1>, vector<16xf32>
        %gt3A_504 = arith.cmpf ogt, %select_n3A_503, %select_n3A_476 : vector<16xf32>
        %select_n3A_505 = arith.select %gt3A_504, %select_n3A_503, %select_n3A_476 : vector<16xi1>, vector<16xf32>
        %select_n3A_506 = arith.select %gt3A_504, %select_n3A_476, %select_n3A_503 : vector<16xi1>, vector<16xf32>
        %gt3A_507 = arith.cmpf ogt, %select_n3A_506, %select_n3A_479 : vector<16xf32>
        %select_n3A_508 = arith.select %gt3A_507, %select_n3A_506, %select_n3A_479 : vector<16xi1>, vector<16xf32>
        %select_n3A_509 = arith.select %gt3A_507, %select_n3A_479, %select_n3A_506 : vector<16xi1>, vector<16xf32>
        %gt3A_510 = arith.cmpf ogt, %select_n3A_509, %select_n3A_482 : vector<16xf32>
        %select_n3A_511 = arith.select %gt3A_510, %select_n3A_509, %select_n3A_482 : vector<16xi1>, vector<16xf32>
        %select_n3A_512 = arith.select %gt3A_510, %select_n3A_482, %select_n3A_509 : vector<16xi1>, vector<16xf32>
        %gt3A_513 = arith.cmpf ogt, %select_n3A_512, %select_n3A_485 : vector<16xf32>
        %select_n3A_514 = arith.select %gt3A_513, %select_n3A_512, %select_n3A_485 : vector<16xi1>, vector<16xf32>
        %select_n3A_515 = arith.select %gt3A_513, %select_n3A_485, %select_n3A_512 : vector<16xi1>, vector<16xf32>
        scf.yield %select_n3A_493, %select_n3A_496, %select_n3A_499, %select_n3A_502, %select_n3A_505, %select_n3A_508, %select_n3A_511, %select_n3A_514 : vector<16xf32>, vector<16xf32>, vector<16xf32>, vector<16xf32>, vector<16xf32>, vector<16xf32>, vector<16xf32>, vector<16xf32>
      }
      %scan3A_382 = arith.constant 16 : i32
      %eq3A_383 = arith.constant 3 : i32
      %eq3A_384 = arith.cmpi eq, %rem3A_217, %eq3A_383 : i32
      %convert_element_type3A_385 = arith.extui %eq3A_384 : i1 to i32
      %cond3A_386 = arith.constant 0 : i32
      %cond3A_387 = arith.cmpi ne, %convert_element_type3A_385, %cond3A_386 : i32
      scf.if %cond3A_387 {
        %swap3A = arith.constant 0 : i32
        %swap3A_395 = arith.index_cast %swap3A : i32 to index
        %swap3A_396 = arith.constant 0 : index
        %swap3A_397 = tpu.vector_load %arg6[%swap3A_395, %swap3A_396] {strides = array<i32>} : memref<8x16xf32, #tpu.memory_space<vmem>>, vector<16xf32>,
        tpu.vector_store %arg6[%swap3A_395, %swap3A_396], %scan3A_381#0 {strides = array<i32>} : memref<8x16xf32, #tpu.memory_space<vmem>>, vector<16xf32>,
        %swap3A_398 = arith.constant 1 : i32
        %swap3A_399 = arith.index_cast %swap3A_398 : i32 to index
        %swap3A_400 = arith.constant 0 : index
        %swap3A_401 = tpu.vector_load %arg6[%swap3A_399, %swap3A_400] {strides = array<i32>} : memref<8x16xf32, #tpu.memory_space<vmem>>, vector<16xf32>,
        tpu.vector_store %arg6[%swap3A_399, %swap3A_400], %scan3A_381#1 {strides = array<i32>} : memref<8x16xf32, #tpu.memory_space<vmem>>, vector<16xf32>,
        %swap3A_402 = arith.constant 2 : i32
        %swap3A_403 = arith.index_cast %swap3A_402 : i32 to index
        %swap3A_404 = arith.constant 0 : index
        %swap3A_405 = tpu.vector_load %arg6[%swap3A_403, %swap3A_404] {strides = array<i32>} : memref<8x16xf32, #tpu.memory_space<vmem>>, vector<16xf32>,
        tpu.vector_store %arg6[%swap3A_403, %swap3A_404], %scan3A_381#2 {strides = array<i32>} : memref<8x16xf32, #tpu.memory_space<vmem>>, vector<16xf32>,
        %swap3A_406 = arith.constant 3 : i32
        %swap3A_407 = arith.index_cast %swap3A_406 : i32 to index
        %swap3A_408 = arith.constant 0 : index
        %swap3A_409 = tpu.vector_load %arg6[%swap3A_407, %swap3A_408] {strides = array<i32>} : memref<8x16xf32, #tpu.memory_space<vmem>>, vector<16xf32>,
        tpu.vector_store %arg6[%swap3A_407, %swap3A_408], %scan3A_381#3 {strides = array<i32>} : memref<8x16xf32, #tpu.memory_space<vmem>>, vector<16xf32>,
        %swap3A_410 = arith.constant 4 : i32
        %swap3A_411 = arith.index_cast %swap3A_410 : i32 to index
        %swap3A_412 = arith.constant 0 : index
        %swap3A_413 = tpu.vector_load %arg6[%swap3A_411, %swap3A_412] {strides = array<i32>} : memref<8x16xf32, #tpu.memory_space<vmem>>, vector<16xf32>,
        tpu.vector_store %arg6[%swap3A_411, %swap3A_412], %scan3A_381#4 {strides = array<i32>} : memref<8x16xf32, #tpu.memory_space<vmem>>, vector<16xf32>,
        %swap3A_414 = arith.constant 5 : i32
        %swap3A_415 = arith.index_cast %swap3A_414 : i32 to index
        %swap3A_416 = arith.constant 0 : index
        %swap3A_417 = tpu.vector_load %arg6[%swap3A_415, %swap3A_416] {strides = array<i32>} : memref<8x16xf32, #tpu.memory_space<vmem>>, vector<16xf32>,
        tpu.vector_store %arg6[%swap3A_415, %swap3A_416], %scan3A_381#5 {strides = array<i32>} : memref<8x16xf32, #tpu.memory_space<vmem>>, vector<16xf32>,
        %swap3A_418 = arith.constant 6 : i32
        %swap3A_419 = arith.index_cast %swap3A_418 : i32 to index
        %swap3A_420 = arith.constant 0 : index
        %swap3A_421 = tpu.vector_load %arg6[%swap3A_419, %swap3A_420] {strides = array<i32>} : memref<8x16xf32, #tpu.memory_space<vmem>>, vector<16xf32>,
        tpu.vector_store %arg6[%swap3A_419, %swap3A_420], %scan3A_381#6 {strides = array<i32>} : memref<8x16xf32, #tpu.memory_space<vmem>>, vector<16xf32>,
        %swap3A_422 = arith.constant 7 : i32
        %swap3A_423 = arith.index_cast %swap3A_422 : i32 to index
        %swap3A_424 = arith.constant 0 : index
        %swap3A_425 = tpu.vector_load %arg6[%swap3A_423, %swap3A_424] {strides = array<i32>} : memref<8x16xf32, #tpu.memory_space<vmem>>, vector<16xf32>,
        tpu.vector_store %arg6[%swap3A_423, %swap3A_424], %scan3A_381#7 {strides = array<i32>} : memref<8x16xf32, #tpu.memory_space<vmem>>, vector<16xf32>,
        %mul3A_426 = arith.constant 16 : i32
        %mul3A_427 = arith.muli %rem3A_226, %mul3A_426 : i32
        "tpu.region"() ({
          %run_scoped3A = tpu.sem_alloc : memref<!tpu.dma_semaphore, #tpu.memory_space<semaphore_mem>>
          %dma_start3A = arith.constant 0 : i32
          %dma_start3A_428 = tpu.memref_slice %arg3[%div3A_224, %dma_start3A, %mul3A_427] : memref<56x8x128xf32, #tpu.memory_space<hbm>> -> memref<1x8x16xf32, #tpu.memory_space<hbm>>
          %dma_start3A_429 = tpu.memref_squeeze %dma_start3A_428 : memref<1x8x16xf32, #tpu.memory_space<hbm>> -> memref<8x16xf32, #tpu.memory_space<hbm>>
          %dma_start3A_430 = arith.constant 0 : i32
          %dma_start3A_431 = tpu.memref_slice %arg3[%div3A_224, %dma_start3A_430, %mul3A_427] : memref<56x8x128xf32, #tpu.memory_space<hbm>> -> memref<1x8x16xf32, #tpu.memory_space<hbm>>
          %dma_start3A_432 = tpu.memref_squeeze %dma_start3A_431 : memref<1x8x16xf32, #tpu.memory_space<hbm>> -> memref<8x16xf32, #tpu.memory_space<hbm>>
          tpu.enqueue_dma source(%arg6 : memref<8x16xf32, #tpu.memory_space<vmem>>) target(%dma_start3A_432 : memref<8x16xf32, #tpu.memory_space<hbm>>) target_semaphore(%run_scoped3A : memref<!tpu.dma_semaphore, #tpu.memory_space<semaphore_mem>>)
          %dma_wait3A_433 = arith.constant 0 : i32
          %dma_wait3A_434 = tpu.memref_slice %arg3[%div3A_224, %dma_wait3A_433, %mul3A_427] : memref<56x8x128xf32, #tpu.memory_space<hbm>> -> memref<1x8x16xf32, #tpu.memory_space<hbm>>
          %dma_wait3A_435 = tpu.memref_squeeze %dma_wait3A_434 : memref<1x8x16xf32, #tpu.memory_space<hbm>> -> memref<8x16xf32, #tpu.memory_space<hbm>>
          %dma_wait3A_436 = arith.constant 0 : i32
          %dma_wait3A_437 = tpu.memref_slice %arg3[%div3A_224, %dma_wait3A_436, %mul3A_427] : memref<56x8x128xf32, #tpu.memory_space<hbm>> -> memref<1x8x16xf32, #tpu.memory_space<hbm>>
          %dma_wait3A_438 = tpu.memref_squeeze %dma_wait3A_437 : memref<1x8x16xf32, #tpu.memory_space<hbm>> -> memref<8x16xf32, #tpu.memory_space<hbm>>
          tpu.wait_dma2 semaphore(%run_scoped3A : memref<!tpu.dma_semaphore, #tpu.memory_space<semaphore_mem>>) src(%arg6 : memref<8x16xf32, #tpu.memory_space<vmem>>) dst(%dma_wait3A_438 : memref<8x16xf32, #tpu.memory_space<hbm>>)
          tpu.yield
        }) : () -> ()
      } else {
      }
      %add3A_388 = arith.constant 3 : i32
      %add3A_389 = arith.addi %mul3A_42, %add3A_388 : i32
      %lt3A_390 = arith.constant 56 : i32
      %lt3A_391 = arith.cmpi slt, %add3A_389, %lt3A_390 : i32
      %convert_element_type3A_392 = arith.extui %lt3A_391 : i1 to i32
      %cond3A_393 = arith.constant 0 : i32
      %cond3A_394 = arith.cmpi ne, %convert_element_type3A_392, %cond3A_393 : i32
      scf.if %cond3A_394 {
        %rem3A_395 = arith.constant 4 : i32
        %rem3A_396 = arith.remsi %add3A_389, %rem3A_395 : i32
        %div3A_397 = arith.constant 4 : i32
        %div3A_398 = arith.divsi %add3A_389, %div3A_397 : i32
        %mul3A_399 = arith.constant 14 : i32
        %mul3A_400 = arith.muli %add3A, %mul3A_399 : i32
        %add3A_401 = arith.addi %mul3A_400, %div3A_398 : i32
        %div3A_402 = arith.constant 8 : i32
        %div3A_403 = arith.divsi %add3A_401, %div3A_402 : i32
        %rem3A_404 = arith.constant 8 : i32
        %rem3A_405 = arith.remsi %add3A_401, %rem3A_404 : i32
        %add3A_406 = arith.constant 8 : i32
        %add3A_407 = arith.addi %add3A_406, %div3A_403 : i32
        %mul3A_408 = arith.constant 2048 : i32
        %mul3A_409 = arith.muli %rem3A_396, %mul3A_408 : i32
        %mul3A_410 = arith.constant 16 : i32
        %mul3A_411 = arith.muli %rem3A_405, %mul3A_410 : i32
        %dma_start3A = tpu.memref_slice %arg2[%add3A_407, %mul3A_409, %mul3A_411] : memref<64x8192x128xf32, #tpu.memory_space<hbm>> -> memref<1x2048x16xf32, #tpu.memory_space<hbm>>
        %dma_start3A_412 = tpu.memref_squeeze %dma_start3A : memref<1x2048x16xf32, #tpu.memory_space<hbm>> -> memref<2048x16xf32, #tpu.memory_space<hbm>>
        %dma_start3A_413 = tpu.memref_slice %arg2[%add3A_407, %mul3A_409, %mul3A_411] : memref<64x8192x128xf32, #tpu.memory_space<hbm>> -> memref<1x2048x16xf32, #tpu.memory_space<hbm>>
        %dma_start3A_414 = tpu.memref_squeeze %dma_start3A_413 : memref<1x2048x16xf32, #tpu.memory_space<hbm>> -> memref<2048x16xf32, #tpu.memory_space<hbm>>
        tpu.enqueue_dma source(%dma_start3A_414 : memref<2048x16xf32, #tpu.memory_space<hbm>>) target(%arg5 : memref<2048x16xf32, #tpu.memory_space<vmem>>) target_semaphore(%arg8 : memref<!tpu.dma_semaphore, #tpu.memory_space<semaphore_mem>>)
      } else {
      }
      scf.yield %scan3A_381#0, %scan3A_381#1, %scan3A_381#2, %scan3A_381#3, %scan3A_381#4, %scan3A_381#5, %scan3A_381#6, %scan3A_381#7 : vector<16xf32>, vector<16xf32>, vector<16xf32>, vector<16xf32>, vector<16xf32>, vector<16xf32>, vector<16xf32>, vector<16xf32>
    }
    %scan3A_31 = arith.constant 28 : i32
    return
  }
}

module attributes {stable_mosaic.version = 14 : i64} {
  func.func @_tc_body(%arg0: i32, %arg1: memref<1x8192x128xf32, #tpu.memory_space<vmem>>, %arg2: memref<1x8x128xf32, #tpu.memory_space<vmem>>) attributes {dimension_semantics = [#tpu.dimension_semantics<arbitrary>], iteration_bounds = array<i64: 8>, scalar_prefetch = 0 : i64, scratch_operands = 0 : i64, tpu.core_type = #tpu.core_type<tc>, window_params = [{transform_indices = @transform_0, window_bounds = array<i64: 1, 8192, 128>}, {transform_indices = @transform_1, window_bounds = array<i64: 1, 8, 128>}]} {
    %get3A = arith.constant 0 : index
    %get3A_0 = arith.constant 0 : index
    %get3A_1 = arith.constant 0 : index
    %get3A_2 = vector.load %arg1[%get3A, %get3A_0, %get3A_1] : memref<1x8192x128xf32, #tpu.memory_space<vmem>>, vector<1x8192x128xf32>
    %get3A_3 = vector.shape_cast %get3A_2 : vector<1x8192x128xf32> to vector<8192x128xf32>
    %iota3A = tpu.iota {dimensions = array<i32: 0>} : vector<8192x128xi32>
    %reduce_max3A = arith.constant dense<0xFF800000> : vector<128xf32>
    %reduce_max3A_4 = vector.multi_reduction <maximumf>, %get3A_3, %reduce_max3A [0] : vector<8192x128xf32> to vector<128xf32>
    %swap3A = arith.constant 0 : index
    %swap3A_5 = arith.constant 0 : index
    %swap3A_6 = arith.constant 0 : index
    %swap3A_7 = vector.load %arg2[%swap3A, %swap3A_5, %swap3A_6] : memref<1x8x128xf32, #tpu.memory_space<vmem>>, vector<1x1x128xf32>
    %swap3A_8 = vector.shape_cast %swap3A_7 : vector<1x1x128xf32> to vector<128xf32>
    %swap3A_9 = vector.shape_cast %reduce_max3A_4 : vector<128xf32> to vector<1x1x128xf32>
    tpu.vector_store %arg2[%swap3A, %swap3A_5, %swap3A_6], %swap3A_9 {strides = array<i32>} : memref<1x8x128xf32, #tpu.memory_space<vmem>>, vector<1x1x128xf32>,
    %broadcast_in_dim3A = vector.shape_cast %reduce_max3A_4 : vector<128xf32> to vector<1x128xf32>
    %eq3A = vector.broadcast %broadcast_in_dim3A : vector<1x128xf32> to vector<8192x128xf32>
    %eq3A_10 = arith.cmpf oeq, %get3A_3, %eq3A : vector<8192x128xf32>
    %jit3A = arith.constant 8192 : i32
    %broadcast_in_dim3A_11 = vector.broadcast %jit3A : i32 to vector<8192x128xi32>
    %select_n3A = arith.select %eq3A_10, %iota3A, %broadcast_in_dim3A_11 : vector<8192x128xi1>, vector<8192x128xi32>
    %reduce_min3A = arith.constant dense<2147483647> : vector<128xi32>
    %reduce_min3A_12 = vector.multi_reduction <minsi>, %select_n3A, %reduce_min3A [0] : vector<8192x128xi32> to vector<128xi32>
    %broadcast_in_dim3A_13 = vector.shape_cast %reduce_min3A_12 : vector<128xi32> to vector<1x128xi32>
    %eq3A_14 = vector.broadcast %broadcast_in_dim3A_13 : vector<1x128xi32> to vector<8192x128xi32>
    %eq3A_15 = arith.cmpi eq, %iota3A, %eq3A_14 : vector<8192x128xi32>
    %jit3A_16 = arith.constant 0xFF800000 : f32
    %broadcast_in_dim3A_17 = vector.broadcast %jit3A_16 : f32 to vector<8192x128xf32>
    %select_n3A_18 = arith.select %eq3A_15, %broadcast_in_dim3A_17, %get3A_3 : vector<8192x128xi1>, vector<8192x128xf32>
    %reduce_max3A_19 = arith.constant dense<0xFF800000> : vector<128xf32>
    %reduce_max3A_20 = vector.multi_reduction <maximumf>, %select_n3A_18, %reduce_max3A_19 [0] : vector<8192x128xf32> to vector<128xf32>
    %swap3A_21 = arith.constant 0 : index
    %swap3A_22 = arith.constant 1 : index
    %swap3A_23 = arith.constant 0 : index
    %swap3A_24 = vector.load %arg2[%swap3A_21, %swap3A_22, %swap3A_23] : memref<1x8x128xf32, #tpu.memory_space<vmem>>, vector<1x1x128xf32>
    %swap3A_25 = vector.shape_cast %swap3A_24 : vector<1x1x128xf32> to vector<128xf32>
    %swap3A_26 = vector.shape_cast %reduce_max3A_20 : vector<128xf32> to vector<1x1x128xf32>
    tpu.vector_store %arg2[%swap3A_21, %swap3A_22, %swap3A_23], %swap3A_26 {strides = array<i32>} : memref<1x8x128xf32, #tpu.memory_space<vmem>>, vector<1x1x128xf32>,
    %broadcast_in_dim3A_27 = vector.shape_cast %reduce_max3A_20 : vector<128xf32> to vector<1x128xf32>
    %eq3A_28 = vector.broadcast %broadcast_in_dim3A_27 : vector<1x128xf32> to vector<8192x128xf32>
    %eq3A_29 = arith.cmpf oeq, %select_n3A_18, %eq3A_28 : vector<8192x128xf32>
    %jit3A_30 = arith.constant 8192 : i32
    %broadcast_in_dim3A_31 = vector.broadcast %jit3A_30 : i32 to vector<8192x128xi32>
    %select_n3A_32 = arith.select %eq3A_29, %iota3A, %broadcast_in_dim3A_31 : vector<8192x128xi1>, vector<8192x128xi32>
    %reduce_min3A_33 = arith.constant dense<2147483647> : vector<128xi32>
    %reduce_min3A_34 = vector.multi_reduction <minsi>, %select_n3A_32, %reduce_min3A_33 [0] : vector<8192x128xi32> to vector<128xi32>
    %broadcast_in_dim3A_35 = vector.shape_cast %reduce_min3A_34 : vector<128xi32> to vector<1x128xi32>
    %eq3A_36 = vector.broadcast %broadcast_in_dim3A_35 : vector<1x128xi32> to vector<8192x128xi32>
    %eq3A_37 = arith.cmpi eq, %iota3A, %eq3A_36 : vector<8192x128xi32>
    %jit3A_38 = arith.constant 0xFF800000 : f32
    %broadcast_in_dim3A_39 = vector.broadcast %jit3A_38 : f32 to vector<8192x128xf32>
    %select_n3A_40 = arith.select %eq3A_37, %broadcast_in_dim3A_39, %select_n3A_18 : vector<8192x128xi1>, vector<8192x128xf32>
    %reduce_max3A_41 = arith.constant dense<0xFF800000> : vector<128xf32>
    %reduce_max3A_42 = vector.multi_reduction <maximumf>, %select_n3A_40, %reduce_max3A_41 [0] : vector<8192x128xf32> to vector<128xf32>
    %swap3A_43 = arith.constant 0 : index
    %swap3A_44 = arith.constant 2 : index
    %swap3A_45 = arith.constant 0 : index
    %swap3A_46 = vector.load %arg2[%swap3A_43, %swap3A_44, %swap3A_45] : memref<1x8x128xf32, #tpu.memory_space<vmem>>, vector<1x1x128xf32>
    %swap3A_47 = vector.shape_cast %swap3A_46 : vector<1x1x128xf32> to vector<128xf32>
    %swap3A_48 = vector.shape_cast %reduce_max3A_42 : vector<128xf32> to vector<1x1x128xf32>
    tpu.vector_store %arg2[%swap3A_43, %swap3A_44, %swap3A_45], %swap3A_48 {strides = array<i32>} : memref<1x8x128xf32, #tpu.memory_space<vmem>>, vector<1x1x128xf32>,
    %broadcast_in_dim3A_49 = vector.shape_cast %reduce_max3A_42 : vector<128xf32> to vector<1x128xf32>
    %eq3A_50 = vector.broadcast %broadcast_in_dim3A_49 : vector<1x128xf32> to vector<8192x128xf32>
    %eq3A_51 = arith.cmpf oeq, %select_n3A_40, %eq3A_50 : vector<8192x128xf32>
    %jit3A_52 = arith.constant 8192 : i32
    %broadcast_in_dim3A_53 = vector.broadcast %jit3A_52 : i32 to vector<8192x128xi32>
    %select_n3A_54 = arith.select %eq3A_51, %iota3A, %broadcast_in_dim3A_53 : vector<8192x128xi1>, vector<8192x128xi32>
    %reduce_min3A_55 = arith.constant dense<2147483647> : vector<128xi32>
    %reduce_min3A_56 = vector.multi_reduction <minsi>, %select_n3A_54, %reduce_min3A_55 [0] : vector<8192x128xi32> to vector<128xi32>
    %broadcast_in_dim3A_57 = vector.shape_cast %reduce_min3A_56 : vector<128xi32> to vector<1x128xi32>
    %eq3A_58 = vector.broadcast %broadcast_in_dim3A_57 : vector<1x128xi32> to vector<8192x128xi32>
    %eq3A_59 = arith.cmpi eq, %iota3A, %eq3A_58 : vector<8192x128xi32>
    %jit3A_60 = arith.constant 0xFF800000 : f32
    %broadcast_in_dim3A_61 = vector.broadcast %jit3A_60 : f32 to vector<8192x128xf32>
    %select_n3A_62 = arith.select %eq3A_59, %broadcast_in_dim3A_61, %select_n3A_40 : vector<8192x128xi1>, vector<8192x128xf32>
    %reduce_max3A_63 = arith.constant dense<0xFF800000> : vector<128xf32>
    %reduce_max3A_64 = vector.multi_reduction <maximumf>, %select_n3A_62, %reduce_max3A_63 [0] : vector<8192x128xf32> to vector<128xf32>
    %swap3A_65 = arith.constant 0 : index
    %swap3A_66 = arith.constant 3 : index
    %swap3A_67 = arith.constant 0 : index
    %swap3A_68 = vector.load %arg2[%swap3A_65, %swap3A_66, %swap3A_67] : memref<1x8x128xf32, #tpu.memory_space<vmem>>, vector<1x1x128xf32>
    %swap3A_69 = vector.shape_cast %swap3A_68 : vector<1x1x128xf32> to vector<128xf32>
    %swap3A_70 = vector.shape_cast %reduce_max3A_64 : vector<128xf32> to vector<1x1x128xf32>
    tpu.vector_store %arg2[%swap3A_65, %swap3A_66, %swap3A_67], %swap3A_70 {strides = array<i32>} : memref<1x8x128xf32, #tpu.memory_space<vmem>>, vector<1x1x128xf32>,
    %broadcast_in_dim3A_71 = vector.shape_cast %reduce_max3A_64 : vector<128xf32> to vector<1x128xf32>
    %eq3A_72 = vector.broadcast %broadcast_in_dim3A_71 : vector<1x128xf32> to vector<8192x128xf32>
    %eq3A_73 = arith.cmpf oeq, %select_n3A_62, %eq3A_72 : vector<8192x128xf32>
    %jit3A_74 = arith.constant 8192 : i32
    %broadcast_in_dim3A_75 = vector.broadcast %jit3A_74 : i32 to vector<8192x128xi32>
    %select_n3A_76 = arith.select %eq3A_73, %iota3A, %broadcast_in_dim3A_75 : vector<8192x128xi1>, vector<8192x128xi32>
    %reduce_min3A_77 = arith.constant dense<2147483647> : vector<128xi32>
    %reduce_min3A_78 = vector.multi_reduction <minsi>, %select_n3A_76, %reduce_min3A_77 [0] : vector<8192x128xi32> to vector<128xi32>
    %broadcast_in_dim3A_79 = vector.shape_cast %reduce_min3A_78 : vector<128xi32> to vector<1x128xi32>
    %eq3A_80 = vector.broadcast %broadcast_in_dim3A_79 : vector<1x128xi32> to vector<8192x128xi32>
    %eq3A_81 = arith.cmpi eq, %iota3A, %eq3A_80 : vector<8192x128xi32>
    %jit3A_82 = arith.constant 0xFF800000 : f32
    %broadcast_in_dim3A_83 = vector.broadcast %jit3A_82 : f32 to vector<8192x128xf32>
    %select_n3A_84 = arith.select %eq3A_81, %broadcast_in_dim3A_83, %select_n3A_62 : vector<8192x128xi1>, vector<8192x128xf32>
    %reduce_max3A_85 = arith.constant dense<0xFF800000> : vector<128xf32>
    %reduce_max3A_86 = vector.multi_reduction <maximumf>, %select_n3A_84, %reduce_max3A_85 [0] : vector<8192x128xf32> to vector<128xf32>
    %swap3A_87 = arith.constant 0 : index
    %swap3A_88 = arith.constant 4 : index
    %swap3A_89 = arith.constant 0 : index
    %swap3A_90 = vector.load %arg2[%swap3A_87, %swap3A_88, %swap3A_89] : memref<1x8x128xf32, #tpu.memory_space<vmem>>, vector<1x1x128xf32>
    %swap3A_91 = vector.shape_cast %swap3A_90 : vector<1x1x128xf32> to vector<128xf32>
    %swap3A_92 = vector.shape_cast %reduce_max3A_86 : vector<128xf32> to vector<1x1x128xf32>
    tpu.vector_store %arg2[%swap3A_87, %swap3A_88, %swap3A_89], %swap3A_92 {strides = array<i32>} : memref<1x8x128xf32, #tpu.memory_space<vmem>>, vector<1x1x128xf32>,
    %broadcast_in_dim3A_93 = vector.shape_cast %reduce_max3A_86 : vector<128xf32> to vector<1x128xf32>
    %eq3A_94 = vector.broadcast %broadcast_in_dim3A_93 : vector<1x128xf32> to vector<8192x128xf32>
    %eq3A_95 = arith.cmpf oeq, %select_n3A_84, %eq3A_94 : vector<8192x128xf32>
    %jit3A_96 = arith.constant 8192 : i32
    %broadcast_in_dim3A_97 = vector.broadcast %jit3A_96 : i32 to vector<8192x128xi32>
    %select_n3A_98 = arith.select %eq3A_95, %iota3A, %broadcast_in_dim3A_97 : vector<8192x128xi1>, vector<8192x128xi32>
    %reduce_min3A_99 = arith.constant dense<2147483647> : vector<128xi32>
    %reduce_min3A_100 = vector.multi_reduction <minsi>, %select_n3A_98, %reduce_min3A_99 [0] : vector<8192x128xi32> to vector<128xi32>
    %broadcast_in_dim3A_101 = vector.shape_cast %reduce_min3A_100 : vector<128xi32> to vector<1x128xi32>
    %eq3A_102 = vector.broadcast %broadcast_in_dim3A_101 : vector<1x128xi32> to vector<8192x128xi32>
    %eq3A_103 = arith.cmpi eq, %iota3A, %eq3A_102 : vector<8192x128xi32>
    %jit3A_104 = arith.constant 0xFF800000 : f32
    %broadcast_in_dim3A_105 = vector.broadcast %jit3A_104 : f32 to vector<8192x128xf32>
    %select_n3A_106 = arith.select %eq3A_103, %broadcast_in_dim3A_105, %select_n3A_84 : vector<8192x128xi1>, vector<8192x128xf32>
    %reduce_max3A_107 = arith.constant dense<0xFF800000> : vector<128xf32>
    %reduce_max3A_108 = vector.multi_reduction <maximumf>, %select_n3A_106, %reduce_max3A_107 [0] : vector<8192x128xf32> to vector<128xf32>
    %swap3A_109 = arith.constant 0 : index
    %swap3A_110 = arith.constant 5 : index
    %swap3A_111 = arith.constant 0 : index
    %swap3A_112 = vector.load %arg2[%swap3A_109, %swap3A_110, %swap3A_111] : memref<1x8x128xf32, #tpu.memory_space<vmem>>, vector<1x1x128xf32>
    %swap3A_113 = vector.shape_cast %swap3A_112 : vector<1x1x128xf32> to vector<128xf32>
    %swap3A_114 = vector.shape_cast %reduce_max3A_108 : vector<128xf32> to vector<1x1x128xf32>
    tpu.vector_store %arg2[%swap3A_109, %swap3A_110, %swap3A_111], %swap3A_114 {strides = array<i32>} : memref<1x8x128xf32, #tpu.memory_space<vmem>>, vector<1x1x128xf32>,
    %broadcast_in_dim3A_115 = vector.shape_cast %reduce_max3A_108 : vector<128xf32> to vector<1x128xf32>
    %eq3A_116 = vector.broadcast %broadcast_in_dim3A_115 : vector<1x128xf32> to vector<8192x128xf32>
    %eq3A_117 = arith.cmpf oeq, %select_n3A_106, %eq3A_116 : vector<8192x128xf32>
    %jit3A_118 = arith.constant 8192 : i32
    %broadcast_in_dim3A_119 = vector.broadcast %jit3A_118 : i32 to vector<8192x128xi32>
    %select_n3A_120 = arith.select %eq3A_117, %iota3A, %broadcast_in_dim3A_119 : vector<8192x128xi1>, vector<8192x128xi32>
    %reduce_min3A_121 = arith.constant dense<2147483647> : vector<128xi32>
    %reduce_min3A_122 = vector.multi_reduction <minsi>, %select_n3A_120, %reduce_min3A_121 [0] : vector<8192x128xi32> to vector<128xi32>
    %broadcast_in_dim3A_123 = vector.shape_cast %reduce_min3A_122 : vector<128xi32> to vector<1x128xi32>
    %eq3A_124 = vector.broadcast %broadcast_in_dim3A_123 : vector<1x128xi32> to vector<8192x128xi32>
    %eq3A_125 = arith.cmpi eq, %iota3A, %eq3A_124 : vector<8192x128xi32>
    %jit3A_126 = arith.constant 0xFF800000 : f32
    %broadcast_in_dim3A_127 = vector.broadcast %jit3A_126 : f32 to vector<8192x128xf32>
    %select_n3A_128 = arith.select %eq3A_125, %broadcast_in_dim3A_127, %select_n3A_106 : vector<8192x128xi1>, vector<8192x128xf32>
    %reduce_max3A_129 = arith.constant dense<0xFF800000> : vector<128xf32>
    %reduce_max3A_130 = vector.multi_reduction <maximumf>, %select_n3A_128, %reduce_max3A_129 [0] : vector<8192x128xf32> to vector<128xf32>
    %swap3A_131 = arith.constant 0 : index
    %swap3A_132 = arith.constant 6 : index
    %swap3A_133 = arith.constant 0 : index
    %swap3A_134 = vector.load %arg2[%swap3A_131, %swap3A_132, %swap3A_133] : memref<1x8x128xf32, #tpu.memory_space<vmem>>, vector<1x1x128xf32>
    %swap3A_135 = vector.shape_cast %swap3A_134 : vector<1x1x128xf32> to vector<128xf32>
    %swap3A_136 = vector.shape_cast %reduce_max3A_130 : vector<128xf32> to vector<1x1x128xf32>
    tpu.vector_store %arg2[%swap3A_131, %swap3A_132, %swap3A_133], %swap3A_136 {strides = array<i32>} : memref<1x8x128xf32, #tpu.memory_space<vmem>>, vector<1x1x128xf32>,
    %broadcast_in_dim3A_137 = vector.shape_cast %reduce_max3A_130 : vector<128xf32> to vector<1x128xf32>
    %eq3A_138 = vector.broadcast %broadcast_in_dim3A_137 : vector<1x128xf32> to vector<8192x128xf32>
    %eq3A_139 = arith.cmpf oeq, %select_n3A_128, %eq3A_138 : vector<8192x128xf32>
    %jit3A_140 = arith.constant 8192 : i32
    %broadcast_in_dim3A_141 = vector.broadcast %jit3A_140 : i32 to vector<8192x128xi32>
    %select_n3A_142 = arith.select %eq3A_139, %iota3A, %broadcast_in_dim3A_141 : vector<8192x128xi1>, vector<8192x128xi32>
    %reduce_min3A_143 = arith.constant dense<2147483647> : vector<128xi32>
    %reduce_min3A_144 = vector.multi_reduction <minsi>, %select_n3A_142, %reduce_min3A_143 [0] : vector<8192x128xi32> to vector<128xi32>
    %broadcast_in_dim3A_145 = vector.shape_cast %reduce_min3A_144 : vector<128xi32> to vector<1x128xi32>
    %eq3A_146 = vector.broadcast %broadcast_in_dim3A_145 : vector<1x128xi32> to vector<8192x128xi32>
    %eq3A_147 = arith.cmpi eq, %iota3A, %eq3A_146 : vector<8192x128xi32>
    %jit3A_148 = arith.constant 0xFF800000 : f32
    %broadcast_in_dim3A_149 = vector.broadcast %jit3A_148 : f32 to vector<8192x128xf32>
    %select_n3A_150 = arith.select %eq3A_147, %broadcast_in_dim3A_149, %select_n3A_128 : vector<8192x128xi1>, vector<8192x128xf32>
    %reduce_max3A_151 = arith.constant dense<0xFF800000> : vector<128xf32>
    %reduce_max3A_152 = vector.multi_reduction <maximumf>, %select_n3A_150, %reduce_max3A_151 [0] : vector<8192x128xf32> to vector<128xf32>
    %swap3A_153 = arith.constant 0 : index
    %swap3A_154 = arith.constant 7 : index
    %swap3A_155 = arith.constant 0 : index
    %swap3A_156 = vector.load %arg2[%swap3A_153, %swap3A_154, %swap3A_155] : memref<1x8x128xf32, #tpu.memory_space<vmem>>, vector<1x1x128xf32>
    %swap3A_157 = vector.shape_cast %swap3A_156 : vector<1x1x128xf32> to vector<128xf32>
    %swap3A_158 = vector.shape_cast %reduce_max3A_152 : vector<128xf32> to vector<1x1x128xf32>
    tpu.vector_store %arg2[%swap3A_153, %swap3A_154, %swap3A_155], %swap3A_158 {strides = array<i32>} : memref<1x8x128xf32, #tpu.memory_space<vmem>>, vector<1x1x128xf32>,
    return
  }
  func.func @transform_0(%arg0: i32) -> (i32, i32, i32) {
    %c0_i32 = arith.constant 0 : i32
    %c0_i32_0 = arith.constant 0 : i32
    %c0_i32_1 = arith.constant 0 : i32
    return %arg0, %c0_i32, %c0_i32_0 : i32, i32, i32
  }
  func.func @transform_1(%arg0: i32) -> (i32, i32, i32) {
    %c0_i32 = arith.constant 0 : i32
    %c0_i32_0 = arith.constant 0 : i32
    %c0_i32_1 = arith.constant 0 : i32
    return %arg0, %c0_i32, %c0_i32_0 : i32, i32, i32
  }
}

</mosaic_0001>

<sc_bundles>
// kernel: kernel.4.cloned.1.call-start
scs
__scs_entry_jumppad:
0x0: {  	(pc) =	sbr.rel $0x88, $3  }
0x1: {  	(tag) =	ssettag $0x0;
	lr =	simm.s32 $0x1  }
0x2: {  	[smem:$0x3FA0] =	sst lr;
	_ =	strace $0xD0000000  }
0x3: {  	_ = 	snop  }
0x4: {  	_ = 	snop  }
0x5: {  	_ = 	snop  }
0x6: {  	_ = 	snop  }
0x7: {  	_ = 	snop  }
__scs_overlays_trampoline_lowered:
0x8: {  	[smem:$0x3FAF] =	sst s0  }
0x9: {  	[smem:$0x3FB0] =	sst s1  }
0xa: {  	[smem:$0x3FB1] =	sst s2  }
0xb: {  	[smem:$0x3FB2] =	sst s3  }
0xc: {  	[smem:$0x3FB3] =	sst s4  }
0xd: {  	[smem:$0x3FB4] =	sst s5  }
0xe: {  	[smem:$0x3FB5] =	sst s6  }
0xf: {  	[smem:$0x3FB6] =	sst s7  }
0x10: {  	[smem:$0x3FB7] =	sst s8  }
0x11: {  	[smem:$0x3FB8] =	sst s9;
	s0 =	simm.s32 @!p0 $0x0  }
0x12: {  	s1 =	sld [smem:$0x3F9E];
	s0 =	simm.s32 @p0 $0x1  }
0x13: {  	[smem:$0x3FB9] =	sst s0;
	s0 =	simm.s32 @!p1 $0x0  }
0x14: {  	s2 =	sld [smem:$0x3F9D];
	s0 =	simm.s32 @p1 $0x1  }
0x15: {  	[smem:$0x3FBA] =	sst s0;
	s0 =	simm.s32 @!p2 $0x0  }
0x16: {  	s3 =	sld [smem:$0x3FDB];
	s0 =	simm.s32 @p2 $0x1  }
0x17: {  	s4 =	simm.s32 $0x1BF5;
	[smem:$0x3FBC] =	sst s0  }
0x18: {  	s0 =	sld [smem:$0x3F9F];
	_ =	swait.ge [sflag:s4], $0x0  }
0x19: {  	s7 =	sld [smem:$0x3FA0]  }
0x1a: {  	s8 =	sadd.s32 $0xFFFFE003, lr  }
0x1b: {  	s9 =	sadd.s32 $0xFFFFFEF7, lr;
	s5 =	simm.s32 $0xFFFFFFFF;
	p2 =	slt.u32 s8, $0xFFFFF086  }
0x1c: {  	p1 =	slt.u32 s9, $0xF7A;
	s5 =	simm.s32 @!p2 $0x0  }
0x1d: {  	s5 =	simm.s32 @p1 $0x1;
	p0 =	seq.s32 s7, s2  }
0x1e: {  	s7 =	smul.u32 @!p0 $0xF7A, s2;
	p2 =	seq.s32 @!p0 s5, $0x0  }
0x1f: {  	s9 =	smul.u32 $0xF7A, s1;
	s8 =	simm.s32 @!p0 $0x1BF5;
	p2 =	por !p2, p0  }
0x20: {  	[sflag:s8] =	ssyncset.s32 @!p0 $0xFFFFF086;
	s6 =	sadd.s32 @!p0 s3, s7;
	s7 =	simm.s32 @!p0 $0x108  }
0x21: {  	s3 =	sadd.s32 s3, s9;
	s6 =	sadd.s32 @!p0 $0x88, s6;
	s7 =	simm.s32 @p2 $0x1082  }
0x22: {  	[simem:s7], [sflag:s8] =	dma.local @!p0 [hbm:s6], $0xF7A  }
0x23: {  	s9 =	sor.u32 $0xD0000000, s2;
	s6 =	simm.s32 $0x108;
	_ =	swait.ge @!p0 [sflag:s8], $0x0  }
0x24: {  	s3 =	sadd.s32 $0x88, s3;
	s6 =	simm.s32 @!p1 $0x1082;
	[sflag:s4] =	ssyncset.s32 $0xFFFFF086  }
0x25: {  	[simem:s6], [sflag:s4] =	dma.local [hbm:s3], $0xF7A  }
0x26: {  	[smem:$0x3FA0] =	sst s1;
	(tag) =	ssettag s2;
	_ =	strace s9  }
0x27: {  	s1 =	sld [smem:$0x3FB0]  }
0x28: {  	s2 =	sld [smem:$0x3FB1]  }
0x29: {  	s4 =	sld [smem:$0x3FB3]  }
0x2a: {  	p0 =	seq.s32 s5, $0x0;
	s5 =	sld [smem:$0x3FB4]  }
0x2b: {  	s6 =	sld [smem:$0x3FB5]  }
0x2c: {  	s7 =	sld [smem:$0x3FB6]  }
0x2d: {  	s3 =	simm.s32 $0x108;
	s8 =	sld [smem:$0x3FB7]  }
0x2e: {  	s3 =	simm.s32 @!p0 $0x1082;
	s9 =	sld [smem:$0x3FB8]  }
0x2f: {  	lr =	sadd.s32 s0, s3;
	s0 =	sld [smem:$0x3FAF]  }
0x30: {  	s3 =	sld [smem:$0x3FB2]  }
0x31: {  	[smem:$0x3FBB] =	sst s10  }
0x32: {  	s10 =	sld [smem:$0x3FB9];
	_ =	sdelay $0x3  }
0x33: {  	p0 =	seq.s32 s10, $0x1;
	s10 =	sld [smem:$0x3FBB];
	_ =	sdelay $0x3  }
0x34: {  	[smem:$0x3FBB] =	sst s10  }
0x35: {  	s10 =	sld [smem:$0x3FBA];
	_ =	sdelay $0x3  }
0x36: {  	p1 =	seq.s32 s10, $0x1;
	s10 =	sld [smem:$0x3FBB];
	_ =	sdelay $0x3  }
0x37: {  	[smem:$0x3FBB] =	sst s10  }
0x38: {  	s10 =	sld [smem:$0x3FBC]  }
0x39: {  	_ = 	snop;
	(pc) =	sbr.ind lr, $3  }
0x3a: {  	_ = 	snop  }
0x3b: {  	_ = 	snop  }
0x3c: {  	p2 =	seq.s32 s10, $0x1;
	s10 =	sld [smem:$0x3FBB]  }
0x3d: {  	_ =	shalt  }
0x3e: {  	_ =	shalt  }
0x3f: {  	_ =	shalt  }
0x40: {  	_ =	shalt  }
0x41: {  	_ =	shalt  }
0x42: {  	_ =	shalt  }
0x43: {  	_ =	shalt  }
0x44: {  	_ =	shalt  }
0x45: {  	_ =	shalt  }
0x46: {  	_ =	shalt  }
0x47: {  	_ =	shalt  }
0x48: {  	_ =	shalt  }
0x49: {  	_ =	shalt  }
0x4a: {  	_ =	shalt  }
0x4b: {  	_ =	shalt  }
0x4c: {  	_ =	shalt  }
0x4d: {  	_ =	shalt  }
0x4e: {  	_ =	shalt  }
0x4f: {  	_ =	shalt  }
0x50: {  	_ =	shalt  }
0x51: {  	_ =	shalt  }
0x52: {  	_ =	shalt  }
0x53: {  	_ =	shalt  }
0x54: {  	_ =	shalt  }
0x55: {  	_ =	shalt  }
0x56: {  	_ =	shalt  }
0x57: {  	_ =	shalt  }
0x58: {  	_ =	shalt  }
0x59: {  	_ =	shalt  }
0x5a: {  	_ =	shalt  }
0x5b: {  	_ =	shalt  }
0x5c: {  	_ =	shalt  }
0x5d: {  	_ =	shalt  }
0x5e: {  	_ =	shalt  }
0x5f: {  	_ =	shalt  }
0x60: {  	_ =	shalt  }
0x61: {  	_ =	shalt  }
0x62: {  	_ =	shalt  }
0x63: {  	_ =	shalt  }
0x64: {  	_ =	shalt  }
0x65: {  	_ =	shalt  }
0x66: {  	_ =	shalt  }
0x67: {  	_ =	shalt  }
0x68: {  	_ =	shalt  }
0x69: {  	_ =	shalt  }
0x6a: {  	_ =	shalt  }
0x6b: {  	_ =	shalt  }
0x6c: {  	_ =	shalt  }
0x6d: {  	_ =	shalt  }
0x6e: {  	_ =	shalt  }
0x6f: {  	_ =	shalt  }
0x70: {  	_ =	shalt  }
0x71: {  	_ =	shalt  }
0x72: {  	_ =	shalt  }
0x73: {  	_ =	shalt  }
0x74: {  	_ =	shalt  }
0x75: {  	_ =	shalt  }
0x76: {  	_ =	shalt  }
0x77: {  	_ =	shalt  }
0x78: {  	_ =	shalt  }
0x79: {  	_ =	shalt  }
0x7a: {  	_ =	shalt  }
0x7b: {  	_ =	shalt  }
0x7c: {  	_ =	shalt  }
0x7d: {  	_ =	shalt  }
0x7e: {  	_ =	shalt  }
0x7f: {  	_ =	shalt  }
0x80: {  	_ =	shalt  }
0x81: {  	_ =	shalt  }
0x82: {  	_ =	shalt  }
0x83: {  	_ =	shalt  }
0x84: {  	_ =	shalt  }
0x85: {  	_ =	shalt  }
0x86: {  	_ =	shalt  }
0x87: {  	_ =	shalt  }
.Lfunc_end0:
.L_simem_size_0:
called_computation_lowered:
.L_overlay_start_0:
0x88: {  	s2 =	sld [smem:$0x3FD9]  }
0x89: {  	s3 =	sld [smem:$0x3FFE];
	_ =	sdelay $0x1  }
0x8a: {  	s1 =	srdreg.scid  }
0x8b: {  	s0 =	sand.u32 $0x1, s1  }
0x8c: {  	s17 =	sshll.u32 s0, $0xA;
	s2 =	sadd.s32 s3, s2  }
0x8d: {  	s2 =	sadd.s32 s2, s17  }
0x8e: {  	[smem:$0x3FC7] =	sst s2  }
0x8f: {  	_ = 	snop  }
0x90: {  	s2 =	sld [smem:$0x3FC9];
	(tm) =	ssettm $0x1  }
0x91: {  	s18 =	sld [smem:$0x3FFB];
	_ =	sdelay $0x3  }
0x92: {  	_ =	strace s18  }
0x93: {  	s3 =	sld [smem:$0x3FFC];
	_ =	sdelay $0x3  }
0x94: {  	_ =	strace s3  }
0x95: {  	s3 =	sld [smem:$0x3FFD];
	_ =	sdelay $0x3  }
0x96: {  	_ =	strace s3  }
0x97: {  	_ =	strace $0x8FFFFFFF  }
0x98: {  	s19 =	sld [smem:$0x3FDB];
	_ =	sdelay $0x1  }
0x99: {  	s4 =	simm.s32 $_scs_section_size  }
0x9a: {  	s5 =	simm.s32 $_size__tile_overlayer_lowered;
	s6 =	simm.s32 $_tile_overlayer_lowered  }
0x9b: {  	s22 =	simm.s32 $0x1BFF;
	s21 =	sshll.u32 s6, $0x1;
	s3 =	sadd.s32 s4, s19  }
0x9c: {  	s7 =	simm.s32 $0x0;
	s20 =	sshll.u32 s5, $0x1;
	s5 =	sadd.s32 s21, s3  }
0x9d: {  	[timem:s7], [sflag:s22] =	dma.local [hbm:s5], s20  }
0x9e: {  	_ =	swait.ge [sflag:s22], s20  }
0x9f: {  	s4 =	ssub.s32 $0x0, s20;
	[sflag:s22] =	ssyncset.done $0x0  }
0xa0: {  	[sflag:s22] =	ssyncadd.s32 s4;
	_ =	sdelay $0x1  }
0xa1: {  	s23 =	simm.s32 $0x1B8B  }
0xa2: {  	_ =	swait.ge [sflag:s23], $0x1  }
0xa3: {  	[sflag:s23] =	ssyncset.done $0x0  }
0xa4: {  	s25 =	simm.s32 $0x1B8E;
	s24 =	sld [smem:$0x3FFE];
	[sflag:s23] =	ssyncadd.s32 $0xFFFFFFFF  }
0xa5: {  	s26 =	simm.s32 $execute0_lowered;
	[smem:$0x3FD2] =	sst s25  }
0xa6: {  	s5 =	sshll.u32 s26, $0x1;
	_ =	strace $0x80000046;
	[dreg:$0x1] =	wrdreg $0xFFFFFFFF  }
0xa7: {  	s28 =	simm.s32 $_size_execute0_lowered;
	s3 =	sadd.s32 s3, s5;
	[dreg:$0x0] =	wrdreg $0x0  }
0xa8: {  	s5 =	sshll.u32 s28, $0x1;
	[dreg:$0x2] =	wrdreg s3  }
0xa9: {  	[dreg:$0x3] =	wrdreg s5  }
0xaa: {  	[dreg:$0x4] =	wrdreg $0xC0  }
0xab: {  	_ =	task [dreg:s7], $0x5FFFF  }
0xac: {  	[dreg:$0x1] =	wrdreg $0xFFFFFFFF  }
0xad: {  	[dreg:$0x0] =	wrdreg $0x60  }
0xae: {  	[dreg:$0x2] =	wrdreg s2  }
0xaf: {  	[dreg:$0x3] =	wrdreg s24  }
0xb0: {  	[dreg:$0x4] =	wrdreg $0x9  }
0xb1: {  	_ =	task.clear_ibuf [dreg:s7], $0x5FFFF;
	_ =	strace $0x90000046  }
0xb2: {  	s29 =	simm.s32 $0x9;
	_ =	strace $0x80000048  }
0xb3: {  	_ =	swait.ge [sflag:s29], $0x1  }
0xb4: {  	[sflag:s29] =	ssyncadd.s32 $0xFFFFFFFF  }
0xb5: {  	_ =	strace $0x90000048  }
0xb6: {  	_ =	sfence  }
0xb7: {  	s30 =	sld [smem:$0x0];
	_ =	sdelay $0x2  }
0xb8: {  	s31 =	sshll.u32 s1, $0xD;
	s1 =	sshrl.u32 s1, $0x2  }
0xb9: {  	s3 =	sand.u32 $0x4000, s31;
	s1 =	sadd.s32 s1, s30  }
0xba: {  	s0 =	sor.u32 s3, s0;
	s1 =	sshll.u32 s1, $0x11  }
0xbb: {  	s0 =	sor.u32 s1, s0  }
0xbc: {  	s0 =	sadd.s32 $0x8F2B, s0  }
0xbd: {  	[sflag:s0] =	ssyncadd.remote.s32 $0x1  }
0xbe: {  	_ =	sfence.sel $0xFFFF  }
0xbf: {  	[dreg:$0x0] =	wrdreg $0xFFFFFFFF;
	(pc) =	sbr.abs _section_cstart, $3  }
0xc0: {  	[dreg:$0x1] =	wrdreg $0xFFFFFFFF  }
0xc1: {  	_ =	task.clear_ibuf [dreg:s7], $0x2FFFF;
	_ =	strace $0x9FFFFFFF  }
0xc2: {  	(tm) =	ssettm $0x7FFFFFFF  }
0xc3: {  	_ =	shalt  }
tec
execute0_lowered:
.L_overlay_start_1:
0x0: {  	(tag) =	ssettag $0x1  }
0x1: {  	s1 =	srdreg.scid;
	s0 =	stileid.u32  }
0x2: {  	s3 =	sand.u32 $0x1, s1;
	s29 =	sshll.u32 s0, $0x1  }
0x3: {  	s7 =	rddreg [dreg:$0x0];
	s4 =	sor.u32 s3, s29  }
0x4: {  	s8 =	rddreg [dreg:$0x1];
	s2 =	simm.s32 $0x0;
	s5 =	smul.u32 $0x1C0000, s4  }
0x5: {  	s9 =	simm.s32 $0x10;
	s10 =	simm.s32 $0x80;
	s6 =	smul.u32 $0x60, s4  }
0x6: {  	s11 =	simm.s32 $0x8000;
	s12 =	simm.s32 $0x1;
	s13 =	simm.s32 $0x2  }
0x7: {  	s14 =	simm.s32 $0x0;
	s1 =	rddreg [dreg:$0x2];
	s5 =	sor.u32 s6, s5  }
.Ltmp0:
0x8: {  	[smem:$0x7FF] =	sst s2;
	s5 =	sand.u32 $0x3F00060, s5;
	(pc) =	sbr.rel .LBB2_1-.Ltmp0, $4  }
0x9: {  	_ =	strace $0x80000047;
	s30 =	ssub.s32 $0x2, s3;
	s5 =	sadd.s32 $0x800000, s5  }
0xa: {  	s3 =	sadd.s32 $0x400, s8;
	s31 =	sshrl.u32 s30, $0x1;
	s5 =	sshrl.u32 s5, $0x3  }
0xb: {  	s4 =	smul.u32 $0xE, s4;
	s8 =	ssub.s32 s30, s31;
	s5 =	sadd.s32 s7, s5  }
0xc: {  	v0 =	vlaneseq.u32;
	s8 =	smax.u32 s8, $0x1;
	s7 =	sadd.s32 $0x100000, s7;
	s6 =	sadd.s32 $0x8000, s5  }
.LBB2_40:
0xd: {  	s14 =	sadd.s32 $0x1, s14  }
0xe: {  	p0 =	sne.s32 s14, s8  }
.Ltmp1:
0xf: {  	_ = 	snop;
	(pc) =	sbr.rel @!p0 .LBB2_41-.Ltmp1, $1  }
0x10: {  	_ =	sdelay $0x3  }
.LBB2_1:
0x11: {  	[tilespmem:s2], [sflag:$0x1] =	stream.strided.gather [hbm4b:s5+s9], $0x8000, s10, s9, $0x38;
	v14 =	vimm.f32 $-Inf;
	v13 =	vimm.f32 $-Inf;
	[tilespmem:$0x10080] =	vst v63  }
0x12: {  	v12 =	vimm.f32 $-Inf;
	v11 =	vimm.f32 $-Inf;
	v9 =	vimm.f32 $-Inf;
	s15 =	simm.s32 $0x0  }
0x13: {  	v10 =	vimm.f32 $-Inf;
	v7 =	vimm.f32 $-Inf;
	v6 =	vimm.f32 $-Inf;
	[tilespmem:s11], [sflag:$0x2] =	stream.strided.gather [hbm4b:s6+s9], $0x8000, s10, s9, $0x38;
	[tilespmem:$0x10080] =	vst v63  }
.LBB2_2:
0x14: {  	_ =	swait.ge [sflag:s12], $0x8000  }
0x15: {  	[sflag:s12] =	ssyncset.done $0x0  }
0x16: {  	s17 =	simm.s32 $0x100;
	[sflag:s12] =	ssyncadd.s32 $0xFFFF8000  }
0x17: {  	v3 =	vld [tilespmem:s17+$0xFFFFFFA0]  }
0x18: {  	v4 =	vld [tilespmem:s17+$0x80]  }
0x19: {  	v8 =	vld [tilespmem:s17+$0xD0]  }
0x1a: {  	v5 =	vld [tilespmem:s17+$0xC0]  }
0x1b: {  	v15 =	vld [tilespmem:s17+$0xB0]  }
0x1c: {  	v16 =	vld [tilespmem:s17+$0xA0]  }
0x1d: {  	v17 =	vld [tilespmem:s17+$0x90]  }
0x1e: {  	v18 =	vld [tilespmem:s17+$0xFFFFFFB0]  }
0x1f: {  	v19 =	vld [tilespmem:s17+$0x70]  }
0x20: {  	v20 =	vld [tilespmem:s17+$0x60]  }
0x21: {  	v21 =	vld [tilespmem:s17+$0x50]  }
0x22: {  	v22 =	vld [tilespmem:s17+$0x40]  }
0x23: {  	v2 =	vld [tilespmem:s17+$0x30]  }
0x24: {  	v1 =	vld [tilespmem:s17+$0x20]  }
0x25: {  	v23 =	vld [tilespmem:s17+$0x10]  }
0x26: {  	v24 =	vld [tilespmem:s17+$0x0]  }
0x27: {  	v25 =	vld [tilespmem:s17+$0xFFFFFF00]  }
0x28: {  	v26 =	vld [tilespmem:s17+$0xFFFFFF10]  }
0x29: {  	v27 =	vld [tilespmem:s17+$0xFFFFFF20]  }
0x2a: {  	v28 =	vld [tilespmem:s17+$0xFFFFFF30]  }
0x2b: {  	v29 =	vld [tilespmem:s17+$0xFFFFFF40]  }
0x2c: {  	v30 =	vld [tilespmem:s17+$0xFFFFFF50]  }
0x2d: {  	v25 =	vmax.f32 v25, v26;
	v26 =	vld [tilespmem:s17+$0xFFFFFF60]  }
0x2e: {  	v25 =	vmax.f32 v25, v27;
	v27 =	vld [tilespmem:s17+$0xFFFFFF70]  }
0x2f: {  	v25 =	vmax.f32 v25, v28;
	v28 =	vld [tilespmem:s17+$0xFFFFFF80]  }
0x30: {  	s16 =	simm.s32 $0x300;
	v23 =	vmax.f32 v24, v23;
	v24 =	vmax.f32 v25, v29;
	v25 =	vld [tilespmem:s17+$0xFFFFFF90]  }
0x31: {  	v32 =	vld [tilespmem:s16+$0x0];
	v23 =	vmax.f32 v23, v1;
	v24 =	vmax.f32 v24, v30  }
0x32: {  	v33 =	vld [tilespmem:s16+$0xFFFFFF00];
	v23 =	vmax.f32 v23, v2;
	v24 =	vmax.f32 v24, v26  }
0x33: {  	v22 =	vmax.f32 v23, v22;
	v23 =	vmax.f32 v24, v27;
	v24 =	vld [tilespmem:s17+$0xFFFFFFC0]  }
0x34: {  	v21 =	vmax.f32 v22, v21;
	v22 =	vmax.f32 v23, v28;
	v23 =	vld [tilespmem:s17+$0xFFFFFFD0]  }
0x35: {  	v20 =	vmax.f32 v21, v20;
	v21 =	vmax.f32 v22, v25;
	v22 =	vld [tilespmem:s17+$0xFFFFFFE0]  }
0x36: {  	v19 =	vmax.f32 v20, v19;
	v20 =	vld [tilespmem:s17+$0xFFFFFFF0];
	v3 =	vmax.f32 v21, v3  }
0x37: {  	v35 =	vld [tilespmem:s16+$0xFFFFFF10];
	v4 =	vmax.f32 v19, v4;
	v3 =	vmax.f32 v3, v18  }
0x38: {  	v4 =	vmax.f32 v4, v17;
	v18 =	vld [tilespmem:s17+$0xE0];
	v3 =	vmax.f32 v3, v24  }
0x39: {  	v17 =	vld [tilespmem:s17+$0xF0];
	v16 =	vmax.f32 v4, v16;
	v19 =	vmax.f32 v3, v23  }
0x3a: {  	v38 =	vld [tilespmem:s16+$0xFFFFFF30];
	v15 =	vmax.f32 v16, v15;
	v16 =	vmax.f32 v19, v22  }
0x3b: {  	v61 =	vld [tilespmem:s16+$0xFFFFFF40];
	v15 =	vmax.f32 v15, v5;
	v16 =	vmax.f32 v16, v20  }
0x3c: {  	v62 =	vmax.f32 v33, v35;
	v33 =	vld [tilespmem:s16+$0xFFFFFF80];
	v8 =	vmax.f32 v15, v8;
	v19 =	vshra.s32 v16, $0x1F  }
0x3d: {  	v1 =	vld [tilespmem:s16+$0xFFFFFFA0];
	v16 =	vand.u32 $0xFFFFFF80, v16;
	v8 =	vmax.f32 v8, v18;
	v18 =	vand.u32 $0x7FFFFF80, v19  }
0x3e: {  	s30 =	simm.s32 $0x0;
	v2 =	vld [tilespmem:s16+$0x80];
	v17 =	vmax.f32 v8, v17;
	v16 =	vxor.u32 v16, v18  }
0x3f: {  	v26 =	vld [tilespmem:s16+$0x50];
	v8 =	vimm.s32 $0x80000000;
	v18 =	vshra.s32 v17, $0x1F;
	v16 =	vor.u32 s30, v16  }
0x40: {  	v27 =	vld [tilespmem:s16+$0x20];
	v17 =	vand.u32 $0xFFFFFF80, v17;
	v18 =	vand.u32 $0x7FFFFF80, v18;
	vm0 =	vlt.s32 v8, v16  }
0x41: {  	s31 =	simm.s32 $0x1;
	v28 =	vld [tilespmem:s16+$0x40];
	v17 =	vxor.u32 v17, v18;
	v18 =	vsel vm0, v8, v16  }
0x42: {  	v25 =	vld [tilespmem:s16+$0x60];
	v16 =	vsel vm0, v16, v8;
	v17 =	vor.u32 s31, v17;
	vm11 =	vlt.s32 v8, v18  }
0x43: {  	v4 =	vld [tilespmem:s16+$0xD0];
	vm1 =	vlt.s32 v16, v17;
	v19 =	vsel vm11, v18, v8;
	v18 =	vsel vm11, v8, v18  }
0x44: {  	v21 =	vsel vm1, v16, v17;
	v16 =	vsel vm1, v17, v16;
	v17 =	vld [tilespmem:s16+$0x10];
	vm0 =	vlt.s32 v8, v18  }
0x45: {  	v5 =	vld [tilespmem:s16+$0xB0];
	vm12 =	vlt.s32 v19, v21;
	v30 =	vsel vm0, v8, v18  }
0x46: {  	v24 =	vld [tilespmem:s16+$0x70];
	v29 =	vsel vm0, v18, v8;
	v31 =	vsel vm12, v19, v21;
	vm0 =	vlt.s32 v8, v30  }
0x47: {  	v20 =	vld [tilespmem:s16+$0x30];
	v18 =	vsel vm12, v21, v19;
	vm13 =	vlt.s32 v29, v31;
	v21 =	vsel vm0, v30, v8  }
0x48: {  	v3 =	vld [tilespmem:s16+$0xC0];
	v30 =	vsel vm0, v8, v30;
	v34 =	vsel vm13, v29, v31;
	v19 =	vsel vm13, v31, v29  }
0x49: {  	v29 =	vld [tilespmem:s16+$0xFFFFFF20];
	vm0 =	vlt.s32 v8, v30;
	vm14 =	vlt.s32 v21, v34;
	v32 =	vmax.f32 v32, v17  }
0x4a: {  	v15 =	vld [tilespmem:s16+$0xA0];
	v36 =	vsel vm0, v30, v8;
	v31 =	vsel vm0, v8, v30;
	v37 =	vsel vm14, v21, v34  }
0x4b: {  	v23 =	vld [tilespmem:s16+$0xFFFFFFB0];
	v21 =	vsel vm14, v34, v21;
	v27 =	vmax.f32 v32, v27;
	vm0 =	vlt.s32 v8, v31  }
0x4c: {  	v30 =	vld [tilespmem:s16+$0xFFFFFF50];
	vm15 =	vlt.s32 v36, v37;
	v35 =	vmax.f32 v27, v20;
	v39 =	vsel vm0, v31, v8  }
0x4d: {  	v17 =	vsel vm15, v37, v36;
	v40 =	vsel vm0, v8, v31;
	v31 =	vld [tilespmem:s16+$0xFFFFFF60];
	v27 =	vsel vm15, v36, v37  }
0x4e: {  	v32 =	vld [tilespmem:s16+$0xFFFFFF70];
	v20 =	vmax.f32 v62, v29;
	vm0 =	vlt.s32 v8, v40;
	vm1 =	vlt.s32 v39, v27  }
0x4f: {  	v22 =	vld [tilespmem:s16+$0x90];
	v63 =	vmax.f32 v20, v38;
	v29 =	vsel vm0, v8, v40;
	v20 =	vsel vm1, v27, v39  }
0x50: {  	s18 =	simm.s32 $0x4;
	s19 =	simm.s32 $0x500;
	s17 =	simm.s32 $0x2;
	v36 =	vld [tilespmem:s16+$0xFFFFFF90];
	v34 =	vsel vm0, v40, v8;
	v37 =	vsel vm1, v39, v27;
	v38 =	vmax.f32 v63, v61  }
.LBB2_3:
0x51: {  	v39 =	vld [tilespmem:s19+$0xFFFFFFA0];
	p0 =	slt.u32 s18, $0x7E;
	v27 =	vmax.f32 v38, v30;
	v28 =	vmax.f32 v35, v28;
	vm0 =	vlt.s32 v34, v37;
	s20 =	smov.u32 s18;
	s18 =	sadd.s32 $0x2, s18  }
0x52: {  	v30 =	vld [tilespmem:s19+$0x80];
	v31 =	vmax.f32 v27, v31;
	v27 =	vsel vm0, v37, v34;
	v34 =	vsel vm0, v34, v37  }
0x53: {  	v26 =	vmax.f32 v28, v26;
	vm0 =	vgt.s32 v8, v29;
	v31 =	vmax.f32 v31, v32;
	v32 =	vld [tilespmem:s16+$0xFFFFFFC0]  }
0x54: {  	v25 =	vmax.f32 v26, v25;
	v8 =	vsel vm0, v8, v29;
	v28 =	vmax.f32 v31, v33;
	v31 =	vld [tilespmem:s16+$0xFFFFFFD0]  }
0x55: {  	v24 =	vmax.f32 v25, v24;
	vm0 =	vgt.s32 v8, v34;
	v26 =	vmax.f32 v28, v36;
	v28 =	vld [tilespmem:s16+$0xFFFFFFE0]  }
0x56: {  	v29 =	vmax.f32 v24, v2;
	v8 =	vsel vm0, v8, v34;
	v25 =	vmax.f32 v26, v1;
	v26 =	vld [tilespmem:s16+$0xFFFFFFF0];
	v1 =	vmovc v39  }
0x57: {  	v22 =	vmax.f32 v29, v22;
	v23 =	vmax.f32 v25, v23;
	v24 =	vld [tilespmem:s16+$0xE0];
	v2 =	vmov v30  }
0x58: {  	v15 =	vmax.f32 v22, v15;
	v23 =	vmax.f32 v23, v32;
	v25 =	vld [tilespmem:s16+$0xF0];
	s16 =	smov.u32 s19  }
0x59: {  	v5 =	vmax.f32 v15, v5;
	v29 =	vld [tilespmem:s19+$0xD0];
	v22 =	vmax.f32 v23, v31  }
0x5a: {  	v15 =	vmax.f32 v22, v28;
	v22 =	vmax.f32 v5, v3;
	v3 =	vld [tilespmem:s19+$0xC0]  }
0x5b: {  	v5 =	vld [tilespmem:s19+$0xB0];
	v23 =	vmax.f32 v15, v26;
	v4 =	vmax.f32 v22, v4  }
0x5c: {  	v15 =	vld [tilespmem:s19+$0xA0];
	v26 =	vshra.s32 v23, $0x1F;
	v28 =	vand.u32 $0xFFFFFF80, v23;
	v31 =	vmax.f32 v4, v24  }
0x5d: {  	v22 =	vld [tilespmem:s19+$0x90];
	v24 =	vand.u32 $0x7FFFFF80, v26;
	v30 =	vmax.f32 v31, v25  }
0x5e: {  	v23 =	vld [tilespmem:s19+$0xFFFFFFB0];
	v25 =	vxor.u32 v28, v24;
	v26 =	vshra.s32 v30, $0x1F;
	v28 =	vand.u32 $0xFFFFFF80, v30;
	v4 =	vmovc v29  }
0x5f: {  	v24 =	vld [tilespmem:s19+$0x70];
	v29 =	vor.u32 s17, v25;
	v26 =	vand.u32 $0x7FFFFF80, v26  }
0x60: {  	s21 =	sadd.s32 $0x1, s17;
	s17 =	smov.u32 s20;
	v25 =	vld [tilespmem:s19+$0x60];
	vm0 =	vlt.s32 v16, v29;
	v28 =	vxor.u32 v28, v26  }
0x61: {  	v26 =	vld [tilespmem:s19+$0x50];
	v30 =	vsel vm0, v29, v16;
	v16 =	vsel vm0, v16, v29;
	v29 =	vor.u32 s21, v28  }
0x62: {  	v28 =	vld [tilespmem:s19+$0x40];
	vm0 =	vlt.s32 v18, v16;
	vm1 =	vlt.s32 v30, v29  }
0x63: {  	v32 =	vld [tilespmem:s19+$0x30];
	v31 =	vsel vm0, v16, v18;
	v18 =	vsel vm0, v18, v16;
	v33 =	vsel vm1, v30, v29  }
0x64: {  	v16 =	vsel vm1, v29, v30;
	v34 =	vld [tilespmem:s19+$0x20];
	vm0 =	vlt.s32 v19, v18;
	vm1 =	vlt.s32 v31, v33  }
0x65: {  	v29 =	vld [tilespmem:s19+$0x10];
	v30 =	vsel vm0, v18, v19;
	v19 =	vsel vm0, v19, v18;
	v35 =	vsel vm1, v31, v33  }
0x66: {  	v18 =	vsel vm1, v33, v31;
	v36 =	vld [tilespmem:s19+$0x0];
	vm0 =	vlt.s32 v21, v19;
	vm1 =	vlt.s32 v30, v35  }
0x67: {  	v31 =	vld [tilespmem:s19+$0xFFFFFF00];
	v33 =	vsel vm0, v19, v21;
	v21 =	vsel vm0, v21, v19;
	v37 =	vsel vm1, v30, v35  }
0x68: {  	v19 =	vsel vm1, v35, v30;
	v38 =	vld [tilespmem:s19+$0xFFFFFF10];
	vm0 =	vlt.s32 v17, v21;
	vm1 =	vlt.s32 v33, v37  }
0x69: {  	v39 =	vld [tilespmem:s19+$0xFFFFFF20];
	v40 =	vsel vm0, v21, v17;
	v35 =	vsel vm0, v17, v21;
	v41 =	vsel vm1, v33, v37  }
0x6a: {  	v21 =	vsel vm1, v37, v33;
	v42 =	vld [tilespmem:s19+$0xFFFFFF30];
	vm0 =	vlt.s32 v20, v35;
	vm1 =	vlt.s32 v40, v41  }
0x6b: {  	v37 =	vld [tilespmem:s19+$0xFFFFFF40];
	v29 =	vmax.f32 v36, v29;
	v43 =	vsel vm0, v35, v20;
	v17 =	vsel vm1, v41, v40  }
.Ltmp2:
0x6c: {  	v30 =	vld [tilespmem:s19+$0xFFFFFF50];
	v29 =	vmax.f32 v29, v34;
	v34 =	vsel vm0, v20, v35;
	(pc) =	sbr.rel @p0 .LBB2_3-.Ltmp2, $4  }
0x6d: {  	v40 =	vsel vm1, v40, v41;
	v20 =	vmax.f32 v31, v38;
	v31 =	vld [tilespmem:s19+$0xFFFFFF60];
	v35 =	vmax.f32 v29, v32  }
0x6e: {  	vm1 =	vlt.s32 v43, v40;
	vm0 =	vlt.s32 v27, v34;
	v20 =	vmax.f32 v20, v39;
	v32 =	vld [tilespmem:s19+$0xFFFFFF70]  }
0x6f: {  	v29 =	vsel vm0, v27, v34;
	v36 =	vmax.f32 v20, v42;
	v33 =	vld [tilespmem:s19+$0xFFFFFF80];
	v20 =	vsel vm1, v40, v43  }
0x70: {  	v34 =	vsel vm0, v34, v27;
	s19 =	sadd.s32 $0x200, s19;
	v38 =	vmax.f32 v36, v37;
	v36 =	vld [tilespmem:s16+$0xFFFFFF90];
	v37 =	vsel vm1, v43, v40  }
0x71: {  	v27 =	vmax.f32 v38, v30  }
0x72: {  	v28 =	vmax.f32 v35, v28;
	v27 =	vmax.f32 v27, v31  }
0x73: {  	v57 =	vld [tilespmem:s16+$0xFFFFFFC0];
	v26 =	vmax.f32 v28, v26;
	v27 =	vmax.f32 v27, v32  }
0x74: {  	v58 =	vld [tilespmem:s16+$0xFFFFFFD0];
	v25 =	vmax.f32 v26, v25;
	v27 =	vmax.f32 v27, v33  }
0x75: {  	v60 =	vld [tilespmem:s16+$0xFFFFFFE0];
	v24 =	vmax.f32 v25, v24;
	v59 =	vmax.f32 v27, v36  }
0x76: {  	v61 =	vld [tilespmem:s16+$0xFFFFFFF0];
	s31 =	sand.u32 $0x1, s15;
	v2 =	vmax.f32 v24, v2;
	v1 =	vmax.f32 v59, v1  }
0x77: {  	vm0 =	vlt.s32 v34, v37;
	p0 =	seq.s32 s31, $0x0;
	v2 =	vmax.f32 v2, v22;
	v22 =	vld [tilespmem:s16+$0xE0];
	v1 =	vmax.f32 v1, v23  }
0x78: {  	v6 =	vpsel p0, $0xFF800000, v6;
	v2 =	vmax.f32 v2, v15;
	v15 =	vld [tilespmem:s16+$0xF0];
	v1 =	vmax.f32 v1, v57  }
0x79: {  	v7 =	vpsel p0, $0xFF800000, v7;
	v2 =	vmax.f32 v2, v5;
	v1 =	vmax.f32 v1, v58  }
0x7a: {  	v23 =	vsel vm0, v37, v34;
	v2 =	vmax.f32 v2, v3;
	v1 =	vmax.f32 v1, v60  }
0x7b: {  	v5 =	vsel vm0, v34, v37;
	v2 =	vmax.f32 v2, v4;
	v1 =	vmax.f32 v1, v61  }
0x7c: {  	vm0 =	vgt.s32 v8, v29;
	v2 =	vmax.f32 v2, v22;
	v3 =	vshra.s32 v1, $0x1F  }
0x7d: {  	v1 =	vand.u32 $0xFFFFFF80, v1;
	v2 =	vmax.f32 v2, v15;
	v3 =	vand.u32 $0x7FFFFF80, v3  }
0x7e: {  	v4 =	vsel vm0, v8, v29;
	v1 =	vxor.u32 v1, v3;
	v3 =	vshra.s32 v2, $0x1F  }
0x7f: {  	v2 =	vand.u32 $0xFFFFFF80, v2;
	v1 =	vor.u32 s17, v1;
	v3 =	vand.u32 $0x7FFFFF80, v3  }
0x80: {  	s25 =	sadd.s32 $0x1, s17;
	vm0 =	vgt.s32 v4, v5;
	vm1 =	vlt.s32 v16, v1;
	v2 =	vxor.u32 v2, v3  }
0x81: {  	v3 =	vsel vm1, v16, v1;
	v1 =	vsel vm1, v1, v16;
	v2 =	vor.u32 s25, v2  }
0x82: {  	v22 =	vsel vm0, v4, v5;
	vm0 =	vlt.s32 v18, v3;
	vm1 =	vlt.s32 v1, v2  }
0x83: {  	v4 =	vsel vm0, v3, v18;
	v3 =	vsel vm0, v18, v3;
	v5 =	vsel vm1, v1, v2  }
0x84: {  	v1 =	vsel vm1, v2, v1;
	vm0 =	vlt.s32 v19, v3;
	vm1 =	vlt.s32 v4, v5  }
0x85: {  	v1 =	vshll.u32 v1, $0x4;
	v2 =	vsel vm0, v3, v19;
	v3 =	vsel vm0, v19, v3  }
0x86: {  	s26 =	simm.s32 $0x0;
	v8 =	vsel vm1, v4, v5;
	v15 =	vsel vm1, v5, v4;
	v16 =	vand.u32 $0x7F0, v1  }
0x87: {  	s28 =	simm.s32 $0x1;
	vm0 =	vlt.s32 v21, v3;
	vm1 =	vlt.s32 v2, v8;
	v1 =	vadd.s32 s26, v16  }
0x88: {  	v19 =	vadd.s32 s28, v16;
	v4 =	vsel vm0, v3, v21;
	v3 =	vsel vm0, v21, v3  }
0x89: {  	v5 =	vsel vm1, v2, v8;
	v8 =	vsel vm1, v8, v2;
	v1 =	vshll.u32 v1, $0x4  }
0x8a: {  	vm0 =	vlt.s32 v17, v3;
	vm1 =	vlt.s32 v4, v5;
	v1 =	vor.u32 v0, v1  }
0x8b: {  	v2 =	vsel vm0, v3, v17;
	v3 =	vsel vm0, v17, v3;
	v17 =	vsel vm1, v4, v5  }
0x8c: {  	v5 =	vsel vm1, v5, v4;
	vm0 =	vlt.s32 v20, v3;
	vm1 =	vlt.s32 v2, v17  }
0x8d: {  	v4 =	vsel vm1, v17, v2;
	v2 =	vsel vm1, v2, v17;
	v17 =	vshll.u32 v19, $0x4  }
0x8e: {  	s29 =	simm.s32 $0x2;
	v18 =	vsel vm0, v3, v20;
	v3 =	vsel vm0, v20, v3;
	v17 =	vor.u32 v0, v17  }
0x8f: {  	v19 =	vadd.s32 s29, v16;
	vm0 =	vlt.s32 v23, v3;
	vm1 =	vlt.s32 v18, v2  }
0x90: {  	s30 =	simm.s32 $0x3;
	v19 =	vshll.u32 v19, $0x4;
	v20 =	vsel vm0, v23, v3;
	v21 =	vsel vm0, v3, v23;
	v62 =	vld.idx.msk [tilespmem:v1+s2+$0x0], $0xffff  }
0x91: {  	v19 =	vor.u32 v0, v19;
	v3 =	vadd.s32 s30, v16;
	vm2 =	vgt.s32 v22, v20  }
0x92: {  	v23 =	vsel vm1, v18, v2;
	v20 =	vsel vm2, v22, v20;
	v22 =	vshll.u32 v3, $0x4  }
0x93: {  	vm0 =	vlt.s32 v21, v23;
	v3 =	vsel vm1, v2, v18;
	v18 =	vor.u32 v0, v22;
	v17 =	vld.idx.msk [tilespmem:v17+s2+$0x0], $0xffff  }
0x94: {  	v10 =	vpsel p0, $0xFF800000, v10;
	v9 =	vpsel p0, $0xFF800000, v9;
	v1 =	vsel vm0, v21, v23  }
0x95: {  	v2 =	vsel vm0, v23, v21;
	vm1 =	vgt.s32 v20, v1;
	vm0 =	vgt.f32 v62, v6  }
0x96: {  	v1 =	vsel vm1, v20, v1;
	v19 =	vld.idx.msk [tilespmem:v19+s2+$0x0], $0xffff;
	v20 =	vsel vm0, v62, v6;
	v6 =	vsel vm0, v6, v62  }
0x97: {  	v11 =	vpsel p0, $0xFF800000, v11;
	v21 =	vpsel p0, $0xFF800000, v14;
	vm0 =	vgt.f32 v6, v7  }
0x98: {  	v14 =	vld.idx.msk [tilespmem:v18+s2+$0x0], $0xffff;
	v18 =	vsel vm0, v6, v7;
	v6 =	vsel vm0, v7, v6;
	vm1 =	vgt.f32 v17, v20  }
0x99: {  	v12 =	vpsel p0, $0xFF800000, v12;
	vm0 =	vgt.f32 v6, v10;
	v7 =	vsel vm1, v17, v20  }
0x9a: {  	v17 =	vsel vm1, v20, v17;
	v20 =	vsel vm0, v6, v10;
	v6 =	vsel vm0, v10, v6  }
0x9b: {  	v13 =	vpsel p0, $0xFF800000, v13;
	vm1 =	vgt.f32 v19, v7;
	vm0 =	vgt.f32 v6, v9  }
0x9c: {  	vm2 =	vgt.f32 v17, v18;
	v10 =	vsel vm1, v7, v19;
	v19 =	vsel vm1, v19, v7  }
0x9d: {  	v22 =	vsel vm0, v9, v6;
	v23 =	vsel vm2, v18, v17;
	v17 =	vsel vm2, v17, v18  }
0x9e: {  	v6 =	vsel vm0, v6, v9;
	vm1 =	vgt.f32 v14, v19;
	vm3 =	vgt.f32 v22, v11  }
0x9f: {  	vm2 =	vgt.f32 v23, v20;
	v7 =	vsel vm1, v14, v19;
	v63 =	vsel vm3, v22, v11  }
0xa0: {  	v11 =	vsel vm3, v11, v22;
	v22 =	vsel vm2, v23, v20;
	v20 =	vsel vm2, v20, v23  }
0xa1: {  	v14 =	vsel vm1, v19, v14;
	vm1 =	vgt.f32 v10, v17;
	vm0 =	vgt.f32 v11, v12  }
0xa2: {  	vm2 =	vgt.f32 v20, v6;
	v19 =	vsel vm1, v17, v10;
	v9 =	vsel vm0, v12, v11  }
0xa3: {  	v18 =	vsel vm0, v11, v12;
	v11 =	vsel vm1, v10, v17;
	v17 =	vsel vm2, v20, v6  }
0xa4: {  	v6 =	vsel vm2, v6, v20;
	vm2 =	vgt.f32 v19, v22;
	vm0 =	vgt.f32 v9, v13  }
0xa5: {  	vm1 =	vgt.f32 v14, v11;
	v12 =	vsel vm0, v9, v13;
	v23 =	vsel vm0, v13, v9  }
0xa6: {  	v10 =	vsel vm1, v11, v14;
	vm0 =	vgt.f32 v6, v63;
	v9 =	vsel vm1, v14, v11  }
0xa7: {  	v11 =	vsel vm2, v19, v22;
	v19 =	vsel vm2, v22, v19;
	v14 =	vsel vm0, v6, v63  }
0xa8: {  	v20 =	vsel vm0, v63, v6;
	vm1 =	vgt.f32 v19, v17;
	vm0 =	vgt.f32 v10, v11  }
0xa9: {  	vm2 =	vgt.f32 v23, v21;
	v13 =	vsel vm1, v19, v17;
	v19 =	vsel vm1, v17, v19  }
0xaa: {  	s17 =	simm.s32 $0x4;
	v17 =	vsel vm2, v23, v21;
	vm3 =	vgt.f32 v20, v18;
	vm1 =	vgt.f32 v19, v14  }
.LBB2_5:
0xab: {  	s18 =	sadd.s32 $0x1, s17  }
0xac: {  	s19 =	sadd.s32 $0x3, s17;
	v6 =	vsel vm3, v18, v20;
	v21 =	vsel vm1, v19, v14;
	v22 =	vsel vm0, v11, v10;
	s20 =	smov.u32 s17;
	s16 =	sadd.s32 $0x4, s17  }
0xad: {  	p1 =	slt.u32 s17, $0xC;
	v23 =	vadd.s32 s20, v16;
	v24 =	vadd.s32 s18, v16;
	vm2 =	vgt.f32 v22, v13  }
0xae: {  	v23 =	vshll.u32 v23, $0x4;
	v24 =	vshll.u32 v24, $0x4;
	v25 =	vsel vm2, v13, v22  }
0xaf: {  	v18 =	vsel vm3, v20, v18;
	s17 =	sadd.s32 $0x2, s20;
	v23 =	vor.u32 v0, v23;
	v24 =	vor.u32 v0, v24  }
0xb0: {  	vm3 =	vgt.f32 v6, v12;
	v20 =	vadd.s32 s17, v16;
	vm4 =	vgt.f32 v25, v21  }
0xb1: {  	v26 =	vsel vm3, v12, v6;
	v20 =	vshll.u32 v20, $0x4;
	v27 =	vsel vm4, v25, v21  }
0xb2: {  	v13 =	vsel vm2, v22, v13;
	vm5 =	vgt.f32 v26, v17;
	v20 =	vor.u32 v0, v20  }
0xb3: {  	v22 =	vadd.s32 s19, v16;
	v6 =	vsel vm3, v6, v12;
	v12 =	vsel vm1, v14, v19  }
0xb4: {  	v19 =	vshll.u32 v22, $0x4;
	vm1 =	vgt.f32 v12, v18;
	v21 =	vsel vm4, v21, v25;
	v14 =	vld.idx.msk [tilespmem:v23+s2+$0x0], $0xffff  }
0xb5: {  	v19 =	vor.u32 v0, v19;
	v22 =	vsel vm1, v12, v18;
	v12 =	vsel vm1, v18, v12  }
0xb6: {  	v17 =	vsel vm5, v26, v17;
	vm1 =	vgt.f32 v12, v6;
	vm2 =	vgt.f32 v21, v22;
	v18 =	vld.idx.msk [tilespmem:v24+s2+$0x0], $0xffff  }
0xb7: {  	v23 =	vsel vm1, v12, v6;
	v6 =	vsel vm1, v6, v12;
	v12 =	vsel vm2, v22, v21  }
0xb8: {  	v21 =	vsel vm2, v21, v22;
	vm1 =	vgt.f32 v6, v17;
	vm2 =	vgt.f32 v12, v23;
	v20 =	vld.idx.msk [tilespmem:v20+s2+$0x0], $0xffff  }
0xb9: {  	v6 =	vsel vm1, v6, v17;
	v17 =	vsel vm2, v12, v23;
	v12 =	vsel vm2, v23, v12  }
0xba: {  	v10 =	vsel vm0, v10, v11;
	vm0 =	vgt.f32 v12, v6;
	vm1 =	vgt.f32 v14, v7  }
0xbb: {  	v6 =	vsel vm0, v12, v6;
	v11 =	vsel vm1, v14, v7;
	v7 =	vsel vm1, v7, v14;
	v14 =	vld.idx.msk [tilespmem:v19+s2+$0x0], $0xffff  }
0xbc: {  	vm0 =	vgt.f32 v7, v9;
	vm1 =	vgt.f32 v18, v11  }
0xbd: {  	v12 =	vsel vm0, v7, v9;
	v7 =	vsel vm0, v9, v7;
	v9 =	vsel vm1, v18, v11  }
0xbe: {  	v11 =	vsel vm1, v11, v18;
	vm0 =	vgt.f32 v7, v10;
	vm1 =	vgt.f32 v20, v9  }
0xbf: {  	v18 =	vsel vm0, v7, v10;
	v10 =	vsel vm0, v10, v7;
	v19 =	vsel vm1, v9, v20  }
0xc0: {  	vm2 =	vgt.f32 v11, v12;
	v9 =	vsel vm1, v20, v9;
	vm0 =	vgt.f32 v10, v13  }
0xc1: {  	v22 =	vsel vm2, v12, v11;
	v20 =	vsel vm0, v13, v10;
	vm1 =	vgt.f32 v14, v9  }
0xc2: {  	v11 =	vsel vm2, v11, v12;
	vm3 =	vgt.f32 v20, v27;
	v7 =	vsel vm1, v14, v9  }
0xc3: {  	vm2 =	vgt.f32 v22, v18;
	v23 =	vsel vm3, v20, v27;
	v12 =	vsel vm3, v27, v20  }
0xc4: {  	v9 =	vsel vm1, v9, v14;
	v20 =	vsel vm2, v22, v18;
	v22 =	vsel vm2, v18, v22  }
0xc5: {  	v10 =	vsel vm0, v10, v13;
	vm1 =	vgt.f32 v19, v11;
	vm0 =	vgt.f32 v12, v21  }
0xc6: {  	v24 =	vsel vm1, v11, v19;
	vm2 =	vgt.f32 v22, v10;
	v13 =	vsel vm0, v21, v12  }
0xc7: {  	v11 =	vsel vm1, v19, v11;
	v18 =	vsel vm0, v12, v21;
	vm0 =	vgt.f32 v13, v17  }
0xc8: {  	vm1 =	vgt.f32 v9, v11;
	v19 =	vsel vm2, v22, v10;
	v12 =	vsel vm0, v13, v17  }
0xc9: {  	v17 =	vsel vm0, v17, v13;
	v13 =	vsel vm2, v10, v22;
	v10 =	vsel vm1, v11, v9  }
.Ltmp3:
0xca: {  	vm2 =	vgt.f32 v24, v20;
	v9 =	vsel vm1, v9, v11;
	vm0 =	vgt.f32 v13, v23;
	(pc) =	sbr.rel @p1 .LBB2_5-.Ltmp3, $4  }
0xcb: {  	v11 =	vsel vm2, v24, v20;
	v21 =	vsel vm2, v20, v24;
	v14 =	vsel vm0, v13, v23  }
0xcc: {  	v20 =	vsel vm0, v23, v13;
	vm1 =	vgt.f32 v21, v19;
	vm0 =	vgt.f32 v10, v11  }
0xcd: {  	vm2 =	vgt.f32 v17, v6;
	v13 =	vsel vm1, v21, v19;
	v19 =	vsel vm1, v19, v21  }
0xce: {  	s17 =	smov.u32 s16;
	v17 =	vsel vm2, v17, v6;
	vm3 =	vgt.f32 v20, v18;
	vm1 =	vgt.f32 v19, v14  }
0xcf: {  	v16 =	vsel vm0, v11, v10  }
0xd0: {  	v21 =	vsel vm3, v18, v20;
	v6 =	vshll.u32 v15, $0x4;
	v15 =	vsel vm1, v19, v14  }
0xd1: {  	s16 =	simm.s32 $0x0;
	v18 =	vsel vm3, v20, v18;
	v14 =	vsel vm1, v14, v19;
	v6 =	vand.u32 $0x7F0, v6  }
0xd2: {  	v10 =	vsel vm0, v10, v11;
	vm2 =	vgt.f32 v16, v13;
	v20 =	vadd.s32 s16, v6  }
0xd3: {  	s29 =	simm.s32 $0x1;
	vm3 =	vgt.f32 v21, v12;
	vm1 =	vgt.f32 v14, v18;
	v20 =	vshll.u32 v20, $0x4  }
0xd4: {  	v22 =	vsel vm2, v13, v16;
	v55 =	vadd.s32 s29, v6;
	v20 =	vor.u32 v0, v20  }
0xd5: {  	s30 =	simm.s32 $0x2;
	v23 =	vsel vm3, v12, v21;
	v12 =	vsel vm3, v21, v12;
	v21 =	vshll.u32 v55, $0x4  }
0xd6: {  	s31 =	simm.s32 $0x3;
	v56 =	vadd.s32 s30, v6;
	v57 =	vsel vm1, v14, v18;
	v19 =	vor.u32 v0, v21  }
0xd7: {  	v14 =	vsel vm1, v18, v14;
	v58 =	vadd.s32 s31, v6;
	v21 =	vshll.u32 v56, $0x4  }
0xd8: {  	vm4 =	vgt.f32 v22, v15;
	vm3 =	vgt.f32 v23, v17;
	v18 =	vor.u32 v0, v21  }
0xd9: {  	vm1 =	vgt.f32 v14, v12;
	v24 =	vsel vm4, v22, v15;
	v15 =	vsel vm4, v15, v22;
	v20 =	vld.idx.msk [tilespmem:v20+s2+$0x0], $0xffff  }
0xda: {  	v17 =	vsel vm3, v23, v17;
	v59 =	vsel vm1, v14, v12;
	v21 =	vshll.u32 v58, $0x4  }
0xdb: {  	v12 =	vsel vm1, v12, v14;
	vm3 =	vgt.f32 v15, v57;
	v21 =	vor.u32 v0, v21;
	v19 =	vld.idx.msk [tilespmem:v19+s2+$0x0], $0xffff  }
0xdc: {  	v13 =	vsel vm2, v16, v13;
	vm1 =	vgt.f32 v12, v17;
	v14 =	vsel vm3, v57, v15  }
0xdd: {  	v15 =	vsel vm3, v15, v57;
	v12 =	vsel vm1, v12, v17;
	vm2 =	vgt.f32 v14, v59;
	v16 =	vld.idx.msk [tilespmem:v18+s2+$0x0], $0xffff  }
0xde: {  	v17 =	vsel vm2, v14, v59;
	v14 =	vsel vm2, v59, v14;
	vm0 =	vgt.f32 v20, v7  }
0xdf: {  	vm1 =	vgt.f32 v14, v12;
	v11 =	vsel vm0, v20, v7;
	v7 =	vsel vm0, v7, v20  }
0xe0: {  	v20 =	vsel vm1, v14, v12;
	v12 =	vld.idx.msk [tilespmem:v21+s2+$0x0], $0xffff;
	vm0 =	vgt.f32 v7, v9;
	vm1 =	vgt.f32 v19, v11  }
0xe1: {  	v14 =	vsel vm0, v7, v9;
	v7 =	vsel vm0, v9, v7;
	v9 =	vsel vm1, v19, v11  }
0xe2: {  	v11 =	vsel vm1, v11, v19;
	vm0 =	vgt.f32 v7, v10;
	vm1 =	vgt.f32 v16, v9  }
0xe3: {  	vm2 =	vgt.f32 v11, v14;
	v18 =	vsel vm0, v7, v10;
	v10 =	vsel vm0, v10, v7  }
0xe4: {  	v19 =	vsel vm1, v9, v16;
	v9 =	vsel vm1, v16, v9;
	v60 =	vsel vm2, v14, v11  }
0xe5: {  	v11 =	vsel vm2, v11, v14;
	vm0 =	vgt.f32 v10, v13;
	vm1 =	vgt.f32 v12, v9  }
0xe6: {  	vm2 =	vgt.f32 v60, v18;
	v16 =	vsel vm0, v13, v10;
	v7 =	vsel vm1, v12, v9  }
0xe7: {  	v62 =	vsel vm2, v60, v18;
	v18 =	vsel vm2, v18, v60;
	vm3 =	vgt.f32 v16, v24  }
0xe8: {  	v9 =	vsel vm1, v9, v12;
	v10 =	vsel vm0, v10, v13;
	v14 =	vsel vm3, v24, v16  }
0xe9: {  	vm1 =	vgt.f32 v19, v11;
	vm2 =	vgt.f32 v18, v10;
	vm0 =	vgt.f32 v14, v15  }
0xea: {  	v63 =	vsel vm1, v11, v19;
	v11 =	vsel vm1, v19, v11;
	v13 =	vsel vm0, v15, v14  }
0xeb: {  	v61 =	vsel vm3, v16, v24;
	v16 =	vsel vm0, v14, v15;
	vm0 =	vgt.f32 v13, v17  }
0xec: {  	vm1 =	vgt.f32 v9, v11;
	v15 =	vsel vm2, v18, v10;
	v12 =	vsel vm0, v13, v17  }
0xed: {  	v19 =	vsel vm0, v17, v13;
	v13 =	vsel vm2, v10, v18;
	v10 =	vsel vm1, v11, v9  }
0xee: {  	vm2 =	vgt.f32 v63, v62;
	v9 =	vsel vm1, v9, v11;
	vm0 =	vgt.f32 v13, v61  }
0xef: {  	v11 =	vsel vm2, v63, v62;
	v17 =	vsel vm2, v62, v63;
	vm2 =	vgt.f32 v19, v20  }
0xf0: {  	v14 =	vsel vm0, v13, v61;
	v18 =	vsel vm0, v61, v13;
	vm1 =	vgt.f32 v17, v15  }
0xf1: {  	vm0 =	vgt.f32 v10, v11;
	v13 =	vsel vm1, v17, v15;
	v17 =	vsel vm1, v15, v17  }
0xf2: {  	s17 =	simm.s32 $0x4;
	v15 =	vsel vm2, v19, v20;
	vm3 =	vgt.f32 v18, v16;
	vm1 =	vgt.f32 v17, v14  }
.LBB2_7:
0xf3: {  	s18 =	sadd.s32 $0x1, s17  }
0xf4: {  	s19 =	sadd.s32 $0x3, s17;
	v19 =	vsel vm3, v16, v18;
	v20 =	vsel vm1, v17, v14;
	v21 =	vsel vm0, v11, v10;
	s20 =	smov.u32 s17;
	s16 =	sadd.s32 $0x4, s17  }
0xf5: {  	p1 =	slt.u32 s17, $0xC;
	v22 =	vadd.s32 s20, v6;
	v23 =	vadd.s32 s18, v6;
	vm2 =	vgt.f32 v21, v13  }
0xf6: {  	v22 =	vshll.u32 v22, $0x4;
	v23 =	vshll.u32 v23, $0x4;
	v24 =	vsel vm2, v13, v21  }
0xf7: {  	v16 =	vsel vm3, v18, v16;
	s17 =	sadd.s32 $0x2, s20;
	v22 =	vor.u32 v0, v22;
	v23 =	vor.u32 v0, v23  }
0xf8: {  	vm3 =	vgt.f32 v19, v12;
	v18 =	vadd.s32 s17, v6;
	vm4 =	vgt.f32 v24, v20  }
0xf9: {  	v25 =	vsel vm3, v12, v19;
	v18 =	vshll.u32 v18, $0x4;
	v26 =	vsel vm4, v24, v20  }
0xfa: {  	v13 =	vsel vm2, v21, v13;
	vm5 =	vgt.f32 v25, v15;
	v18 =	vor.u32 v0, v18  }
0xfb: {  	v14 =	vsel vm1, v14, v17;
	v21 =	vadd.s32 s19, v6;
	v12 =	vsel vm3, v19, v12  }
0xfc: {  	vm1 =	vgt.f32 v14, v16;
	v19 =	vshll.u32 v21, $0x4;
	v20 =	vsel vm4, v20, v24;
	v17 =	vld.idx.msk [tilespmem:v22+s2+$0x0], $0xffff  }
0xfd: {  	v21 =	vsel vm1, v14, v16;
	v14 =	vsel vm1, v16, v14;
	v19 =	vor.u32 v0, v19  }
0xfe: {  	v15 =	vsel vm5, v25, v15;
	vm1 =	vgt.f32 v14, v12;
	vm2 =	vgt.f32 v20, v21;
	v16 =	vld.idx.msk [tilespmem:v23+s2+$0x0], $0xffff  }
0xff: {  	v22 =	vsel vm1, v14, v12;
	v12 =	vsel vm1, v12, v14;
	v14 =	vsel vm2, v21, v20  }
0x100: {  	v20 =	vsel vm2, v20, v21;
	vm1 =	vgt.f32 v12, v15;
	vm2 =	vgt.f32 v14, v22;
	v18 =	vld.idx.msk [tilespmem:v18+s2+$0x0], $0xffff  }
0x101: {  	v12 =	vsel vm1, v12, v15;
	v15 =	vsel vm2, v14, v22;
	v14 =	vsel vm2, v22, v14  }
0x102: {  	v10 =	vsel vm0, v10, v11;
	vm0 =	vgt.f32 v14, v12;
	vm1 =	vgt.f32 v17, v7  }
0x103: {  	v11 =	vsel vm1, v17, v7;
	v7 =	vsel vm1, v7, v17;
	v17 =	vld.idx.msk [tilespmem:v19+s2+$0x0], $0xffff;
	v19 =	vsel vm0, v14, v12  }
0x104: {  	vm0 =	vgt.f32 v7, v9;
	vm1 =	vgt.f32 v16, v11  }
0x105: {  	v12 =	vsel vm0, v7, v9;
	v7 =	vsel vm0, v9, v7;
	v9 =	vsel vm1, v16, v11  }
0x106: {  	v11 =	vsel vm1, v11, v16;
	vm0 =	vgt.f32 v7, v10;
	vm1 =	vgt.f32 v18, v9  }
0x107: {  	v14 =	vsel vm0, v7, v10;
	v10 =	vsel vm0, v10, v7;
	v21 =	vsel vm1, v9, v18  }
0x108: {  	vm2 =	vgt.f32 v11, v12;
	v9 =	vsel vm1, v18, v9;
	vm0 =	vgt.f32 v10, v13  }
0x109: {  	v18 =	vsel vm2, v12, v11;
	v16 =	vsel vm0, v13, v10;
	vm1 =	vgt.f32 v17, v9  }
0x10a: {  	v11 =	vsel vm2, v11, v12;
	vm3 =	vgt.f32 v16, v26;
	v7 =	vsel vm1, v17, v9  }
0x10b: {  	vm2 =	vgt.f32 v18, v14;
	v22 =	vsel vm3, v16, v26;
	v12 =	vsel vm3, v26, v16  }
0x10c: {  	v23 =	vsel vm2, v18, v14;
	v14 =	vsel vm2, v14, v18;
	v9 =	vsel vm1, v9, v17  }
0x10d: {  	v10 =	vsel vm0, v10, v13;
	vm1 =	vgt.f32 v21, v11;
	vm0 =	vgt.f32 v12, v20  }
0x10e: {  	vm2 =	vgt.f32 v14, v10;
	v17 =	vsel vm1, v11, v21;
	v13 =	vsel vm0, v20, v12  }
0x10f: {  	v11 =	vsel vm1, v21, v11;
	v16 =	vsel vm0, v12, v20;
	vm0 =	vgt.f32 v13, v15  }
0x110: {  	vm1 =	vgt.f32 v9, v11;
	v20 =	vsel vm2, v14, v10;
	v12 =	vsel vm0, v13, v15  }
0x111: {  	v15 =	vsel vm0, v15, v13;
	v13 =	vsel vm2, v10, v14;
	v10 =	vsel vm1, v11, v9  }
.Ltmp4:
0x112: {  	vm2 =	vgt.f32 v17, v23;
	v9 =	vsel vm1, v9, v11;
	vm0 =	vgt.f32 v13, v22;
	(pc) =	sbr.rel @p1 .LBB2_7-.Ltmp4, $4  }
0x113: {  	v11 =	vsel vm2, v17, v23;
	v17 =	vsel vm2, v23, v17;
	v14 =	vsel vm0, v13, v22  }
0x114: {  	v18 =	vsel vm0, v22, v13;
	vm1 =	vgt.f32 v17, v20;
	vm0 =	vgt.f32 v10, v11  }
0x115: {  	vm2 =	vgt.f32 v15, v19;
	v13 =	vsel vm1, v17, v20;
	v17 =	vsel vm1, v20, v17  }
0x116: {  	s17 =	smov.u32 s16;
	v15 =	vsel vm2, v15, v19;
	vm3 =	vgt.f32 v18, v16;
	vm1 =	vgt.f32 v17, v14  }
0x117: {  	v19 =	vsel vm0, v11, v10  }
0x118: {  	v20 =	vsel vm3, v16, v18;
	v6 =	vshll.u32 v8, $0x4;
	v8 =	vsel vm1, v17, v14  }
0x119: {  	s16 =	simm.s32 $0x0;
	v16 =	vsel vm3, v18, v16;
	v14 =	vsel vm1, v14, v17;
	v6 =	vand.u32 $0x7F0, v6  }
0x11a: {  	v10 =	vsel vm0, v10, v11;
	vm2 =	vgt.f32 v19, v13;
	v18 =	vadd.s32 s16, v6  }
0x11b: {  	s29 =	simm.s32 $0x1;
	vm3 =	vgt.f32 v20, v12;
	vm1 =	vgt.f32 v14, v16;
	v18 =	vshll.u32 v18, $0x4  }
0x11c: {  	v21 =	vsel vm2, v13, v19;
	v56 =	vadd.s32 s29, v6;
	v18 =	vor.u32 v0, v18  }
0x11d: {  	s30 =	simm.s32 $0x2;
	v22 =	vsel vm3, v12, v20;
	v12 =	vsel vm3, v20, v12;
	v20 =	vshll.u32 v56, $0x4  }
0x11e: {  	s31 =	simm.s32 $0x3;
	v57 =	vadd.s32 s30, v6;
	v58 =	vsel vm1, v14, v16;
	v17 =	vor.u32 v0, v20  }
0x11f: {  	v14 =	vsel vm1, v16, v14;
	v59 =	vadd.s32 s31, v6;
	v20 =	vshll.u32 v57, $0x4  }
0x120: {  	vm4 =	vgt.f32 v21, v8;
	vm3 =	vgt.f32 v22, v15;
	v16 =	vor.u32 v0, v20  }
0x121: {  	vm1 =	vgt.f32 v14, v12;
	v23 =	vsel vm4, v21, v8;
	v8 =	vsel vm4, v8, v21;
	v18 =	vld.idx.msk [tilespmem:v18+s2+$0x0], $0xffff  }
0x122: {  	v15 =	vsel vm3, v22, v15;
	v60 =	vsel vm1, v14, v12;
	v20 =	vshll.u32 v59, $0x4  }
0x123: {  	v12 =	vsel vm1, v12, v14;
	vm3 =	vgt.f32 v8, v58;
	v20 =	vor.u32 v0, v20;
	v17 =	vld.idx.msk [tilespmem:v17+s2+$0x0], $0xffff  }
0x124: {  	v13 =	vsel vm2, v19, v13;
	vm1 =	vgt.f32 v12, v15;
	v14 =	vsel vm3, v58, v8  }
0x125: {  	v8 =	vsel vm3, v8, v58;
	v12 =	vsel vm1, v12, v15;
	vm2 =	vgt.f32 v14, v60;
	v15 =	vld.idx.msk [tilespmem:v16+s2+$0x0], $0xffff  }
0x126: {  	v19 =	vsel vm2, v14, v60;
	v14 =	vsel vm2, v60, v14;
	vm0 =	vgt.f32 v18, v7  }
0x127: {  	vm1 =	vgt.f32 v14, v12;
	v11 =	vsel vm0, v18, v7;
	v7 =	vsel vm0, v7, v18  }
0x128: {  	v14 =	vsel vm1, v14, v12;
	v12 =	vld.idx.msk [tilespmem:v20+s2+$0x0], $0xffff;
	vm0 =	vgt.f32 v7, v9;
	vm1 =	vgt.f32 v17, v11  }
0x129: {  	v16 =	vsel vm0, v7, v9;
	v7 =	vsel vm0, v9, v7;
	v9 =	vsel vm1, v17, v11  }
0x12a: {  	v11 =	vsel vm1, v11, v17;
	vm0 =	vgt.f32 v7, v10;
	vm1 =	vgt.f32 v15, v9  }
0x12b: {  	vm2 =	vgt.f32 v11, v16;
	v17 =	vsel vm0, v7, v10;
	v10 =	vsel vm0, v10, v7  }
0x12c: {  	v18 =	vsel vm1, v9, v15;
	v9 =	vsel vm1, v15, v9;
	v61 =	vsel vm2, v16, v11  }
0x12d: {  	v11 =	vsel vm2, v11, v16;
	vm0 =	vgt.f32 v10, v13;
	vm1 =	vgt.f32 v12, v9  }
0x12e: {  	vm2 =	vgt.f32 v61, v17;
	v15 =	vsel vm0, v13, v10;
	v7 =	vsel vm1, v12, v9  }
0x12f: {  	v62 =	vsel vm2, v61, v17;
	v17 =	vsel vm2, v17, v61;
	vm3 =	vgt.f32 v15, v23  }
0x130: {  	v12 =	vsel vm1, v9, v12;
	v16 =	vsel vm3, v15, v23;
	v15 =	vsel vm3, v23, v15  }
0x131: {  	v9 =	vsel vm0, v10, v13;
	vm1 =	vgt.f32 v18, v11;
	vm0 =	vgt.f32 v15, v8  }
0x132: {  	vm2 =	vgt.f32 v17, v9;
	v63 =	vsel vm1, v11, v18;
	v10 =	vsel vm0, v8, v15  }
0x133: {  	v15 =	vsel vm0, v15, v8;
	v8 =	vsel vm1, v18, v11;
	v18 =	vsel vm2, v17, v9  }
0x134: {  	v17 =	vsel vm2, v9, v17;
	vm2 =	vgt.f32 v63, v62;
	vm0 =	vgt.f32 v10, v19  }
0x135: {  	vm1 =	vgt.f32 v12, v8;
	v20 =	vsel vm2, v62, v63;
	v11 =	vsel vm0, v10, v19  }
0x136: {  	v19 =	vsel vm0, v19, v10;
	v9 =	vsel vm1, v8, v12;
	vm0 =	vgt.f32 v17, v16  }
0x137: {  	v8 =	vsel vm1, v12, v8;
	v10 =	vsel vm2, v63, v62;
	vm1 =	vgt.f32 v20, v18  }
0x138: {  	v13 =	vsel vm0, v17, v16;
	v17 =	vsel vm0, v16, v17;
	vm0 =	vgt.f32 v9, v10  }
0x139: {  	vm2 =	vgt.f32 v19, v14;
	v12 =	vsel vm1, v20, v18;
	v16 =	vsel vm1, v18, v20  }
0x13a: {  	s17 =	simm.s32 $0x4;
	v14 =	vsel vm2, v19, v14;
	vm3 =	vgt.f32 v17, v15;
	vm1 =	vgt.f32 v16, v13  }
.LBB2_9:
0x13b: {  	s18 =	sadd.s32 $0x1, s17  }
0x13c: {  	s19 =	sadd.s32 $0x3, s17;
	v18 =	vsel vm3, v15, v17;
	v19 =	vsel vm1, v16, v13;
	v20 =	vsel vm0, v10, v9;
	s20 =	smov.u32 s17;
	s16 =	sadd.s32 $0x4, s17  }
0x13d: {  	p1 =	slt.u32 s17, $0xC;
	v21 =	vadd.s32 s20, v6;
	v22 =	vadd.s32 s18, v6;
	vm2 =	vgt.f32 v20, v12  }
0x13e: {  	v21 =	vshll.u32 v21, $0x4;
	v22 =	vshll.u32 v22, $0x4;
	v23 =	vsel vm2, v12, v20  }
0x13f: {  	v15 =	vsel vm3, v17, v15;
	s17 =	sadd.s32 $0x2, s20;
	v21 =	vor.u32 v0, v21;
	v22 =	vor.u32 v0, v22  }
0x140: {  	vm3 =	vgt.f32 v18, v11;
	v17 =	vadd.s32 s17, v6;
	vm4 =	vgt.f32 v23, v19  }
0x141: {  	v24 =	vsel vm3, v11, v18;
	v17 =	vshll.u32 v17, $0x4;
	v25 =	vsel vm4, v23, v19  }
0x142: {  	v12 =	vsel vm2, v20, v12;
	vm5 =	vgt.f32 v24, v14;
	v17 =	vor.u32 v0, v17  }
0x143: {  	v13 =	vsel vm1, v13, v16;
	v20 =	vadd.s32 s19, v6;
	v11 =	vsel vm3, v18, v11  }
0x144: {  	vm1 =	vgt.f32 v13, v15;
	v18 =	vshll.u32 v20, $0x4;
	v19 =	vsel vm4, v19, v23;
	v16 =	vld.idx.msk [tilespmem:v21+s2+$0x0], $0xffff  }
0x145: {  	v20 =	vsel vm1, v13, v15;
	v13 =	vsel vm1, v15, v13;
	v18 =	vor.u32 v0, v18  }
0x146: {  	v14 =	vsel vm5, v24, v14;
	vm1 =	vgt.f32 v13, v11;
	vm2 =	vgt.f32 v19, v20;
	v15 =	vld.idx.msk [tilespmem:v22+s2+$0x0], $0xffff  }
0x147: {  	v21 =	vsel vm1, v13, v11;
	v11 =	vsel vm1, v11, v13;
	v13 =	vsel vm2, v20, v19  }
0x148: {  	v19 =	vsel vm2, v19, v20;
	vm1 =	vgt.f32 v11, v14;
	vm2 =	vgt.f32 v13, v21;
	v17 =	vld.idx.msk [tilespmem:v17+s2+$0x0], $0xffff  }
0x149: {  	v11 =	vsel vm1, v11, v14;
	v14 =	vsel vm2, v13, v21;
	v13 =	vsel vm2, v21, v13  }
0x14a: {  	v9 =	vsel vm0, v9, v10;
	vm0 =	vgt.f32 v13, v11;
	vm1 =	vgt.f32 v16, v7  }
0x14b: {  	v10 =	vsel vm1, v16, v7;
	v7 =	vsel vm1, v7, v16;
	v16 =	vld.idx.msk [tilespmem:v18+s2+$0x0], $0xffff;
	v18 =	vsel vm0, v13, v11  }
0x14c: {  	vm0 =	vgt.f32 v7, v8;
	vm1 =	vgt.f32 v15, v10  }
0x14d: {  	v11 =	vsel vm0, v7, v8;
	v7 =	vsel vm0, v8, v7;
	v8 =	vsel vm1, v15, v10  }
0x14e: {  	v10 =	vsel vm1, v10, v15;
	vm0 =	vgt.f32 v7, v9;
	vm1 =	vgt.f32 v17, v8  }
0x14f: {  	v13 =	vsel vm0, v7, v9;
	v9 =	vsel vm0, v9, v7;
	v20 =	vsel vm1, v8, v17  }
0x150: {  	vm2 =	vgt.f32 v10, v11;
	v8 =	vsel vm1, v17, v8;
	vm0 =	vgt.f32 v9, v12  }
0x151: {  	v17 =	vsel vm2, v11, v10;
	v15 =	vsel vm0, v12, v9;
	vm1 =	vgt.f32 v16, v8  }
0x152: {  	v10 =	vsel vm2, v10, v11;
	vm3 =	vgt.f32 v15, v25;
	v7 =	vsel vm1, v16, v8  }
0x153: {  	vm2 =	vgt.f32 v17, v13;
	v21 =	vsel vm3, v15, v25;
	v11 =	vsel vm3, v25, v15  }
0x154: {  	v22 =	vsel vm2, v17, v13;
	v13 =	vsel vm2, v13, v17;
	v8 =	vsel vm1, v8, v16  }
0x155: {  	v9 =	vsel vm0, v9, v12;
	vm1 =	vgt.f32 v20, v10;
	vm0 =	vgt.f32 v11, v19  }
0x156: {  	vm2 =	vgt.f32 v13, v9;
	v16 =	vsel vm1, v10, v20;
	v12 =	vsel vm0, v19, v11  }
0x157: {  	v10 =	vsel vm1, v20, v10;
	v15 =	vsel vm0, v11, v19;
	vm0 =	vgt.f32 v12, v14  }
0x158: {  	vm1 =	vgt.f32 v8, v10;
	v19 =	vsel vm2, v13, v9;
	v11 =	vsel vm0, v12, v14  }
0x159: {  	v14 =	vsel vm0, v14, v12;
	v12 =	vsel vm2, v9, v13;
	v9 =	vsel vm1, v10, v8  }
.Ltmp5:
0x15a: {  	vm2 =	vgt.f32 v16, v22;
	v8 =	vsel vm1, v8, v10;
	vm0 =	vgt.f32 v12, v21;
	(pc) =	sbr.rel @p1 .LBB2_9-.Ltmp5, $4  }
0x15b: {  	v10 =	vsel vm2, v16, v22;
	v16 =	vsel vm2, v22, v16;
	v13 =	vsel vm0, v12, v21  }
0x15c: {  	v17 =	vsel vm0, v21, v12;
	vm1 =	vgt.f32 v16, v19;
	vm0 =	vgt.f32 v9, v10  }
0x15d: {  	vm2 =	vgt.f32 v14, v18;
	v12 =	vsel vm1, v16, v19;
	v16 =	vsel vm1, v19, v16  }
0x15e: {  	s17 =	smov.u32 s16;
	v14 =	vsel vm2, v14, v18;
	vm3 =	vgt.f32 v17, v15;
	vm1 =	vgt.f32 v16, v13  }
0x15f: {  	v6 =	vsel vm0, v10, v9  }
0x160: {  	v18 =	vsel vm3, v15, v17;
	v5 =	vshll.u32 v5, $0x4;
	v19 =	vsel vm1, v16, v13  }
0x161: {  	s16 =	simm.s32 $0x0;
	v15 =	vsel vm3, v17, v15;
	v13 =	vsel vm1, v13, v16;
	v5 =	vand.u32 $0x7F0, v5  }
0x162: {  	v9 =	vsel vm0, v9, v10;
	vm3 =	vgt.f32 v18, v11;
	v17 =	vadd.s32 s16, v5  }
0x163: {  	s29 =	simm.s32 $0x1;
	vm2 =	vgt.f32 v6, v12;
	v21 =	vsel vm3, v11, v18;
	v17 =	vshll.u32 v17, $0x4  }
0x164: {  	v11 =	vsel vm3, v18, v11;
	v18 =	vadd.s32 s29, v5;
	v17 =	vor.u32 v0, v17  }
0x165: {  	s30 =	simm.s32 $0x2;
	vm1 =	vgt.f32 v13, v15;
	v20 =	vsel vm2, v12, v6;
	v18 =	vshll.u32 v18, $0x4  }
0x166: {  	v60 =	vsel vm1, v13, v15;
	v16 =	vor.u32 v0, v18;
	v18 =	vadd.s32 s30, v5  }
0x167: {  	v13 =	vsel vm1, v15, v13;
	vm4 =	vgt.f32 v20, v19;
	v18 =	vshll.u32 v18, $0x4  }
0x168: {  	s31 =	simm.s32 $0x3;
	vm3 =	vgt.f32 v21, v14;
	vm1 =	vgt.f32 v13, v11;
	v15 =	vor.u32 v0, v18  }
0x169: {  	v22 =	vsel vm4, v20, v19;
	v19 =	vsel vm4, v19, v20;
	v18 =	vadd.s32 s31, v5;
	v17 =	vld.idx.msk [tilespmem:v17+s2+$0x0], $0xffff  }
0x16a: {  	v14 =	vsel vm3, v21, v14;
	v61 =	vsel vm1, v13, v11;
	v18 =	vshll.u32 v18, $0x4  }
0x16b: {  	v11 =	vsel vm1, v11, v13;
	vm3 =	vgt.f32 v19, v60;
	v18 =	vor.u32 v0, v18;
	v16 =	vld.idx.msk [tilespmem:v16+s2+$0x0], $0xffff  }
0x16c: {  	v12 =	vsel vm2, v6, v12;
	vm1 =	vgt.f32 v11, v14;
	v13 =	vsel vm3, v60, v19  }
0x16d: {  	v19 =	vsel vm3, v19, v60;
	v6 =	vsel vm1, v11, v14;
	vm2 =	vgt.f32 v13, v61;
	v14 =	vld.idx.msk [tilespmem:v15+s2+$0x0], $0xffff  }
0x16e: {  	v11 =	vsel vm2, v13, v61;
	v13 =	vsel vm2, v61, v13;
	vm0 =	vgt.f32 v17, v7  }
0x16f: {  	vm1 =	vgt.f32 v13, v6;
	v10 =	vsel vm0, v17, v7;
	v7 =	vsel vm0, v7, v17  }
0x170: {  	v13 =	vsel vm1, v13, v6;
	v15 =	vld.idx.msk [tilespmem:v18+s2+$0x0], $0xffff;
	vm0 =	vgt.f32 v7, v8;
	vm1 =	vgt.f32 v16, v10  }
0x171: {  	v6 =	vsel vm0, v7, v8;
	v7 =	vsel vm0, v8, v7;
	v8 =	vsel vm1, v16, v10  }
0x172: {  	v10 =	vsel vm1, v10, v16;
	vm0 =	vgt.f32 v7, v9;
	vm1 =	vgt.f32 v14, v8  }
0x173: {  	vm2 =	vgt.f32 v10, v6;
	v16 =	vsel vm0, v7, v9;
	v7 =	vsel vm0, v9, v7  }
0x174: {  	v9 =	vsel vm1, v8, v14;
	v8 =	vsel vm1, v14, v8;
	v17 =	vsel vm2, v6, v10  }
0x175: {  	v10 =	vsel vm2, v10, v6;
	vm0 =	vgt.f32 v7, v12;
	vm1 =	vgt.f32 v15, v8  }
0x176: {  	vm2 =	vgt.f32 v17, v16;
	v14 =	vsel vm0, v12, v7;
	v6 =	vsel vm1, v15, v8  }
0x177: {  	v62 =	vsel vm2, v17, v16;
	v16 =	vsel vm2, v16, v17;
	vm3 =	vgt.f32 v14, v22  }
0x178: {  	v15 =	vsel vm1, v8, v15;
	v18 =	vsel vm3, v14, v22;
	v14 =	vsel vm3, v22, v14  }
0x179: {  	v7 =	vsel vm0, v7, v12;
	vm1 =	vgt.f32 v9, v10;
	vm0 =	vgt.f32 v14, v19  }
0x17a: {  	vm2 =	vgt.f32 v16, v7;
	v17 =	vsel vm1, v10, v9;
	v8 =	vsel vm0, v19, v14  }
0x17b: {  	v9 =	vsel vm1, v9, v10;
	v14 =	vsel vm0, v14, v19;
	vm0 =	vgt.f32 v8, v11  }
0x17c: {  	vm1 =	vgt.f32 v15, v9;
	v19 =	vsel vm2, v16, v7;
	v10 =	vsel vm0, v8, v11  }
0x17d: {  	v63 =	vsel vm0, v11, v8;
	v11 =	vsel vm2, v7, v16;
	v8 =	vsel vm1, v9, v15  }
0x17e: {  	vm2 =	vgt.f32 v17, v62;
	v7 =	vsel vm1, v15, v9;
	vm0 =	vgt.f32 v11, v18  }
0x17f: {  	v9 =	vsel vm2, v17, v62;
	v15 =	vsel vm2, v62, v17;
	vm2 =	vgt.f32 v63, v13  }
0x180: {  	v12 =	vsel vm0, v11, v18;
	v16 =	vsel vm0, v18, v11;
	vm1 =	vgt.f32 v15, v19  }
0x181: {  	vm0 =	vgt.f32 v8, v9;
	v11 =	vsel vm1, v15, v19;
	v15 =	vsel vm1, v19, v15  }
0x182: {  	s17 =	simm.s32 $0x4;
	v13 =	vsel vm2, v63, v13;
	vm3 =	vgt.f32 v16, v14;
	vm1 =	vgt.f32 v15, v12  }
.LBB2_11:
0x183: {  	s18 =	sadd.s32 $0x1, s17  }
0x184: {  	s19 =	sadd.s32 $0x3, s17;
	v17 =	vsel vm3, v14, v16;
	v18 =	vsel vm1, v15, v12;
	v19 =	vsel vm0, v9, v8;
	s20 =	smov.u32 s17;
	s16 =	sadd.s32 $0x4, s17  }
0x185: {  	p1 =	slt.u32 s17, $0xC;
	v20 =	vadd.s32 s20, v5;
	v21 =	vadd.s32 s18, v5;
	vm2 =	vgt.f32 v19, v11  }
0x186: {  	v20 =	vshll.u32 v20, $0x4;
	v21 =	vshll.u32 v21, $0x4;
	v22 =	vsel vm2, v11, v19  }
0x187: {  	v14 =	vsel vm3, v16, v14;
	s17 =	sadd.s32 $0x2, s20;
	v20 =	vor.u32 v0, v20;
	v21 =	vor.u32 v0, v21  }
0x188: {  	vm3 =	vgt.f32 v17, v10;
	v16 =	vadd.s32 s17, v5;
	vm4 =	vgt.f32 v22, v18  }
0x189: {  	v23 =	vsel vm3, v10, v17;
	v16 =	vshll.u32 v16, $0x4;
	v24 =	vsel vm4, v22, v18  }
0x18a: {  	v11 =	vsel vm2, v19, v11;
	vm5 =	vgt.f32 v23, v13;
	v16 =	vor.u32 v0, v16  }
0x18b: {  	v12 =	vsel vm1, v12, v15;
	v19 =	vadd.s32 s19, v5;
	v10 =	vsel vm3, v17, v10  }
0x18c: {  	vm1 =	vgt.f32 v12, v14;
	v17 =	vshll.u32 v19, $0x4;
	v18 =	vsel vm4, v18, v22;
	v15 =	vld.idx.msk [tilespmem:v20+s2+$0x0], $0xffff  }
0x18d: {  	v19 =	vsel vm1, v12, v14;
	v12 =	vsel vm1, v14, v12;
	v17 =	vor.u32 v0, v17  }
0x18e: {  	v13 =	vsel vm5, v23, v13;
	vm1 =	vgt.f32 v12, v10;
	vm2 =	vgt.f32 v18, v19;
	v14 =	vld.idx.msk [tilespmem:v21+s2+$0x0], $0xffff  }
0x18f: {  	v20 =	vsel vm1, v12, v10;
	v10 =	vsel vm1, v10, v12;
	v12 =	vsel vm2, v19, v18  }
0x190: {  	v18 =	vsel vm2, v18, v19;
	vm1 =	vgt.f32 v10, v13;
	vm2 =	vgt.f32 v12, v20;
	v16 =	vld.idx.msk [tilespmem:v16+s2+$0x0], $0xffff  }
0x191: {  	v10 =	vsel vm1, v10, v13;
	v13 =	vsel vm2, v12, v20;
	v12 =	vsel vm2, v20, v12  }
0x192: {  	v8 =	vsel vm0, v8, v9;
	vm0 =	vgt.f32 v12, v10;
	vm1 =	vgt.f32 v15, v6  }
0x193: {  	v9 =	vsel vm1, v15, v6;
	v6 =	vsel vm1, v6, v15;
	v15 =	vld.idx.msk [tilespmem:v17+s2+$0x0], $0xffff;
	v17 =	vsel vm0, v12, v10  }
0x194: {  	vm0 =	vgt.f32 v6, v7;
	vm1 =	vgt.f32 v14, v9  }
0x195: {  	v10 =	vsel vm0, v6, v7;
	v6 =	vsel vm0, v7, v6;
	v7 =	vsel vm1, v14, v9  }
0x196: {  	v9 =	vsel vm1, v9, v14;
	vm0 =	vgt.f32 v6, v8;
	vm1 =	vgt.f32 v16, v7  }
0x197: {  	v12 =	vsel vm0, v6, v8;
	v8 =	vsel vm0, v8, v6;
	v19 =	vsel vm1, v7, v16  }
0x198: {  	vm2 =	vgt.f32 v9, v10;
	v7 =	vsel vm1, v16, v7;
	vm0 =	vgt.f32 v8, v11  }
0x199: {  	v16 =	vsel vm2, v10, v9;
	v14 =	vsel vm0, v11, v8;
	vm1 =	vgt.f32 v15, v7  }
0x19a: {  	v9 =	vsel vm2, v9, v10;
	vm3 =	vgt.f32 v14, v24;
	v6 =	vsel vm1, v15, v7  }
0x19b: {  	vm2 =	vgt.f32 v16, v12;
	v20 =	vsel vm3, v14, v24;
	v10 =	vsel vm3, v24, v14  }
0x19c: {  	v21 =	vsel vm2, v16, v12;
	v12 =	vsel vm2, v12, v16;
	v7 =	vsel vm1, v7, v15  }
0x19d: {  	v8 =	vsel vm0, v8, v11;
	vm1 =	vgt.f32 v19, v9;
	vm0 =	vgt.f32 v10, v18  }
0x19e: {  	vm2 =	vgt.f32 v12, v8;
	v15 =	vsel vm1, v9, v19;
	v11 =	vsel vm0, v18, v10  }
0x19f: {  	v9 =	vsel vm1, v19, v9;
	v14 =	vsel vm0, v10, v18;
	vm0 =	vgt.f32 v11, v13  }
0x1a0: {  	vm1 =	vgt.f32 v7, v9;
	v18 =	vsel vm2, v12, v8;
	v10 =	vsel vm0, v11, v13  }
0x1a1: {  	v13 =	vsel vm0, v13, v11;
	v11 =	vsel vm2, v8, v12;
	v8 =	vsel vm1, v9, v7  }
.Ltmp6:
0x1a2: {  	vm2 =	vgt.f32 v15, v21;
	v7 =	vsel vm1, v7, v9;
	vm0 =	vgt.f32 v11, v20;
	(pc) =	sbr.rel @p1 .LBB2_11-.Ltmp6, $4  }
0x1a3: {  	v9 =	vsel vm2, v15, v21;
	v15 =	vsel vm2, v21, v15;
	v12 =	vsel vm0, v11, v20  }
0x1a4: {  	v16 =	vsel vm0, v20, v11;
	vm1 =	vgt.f32 v15, v18;
	vm0 =	vgt.f32 v8, v9  }
0x1a5: {  	vm2 =	vgt.f32 v13, v17;
	v11 =	vsel vm1, v15, v18;
	v15 =	vsel vm1, v18, v15  }
0x1a6: {  	s17 =	smov.u32 s16;
	v13 =	vsel vm2, v13, v17;
	vm3 =	vgt.f32 v16, v14;
	vm1 =	vgt.f32 v15, v12  }
0x1a7: {  	v5 =	vsel vm0, v9, v8  }
0x1a8: {  	v17 =	vsel vm3, v14, v16;
	v4 =	vshll.u32 v4, $0x4;
	v18 =	vsel vm1, v15, v12  }
0x1a9: {  	s16 =	simm.s32 $0x0;
	v14 =	vsel vm3, v16, v14;
	v12 =	vsel vm1, v12, v15;
	v4 =	vand.u32 $0x7F0, v4  }
0x1aa: {  	v8 =	vsel vm0, v8, v9;
	vm3 =	vgt.f32 v17, v10;
	v16 =	vadd.s32 s16, v4  }
0x1ab: {  	s29 =	simm.s32 $0x1;
	vm2 =	vgt.f32 v5, v11;
	v20 =	vsel vm3, v10, v17;
	v16 =	vshll.u32 v16, $0x4  }
0x1ac: {  	v10 =	vsel vm3, v17, v10;
	v17 =	vadd.s32 s29, v4;
	v16 =	vor.u32 v0, v16  }
0x1ad: {  	s30 =	simm.s32 $0x2;
	vm1 =	vgt.f32 v12, v14;
	v19 =	vsel vm2, v11, v5;
	v17 =	vshll.u32 v17, $0x4  }
0x1ae: {  	v59 =	vsel vm1, v12, v14;
	v15 =	vor.u32 v0, v17;
	v17 =	vadd.s32 s30, v4  }
0x1af: {  	v12 =	vsel vm1, v14, v12;
	vm4 =	vgt.f32 v19, v18;
	v17 =	vshll.u32 v17, $0x4  }
0x1b0: {  	s31 =	simm.s32 $0x3;
	vm3 =	vgt.f32 v20, v13;
	vm1 =	vgt.f32 v12, v10;
	v14 =	vor.u32 v0, v17  }
0x1b1: {  	v21 =	vsel vm4, v19, v18;
	v18 =	vsel vm4, v18, v19;
	v17 =	vadd.s32 s31, v4;
	v16 =	vld.idx.msk [tilespmem:v16+s2+$0x0], $0xffff  }
0x1b2: {  	v13 =	vsel vm3, v20, v13;
	v60 =	vsel vm1, v12, v10;
	v17 =	vshll.u32 v17, $0x4  }
0x1b3: {  	v10 =	vsel vm1, v10, v12;
	vm3 =	vgt.f32 v18, v59;
	v17 =	vor.u32 v0, v17;
	v15 =	vld.idx.msk [tilespmem:v15+s2+$0x0], $0xffff  }
0x1b4: {  	v11 =	vsel vm2, v5, v11;
	vm1 =	vgt.f32 v10, v13;
	v12 =	vsel vm3, v59, v18  }
0x1b5: {  	v18 =	vsel vm3, v18, v59;
	v5 =	vsel vm1, v10, v13;
	vm2 =	vgt.f32 v12, v60;
	v13 =	vld.idx.msk [tilespmem:v14+s2+$0x0], $0xffff  }
0x1b6: {  	v10 =	vsel vm2, v12, v60;
	v12 =	vsel vm2, v60, v12;
	vm0 =	vgt.f32 v16, v6  }
0x1b7: {  	vm1 =	vgt.f32 v12, v5;
	v9 =	vsel vm0, v16, v6;
	v6 =	vsel vm0, v6, v16  }
0x1b8: {  	v12 =	vsel vm1, v12, v5;
	v14 =	vld.idx.msk [tilespmem:v17+s2+$0x0], $0xffff;
	vm0 =	vgt.f32 v6, v7;
	vm1 =	vgt.f32 v15, v9  }
0x1b9: {  	v5 =	vsel vm0, v6, v7;
	v6 =	vsel vm0, v7, v6;
	v7 =	vsel vm1, v15, v9  }
0x1ba: {  	v9 =	vsel vm1, v9, v15;
	vm0 =	vgt.f32 v6, v8;
	vm1 =	vgt.f32 v13, v7  }
0x1bb: {  	vm2 =	vgt.f32 v9, v5;
	v15 =	vsel vm0, v6, v8;
	v6 =	vsel vm0, v8, v6  }
0x1bc: {  	v8 =	vsel vm1, v7, v13;
	v7 =	vsel vm1, v13, v7;
	v16 =	vsel vm2, v5, v9  }
0x1bd: {  	v9 =	vsel vm2, v9, v5;
	vm0 =	vgt.f32 v6, v11;
	vm1 =	vgt.f32 v14, v7  }
0x1be: {  	vm2 =	vgt.f32 v16, v15;
	v13 =	vsel vm0, v11, v6;
	v5 =	vsel vm1, v14, v7  }
0x1bf: {  	v61 =	vsel vm2, v16, v15;
	v15 =	vsel vm2, v15, v16;
	vm3 =	vgt.f32 v13, v21  }
0x1c0: {  	v14 =	vsel vm1, v7, v14;
	v17 =	vsel vm3, v13, v21;
	v13 =	vsel vm3, v21, v13  }
0x1c1: {  	v6 =	vsel vm0, v6, v11;
	vm1 =	vgt.f32 v8, v9;
	vm0 =	vgt.f32 v13, v18  }
0x1c2: {  	vm2 =	vgt.f32 v15, v6;
	v16 =	vsel vm1, v9, v8;
	v7 =	vsel vm0, v18, v13  }
0x1c3: {  	v8 =	vsel vm1, v8, v9;
	v13 =	vsel vm0, v13, v18;
	vm0 =	vgt.f32 v7, v10  }
0x1c4: {  	v62 =	vsel vm2, v15, v6;
	vm1 =	vgt.f32 v14, v8;
	v9 =	vsel vm0, v7, v10  }
0x1c5: {  	v63 =	vsel vm0, v10, v7;
	v10 =	vsel vm2, v6, v15;
	v7 =	vsel vm1, v8, v14  }
0x1c6: {  	vm2 =	vgt.f32 v16, v61;
	v6 =	vsel vm1, v14, v8;
	vm0 =	vgt.f32 v10, v17  }
0x1c7: {  	v8 =	vsel vm2, v16, v61;
	v14 =	vsel vm2, v61, v16;
	vm2 =	vgt.f32 v63, v12  }
0x1c8: {  	v11 =	vsel vm0, v10, v17;
	v15 =	vsel vm0, v17, v10;
	vm1 =	vgt.f32 v14, v62  }
0x1c9: {  	vm0 =	vgt.f32 v7, v8;
	v10 =	vsel vm1, v14, v62;
	v14 =	vsel vm1, v62, v14  }
0x1ca: {  	s17 =	simm.s32 $0x4;
	v12 =	vsel vm2, v63, v12;
	vm3 =	vgt.f32 v15, v13;
	vm1 =	vgt.f32 v14, v11  }
.LBB2_13:
0x1cb: {  	s18 =	sadd.s32 $0x1, s17  }
0x1cc: {  	s19 =	sadd.s32 $0x3, s17;
	v16 =	vsel vm3, v13, v15;
	v17 =	vsel vm1, v14, v11;
	v18 =	vsel vm0, v8, v7;
	s20 =	smov.u32 s17;
	s16 =	sadd.s32 $0x4, s17  }
0x1cd: {  	p1 =	slt.u32 s17, $0xC;
	v19 =	vadd.s32 s20, v4;
	v20 =	vadd.s32 s18, v4;
	vm2 =	vgt.f32 v18, v10  }
0x1ce: {  	v19 =	vshll.u32 v19, $0x4;
	v20 =	vshll.u32 v20, $0x4;
	v21 =	vsel vm2, v10, v18  }
0x1cf: {  	v13 =	vsel vm3, v15, v13;
	s17 =	sadd.s32 $0x2, s20;
	v19 =	vor.u32 v0, v19;
	v20 =	vor.u32 v0, v20  }
0x1d0: {  	vm3 =	vgt.f32 v16, v9;
	v15 =	vadd.s32 s17, v4;
	vm4 =	vgt.f32 v21, v17  }
0x1d1: {  	v22 =	vsel vm3, v9, v16;
	v15 =	vshll.u32 v15, $0x4;
	v23 =	vsel vm4, v21, v17  }
0x1d2: {  	v10 =	vsel vm2, v18, v10;
	vm5 =	vgt.f32 v22, v12;
	v15 =	vor.u32 v0, v15  }
0x1d3: {  	v11 =	vsel vm1, v11, v14;
	v18 =	vadd.s32 s19, v4;
	v9 =	vsel vm3, v16, v9  }
0x1d4: {  	vm1 =	vgt.f32 v11, v13;
	v16 =	vshll.u32 v18, $0x4;
	v17 =	vsel vm4, v17, v21;
	v14 =	vld.idx.msk [tilespmem:v19+s2+$0x0], $0xffff  }
0x1d5: {  	v18 =	vsel vm1, v11, v13;
	v11 =	vsel vm1, v13, v11;
	v16 =	vor.u32 v0, v16  }
0x1d6: {  	v12 =	vsel vm5, v22, v12;
	vm1 =	vgt.f32 v11, v9;
	vm2 =	vgt.f32 v17, v18;
	v13 =	vld.idx.msk [tilespmem:v20+s2+$0x0], $0xffff  }
0x1d7: {  	v19 =	vsel vm1, v11, v9;
	v9 =	vsel vm1, v9, v11;
	v11 =	vsel vm2, v18, v17  }
0x1d8: {  	v17 =	vsel vm2, v17, v18;
	vm1 =	vgt.f32 v9, v12;
	vm2 =	vgt.f32 v11, v19;
	v15 =	vld.idx.msk [tilespmem:v15+s2+$0x0], $0xffff  }
0x1d9: {  	v9 =	vsel vm1, v9, v12;
	v12 =	vsel vm2, v11, v19;
	v11 =	vsel vm2, v19, v11  }
0x1da: {  	v7 =	vsel vm0, v7, v8;
	vm0 =	vgt.f32 v11, v9;
	vm1 =	vgt.f32 v14, v5  }
0x1db: {  	v8 =	vsel vm1, v14, v5;
	v5 =	vsel vm1, v5, v14;
	v14 =	vld.idx.msk [tilespmem:v16+s2+$0x0], $0xffff;
	v16 =	vsel vm0, v11, v9  }
0x1dc: {  	vm0 =	vgt.f32 v5, v6;
	vm1 =	vgt.f32 v13, v8  }
0x1dd: {  	v9 =	vsel vm0, v5, v6;
	v5 =	vsel vm0, v6, v5;
	v6 =	vsel vm1, v13, v8  }
0x1de: {  	v8 =	vsel vm1, v8, v13;
	vm0 =	vgt.f32 v5, v7;
	vm1 =	vgt.f32 v15, v6  }
0x1df: {  	v11 =	vsel vm0, v5, v7;
	v7 =	vsel vm0, v7, v5;
	v18 =	vsel vm1, v6, v15  }
0x1e0: {  	vm2 =	vgt.f32 v8, v9;
	v6 =	vsel vm1, v15, v6;
	vm0 =	vgt.f32 v7, v10  }
0x1e1: {  	v15 =	vsel vm2, v9, v8;
	v13 =	vsel vm0, v10, v7;
	vm1 =	vgt.f32 v14, v6  }
0x1e2: {  	v8 =	vsel vm2, v8, v9;
	vm3 =	vgt.f32 v13, v23;
	v5 =	vsel vm1, v14, v6  }
0x1e3: {  	vm2 =	vgt.f32 v15, v11;
	v19 =	vsel vm3, v13, v23;
	v9 =	vsel vm3, v23, v13  }
0x1e4: {  	v20 =	vsel vm2, v15, v11;
	v11 =	vsel vm2, v11, v15;
	v6 =	vsel vm1, v6, v14  }
0x1e5: {  	v7 =	vsel vm0, v7, v10;
	vm1 =	vgt.f32 v18, v8;
	vm0 =	vgt.f32 v9, v17  }
0x1e6: {  	vm2 =	vgt.f32 v11, v7;
	v14 =	vsel vm1, v8, v18;
	v10 =	vsel vm0, v17, v9  }
0x1e7: {  	v8 =	vsel vm1, v18, v8;
	v13 =	vsel vm0, v9, v17;
	vm0 =	vgt.f32 v10, v12  }
0x1e8: {  	vm1 =	vgt.f32 v6, v8;
	v17 =	vsel vm2, v11, v7;
	v9 =	vsel vm0, v10, v12  }
0x1e9: {  	v12 =	vsel vm0, v12, v10;
	v10 =	vsel vm2, v7, v11;
	v7 =	vsel vm1, v8, v6  }
.Ltmp7:
0x1ea: {  	vm2 =	vgt.f32 v14, v20;
	v6 =	vsel vm1, v6, v8;
	vm0 =	vgt.f32 v10, v19;
	(pc) =	sbr.rel @p1 .LBB2_13-.Ltmp7, $4  }
0x1eb: {  	v8 =	vsel vm2, v14, v20;
	v14 =	vsel vm2, v20, v14;
	v11 =	vsel vm0, v10, v19  }
0x1ec: {  	v15 =	vsel vm0, v19, v10;
	vm1 =	vgt.f32 v14, v17;
	vm0 =	vgt.f32 v7, v8  }
0x1ed: {  	vm2 =	vgt.f32 v12, v16;
	v10 =	vsel vm1, v14, v17;
	v14 =	vsel vm1, v17, v14  }
0x1ee: {  	s17 =	smov.u32 s16;
	v12 =	vsel vm2, v12, v16;
	vm3 =	vgt.f32 v15, v13;
	vm1 =	vgt.f32 v14, v11  }
0x1ef: {  	v4 =	vsel vm0, v8, v7  }
0x1f0: {  	v16 =	vsel vm3, v13, v15;
	v3 =	vshll.u32 v3, $0x4;
	v17 =	vsel vm1, v14, v11  }
0x1f1: {  	s16 =	simm.s32 $0x0;
	v13 =	vsel vm3, v15, v13;
	v11 =	vsel vm1, v11, v14;
	v3 =	vand.u32 $0x7F0, v3  }
0x1f2: {  	v7 =	vsel vm0, v7, v8;
	vm2 =	vgt.f32 v4, v10;
	v15 =	vadd.s32 s16, v3  }
0x1f3: {  	s29 =	simm.s32 $0x1;
	vm3 =	vgt.f32 v16, v9;
	vm1 =	vgt.f32 v11, v13;
	v15 =	vshll.u32 v15, $0x4  }
0x1f4: {  	v18 =	vsel vm2, v10, v4;
	v55 =	vadd.s32 s29, v3;
	v15 =	vor.u32 v0, v15  }
0x1f5: {  	s30 =	simm.s32 $0x2;
	v19 =	vsel vm3, v9, v16;
	v9 =	vsel vm3, v16, v9;
	v16 =	vshll.u32 v55, $0x4  }
0x1f6: {  	s31 =	simm.s32 $0x3;
	v56 =	vadd.s32 s30, v3;
	v57 =	vsel vm1, v11, v13;
	v14 =	vor.u32 v0, v16  }
0x1f7: {  	v11 =	vsel vm1, v13, v11;
	v58 =	vadd.s32 s31, v3;
	v16 =	vshll.u32 v56, $0x4  }
0x1f8: {  	vm4 =	vgt.f32 v18, v17;
	vm3 =	vgt.f32 v19, v12;
	v13 =	vor.u32 v0, v16  }
0x1f9: {  	vm1 =	vgt.f32 v11, v9;
	v20 =	vsel vm4, v18, v17;
	v17 =	vsel vm4, v17, v18;
	v15 =	vld.idx.msk [tilespmem:v15+s2+$0x0], $0xffff  }
0x1fa: {  	v12 =	vsel vm3, v19, v12;
	v59 =	vsel vm1, v11, v9;
	v16 =	vshll.u32 v58, $0x4  }
0x1fb: {  	v9 =	vsel vm1, v9, v11;
	vm3 =	vgt.f32 v17, v57;
	v16 =	vor.u32 v0, v16;
	v14 =	vld.idx.msk [tilespmem:v14+s2+$0x0], $0xffff  }
0x1fc: {  	v10 =	vsel vm2, v4, v10;
	vm1 =	vgt.f32 v9, v12;
	v11 =	vsel vm3, v57, v17  }
0x1fd: {  	v17 =	vsel vm3, v17, v57;
	v4 =	vsel vm1, v9, v12;
	vm2 =	vgt.f32 v11, v59;
	v12 =	vld.idx.msk [tilespmem:v13+s2+$0x0], $0xffff  }
0x1fe: {  	v9 =	vsel vm2, v11, v59;
	v11 =	vsel vm2, v59, v11;
	vm0 =	vgt.f32 v15, v5  }
0x1ff: {  	vm1 =	vgt.f32 v11, v4;
	v8 =	vsel vm0, v15, v5;
	v5 =	vsel vm0, v5, v15  }
0x200: {  	v11 =	vsel vm1, v11, v4;
	v13 =	vld.idx.msk [tilespmem:v16+s2+$0x0], $0xffff;
	vm0 =	vgt.f32 v5, v6;
	vm1 =	vgt.f32 v14, v8  }
0x201: {  	v4 =	vsel vm0, v5, v6;
	v5 =	vsel vm0, v6, v5;
	v6 =	vsel vm1, v14, v8  }
0x202: {  	v8 =	vsel vm1, v8, v14;
	vm0 =	vgt.f32 v5, v7;
	vm1 =	vgt.f32 v12, v6  }
0x203: {  	vm2 =	vgt.f32 v8, v4;
	v14 =	vsel vm0, v5, v7;
	v5 =	vsel vm0, v7, v5  }
0x204: {  	v7 =	vsel vm1, v6, v12;
	v6 =	vsel vm1, v12, v6;
	v15 =	vsel vm2, v4, v8  }
0x205: {  	v8 =	vsel vm2, v8, v4;
	vm0 =	vgt.f32 v5, v10;
	vm1 =	vgt.f32 v13, v6  }
0x206: {  	vm2 =	vgt.f32 v15, v14;
	v12 =	vsel vm0, v10, v5;
	v4 =	vsel vm1, v13, v6  }
0x207: {  	v61 =	vsel vm2, v15, v14;
	v14 =	vsel vm2, v14, v15;
	vm3 =	vgt.f32 v12, v20  }
0x208: {  	v13 =	vsel vm1, v6, v13;
	v60 =	vsel vm3, v12, v20;
	v12 =	vsel vm3, v20, v12  }
0x209: {  	v5 =	vsel vm0, v5, v10;
	vm1 =	vgt.f32 v7, v8;
	vm0 =	vgt.f32 v12, v17  }
0x20a: {  	vm2 =	vgt.f32 v14, v5;
	v15 =	vsel vm1, v8, v7;
	v6 =	vsel vm0, v17, v12  }
0x20b: {  	v7 =	vsel vm1, v7, v8;
	v12 =	vsel vm0, v12, v17;
	vm0 =	vgt.f32 v6, v9  }
0x20c: {  	v62 =	vsel vm2, v14, v5;
	vm1 =	vgt.f32 v13, v7;
	v8 =	vsel vm0, v6, v9  }
0x20d: {  	v63 =	vsel vm0, v9, v6;
	v9 =	vsel vm2, v5, v14;
	v6 =	vsel vm1, v7, v13  }
0x20e: {  	vm2 =	vgt.f32 v15, v61;
	v5 =	vsel vm1, v13, v7;
	vm0 =	vgt.f32 v9, v60  }
0x20f: {  	v7 =	vsel vm2, v15, v61;
	v13 =	vsel vm2, v61, v15;
	vm2 =	vgt.f32 v63, v11  }
0x210: {  	v10 =	vsel vm0, v9, v60;
	v14 =	vsel vm0, v60, v9;
	vm1 =	vgt.f32 v13, v62  }
0x211: {  	vm0 =	vgt.f32 v6, v7;
	v9 =	vsel vm1, v13, v62;
	v13 =	vsel vm1, v62, v13  }
0x212: {  	s17 =	simm.s32 $0x4;
	v11 =	vsel vm2, v63, v11;
	vm3 =	vgt.f32 v14, v12;
	vm1 =	vgt.f32 v13, v10  }
.LBB2_15:
0x213: {  	s18 =	sadd.s32 $0x1, s17  }
0x214: {  	s19 =	sadd.s32 $0x3, s17;
	v15 =	vsel vm3, v12, v14;
	v16 =	vsel vm1, v13, v10;
	v17 =	vsel vm0, v7, v6;
	s20 =	smov.u32 s17;
	s16 =	sadd.s32 $0x4, s17  }
0x215: {  	p1 =	slt.u32 s17, $0xC;
	v18 =	vadd.s32 s20, v3;
	v19 =	vadd.s32 s18, v3;
	vm2 =	vgt.f32 v17, v9  }
0x216: {  	v18 =	vshll.u32 v18, $0x4;
	v19 =	vshll.u32 v19, $0x4;
	v20 =	vsel vm2, v9, v17  }
0x217: {  	v12 =	vsel vm3, v14, v12;
	s17 =	sadd.s32 $0x2, s20;
	v18 =	vor.u32 v0, v18;
	v19 =	vor.u32 v0, v19  }
0x218: {  	vm3 =	vgt.f32 v15, v8;
	v14 =	vadd.s32 s17, v3;
	vm4 =	vgt.f32 v20, v16  }
0x219: {  	v21 =	vsel vm3, v8, v15;
	v14 =	vshll.u32 v14, $0x4;
	v22 =	vsel vm4, v20, v16  }
0x21a: {  	v9 =	vsel vm2, v17, v9;
	vm5 =	vgt.f32 v21, v11;
	v14 =	vor.u32 v0, v14  }
0x21b: {  	v10 =	vsel vm1, v10, v13;
	v17 =	vadd.s32 s19, v3;
	v8 =	vsel vm3, v15, v8  }
0x21c: {  	vm1 =	vgt.f32 v10, v12;
	v15 =	vshll.u32 v17, $0x4;
	v16 =	vsel vm4, v16, v20;
	v13 =	vld.idx.msk [tilespmem:v18+s2+$0x0], $0xffff  }
0x21d: {  	v17 =	vsel vm1, v10, v12;
	v10 =	vsel vm1, v12, v10;
	v15 =	vor.u32 v0, v15  }
0x21e: {  	v11 =	vsel vm5, v21, v11;
	vm1 =	vgt.f32 v10, v8;
	vm2 =	vgt.f32 v16, v17;
	v12 =	vld.idx.msk [tilespmem:v19+s2+$0x0], $0xffff  }
0x21f: {  	v18 =	vsel vm1, v10, v8;
	v8 =	vsel vm1, v8, v10;
	v10 =	vsel vm2, v17, v16  }
0x220: {  	v16 =	vsel vm2, v16, v17;
	vm1 =	vgt.f32 v8, v11;
	vm2 =	vgt.f32 v10, v18;
	v14 =	vld.idx.msk [tilespmem:v14+s2+$0x0], $0xffff  }
0x221: {  	v8 =	vsel vm1, v8, v11;
	v11 =	vsel vm2, v10, v18;
	v10 =	vsel vm2, v18, v10  }
0x222: {  	v6 =	vsel vm0, v6, v7;
	vm0 =	vgt.f32 v10, v8;
	vm1 =	vgt.f32 v13, v4  }
0x223: {  	v7 =	vsel vm1, v13, v4;
	v4 =	vsel vm1, v4, v13;
	v13 =	vld.idx.msk [tilespmem:v15+s2+$0x0], $0xffff;
	v15 =	vsel vm0, v10, v8  }
0x224: {  	vm0 =	vgt.f32 v4, v5;
	vm1 =	vgt.f32 v12, v7  }
0x225: {  	v8 =	vsel vm0, v4, v5;
	v4 =	vsel vm0, v5, v4;
	v5 =	vsel vm1, v12, v7  }
0x226: {  	v7 =	vsel vm1, v7, v12;
	vm0 =	vgt.f32 v4, v6;
	vm1 =	vgt.f32 v14, v5  }
0x227: {  	v10 =	vsel vm0, v4, v6;
	v6 =	vsel vm0, v6, v4;
	v17 =	vsel vm1, v5, v14  }
0x228: {  	vm2 =	vgt.f32 v7, v8;
	v5 =	vsel vm1, v14, v5;
	vm0 =	vgt.f32 v6, v9  }
0x229: {  	v14 =	vsel vm2, v8, v7;
	v12 =	vsel vm0, v9, v6;
	vm1 =	vgt.f32 v13, v5  }
0x22a: {  	v7 =	vsel vm2, v7, v8;
	vm3 =	vgt.f32 v12, v22;
	v4 =	vsel vm1, v13, v5  }
0x22b: {  	vm2 =	vgt.f32 v14, v10;
	v18 =	vsel vm3, v12, v22;
	v8 =	vsel vm3, v22, v12  }
0x22c: {  	v19 =	vsel vm2, v14, v10;
	v10 =	vsel vm2, v10, v14;
	v5 =	vsel vm1, v5, v13  }
0x22d: {  	v6 =	vsel vm0, v6, v9;
	vm1 =	vgt.f32 v17, v7;
	vm0 =	vgt.f32 v8, v16  }
0x22e: {  	vm2 =	vgt.f32 v10, v6;
	v13 =	vsel vm1, v7, v17;
	v9 =	vsel vm0, v16, v8  }
0x22f: {  	v7 =	vsel vm1, v17, v7;
	v12 =	vsel vm0, v8, v16;
	vm0 =	vgt.f32 v9, v11  }
0x230: {  	vm1 =	vgt.f32 v5, v7;
	v16 =	vsel vm2, v10, v6;
	v8 =	vsel vm0, v9, v11  }
0x231: {  	v11 =	vsel vm0, v11, v9;
	v9 =	vsel vm2, v6, v10;
	v6 =	vsel vm1, v7, v5  }
.Ltmp8:
0x232: {  	vm2 =	vgt.f32 v13, v19;
	v5 =	vsel vm1, v5, v7;
	vm0 =	vgt.f32 v9, v18;
	(pc) =	sbr.rel @p1 .LBB2_15-.Ltmp8, $4  }
0x233: {  	v7 =	vsel vm2, v13, v19;
	v13 =	vsel vm2, v19, v13;
	v10 =	vsel vm0, v9, v18  }
0x234: {  	v14 =	vsel vm0, v18, v9;
	vm1 =	vgt.f32 v13, v16;
	vm0 =	vgt.f32 v6, v7  }
0x235: {  	vm2 =	vgt.f32 v11, v15;
	v9 =	vsel vm1, v13, v16;
	v13 =	vsel vm1, v16, v13  }
0x236: {  	s17 =	smov.u32 s16;
	v11 =	vsel vm2, v11, v15;
	vm3 =	vgt.f32 v14, v12;
	vm1 =	vgt.f32 v13, v10  }
0x237: {  	v3 =	vsel vm0, v7, v6  }
0x238: {  	v15 =	vsel vm3, v12, v14;
	v2 =	vshll.u32 v2, $0x4;
	v16 =	vsel vm1, v13, v10  }
0x239: {  	s16 =	simm.s32 $0x0;
	v12 =	vsel vm3, v14, v12;
	v10 =	vsel vm1, v10, v13;
	v2 =	vand.u32 $0x7F0, v2  }
0x23a: {  	v6 =	vsel vm0, v6, v7;
	vm3 =	vgt.f32 v15, v8;
	v14 =	vadd.s32 s16, v2  }
0x23b: {  	s29 =	simm.s32 $0x1;
	vm2 =	vgt.f32 v3, v9;
	v18 =	vsel vm3, v8, v15;
	v14 =	vshll.u32 v14, $0x4  }
0x23c: {  	v8 =	vsel vm3, v15, v8;
	v15 =	vadd.s32 s29, v2;
	v14 =	vor.u32 v0, v14  }
0x23d: {  	s30 =	simm.s32 $0x2;
	vm1 =	vgt.f32 v10, v12;
	v17 =	vsel vm2, v9, v3;
	v15 =	vshll.u32 v15, $0x4  }
0x23e: {  	v59 =	vsel vm1, v10, v12;
	v13 =	vor.u32 v0, v15;
	v15 =	vadd.s32 s30, v2  }
0x23f: {  	v10 =	vsel vm1, v12, v10;
	vm4 =	vgt.f32 v17, v16;
	v15 =	vshll.u32 v15, $0x4  }
0x240: {  	s31 =	simm.s32 $0x3;
	vm3 =	vgt.f32 v18, v11;
	vm1 =	vgt.f32 v10, v8;
	v12 =	vor.u32 v0, v15  }
0x241: {  	v19 =	vsel vm4, v17, v16;
	v16 =	vsel vm4, v16, v17;
	v15 =	vadd.s32 s31, v2;
	v14 =	vld.idx.msk [tilespmem:v14+s2+$0x0], $0xffff  }
0x242: {  	v11 =	vsel vm3, v18, v11;
	v60 =	vsel vm1, v10, v8;
	v15 =	vshll.u32 v15, $0x4  }
0x243: {  	v8 =	vsel vm1, v8, v10;
	vm3 =	vgt.f32 v16, v59;
	v15 =	vor.u32 v0, v15;
	v13 =	vld.idx.msk [tilespmem:v13+s2+$0x0], $0xffff  }
0x244: {  	v9 =	vsel vm2, v3, v9;
	vm1 =	vgt.f32 v8, v11;
	v10 =	vsel vm3, v59, v16  }
0x245: {  	v16 =	vsel vm3, v16, v59;
	v3 =	vsel vm1, v8, v11;
	vm2 =	vgt.f32 v10, v60;
	v11 =	vld.idx.msk [tilespmem:v12+s2+$0x0], $0xffff  }
0x246: {  	v8 =	vsel vm2, v10, v60;
	v10 =	vsel vm2, v60, v10;
	vm0 =	vgt.f32 v14, v4  }
0x247: {  	vm1 =	vgt.f32 v10, v3;
	v7 =	vsel vm0, v14, v4;
	v4 =	vsel vm0, v4, v14  }
0x248: {  	v10 =	vsel vm1, v10, v3;
	v12 =	vld.idx.msk [tilespmem:v15+s2+$0x0], $0xffff;
	vm0 =	vgt.f32 v4, v5;
	vm1 =	vgt.f32 v13, v7  }
0x249: {  	v3 =	vsel vm0, v4, v5;
	v4 =	vsel vm0, v5, v4;
	v5 =	vsel vm1, v13, v7  }
0x24a: {  	v7 =	vsel vm1, v7, v13;
	vm0 =	vgt.f32 v4, v6;
	vm1 =	vgt.f32 v11, v5  }
0x24b: {  	vm2 =	vgt.f32 v7, v3;
	v13 =	vsel vm0, v4, v6;
	v4 =	vsel vm0, v6, v4  }
0x24c: {  	v6 =	vsel vm1, v5, v11;
	v5 =	vsel vm1, v11, v5;
	v14 =	vsel vm2, v3, v7  }
0x24d: {  	v7 =	vsel vm2, v7, v3;
	vm0 =	vgt.f32 v4, v9;
	vm1 =	vgt.f32 v12, v5  }
0x24e: {  	vm2 =	vgt.f32 v14, v13;
	v11 =	vsel vm0, v9, v4;
	v3 =	vsel vm1, v12, v5  }
0x24f: {  	v61 =	vsel vm2, v14, v13;
	v13 =	vsel vm2, v13, v14;
	vm3 =	vgt.f32 v11, v19  }
0x250: {  	v12 =	vsel vm1, v5, v12;
	v15 =	vsel vm3, v11, v19;
	v11 =	vsel vm3, v19, v11  }
0x251: {  	v4 =	vsel vm0, v4, v9;
	vm1 =	vgt.f32 v6, v7;
	vm0 =	vgt.f32 v11, v16  }
0x252: {  	vm2 =	vgt.f32 v13, v4;
	v14 =	vsel vm1, v7, v6;
	v5 =	vsel vm0, v16, v11  }
0x253: {  	v6 =	vsel vm1, v6, v7;
	v11 =	vsel vm0, v11, v16;
	vm0 =	vgt.f32 v5, v8  }
0x254: {  	v62 =	vsel vm2, v13, v4;
	vm1 =	vgt.f32 v12, v6;
	v7 =	vsel vm0, v5, v8  }
0x255: {  	v63 =	vsel vm0, v8, v5;
	v8 =	vsel vm2, v4, v13;
	v5 =	vsel vm1, v6, v12  }
0x256: {  	vm2 =	vgt.f32 v14, v61;
	v4 =	vsel vm1, v12, v6;
	vm0 =	vgt.f32 v8, v15  }
0x257: {  	v6 =	vsel vm2, v14, v61;
	v12 =	vsel vm2, v61, v14;
	vm2 =	vgt.f32 v63, v10  }
0x258: {  	v9 =	vsel vm0, v8, v15;
	v13 =	vsel vm0, v15, v8;
	vm1 =	vgt.f32 v12, v62  }
0x259: {  	vm0 =	vgt.f32 v5, v6;
	v8 =	vsel vm1, v12, v62;
	v12 =	vsel vm1, v62, v12  }
0x25a: {  	s17 =	simm.s32 $0x4;
	v10 =	vsel vm2, v63, v10;
	vm3 =	vgt.f32 v13, v11;
	vm1 =	vgt.f32 v12, v9  }
.LBB2_17:
0x25b: {  	s18 =	sadd.s32 $0x1, s17  }
0x25c: {  	s19 =	sadd.s32 $0x3, s17;
	v14 =	vsel vm3, v11, v13;
	v15 =	vsel vm1, v12, v9;
	v16 =	vsel vm0, v6, v5;
	s20 =	smov.u32 s17;
	s16 =	sadd.s32 $0x4, s17  }
0x25d: {  	p1 =	slt.u32 s17, $0xC;
	v17 =	vadd.s32 s20, v2;
	v18 =	vadd.s32 s18, v2;
	vm2 =	vgt.f32 v16, v8  }
0x25e: {  	v17 =	vshll.u32 v17, $0x4;
	v18 =	vshll.u32 v18, $0x4;
	v19 =	vsel vm2, v8, v16  }
0x25f: {  	v11 =	vsel vm3, v13, v11;
	s17 =	sadd.s32 $0x2, s20;
	v17 =	vor.u32 v0, v17;
	v18 =	vor.u32 v0, v18  }
0x260: {  	vm3 =	vgt.f32 v14, v7;
	v13 =	vadd.s32 s17, v2;
	vm4 =	vgt.f32 v19, v15  }
0x261: {  	v20 =	vsel vm3, v7, v14;
	v13 =	vshll.u32 v13, $0x4;
	v21 =	vsel vm4, v19, v15  }
0x262: {  	v8 =	vsel vm2, v16, v8;
	vm5 =	vgt.f32 v20, v10;
	v13 =	vor.u32 v0, v13  }
0x263: {  	v9 =	vsel vm1, v9, v12;
	v16 =	vadd.s32 s19, v2;
	v7 =	vsel vm3, v14, v7  }
0x264: {  	vm1 =	vgt.f32 v9, v11;
	v14 =	vshll.u32 v16, $0x4;
	v15 =	vsel vm4, v15, v19;
	v12 =	vld.idx.msk [tilespmem:v17+s2+$0x0], $0xffff  }
0x265: {  	v16 =	vsel vm1, v9, v11;
	v9 =	vsel vm1, v11, v9;
	v14 =	vor.u32 v0, v14  }
0x266: {  	v10 =	vsel vm5, v20, v10;
	vm1 =	vgt.f32 v9, v7;
	vm2 =	vgt.f32 v15, v16;
	v11 =	vld.idx.msk [tilespmem:v18+s2+$0x0], $0xffff  }
0x267: {  	v17 =	vsel vm1, v9, v7;
	v7 =	vsel vm1, v7, v9;
	v9 =	vsel vm2, v16, v15  }
0x268: {  	v15 =	vsel vm2, v15, v16;
	vm1 =	vgt.f32 v7, v10;
	vm2 =	vgt.f32 v9, v17;
	v13 =	vld.idx.msk [tilespmem:v13+s2+$0x0], $0xffff  }
0x269: {  	v7 =	vsel vm1, v7, v10;
	v10 =	vsel vm2, v9, v17;
	v9 =	vsel vm2, v17, v9  }
0x26a: {  	v5 =	vsel vm0, v5, v6;
	vm0 =	vgt.f32 v9, v7;
	vm1 =	vgt.f32 v12, v3  }
0x26b: {  	v6 =	vsel vm1, v12, v3;
	v3 =	vsel vm1, v3, v12;
	v12 =	vld.idx.msk [tilespmem:v14+s2+$0x0], $0xffff;
	v14 =	vsel vm0, v9, v7  }
0x26c: {  	vm0 =	vgt.f32 v3, v4;
	vm1 =	vgt.f32 v11, v6  }
0x26d: {  	v7 =	vsel vm0, v3, v4;
	v3 =	vsel vm0, v4, v3;
	v4 =	vsel vm1, v11, v6  }
0x26e: {  	v6 =	vsel vm1, v6, v11;
	vm0 =	vgt.f32 v3, v5;
	vm1 =	vgt.f32 v13, v4  }
0x26f: {  	v9 =	vsel vm0, v3, v5;
	v5 =	vsel vm0, v5, v3;
	v16 =	vsel vm1, v4, v13  }
0x270: {  	vm2 =	vgt.f32 v6, v7;
	v4 =	vsel vm1, v13, v4;
	vm0 =	vgt.f32 v5, v8  }
0x271: {  	v13 =	vsel vm2, v7, v6;
	v11 =	vsel vm0, v8, v5;
	vm1 =	vgt.f32 v12, v4  }
0x272: {  	v6 =	vsel vm2, v6, v7;
	vm3 =	vgt.f32 v11, v21;
	v3 =	vsel vm1, v12, v4  }
0x273: {  	vm2 =	vgt.f32 v13, v9;
	v17 =	vsel vm3, v11, v21;
	v7 =	vsel vm3, v21, v11  }
0x274: {  	v18 =	vsel vm2, v13, v9;
	v9 =	vsel vm2, v9, v13;
	v4 =	vsel vm1, v4, v12  }
0x275: {  	v5 =	vsel vm0, v5, v8;
	vm1 =	vgt.f32 v16, v6;
	vm0 =	vgt.f32 v7, v15  }
0x276: {  	vm2 =	vgt.f32 v9, v5;
	v12 =	vsel vm1, v6, v16;
	v8 =	vsel vm0, v15, v7  }
0x277: {  	v6 =	vsel vm1, v16, v6;
	v11 =	vsel vm0, v7, v15;
	vm0 =	vgt.f32 v8, v10  }
0x278: {  	vm1 =	vgt.f32 v4, v6;
	v15 =	vsel vm2, v9, v5;
	v7 =	vsel vm0, v8, v10  }
0x279: {  	v10 =	vsel vm0, v10, v8;
	v8 =	vsel vm2, v5, v9;
	v5 =	vsel vm1, v6, v4  }
.Ltmp9:
0x27a: {  	vm2 =	vgt.f32 v12, v18;
	v4 =	vsel vm1, v4, v6;
	vm0 =	vgt.f32 v8, v17;
	(pc) =	sbr.rel @p1 .LBB2_17-.Ltmp9, $4  }
0x27b: {  	v6 =	vsel vm2, v12, v18;
	v12 =	vsel vm2, v18, v12;
	v9 =	vsel vm0, v8, v17  }
0x27c: {  	v13 =	vsel vm0, v17, v8;
	vm1 =	vgt.f32 v12, v15;
	vm0 =	vgt.f32 v5, v6  }
0x27d: {  	vm2 =	vgt.f32 v10, v14;
	v8 =	vsel vm1, v12, v15;
	v12 =	vsel vm1, v15, v12  }
0x27e: {  	s17 =	smov.u32 s16;
	v10 =	vsel vm2, v10, v14;
	vm3 =	vgt.f32 v13, v11;
	vm1 =	vgt.f32 v12, v9  }
0x27f: {  	v14 =	vsel vm0, v6, v5  }
0x280: {  	v15 =	vsel vm3, v11, v13;
	v1 =	vshll.u32 v1, $0x4;
	v16 =	vsel vm1, v12, v9  }
0x281: {  	s16 =	simm.s32 $0x0;
	v9 =	vsel vm1, v9, v12;
	v5 =	vsel vm0, v5, v6;
	v2 =	vand.u32 $0x7F0, v1  }
0x282: {  	v1 =	vsel vm3, v13, v11;
	vm3 =	vgt.f32 v15, v7;
	v11 =	vadd.s32 s16, v2  }
0x283: {  	s29 =	simm.s32 $0x1;
	vm2 =	vgt.f32 v14, v8;
	v13 =	vsel vm3, v7, v15;
	v11 =	vshll.u32 v11, $0x4  }
0x284: {  	v7 =	vsel vm3, v15, v7;
	v15 =	vadd.s32 s29, v2;
	v11 =	vor.u32 v0, v11  }
0x285: {  	s30 =	simm.s32 $0x2;
	v17 =	vsel vm2, v8, v14;
	vm1 =	vgt.f32 v9, v1;
	v15 =	vshll.u32 v15, $0x4  }
0x286: {  	vm4 =	vgt.f32 v17, v16;
	v12 =	vor.u32 v0, v15;
	v15 =	vadd.s32 s30, v2  }
0x287: {  	vm3 =	vgt.f32 v13, v10;
	v60 =	vsel vm1, v9, v1;
	v15 =	vshll.u32 v15, $0x4  }
0x288: {  	s31 =	simm.s32 $0x3;
	v1 =	vsel vm1, v1, v9;
	v18 =	vsel vm4, v17, v16;
	v9 =	vor.u32 v0, v15  }
0x289: {  	v16 =	vsel vm4, v16, v17;
	v10 =	vsel vm3, v13, v10;
	v13 =	vadd.s32 s31, v2;
	v11 =	vld.idx.msk [tilespmem:v11+s2+$0x0], $0xffff  }
0x28a: {  	vm1 =	vgt.f32 v1, v7;
	vm3 =	vgt.f32 v16, v60;
	v13 =	vshll.u32 v13, $0x4  }
0x28b: {  	v15 =	vsel vm1, v1, v7;
	v1 =	vsel vm1, v7, v1;
	v13 =	vor.u32 v0, v13;
	v12 =	vld.idx.msk [tilespmem:v12+s2+$0x0], $0xffff  }
0x28c: {  	v8 =	vsel vm2, v14, v8;
	v7 =	vsel vm3, v60, v16;
	vm1 =	vgt.f32 v1, v10  }
0x28d: {  	v14 =	vsel vm3, v16, v60;
	vm2 =	vgt.f32 v7, v15;
	v1 =	vsel vm1, v1, v10;
	v9 =	vld.idx.msk [tilespmem:v9+s2+$0x0], $0xffff  }
0x28e: {  	v10 =	vsel vm2, v7, v15;
	v7 =	vsel vm2, v15, v7;
	vm0 =	vgt.f32 v11, v3  }
0x28f: {  	vm1 =	vgt.f32 v7, v1;
	v6 =	vsel vm0, v11, v3;
	v3 =	vsel vm0, v3, v11  }
0x290: {  	v11 =	vsel vm1, v7, v1;
	v7 =	vld.idx.msk [tilespmem:v13+s2+$0x0], $0xffff;
	vm0 =	vgt.f32 v3, v4;
	vm1 =	vgt.f32 v12, v6  }
0x291: {  	v1 =	vsel vm0, v3, v4;
	v3 =	vsel vm0, v4, v3;
	v4 =	vsel vm1, v12, v6  }
0x292: {  	v6 =	vsel vm1, v6, v12;
	vm0 =	vgt.f32 v3, v5;
	vm1 =	vgt.f32 v9, v4  }
0x293: {  	vm2 =	vgt.f32 v6, v1;
	v12 =	vsel vm0, v3, v5;
	v3 =	vsel vm0, v5, v3  }
0x294: {  	v5 =	vsel vm1, v4, v9;
	v4 =	vsel vm1, v9, v4;
	v13 =	vsel vm2, v1, v6  }
0x295: {  	v6 =	vsel vm2, v6, v1;
	vm0 =	vgt.f32 v3, v8;
	vm1 =	vgt.f32 v7, v4  }
0x296: {  	vm2 =	vgt.f32 v13, v12;
	v9 =	vsel vm0, v8, v3;
	v1 =	vsel vm1, v7, v4  }
0x297: {  	v61 =	vsel vm2, v13, v12;
	v7 =	vsel vm1, v4, v7;
	vm1 =	vgt.f32 v5, v6  }
0x298: {  	v12 =	vsel vm2, v12, v13;
	vm3 =	vgt.f32 v9, v18;
	v62 =	vsel vm1, v6, v5  }
0x299: {  	v5 =	vsel vm1, v5, v6;
	v15 =	vsel vm3, v9, v18;
	v9 =	vsel vm3, v18, v9  }
0x29a: {  	v8 =	vsel vm0, v3, v8;
	vm1 =	vgt.f32 v7, v5;
	vm0 =	vgt.f32 v9, v14  }
0x29b: {  	vm2 =	vgt.f32 v12, v8;
	v6 =	vsel vm1, v7, v5;
	v13 =	vsel vm0, v14, v9  }
0x29c: {  	v4 =	vsel vm0, v9, v14;
	v14 =	vsel vm2, v12, v8;
	v8 =	vsel vm2, v8, v12  }
0x29d: {  	v12 =	vsel vm1, v5, v7;
	vm2 =	vgt.f32 v62, v61;
	vm0 =	vgt.f32 v13, v10  }
0x29e: {  	v5 =	vsel vm2, v61, v62;
	v3 =	vsel vm0, v13, v10;
	v63 =	vsel vm0, v10, v13  }
0x29f: {  	vm0 =	vgt.f32 v8, v15;
	v13 =	vsel vm2, v62, v61;
	vm1 =	vgt.f32 v5, v14  }
0x2a0: {  	v7 =	vsel vm0, v8, v15;
	v9 =	vsel vm0, v15, v8;
	vm0 =	vgt.f32 v12, v13  }
0x2a1: {  	vm2 =	vgt.f32 v63, v11;
	v8 =	vsel vm1, v5, v14;
	v10 =	vsel vm1, v14, v5  }
0x2a2: {  	s17 =	simm.s32 $0x4;
	v5 =	vsel vm2, v63, v11;
	vm2 =	vgt.f32 v9, v4;
	vm1 =	vgt.f32 v10, v7  }
.LBB2_19:
0x2a3: {  	s18 =	sadd.s32 $0x1, s17  }
0x2a4: {  	s19 =	sadd.s32 $0x3, s17;
	v11 =	vsel vm2, v4, v9;
	v14 =	vsel vm1, v10, v7;
	v15 =	vsel vm0, v13, v12;
	s20 =	smov.u32 s17;
	s16 =	sadd.s32 $0x4, s17  }
0x2a5: {  	p1 =	slt.u32 s17, $0xC;
	v16 =	vadd.s32 s20, v2;
	v17 =	vadd.s32 s18, v2;
	vm3 =	vgt.f32 v15, v8  }
0x2a6: {  	v16 =	vshll.u32 v16, $0x4;
	v17 =	vshll.u32 v17, $0x4;
	v18 =	vsel vm3, v8, v15  }
0x2a7: {  	v4 =	vsel vm2, v9, v4;
	s17 =	sadd.s32 $0x2, s20;
	v16 =	vor.u32 v0, v16;
	v17 =	vor.u32 v0, v17  }
0x2a8: {  	vm2 =	vgt.f32 v11, v3;
	v9 =	vadd.s32 s17, v2;
	vm4 =	vgt.f32 v18, v14  }
0x2a9: {  	v19 =	vsel vm2, v3, v11;
	v9 =	vshll.u32 v9, $0x4;
	v20 =	vsel vm4, v18, v14  }
0x2aa: {  	v8 =	vsel vm3, v15, v8;
	vm5 =	vgt.f32 v19, v5;
	v9 =	vor.u32 v0, v9  }
0x2ab: {  	v7 =	vsel vm1, v7, v10;
	v15 =	vadd.s32 s19, v2;
	v3 =	vsel vm2, v11, v3  }
0x2ac: {  	vm1 =	vgt.f32 v7, v4;
	v11 =	vshll.u32 v15, $0x4;
	v14 =	vsel vm4, v14, v18;
	v10 =	vld.idx.msk [tilespmem:v16+s2+$0x0], $0xffff  }
0x2ad: {  	v15 =	vsel vm1, v7, v4;
	v4 =	vsel vm1, v4, v7;
	v11 =	vor.u32 v0, v11  }
0x2ae: {  	v5 =	vsel vm5, v19, v5;
	vm1 =	vgt.f32 v4, v3;
	vm2 =	vgt.f32 v14, v15;
	v7 =	vld.idx.msk [tilespmem:v17+s2+$0x0], $0xffff  }
0x2af: {  	v16 =	vsel vm1, v4, v3;
	v3 =	vsel vm1, v3, v4;
	v4 =	vsel vm2, v15, v14  }
0x2b0: {  	v14 =	vsel vm2, v14, v15;
	vm1 =	vgt.f32 v3, v5;
	vm2 =	vgt.f32 v4, v16;
	v9 =	vld.idx.msk [tilespmem:v9+s2+$0x0], $0xffff  }
0x2b1: {  	v3 =	vsel vm1, v3, v5;
	v5 =	vsel vm2, v4, v16;
	v4 =	vsel vm2, v16, v4  }
0x2b2: {  	v12 =	vsel vm0, v12, v13;
	vm0 =	vgt.f32 v4, v3;
	vm1 =	vgt.f32 v10, v1  }
0x2b3: {  	v13 =	vsel vm1, v10, v1;
	v1 =	vsel vm1, v1, v10;
	v10 =	vld.idx.msk [tilespmem:v11+s2+$0x0], $0xffff;
	v11 =	vsel vm0, v4, v3  }
0x2b4: {  	vm0 =	vgt.f32 v1, v6;
	vm1 =	vgt.f32 v7, v13  }
0x2b5: {  	v3 =	vsel vm0, v1, v6;
	v1 =	vsel vm0, v6, v1;
	v4 =	vsel vm1, v7, v13  }
0x2b6: {  	v6 =	vsel vm1, v13, v7;
	vm0 =	vgt.f32 v1, v12;
	vm1 =	vgt.f32 v9, v4  }
0x2b7: {  	v7 =	vsel vm0, v1, v12;
	v12 =	vsel vm0, v12, v1;
	v13 =	vsel vm1, v4, v9  }
0x2b8: {  	vm2 =	vgt.f32 v6, v3;
	v4 =	vsel vm1, v9, v4;
	vm0 =	vgt.f32 v12, v8  }
0x2b9: {  	v15 =	vsel vm2, v3, v6;
	v9 =	vsel vm0, v8, v12;
	vm1 =	vgt.f32 v10, v4  }
0x2ba: {  	v3 =	vsel vm2, v6, v3;
	vm3 =	vgt.f32 v9, v20;
	v1 =	vsel vm1, v10, v4  }
0x2bb: {  	vm2 =	vgt.f32 v15, v7;
	v16 =	vsel vm3, v9, v20;
	v6 =	vsel vm3, v20, v9  }
0x2bc: {  	v10 =	vsel vm1, v4, v10;
	v9 =	vsel vm2, v15, v7;
	v7 =	vsel vm2, v7, v15  }
0x2bd: {  	v8 =	vsel vm0, v12, v8;
	vm1 =	vgt.f32 v13, v3;
	vm0 =	vgt.f32 v6, v14  }
0x2be: {  	v15 =	vsel vm1, v3, v13;
	vm2 =	vgt.f32 v7, v8;
	v12 =	vsel vm0, v14, v6  }
0x2bf: {  	v4 =	vsel vm0, v6, v14;
	v6 =	vsel vm1, v13, v3;
	vm0 =	vgt.f32 v12, v5  }
0x2c0: {  	v14 =	vsel vm2, v7, v8;
	vm1 =	vgt.f32 v10, v6;
	v3 =	vsel vm0, v12, v5  }
0x2c1: {  	v8 =	vsel vm2, v8, v7;
	v5 =	vsel vm0, v5, v12;
	v12 =	vsel vm1, v6, v10  }
.Ltmp10:
0x2c2: {  	vm2 =	vgt.f32 v15, v9;
	vm0 =	vgt.f32 v8, v16;
	v6 =	vsel vm1, v10, v6;
	(pc) =	sbr.rel @p1 .LBB2_19-.Ltmp10, $4  }
0x2c3: {  	v13 =	vsel vm2, v15, v9;
	v10 =	vsel vm2, v9, v15;
	v7 =	vsel vm0, v8, v16  }
0x2c4: {  	v9 =	vsel vm0, v16, v8;
	vm1 =	vgt.f32 v10, v14;
	vm0 =	vgt.f32 v12, v13  }
0x2c5: {  	vm2 =	vgt.f32 v5, v11;
	v8 =	vsel vm1, v10, v14;
	v10 =	vsel vm1, v14, v10  }
0x2c6: {  	s17 =	smov.u32 s16;
	v5 =	vsel vm2, v5, v11;
	vm2 =	vgt.f32 v9, v4;
	vm1 =	vgt.f32 v10, v7  }
0x2c7: {  	s16 =	sshll.u32 s15, $0x1;
	p1 =	seq.s32 s15, $0x1B  }
0x2c8: {  	s17 =	sadd.s32 @!p1 $0x2, s16  }
0x2c9: {  	s18 =	sshrl.u32 @!p1 s17, $0x2  }
0x2ca: {  	s17 =	sshll.u32 @!p1 s17, $0xF;
	s18 =	sadd.s32 @!p1 s4, s18  }
0x2cb: {  	s17 =	sand.u32 @!p1 $0x10000, s17;
	s19 =	sshll.u32 @!p1 s18, $0xE  }
0x2cc: {  	s18 =	sshll.u32 @!p1 s18, $0x1;
	s17 =	sadd.s32 @!p1 s17, s7;
	s19 =	sand.u32 @!p1 $0xFFE0000, s19  }
0x2cd: {  	s20 =	simm.s32 @!p1 $0x0;
	s18 =	sand.u32 @!p1 $0xE, s18;
	s17 =	sadd.s32 @!p1 s19, s17  }
0x2ce: {  	s19 =	simm.s32 @!p1 $0x80;
	s17 =	sadd.s32 @!p1 s18, s17;
	s18 =	simm.s32 @!p1 $0x10  }
0x2cf: {  	[tilespmem:s20], [sflag:$0x1] =	stream.strided.gather @!p1 [hbm4b:s17+s18], $0x8000, s19, s18, $0x38;
	[tilespmem:$0x10080] =	vst v63  }
0x2d0: {  	_ =	swait.ge [sflag:s13], $0x8000  }
0x2d1: {  	[sflag:s13] =	ssyncset.done $0x0  }
0x2d2: {  	s29 =	simm.s32 $0x8100;
	[sflag:s13] =	ssyncadd.s32 $0xFFFF8000  }
0x2d3: {  	v11 =	vld [tilespmem:s29+$0xFFFFFFA0]  }
0x2d4: {  	v14 =	vld [tilespmem:s29+$0x80]  }
0x2d5: {  	v15 =	vld [tilespmem:s29+$0xD0]  }
0x2d6: {  	v16 =	vld [tilespmem:s29+$0xC0]  }
0x2d7: {  	v17 =	vld [tilespmem:s29+$0xB0]  }
0x2d8: {  	v18 =	vld [tilespmem:s29+$0xA0]  }
0x2d9: {  	v19 =	vld [tilespmem:s29+$0x90]  }
0x2da: {  	v20 =	vld [tilespmem:s29+$0xFFFFFFB0]  }
0x2db: {  	v21 =	vld [tilespmem:s29+$0x70]  }
0x2dc: {  	v22 =	vld [tilespmem:s29+$0x60]  }
0x2dd: {  	v23 =	vld [tilespmem:s29+$0x50]  }
0x2de: {  	v24 =	vld [tilespmem:s29+$0x40]  }
0x2df: {  	v25 =	vld [tilespmem:s29+$0x30]  }
0x2e0: {  	v2 =	vld [tilespmem:s29+$0x20]  }
0x2e1: {  	v26 =	vld [tilespmem:s29+$0x10]  }
0x2e2: {  	v27 =	vld [tilespmem:s29+$0x0]  }
0x2e3: {  	v28 =	vld [tilespmem:s29+$0xFFFFFF00]  }
0x2e4: {  	v30 =	vld [tilespmem:s29+$0xFFFFFF10]  }
0x2e5: {  	v29 =	vsel vm0, v13, v12;
	v31 =	vsel vm2, v4, v9;
	v33 =	vsel vm1, v10, v7;
	v32 =	vld [tilespmem:s29+$0xFFFFFF20]  }
0x2e6: {  	v4 =	vsel vm2, v9, v4;
	v7 =	vsel vm1, v7, v10;
	vm3 =	vgt.f32 v29, v8;
	v35 =	vld [tilespmem:s29+$0xFFFFFF30]  }
0x2e7: {  	vm4 =	vgt.f32 v31, v3;
	vm1 =	vgt.f32 v7, v4;
	v34 =	vsel vm3, v8, v29;
	v37 =	vld [tilespmem:s29+$0xFFFFFF40]  }
0x2e8: {  	v36 =	vsel vm4, v3, v31;
	v8 =	vsel vm3, v29, v8;
	v29 =	vsel vm4, v31, v3;
	v3 =	vld [tilespmem:s29+$0xFFFFFF50]  }
0x2e9: {  	v13 =	vsel vm0, v12, v13;
	v57 =	vsel vm1, v7, v4;
	v10 =	vmax.f32 v28, v30;
	v28 =	vld [tilespmem:s29+$0xFFFFFF60]  }
0x2ea: {  	v4 =	vsel vm1, v4, v7;
	vm6 =	vgt.f32 v34, v33;
	v31 =	vld [tilespmem:s29+$0xFFFFFF70];
	v10 =	vmax.f32 v10, v32  }
0x2eb: {  	vm7 =	vgt.f32 v36, v5;
	vm1 =	vgt.f32 v4, v29;
	v7 =	vmax.f32 v10, v35;
	v10 =	vld [tilespmem:s29+$0xFFFFFF80]  }
0x2ec: {  	v9 =	vsel vm6, v34, v33;
	s17 =	simm.s32 $0x8300;
	v26 =	vmax.f32 v27, v26;
	v27 =	vld [tilespmem:s29+$0xFFFFFF90];
	v7 =	vmax.f32 v7, v37  }
0x2ed: {  	v5 =	vsel vm7, v36, v5;
	v58 =	vld [tilespmem:s17+$0xFFFFFF00];
	v26 =	vmax.f32 v26, v2;
	v7 =	vmax.f32 v7, v3  }
0x2ee: {  	v60 =	vld [tilespmem:s17+$0xFFFFFF10];
	v30 =	vsel vm6, v33, v34;
	v25 =	vmax.f32 v26, v25;
	v7 =	vmax.f32 v7, v28  }
0x2ef: {  	vm2 =	vgt.f32 v30, v57;
	v24 =	vmax.f32 v25, v24;
	v25 =	vld [tilespmem:s29+$0xFFFFFFC0];
	v7 =	vmax.f32 v7, v31  }
0x2f0: {  	v26 =	vsel vm1, v4, v29;
	v23 =	vmax.f32 v24, v23;
	v24 =	vld [tilespmem:s29+$0xFFFFFFD0];
	v7 =	vmax.f32 v7, v10  }
0x2f1: {  	v4 =	vsel vm1, v29, v4;
	v10 =	vmax.f32 v23, v22;
	v22 =	vld [tilespmem:s29+$0xFFFFFFE0];
	v7 =	vmax.f32 v7, v27  }
0x2f2: {  	vm1 =	vgt.f32 v4, v5;
	v23 =	vld [tilespmem:s29+$0xFFFFFFF0];
	v21 =	vmax.f32 v10, v21;
	v7 =	vmax.f32 v7, v11  }
0x2f3: {  	v61 =	vld [tilespmem:s17+$0xFFFFFF20];
	v28 =	vsel vm2, v57, v30;
	v11 =	vmax.f32 v21, v14;
	v7 =	vmax.f32 v7, v20  }
0x2f4: {  	vm8 =	vgt.f32 v28, v26;
	v14 =	vld [tilespmem:s29+$0xE0];
	v11 =	vmax.f32 v11, v19;
	v7 =	vmax.f32 v7, v25  }
0x2f5: {  	v19 =	vld [tilespmem:s29+$0xF0];
	v20 =	vsel vm1, v4, v5;
	v4 =	vmax.f32 v11, v18;
	v7 =	vmax.f32 v7, v24  }
0x2f6: {  	v39 =	vld [tilespmem:s17+$0xFFFFFF30];
	v10 =	vsel vm2, v30, v57;
	v17 =	vmax.f32 v4, v17;
	v18 =	vmax.f32 v7, v22  }
0x2f7: {  	v40 =	vld [tilespmem:s17+$0xFFFFFF40];
	v21 =	vsel vm8, v26, v28;
	v16 =	vmax.f32 v17, v16;
	v17 =	vmax.f32 v18, v23  }
0x2f8: {  	v36 =	vld [tilespmem:s17+$0xFFFFFF90];
	v11 =	vsel vm8, v28, v26;
	v12 =	vmax.f32 v16, v15;
	v16 =	vshra.s32 v17, $0x1F  }
0x2f9: {  	v33 =	vld [tilespmem:s17+$0xFFFFFF80];
	v17 =	vand.u32 $0xFFFFFF80, v17;
	v12 =	vmax.f32 v12, v14;
	v14 =	vand.u32 $0x7FFFFF80, v16  }
0x2fa: {  	s30 =	simm.s32 $0x0;
	v2 =	vld [tilespmem:s17+$0xFFFFFFA0];
	vm9 =	vgt.f32 v21, v20;
	v12 =	vmax.f32 v12, v19;
	v16 =	vxor.u32 v17, v14  }
0x2fb: {  	v32 =	vld [tilespmem:s17+$0xFFFFFF70];
	v14 =	vimm.s32 $0x80000000;
	v17 =	vshra.s32 v12, $0x1F;
	v16 =	vor.u32 s30, v16  }
0x2fc: {  	v29 =	vld [tilespmem:s17+$0x20];
	v18 =	vand.u32 $0xFFFFFF80, v12;
	v17 =	vand.u32 $0x7FFFFF80, v17;
	vm10 =	vlt.s32 v14, v16  }
0x2fd: {  	s31 =	simm.s32 $0x1;
	v3 =	vld [tilespmem:s17+$0x80];
	v12 =	vsel vm9, v21, v20;
	v17 =	vxor.u32 v18, v17;
	v18 =	vsel vm10, v14, v16  }
0x2fe: {  	v31 =	vld [tilespmem:s17+$0x0];
	v16 =	vsel vm10, v16, v14;
	v17 =	vor.u32 s31, v17;
	vm11 =	vlt.s32 v14, v18  }
0x2ff: {  	v27 =	vld [tilespmem:s17+$0x30];
	vm1 =	vlt.s32 v16, v17;
	v19 =	vsel vm11, v18, v14;
	v18 =	vsel vm11, v14, v18  }
0x300: {  	v20 =	vsel vm1, v16, v17;
	v17 =	vsel vm1, v17, v16;
	v16 =	vld [tilespmem:s17+$0x10];
	vm0 =	vlt.s32 v14, v18  }
0x301: {  	v5 =	vld [tilespmem:s17+$0xD0];
	vm12 =	vlt.s32 v19, v20;
	v21 =	vsel vm0, v18, v14;
	v18 =	vsel vm0, v14, v18  }
0x302: {  	v25 =	vld [tilespmem:s17+$0x60];
	v30 =	vsel vm12, v19, v20;
	v19 =	vsel vm12, v20, v19;
	vm0 =	vlt.s32 v14, v18  }
0x303: {  	v26 =	vld [tilespmem:s17+$0x50];
	vm13 =	vlt.s32 v21, v30;
	v20 =	vsel vm0, v18, v14;
	v18 =	vsel vm0, v14, v18  }
0x304: {  	v28 =	vld [tilespmem:s17+$0x40];
	v59 =	vsel vm13, v21, v30;
	v21 =	vsel vm13, v30, v21;
	vm0 =	vlt.s32 v14, v18  }
0x305: {  	v4 =	vld [tilespmem:s17+$0xC0];
	vm14 =	vlt.s32 v20, v59;
	v31 =	vmax.f32 v31, v16;
	v62 =	vsel vm0, v18, v14  }
0x306: {  	v24 =	vld [tilespmem:s17+$0x70];
	v18 =	vsel vm0, v14, v18;
	v38 =	vsel vm14, v20, v59;
	v20 =	vsel vm14, v59, v20  }
0x307: {  	v7 =	vld [tilespmem:s17+$0xB0];
	v29 =	vmax.f32 v31, v29;
	vm0 =	vlt.s32 v14, v18;
	vm15 =	vlt.s32 v62, v38  }
0x308: {  	v30 =	vld [tilespmem:s17+$0xFFFFFF50];
	v37 =	vmax.f32 v29, v27;
	v41 =	vsel vm0, v18, v14;
	v16 =	vsel vm15, v38, v62  }
0x309: {  	v31 =	vld [tilespmem:s17+$0xFFFFFF60];
	v42 =	vsel vm0, v14, v18;
	v18 =	vmax.f32 v58, v60;
	v27 =	vsel vm15, v62, v38  }
0x30a: {  	v22 =	vld [tilespmem:s17+$0x90];
	v18 =	vmax.f32 v18, v61;
	vm0 =	vlt.s32 v14, v42;
	vm1 =	vlt.s32 v41, v27  }
0x30b: {  	v15 =	vld [tilespmem:s17+$0xA0];
	v63 =	vmax.f32 v18, v39;
	v29 =	vsel vm0, v14, v42;
	v18 =	vsel vm1, v27, v41  }
0x30c: {  	s18 =	simm.s32 $0x2;
	s19 =	simm.s32 $0x4;
	s20 =	simm.s32 $0x8500;
	v23 =	vld [tilespmem:s17+$0xFFFFFFB0];
	v34 =	vsel vm0, v42, v14;
	v35 =	vsel vm1, v41, v27;
	v38 =	vmax.f32 v63, v40  }
.LBB2_21:
0x30d: {  	v39 =	vld [tilespmem:s20+$0xFFFFFFA0];
	p2 =	slt.u32 s19, $0x7E;
	v27 =	vmax.f32 v38, v30;
	v28 =	vmax.f32 v37, v28;
	vm0 =	vlt.s32 v34, v35;
	s21 =	smov.u32 s19;
	s19 =	sadd.s32 $0x2, s19  }
0x30e: {  	v30 =	vld [tilespmem:s20+$0x80];
	v31 =	vmax.f32 v27, v31;
	v27 =	vsel vm0, v35, v34;
	v34 =	vsel vm0, v34, v35  }
0x30f: {  	v26 =	vmax.f32 v28, v26;
	vm0 =	vgt.s32 v14, v29;
	v31 =	vmax.f32 v31, v32;
	v32 =	vld [tilespmem:s17+$0xFFFFFFC0]  }
0x310: {  	v25 =	vmax.f32 v26, v25;
	v14 =	vsel vm0, v14, v29;
	v28 =	vmax.f32 v31, v33;
	v31 =	vld [tilespmem:s17+$0xFFFFFFD0]  }
0x311: {  	v24 =	vmax.f32 v25, v24;
	vm0 =	vgt.s32 v14, v34;
	v26 =	vmax.f32 v28, v36;
	v28 =	vld [tilespmem:s17+$0xFFFFFFE0]  }
0x312: {  	v29 =	vmax.f32 v24, v3;
	v14 =	vsel vm0, v14, v34;
	v25 =	vmax.f32 v26, v2;
	v26 =	vld [tilespmem:s17+$0xFFFFFFF0];
	v2 =	vmovc v39  }
0x313: {  	v22 =	vmax.f32 v29, v22;
	v23 =	vmax.f32 v25, v23;
	v24 =	vld [tilespmem:s17+$0xE0];
	v3 =	vmov v30  }
0x314: {  	v15 =	vmax.f32 v22, v15;
	v23 =	vmax.f32 v23, v32;
	v25 =	vld [tilespmem:s17+$0xF0];
	s17 =	smov.u32 s20  }
0x315: {  	v7 =	vmax.f32 v15, v7;
	v29 =	vld [tilespmem:s20+$0xD0];
	v22 =	vmax.f32 v23, v31  }
0x316: {  	v15 =	vmax.f32 v22, v28;
	v22 =	vmax.f32 v7, v4;
	v4 =	vld [tilespmem:s20+$0xC0]  }
0x317: {  	v7 =	vld [tilespmem:s20+$0xB0];
	v23 =	vmax.f32 v15, v26;
	v5 =	vmax.f32 v22, v5  }
0x318: {  	v15 =	vld [tilespmem:s20+$0xA0];
	v26 =	vshra.s32 v23, $0x1F;
	v28 =	vand.u32 $0xFFFFFF80, v23;
	v31 =	vmax.f32 v5, v24  }
0x319: {  	v22 =	vld [tilespmem:s20+$0x90];
	v24 =	vand.u32 $0x7FFFFF80, v26;
	v30 =	vmax.f32 v31, v25  }
0x31a: {  	v23 =	vld [tilespmem:s20+$0xFFFFFFB0];
	v25 =	vxor.u32 v28, v24;
	v26 =	vshra.s32 v30, $0x1F;
	v28 =	vand.u32 $0xFFFFFF80, v30;
	v5 =	vmovc v29  }
0x31b: {  	v24 =	vld [tilespmem:s20+$0x70];
	v29 =	vor.u32 s18, v25;
	v26 =	vand.u32 $0x7FFFFF80, v26  }
0x31c: {  	s22 =	sadd.s32 $0x1, s18;
	s18 =	smov.u32 s21;
	v25 =	vld [tilespmem:s20+$0x60];
	vm0 =	vlt.s32 v17, v29;
	v28 =	vxor.u32 v28, v26  }
0x31d: {  	v26 =	vld [tilespmem:s20+$0x50];
	v30 =	vsel vm0, v29, v17;
	v17 =	vsel vm0, v17, v29;
	v29 =	vor.u32 s22, v28  }
0x31e: {  	v28 =	vld [tilespmem:s20+$0x40];
	vm0 =	vlt.s32 v19, v17;
	vm1 =	vlt.s32 v30, v29  }
0x31f: {  	v32 =	vld [tilespmem:s20+$0x30];
	v31 =	vsel vm0, v17, v19;
	v19 =	vsel vm0, v19, v17;
	v33 =	vsel vm1, v30, v29  }
0x320: {  	v17 =	vsel vm1, v29, v30;
	v34 =	vld [tilespmem:s20+$0x20];
	vm0 =	vlt.s32 v21, v19;
	vm1 =	vlt.s32 v31, v33  }
0x321: {  	v29 =	vld [tilespmem:s20+$0x10];
	v30 =	vsel vm0, v19, v21;
	v21 =	vsel vm0, v21, v19;
	v35 =	vsel vm1, v31, v33  }
0x322: {  	v19 =	vsel vm1, v33, v31;
	v36 =	vld [tilespmem:s20+$0x0];
	vm0 =	vlt.s32 v20, v21;
	vm1 =	vlt.s32 v30, v35  }
0x323: {  	v31 =	vld [tilespmem:s20+$0xFFFFFF00];
	v33 =	vsel vm0, v21, v20;
	v20 =	vsel vm0, v20, v21;
	v37 =	vsel vm1, v30, v35  }
0x324: {  	v21 =	vsel vm1, v35, v30;
	v38 =	vld [tilespmem:s20+$0xFFFFFF10];
	vm0 =	vlt.s32 v16, v20;
	vm1 =	vlt.s32 v33, v37  }
0x325: {  	v35 =	vld [tilespmem:s20+$0xFFFFFF20];
	v39 =	vsel vm0, v20, v16;
	v40 =	vsel vm0, v16, v20;
	v41 =	vsel vm1, v33, v37  }
0x326: {  	v20 =	vsel vm1, v37, v33;
	v42 =	vld [tilespmem:s20+$0xFFFFFF30];
	vm0 =	vlt.s32 v18, v40;
	vm1 =	vlt.s32 v39, v41  }
0x327: {  	v43 =	vld [tilespmem:s20+$0xFFFFFF40];
	v29 =	vmax.f32 v36, v29;
	v44 =	vsel vm0, v40, v18;
	v16 =	vsel vm1, v41, v39  }
.Ltmp11:
0x328: {  	v30 =	vld [tilespmem:s20+$0xFFFFFF50];
	v29 =	vmax.f32 v29, v34;
	v34 =	vsel vm0, v18, v40;
	(pc) =	sbr.rel @p2 .LBB2_21-.Ltmp11, $4  }
0x329: {  	v39 =	vsel vm1, v39, v41;
	v18 =	vmax.f32 v31, v38;
	v31 =	vld [tilespmem:s20+$0xFFFFFF60];
	v37 =	vmax.f32 v29, v32  }
0x32a: {  	vm1 =	vlt.s32 v44, v39;
	vm0 =	vlt.s32 v27, v34;
	v18 =	vmax.f32 v18, v35;
	v32 =	vld [tilespmem:s20+$0xFFFFFF70]  }
0x32b: {  	v29 =	vsel vm0, v27, v34;
	v35 =	vmax.f32 v18, v42;
	v33 =	vld [tilespmem:s20+$0xFFFFFF80];
	v18 =	vsel vm1, v39, v44  }
0x32c: {  	v34 =	vsel vm0, v34, v27;
	s20 =	sadd.s32 $0x200, s20;
	v38 =	vmax.f32 v35, v43;
	v36 =	vld [tilespmem:s17+$0xFFFFFF90];
	v35 =	vsel vm1, v44, v39  }
0x32d: {  	v27 =	vmax.f32 v38, v30  }
0x32e: {  	v28 =	vmax.f32 v37, v28;
	v27 =	vmax.f32 v27, v31  }
0x32f: {  	v54 =	vld [tilespmem:s17+$0xFFFFFFC0];
	v26 =	vmax.f32 v28, v26;
	v27 =	vmax.f32 v27, v32  }
0x330: {  	v55 =	vld [tilespmem:s17+$0xFFFFFFD0];
	v25 =	vmax.f32 v26, v25;
	v27 =	vmax.f32 v27, v33  }
0x331: {  	v57 =	vld [tilespmem:s17+$0xFFFFFFE0];
	v24 =	vmax.f32 v25, v24;
	v56 =	vmax.f32 v27, v36  }
0x332: {  	v58 =	vld [tilespmem:s17+$0xFFFFFFF0];
	v3 =	vmax.f32 v24, v3;
	v2 =	vmax.f32 v56, v2  }
0x333: {  	v3 =	vmax.f32 v3, v22;
	v22 =	vld [tilespmem:s17+$0xE0];
	v2 =	vmax.f32 v2, v23  }
0x334: {  	v3 =	vmax.f32 v3, v15;
	v15 =	vld [tilespmem:s17+$0xF0];
	v2 =	vmax.f32 v2, v54  }
0x335: {  	vm0 =	vlt.s32 v34, v35;
	v3 =	vmax.f32 v3, v7;
	v2 =	vmax.f32 v2, v55  }
0x336: {  	v23 =	vsel vm0, v35, v34;
	v3 =	vmax.f32 v3, v4;
	v2 =	vmax.f32 v2, v57  }
0x337: {  	v4 =	vsel vm0, v34, v35;
	v3 =	vmax.f32 v3, v5;
	v2 =	vmax.f32 v2, v58  }
0x338: {  	vm0 =	vgt.s32 v14, v29;
	v3 =	vmax.f32 v3, v22;
	v5 =	vshra.s32 v2, $0x1F  }
0x339: {  	v2 =	vand.u32 $0xFFFFFF80, v2;
	v3 =	vmax.f32 v3, v15;
	v5 =	vand.u32 $0x7FFFFF80, v5  }
0x33a: {  	v7 =	vsel vm0, v14, v29;
	v2 =	vxor.u32 v2, v5;
	v5 =	vshra.s32 v3, $0x1F  }
0x33b: {  	v3 =	vand.u32 $0xFFFFFF80, v3;
	v2 =	vor.u32 s18, v2;
	v5 =	vand.u32 $0x7FFFFF80, v5  }
0x33c: {  	s26 =	sadd.s32 $0x1, s18;
	vm0 =	vgt.s32 v7, v4;
	vm1 =	vlt.s32 v17, v2;
	v3 =	vxor.u32 v3, v5  }
0x33d: {  	v5 =	vsel vm1, v2, v17;
	v2 =	vsel vm1, v17, v2;
	v3 =	vor.u32 s26, v3  }
0x33e: {  	v17 =	vsel vm0, v7, v4;
	vm0 =	vlt.s32 v19, v2;
	vm1 =	vlt.s32 v5, v3  }
0x33f: {  	v4 =	vsel vm0, v2, v19;
	v2 =	vsel vm0, v19, v2;
	v7 =	vsel vm1, v5, v3  }
0x340: {  	v3 =	vsel vm1, v3, v5;
	vm0 =	vlt.s32 v21, v2;
	vm1 =	vlt.s32 v4, v7  }
0x341: {  	v3 =	vshll.u32 v3, $0x4;
	v5 =	vsel vm0, v2, v21;
	v2 =	vsel vm0, v21, v2  }
0x342: {  	s30 =	simm.s32 $0x2;
	v19 =	vsel vm1, v4, v7;
	v14 =	vsel vm1, v7, v4;
	v15 =	vand.u32 $0x7F0, v3  }
0x343: {  	s28 =	simm.s32 $0x0;
	vm0 =	vlt.s32 v20, v2;
	vm1 =	vlt.s32 v5, v19;
	v22 =	vadd.s32 s30, v15  }
0x344: {  	v4 =	vsel vm0, v2, v20;
	v2 =	vsel vm0, v20, v2;
	v20 =	vadd.s32 s28, v15  }
0x345: {  	s29 =	simm.s32 $0x1;
	v3 =	vsel vm1, v5, v19;
	v7 =	vsel vm1, v19, v5;
	v5 =	vshll.u32 v20, $0x4  }
0x346: {  	v19 =	vadd.s32 s29, v15;
	vm0 =	vlt.s32 v16, v2;
	v20 =	vor.u32 v0, v5  }
0x347: {  	vm1 =	vlt.s32 v4, v3;
	v21 =	vsel vm0, v2, v16;
	v5 =	vshll.u32 v19, $0x4  }
0x348: {  	v2 =	vsel vm0, v16, v2;
	v16 =	vsel vm1, v4, v3;
	v19 =	vor.u32 v0, v5  }
0x349: {  	s31 =	simm.s32 $0x3;
	vm0 =	vlt.s32 v18, v2;
	v5 =	vsel vm1, v3, v4;
	v3 =	vshll.u32 v22, $0x4  }
0x34a: {  	vm1 =	vlt.s32 v21, v16;
	v4 =	vadd.s32 s31, v15;
	v59 =	vor.u32 v0, v3  }
0x34b: {  	v22 =	vsel vm0, v2, v18;
	v2 =	vsel vm0, v18, v2;
	v3 =	vsel vm1, v21, v16;
	v18 =	vld.idx.msk [tilespmem:v20+s11+$0x0], $0xffff  }
0x34c: {  	v4 =	vshll.u32 v4, $0x4;
	vm0 =	vlt.s32 v23, v2;
	vm2 =	vlt.s32 v22, v3  }
0x34d: {  	v61 =	vor.u32 v0, v4;
	v4 =	vsel vm1, v16, v21;
	v16 =	vsel vm0, v23, v2;
	v19 =	vld.idx.msk [tilespmem:v19+s11+$0x0], $0xffff  }
0x34e: {  	v60 =	vsel vm2, v22, v3;
	v20 =	vsel vm0, v2, v23;
	vm1 =	vgt.s32 v17, v16  }
0x34f: {  	v3 =	vsel vm2, v3, v22;
	vm0 =	vlt.s32 v20, v60;
	v16 =	vsel vm1, v17, v16;
	v21 =	vld.idx.msk [tilespmem:v59+s11+$0x0], $0xffff  }
0x350: {  	v2 =	vsel vm0, v60, v20;
	v20 =	vsel vm0, v20, v60;
	vm0 =	vgt.f32 v18, v1  }
0x351: {  	vm1 =	vgt.s32 v16, v20;
	v17 =	vsel vm0, v18, v1;
	v18 =	vsel vm0, v1, v18  }
0x352: {  	v1 =	vsel vm1, v16, v20;
	vm0 =	vgt.f32 v18, v6;
	vm1 =	vgt.f32 v19, v17  }
0x353: {  	v16 =	vld.idx.msk [tilespmem:v61+s11+$0x0], $0xffff;
	v20 =	vsel vm0, v18, v6;
	v6 =	vsel vm0, v6, v18;
	v18 =	vsel vm1, v19, v17  }
0x354: {  	v17 =	vsel vm1, v17, v19;
	vm0 =	vgt.f32 v6, v13;
	vm1 =	vgt.f32 v21, v18  }
0x355: {  	vm2 =	vgt.f32 v17, v20;
	v19 =	vsel vm0, v6, v13;
	v6 =	vsel vm0, v13, v6  }
0x356: {  	v22 =	vsel vm1, v18, v21;
	v18 =	vsel vm1, v21, v18;
	vm0 =	vgt.f32 v6, v8  }
0x357: {  	v23 =	vsel vm2, v20, v17;
	v17 =	vsel vm2, v17, v20;
	v21 =	vsel vm0, v8, v6  }
0x358: {  	vm1 =	vgt.f32 v16, v18;
	vm2 =	vgt.f32 v23, v19;
	vm3 =	vgt.f32 v21, v9  }
0x359: {  	v13 =	vsel vm1, v16, v18;
	v6 =	vsel vm0, v6, v8;
	v20 =	vsel vm3, v21, v9  }
0x35a: {  	v9 =	vsel vm3, v9, v21;
	v21 =	vsel vm2, v23, v19;
	v19 =	vsel vm2, v19, v23  }
0x35b: {  	v23 =	vsel vm1, v18, v16;
	vm1 =	vgt.f32 v22, v17;
	vm0 =	vgt.f32 v9, v10  }
0x35c: {  	vm2 =	vgt.f32 v19, v6;
	v62 =	vsel vm1, v17, v22;
	v8 =	vsel vm0, v10, v9  }
0x35d: {  	v18 =	vsel vm0, v9, v10;
	v10 =	vsel vm1, v22, v17;
	v22 =	vsel vm2, v19, v6  }
0x35e: {  	v6 =	vsel vm2, v6, v19;
	vm2 =	vgt.f32 v62, v21;
	vm0 =	vgt.f32 v8, v11  }
0x35f: {  	vm1 =	vgt.f32 v23, v10;
	v19 =	vsel vm2, v21, v62;
	v16 =	vsel vm0, v8, v11  }
0x360: {  	v63 =	vsel vm0, v11, v8;
	v9 =	vsel vm1, v10, v23;
	vm0 =	vgt.f32 v6, v20  }
0x361: {  	v8 =	vsel vm1, v23, v10;
	v10 =	vsel vm2, v62, v21;
	vm1 =	vgt.f32 v19, v22  }
0x362: {  	v17 =	vsel vm0, v6, v20;
	v20 =	vsel vm0, v20, v6;
	vm0 =	vgt.f32 v9, v10  }
0x363: {  	vm2 =	vgt.f32 v63, v12;
	v11 =	vsel vm1, v19, v22;
	v19 =	vsel vm1, v22, v19  }
0x364: {  	s18 =	simm.s32 $0x4;
	v12 =	vsel vm2, v63, v12;
	vm3 =	vgt.f32 v20, v18;
	vm1 =	vgt.f32 v19, v17  }
.LBB2_23:
0x365: {  	s19 =	sadd.s32 $0x1, s18  }
0x366: {  	s20 =	sadd.s32 $0x3, s18;
	v6 =	vsel vm3, v18, v20;
	v21 =	vsel vm1, v19, v17;
	v22 =	vsel vm0, v10, v9;
	s21 =	smov.u32 s18;
	s17 =	sadd.s32 $0x4, s18  }
0x367: {  	p2 =	slt.u32 s18, $0xC;
	v23 =	vadd.s32 s21, v15;
	v24 =	vadd.s32 s19, v15;
	vm2 =	vgt.f32 v22, v11  }
0x368: {  	v23 =	vshll.u32 v23, $0x4;
	v24 =	vshll.u32 v24, $0x4;
	v25 =	vsel vm2, v11, v22  }
0x369: {  	v18 =	vsel vm3, v20, v18;
	s18 =	sadd.s32 $0x2, s21;
	v23 =	vor.u32 v0, v23;
	v24 =	vor.u32 v0, v24  }
0x36a: {  	vm3 =	vgt.f32 v6, v16;
	v20 =	vadd.s32 s18, v15;
	vm4 =	vgt.f32 v25, v21  }
0x36b: {  	v26 =	vsel vm3, v16, v6;
	v20 =	vshll.u32 v20, $0x4;
	v27 =	vsel vm4, v25, v21  }
0x36c: {  	v11 =	vsel vm2, v22, v11;
	vm5 =	vgt.f32 v26, v12;
	v20 =	vor.u32 v0, v20  }
0x36d: {  	v22 =	vadd.s32 s20, v15;
	v6 =	vsel vm3, v6, v16;
	v16 =	vsel vm1, v17, v19  }
0x36e: {  	v19 =	vshll.u32 v22, $0x4;
	vm1 =	vgt.f32 v16, v18;
	v21 =	vsel vm4, v21, v25;
	v17 =	vld.idx.msk [tilespmem:v23+s11+$0x0], $0xffff  }
0x36f: {  	v19 =	vor.u32 v0, v19;
	v22 =	vsel vm1, v16, v18;
	v16 =	vsel vm1, v18, v16  }
0x370: {  	v12 =	vsel vm5, v26, v12;
	vm1 =	vgt.f32 v16, v6;
	vm2 =	vgt.f32 v21, v22;
	v18 =	vld.idx.msk [tilespmem:v24+s11+$0x0], $0xffff  }
0x371: {  	v23 =	vsel vm1, v16, v6;
	v6 =	vsel vm1, v6, v16;
	v16 =	vsel vm2, v22, v21  }
0x372: {  	v21 =	vsel vm2, v21, v22;
	vm1 =	vgt.f32 v6, v12;
	vm2 =	vgt.f32 v16, v23;
	v20 =	vld.idx.msk [tilespmem:v20+s11+$0x0], $0xffff  }
0x373: {  	v6 =	vsel vm1, v6, v12;
	v12 =	vsel vm2, v16, v23;
	v16 =	vsel vm2, v23, v16  }
0x374: {  	v9 =	vsel vm0, v9, v10;
	vm0 =	vgt.f32 v16, v6;
	vm1 =	vgt.f32 v17, v13  }
0x375: {  	v6 =	vsel vm0, v16, v6;
	v10 =	vsel vm1, v17, v13;
	v13 =	vsel vm1, v13, v17;
	v17 =	vld.idx.msk [tilespmem:v19+s11+$0x0], $0xffff  }
0x376: {  	vm0 =	vgt.f32 v13, v8;
	vm1 =	vgt.f32 v18, v10  }
0x377: {  	v16 =	vsel vm0, v13, v8;
	v8 =	vsel vm0, v8, v13;
	v13 =	vsel vm1, v18, v10  }
0x378: {  	v10 =	vsel vm1, v10, v18;
	vm0 =	vgt.f32 v8, v9;
	vm1 =	vgt.f32 v20, v13  }
0x379: {  	v18 =	vsel vm0, v8, v9;
	v8 =	vsel vm0, v9, v8;
	v9 =	vsel vm1, v13, v20  }
0x37a: {  	vm2 =	vgt.f32 v10, v16;
	v19 =	vsel vm1, v20, v13;
	vm0 =	vgt.f32 v8, v11  }
0x37b: {  	v22 =	vsel vm2, v16, v10;
	v20 =	vsel vm0, v11, v8;
	vm1 =	vgt.f32 v17, v19  }
0x37c: {  	v10 =	vsel vm2, v10, v16;
	vm3 =	vgt.f32 v20, v27;
	v13 =	vsel vm1, v17, v19  }
0x37d: {  	vm2 =	vgt.f32 v22, v18;
	v23 =	vsel vm3, v20, v27;
	v16 =	vsel vm3, v27, v20  }
0x37e: {  	v17 =	vsel vm1, v19, v17;
	v20 =	vsel vm2, v22, v18;
	v22 =	vsel vm2, v18, v22  }
0x37f: {  	v8 =	vsel vm0, v8, v11;
	vm1 =	vgt.f32 v9, v10;
	vm0 =	vgt.f32 v16, v21  }
0x380: {  	v19 =	vsel vm1, v10, v9;
	vm2 =	vgt.f32 v22, v8;
	v11 =	vsel vm0, v21, v16  }
0x381: {  	v10 =	vsel vm1, v9, v10;
	v18 =	vsel vm0, v16, v21;
	vm0 =	vgt.f32 v11, v12  }
0x382: {  	vm1 =	vgt.f32 v17, v10;
	v21 =	vsel vm2, v22, v8;
	v16 =	vsel vm0, v11, v12  }
0x383: {  	v9 =	vsel vm1, v10, v17;
	v12 =	vsel vm0, v12, v11;
	v11 =	vsel vm2, v8, v22  }
.Ltmp12:
0x384: {  	vm2 =	vgt.f32 v19, v20;
	v8 =	vsel vm1, v17, v10;
	vm0 =	vgt.f32 v11, v23;
	(pc) =	sbr.rel @p2 .LBB2_23-.Ltmp12, $4  }
0x385: {  	v10 =	vsel vm2, v19, v20;
	v19 =	vsel vm2, v20, v19;
	v17 =	vsel vm0, v11, v23  }
0x386: {  	v20 =	vsel vm0, v23, v11;
	vm1 =	vgt.f32 v19, v21;
	vm0 =	vgt.f32 v9, v10  }
0x387: {  	vm2 =	vgt.f32 v12, v6;
	v11 =	vsel vm1, v19, v21;
	v19 =	vsel vm1, v21, v19  }
0x388: {  	s18 =	smov.u32 s17;
	v12 =	vsel vm2, v12, v6;
	vm3 =	vgt.f32 v20, v18;
	vm1 =	vgt.f32 v19, v17  }
0x389: {  	v15 =	vsel vm0, v10, v9  }
0x38a: {  	v21 =	vsel vm3, v18, v20;
	v6 =	vshll.u32 v14, $0x4;
	v14 =	vsel vm1, v19, v17  }
0x38b: {  	s17 =	simm.s32 $0x0;
	v18 =	vsel vm3, v20, v18;
	v17 =	vsel vm1, v17, v19;
	v6 =	vand.u32 $0x7F0, v6  }
0x38c: {  	v9 =	vsel vm0, v9, v10;
	vm2 =	vgt.f32 v15, v11;
	v20 =	vadd.s32 s17, v6  }
0x38d: {  	s29 =	simm.s32 $0x1;
	vm3 =	vgt.f32 v21, v16;
	vm1 =	vgt.f32 v17, v18;
	v20 =	vshll.u32 v20, $0x4  }
0x38e: {  	v22 =	vsel vm2, v11, v15;
	v56 =	vadd.s32 s29, v6;
	v20 =	vor.u32 v0, v20  }
0x38f: {  	s30 =	simm.s32 $0x2;
	v23 =	vsel vm3, v16, v21;
	v16 =	vsel vm3, v21, v16;
	v21 =	vshll.u32 v56, $0x4  }
0x390: {  	s31 =	simm.s32 $0x3;
	v57 =	vadd.s32 s30, v6;
	v58 =	vsel vm1, v17, v18;
	v19 =	vor.u32 v0, v21  }
0x391: {  	v17 =	vsel vm1, v18, v17;
	v59 =	vadd.s32 s31, v6;
	v21 =	vshll.u32 v57, $0x4  }
0x392: {  	vm4 =	vgt.f32 v22, v14;
	vm3 =	vgt.f32 v23, v12;
	v18 =	vor.u32 v0, v21  }
0x393: {  	vm1 =	vgt.f32 v17, v16;
	v24 =	vsel vm4, v22, v14;
	v14 =	vsel vm4, v14, v22;
	v20 =	vld.idx.msk [tilespmem:v20+s11+$0x0], $0xffff  }
0x394: {  	v12 =	vsel vm3, v23, v12;
	v60 =	vsel vm1, v17, v16;
	v21 =	vshll.u32 v59, $0x4  }
0x395: {  	v16 =	vsel vm1, v16, v17;
	vm3 =	vgt.f32 v14, v58;
	v21 =	vor.u32 v0, v21;
	v19 =	vld.idx.msk [tilespmem:v19+s11+$0x0], $0xffff  }
0x396: {  	v11 =	vsel vm2, v15, v11;
	vm1 =	vgt.f32 v16, v12;
	v17 =	vsel vm3, v58, v14  }
0x397: {  	v14 =	vsel vm3, v14, v58;
	v12 =	vsel vm1, v16, v12;
	vm2 =	vgt.f32 v17, v60;
	v16 =	vld.idx.msk [tilespmem:v18+s11+$0x0], $0xffff  }
0x398: {  	v15 =	vsel vm2, v17, v60;
	v17 =	vsel vm2, v60, v17;
	vm0 =	vgt.f32 v20, v13  }
0x399: {  	vm1 =	vgt.f32 v17, v12;
	v10 =	vsel vm0, v20, v13;
	v13 =	vsel vm0, v13, v20  }
0x39a: {  	v20 =	vsel vm1, v17, v12;
	v12 =	vld.idx.msk [tilespmem:v21+s11+$0x0], $0xffff;
	vm0 =	vgt.f32 v13, v8;
	vm1 =	vgt.f32 v19, v10  }
0x39b: {  	v17 =	vsel vm0, v13, v8;
	v8 =	vsel vm0, v8, v13;
	v13 =	vsel vm1, v19, v10  }
0x39c: {  	v10 =	vsel vm1, v10, v19;
	vm0 =	vgt.f32 v8, v9;
	vm1 =	vgt.f32 v16, v13  }
0x39d: {  	vm2 =	vgt.f32 v10, v17;
	v18 =	vsel vm0, v8, v9;
	v9 =	vsel vm0, v9, v8  }
0x39e: {  	v19 =	vsel vm1, v13, v16;
	v13 =	vsel vm1, v16, v13;
	v61 =	vsel vm2, v17, v10  }
0x39f: {  	v10 =	vsel vm2, v10, v17;
	vm0 =	vgt.f32 v9, v11;
	vm1 =	vgt.f32 v12, v13  }
0x3a0: {  	vm2 =	vgt.f32 v61, v18;
	v16 =	vsel vm0, v11, v9;
	v8 =	vsel vm1, v12, v13  }
0x3a1: {  	v62 =	vsel vm2, v61, v18;
	v18 =	vsel vm2, v18, v61;
	vm3 =	vgt.f32 v16, v24  }
0x3a2: {  	v13 =	vsel vm1, v13, v12;
	v17 =	vsel vm3, v16, v24;
	v16 =	vsel vm3, v24, v16  }
0x3a3: {  	v9 =	vsel vm0, v9, v11;
	vm1 =	vgt.f32 v19, v10;
	vm0 =	vgt.f32 v16, v14  }
0x3a4: {  	vm2 =	vgt.f32 v18, v9;
	v63 =	vsel vm1, v10, v19;
	v11 =	vsel vm0, v14, v16  }
0x3a5: {  	v16 =	vsel vm0, v16, v14;
	v14 =	vsel vm1, v19, v10;
	v19 =	vsel vm2, v18, v9  }
0x3a6: {  	v18 =	vsel vm2, v9, v18;
	vm2 =	vgt.f32 v63, v62;
	vm0 =	vgt.f32 v11, v15  }
0x3a7: {  	vm1 =	vgt.f32 v13, v14;
	v21 =	vsel vm2, v62, v63;
	v12 =	vsel vm0, v11, v15  }
0x3a8: {  	v15 =	vsel vm0, v15, v11;
	v10 =	vsel vm1, v14, v13;
	vm0 =	vgt.f32 v18, v17  }
0x3a9: {  	v9 =	vsel vm1, v13, v14;
	v11 =	vsel vm2, v63, v62;
	vm1 =	vgt.f32 v21, v19  }
0x3aa: {  	v14 =	vsel vm0, v18, v17;
	v18 =	vsel vm0, v17, v18;
	vm0 =	vgt.f32 v10, v11  }
0x3ab: {  	vm2 =	vgt.f32 v15, v20;
	v13 =	vsel vm1, v21, v19;
	v17 =	vsel vm1, v19, v21  }
0x3ac: {  	s18 =	simm.s32 $0x4;
	v15 =	vsel vm2, v15, v20;
	vm3 =	vgt.f32 v18, v16;
	vm1 =	vgt.f32 v17, v14  }
.LBB2_25:
0x3ad: {  	s19 =	sadd.s32 $0x1, s18  }
0x3ae: {  	s20 =	sadd.s32 $0x3, s18;
	v19 =	vsel vm3, v16, v18;
	v20 =	vsel vm1, v17, v14;
	v21 =	vsel vm0, v11, v10;
	s21 =	smov.u32 s18;
	s17 =	sadd.s32 $0x4, s18  }
0x3af: {  	p2 =	slt.u32 s18, $0xC;
	v22 =	vadd.s32 s21, v6;
	v23 =	vadd.s32 s19, v6;
	vm2 =	vgt.f32 v21, v13  }
0x3b0: {  	v22 =	vshll.u32 v22, $0x4;
	v23 =	vshll.u32 v23, $0x4;
	v24 =	vsel vm2, v13, v21  }
0x3b1: {  	v16 =	vsel vm3, v18, v16;
	s18 =	sadd.s32 $0x2, s21;
	v22 =	vor.u32 v0, v22;
	v23 =	vor.u32 v0, v23  }
0x3b2: {  	vm3 =	vgt.f32 v19, v12;
	v18 =	vadd.s32 s18, v6;
	vm4 =	vgt.f32 v24, v20  }
0x3b3: {  	v25 =	vsel vm3, v12, v19;
	v18 =	vshll.u32 v18, $0x4;
	v26 =	vsel vm4, v24, v20  }
0x3b4: {  	v13 =	vsel vm2, v21, v13;
	vm5 =	vgt.f32 v25, v15;
	v18 =	vor.u32 v0, v18  }
0x3b5: {  	v14 =	vsel vm1, v14, v17;
	v21 =	vadd.s32 s20, v6;
	v12 =	vsel vm3, v19, v12  }
0x3b6: {  	vm1 =	vgt.f32 v14, v16;
	v19 =	vshll.u32 v21, $0x4;
	v20 =	vsel vm4, v20, v24;
	v17 =	vld.idx.msk [tilespmem:v22+s11+$0x0], $0xffff  }
0x3b7: {  	v21 =	vsel vm1, v14, v16;
	v14 =	vsel vm1, v16, v14;
	v19 =	vor.u32 v0, v19  }
0x3b8: {  	v15 =	vsel vm5, v25, v15;
	vm1 =	vgt.f32 v14, v12;
	vm2 =	vgt.f32 v20, v21;
	v16 =	vld.idx.msk [tilespmem:v23+s11+$0x0], $0xffff  }
0x3b9: {  	v22 =	vsel vm1, v14, v12;
	v12 =	vsel vm1, v12, v14;
	v14 =	vsel vm2, v21, v20  }
0x3ba: {  	v20 =	vsel vm2, v20, v21;
	vm1 =	vgt.f32 v12, v15;
	vm2 =	vgt.f32 v14, v22;
	v18 =	vld.idx.msk [tilespmem:v18+s11+$0x0], $0xffff  }
0x3bb: {  	v12 =	vsel vm1, v12, v15;
	v15 =	vsel vm2, v14, v22;
	v14 =	vsel vm2, v22, v14  }
0x3bc: {  	v10 =	vsel vm0, v10, v11;
	vm0 =	vgt.f32 v14, v12;
	vm1 =	vgt.f32 v17, v8  }
0x3bd: {  	v11 =	vsel vm1, v17, v8;
	v8 =	vsel vm1, v8, v17;
	v17 =	vld.idx.msk [tilespmem:v19+s11+$0x0], $0xffff;
	v19 =	vsel vm0, v14, v12  }
0x3be: {  	vm0 =	vgt.f32 v8, v9;
	vm1 =	vgt.f32 v16, v11  }
0x3bf: {  	v12 =	vsel vm0, v8, v9;
	v8 =	vsel vm0, v9, v8;
	v9 =	vsel vm1, v16, v11  }
0x3c0: {  	v11 =	vsel vm1, v11, v16;
	vm0 =	vgt.f32 v8, v10;
	vm1 =	vgt.f32 v18, v9  }
0x3c1: {  	v14 =	vsel vm0, v8, v10;
	v10 =	vsel vm0, v10, v8;
	v21 =	vsel vm1, v9, v18  }
0x3c2: {  	vm2 =	vgt.f32 v11, v12;
	v9 =	vsel vm1, v18, v9;
	vm0 =	vgt.f32 v10, v13  }
0x3c3: {  	v18 =	vsel vm2, v12, v11;
	v16 =	vsel vm0, v13, v10;
	vm1 =	vgt.f32 v17, v9  }
0x3c4: {  	v11 =	vsel vm2, v11, v12;
	vm3 =	vgt.f32 v16, v26;
	v8 =	vsel vm1, v17, v9  }
0x3c5: {  	vm2 =	vgt.f32 v18, v14;
	v22 =	vsel vm3, v16, v26;
	v12 =	vsel vm3, v26, v16  }
0x3c6: {  	v23 =	vsel vm2, v18, v14;
	v14 =	vsel vm2, v14, v18;
	v9 =	vsel vm1, v9, v17  }
0x3c7: {  	v10 =	vsel vm0, v10, v13;
	vm1 =	vgt.f32 v21, v11;
	vm0 =	vgt.f32 v12, v20  }
0x3c8: {  	vm2 =	vgt.f32 v14, v10;
	v17 =	vsel vm1, v11, v21;
	v13 =	vsel vm0, v20, v12  }
0x3c9: {  	v11 =	vsel vm1, v21, v11;
	v16 =	vsel vm0, v12, v20;
	vm0 =	vgt.f32 v13, v15  }
0x3ca: {  	vm1 =	vgt.f32 v9, v11;
	v20 =	vsel vm2, v14, v10;
	v12 =	vsel vm0, v13, v15  }
0x3cb: {  	v15 =	vsel vm0, v15, v13;
	v13 =	vsel vm2, v10, v14;
	v10 =	vsel vm1, v11, v9  }
.Ltmp13:
0x3cc: {  	vm2 =	vgt.f32 v17, v23;
	v9 =	vsel vm1, v9, v11;
	vm0 =	vgt.f32 v13, v22;
	(pc) =	sbr.rel @p2 .LBB2_25-.Ltmp13, $4  }
0x3cd: {  	v11 =	vsel vm2, v17, v23;
	v17 =	vsel vm2, v23, v17;
	v14 =	vsel vm0, v13, v22  }
0x3ce: {  	v18 =	vsel vm0, v22, v13;
	vm1 =	vgt.f32 v17, v20;
	vm0 =	vgt.f32 v10, v11  }
0x3cf: {  	vm2 =	vgt.f32 v15, v19;
	v13 =	vsel vm1, v17, v20;
	v17 =	vsel vm1, v20, v17  }
0x3d0: {  	s18 =	smov.u32 s17;
	v15 =	vsel vm2, v15, v19;
	vm3 =	vgt.f32 v18, v16;
	vm1 =	vgt.f32 v17, v14  }
0x3d1: {  	v19 =	vsel vm0, v11, v10  }
0x3d2: {  	v20 =	vsel vm3, v16, v18;
	v6 =	vshll.u32 v7, $0x4;
	v7 =	vsel vm1, v17, v14  }
0x3d3: {  	s17 =	simm.s32 $0x0;
	v16 =	vsel vm3, v18, v16;
	v14 =	vsel vm1, v14, v17;
	v6 =	vand.u32 $0x7F0, v6  }
0x3d4: {  	v10 =	vsel vm0, v10, v11;
	vm2 =	vgt.f32 v19, v13;
	v18 =	vadd.s32 s17, v6  }
0x3d5: {  	s29 =	simm.s32 $0x1;
	vm3 =	vgt.f32 v20, v12;
	vm1 =	vgt.f32 v14, v16;
	v18 =	vshll.u32 v18, $0x4  }
0x3d6: {  	v21 =	vsel vm2, v13, v19;
	v56 =	vadd.s32 s29, v6;
	v18 =	vor.u32 v0, v18  }
0x3d7: {  	s30 =	simm.s32 $0x2;
	v22 =	vsel vm3, v12, v20;
	v12 =	vsel vm3, v20, v12;
	v20 =	vshll.u32 v56, $0x4  }
0x3d8: {  	s31 =	simm.s32 $0x3;
	v57 =	vadd.s32 s30, v6;
	v58 =	vsel vm1, v14, v16;
	v17 =	vor.u32 v0, v20  }
0x3d9: {  	v14 =	vsel vm1, v16, v14;
	v59 =	vadd.s32 s31, v6;
	v20 =	vshll.u32 v57, $0x4  }
0x3da: {  	vm4 =	vgt.f32 v21, v7;
	vm3 =	vgt.f32 v22, v15;
	v16 =	vor.u32 v0, v20  }
0x3db: {  	vm1 =	vgt.f32 v14, v12;
	v23 =	vsel vm4, v21, v7;
	v7 =	vsel vm4, v7, v21;
	v18 =	vld.idx.msk [tilespmem:v18+s11+$0x0], $0xffff  }
0x3dc: {  	v15 =	vsel vm3, v22, v15;
	v60 =	vsel vm1, v14, v12;
	v20 =	vshll.u32 v59, $0x4  }
0x3dd: {  	v12 =	vsel vm1, v12, v14;
	vm3 =	vgt.f32 v7, v58;
	v20 =	vor.u32 v0, v20;
	v17 =	vld.idx.msk [tilespmem:v17+s11+$0x0], $0xffff  }
0x3de: {  	v13 =	vsel vm2, v19, v13;
	vm1 =	vgt.f32 v12, v15;
	v14 =	vsel vm3, v58, v7  }
0x3df: {  	v19 =	vsel vm3, v7, v58;
	v7 =	vsel vm1, v12, v15;
	vm2 =	vgt.f32 v14, v60;
	v15 =	vld.idx.msk [tilespmem:v16+s11+$0x0], $0xffff  }
0x3e0: {  	v12 =	vsel vm2, v14, v60;
	v14 =	vsel vm2, v60, v14;
	vm0 =	vgt.f32 v18, v8  }
0x3e1: {  	vm1 =	vgt.f32 v14, v7;
	v11 =	vsel vm0, v18, v8;
	v8 =	vsel vm0, v8, v18  }
0x3e2: {  	v14 =	vsel vm1, v14, v7;
	v16 =	vld.idx.msk [tilespmem:v20+s11+$0x0], $0xffff;
	vm0 =	vgt.f32 v8, v9;
	vm1 =	vgt.f32 v17, v11  }
0x3e3: {  	v7 =	vsel vm0, v8, v9;
	v8 =	vsel vm0, v9, v8;
	v9 =	vsel vm1, v17, v11  }
0x3e4: {  	v11 =	vsel vm1, v11, v17;
	vm0 =	vgt.f32 v8, v10;
	vm1 =	vgt.f32 v15, v9  }
0x3e5: {  	vm2 =	vgt.f32 v11, v7;
	v17 =	vsel vm0, v8, v10;
	v8 =	vsel vm0, v10, v8  }
0x3e6: {  	v10 =	vsel vm1, v9, v15;
	v9 =	vsel vm1, v15, v9;
	v18 =	vsel vm2, v7, v11  }
0x3e7: {  	v11 =	vsel vm2, v11, v7;
	vm0 =	vgt.f32 v8, v13;
	vm1 =	vgt.f32 v16, v9  }
0x3e8: {  	vm2 =	vgt.f32 v18, v17;
	v15 =	vsel vm0, v13, v8;
	v7 =	vsel vm1, v16, v9  }
0x3e9: {  	v62 =	vsel vm2, v18, v17;
	v17 =	vsel vm2, v17, v18;
	vm3 =	vgt.f32 v15, v23  }
0x3ea: {  	v16 =	vsel vm1, v9, v16;
	v61 =	vsel vm3, v15, v23;
	v15 =	vsel vm3, v23, v15  }
0x3eb: {  	v8 =	vsel vm0, v8, v13;
	vm1 =	vgt.f32 v10, v11;
	vm0 =	vgt.f32 v15, v19  }
0x3ec: {  	vm2 =	vgt.f32 v17, v8;
	v18 =	vsel vm1, v11, v10;
	v9 =	vsel vm0, v19, v15  }
0x3ed: {  	v10 =	vsel vm1, v10, v11;
	v15 =	vsel vm0, v15, v19;
	vm0 =	vgt.f32 v9, v12  }
0x3ee: {  	vm1 =	vgt.f32 v16, v10;
	v19 =	vsel vm2, v17, v8;
	v11 =	vsel vm0, v9, v12  }
0x3ef: {  	v63 =	vsel vm0, v12, v9;
	v12 =	vsel vm2, v8, v17;
	v9 =	vsel vm1, v10, v16  }
0x3f0: {  	vm2 =	vgt.f32 v18, v62;
	v8 =	vsel vm1, v16, v10;
	vm0 =	vgt.f32 v12, v61  }
0x3f1: {  	v10 =	vsel vm2, v18, v62;
	v16 =	vsel vm2, v62, v18;
	vm2 =	vgt.f32 v63, v14  }
0x3f2: {  	v13 =	vsel vm0, v12, v61;
	v17 =	vsel vm0, v61, v12;
	vm1 =	vgt.f32 v16, v19  }
0x3f3: {  	vm0 =	vgt.f32 v9, v10;
	v12 =	vsel vm1, v16, v19;
	v16 =	vsel vm1, v19, v16  }
0x3f4: {  	s18 =	simm.s32 $0x4;
	v14 =	vsel vm2, v63, v14;
	vm3 =	vgt.f32 v17, v15;
	vm1 =	vgt.f32 v16, v13  }
.LBB2_27:
0x3f5: {  	s19 =	sadd.s32 $0x1, s18  }
0x3f6: {  	s20 =	sadd.s32 $0x3, s18;
	v18 =	vsel vm3, v15, v17;
	v19 =	vsel vm1, v16, v13;
	v20 =	vsel vm0, v10, v9;
	s21 =	smov.u32 s18;
	s17 =	sadd.s32 $0x4, s18  }
0x3f7: {  	p2 =	slt.u32 s18, $0xC;
	v21 =	vadd.s32 s21, v6;
	v22 =	vadd.s32 s19, v6;
	vm2 =	vgt.f32 v20, v12  }
0x3f8: {  	v21 =	vshll.u32 v21, $0x4;
	v22 =	vshll.u32 v22, $0x4;
	v23 =	vsel vm2, v12, v20  }
0x3f9: {  	v15 =	vsel vm3, v17, v15;
	s18 =	sadd.s32 $0x2, s21;
	v21 =	vor.u32 v0, v21;
	v22 =	vor.u32 v0, v22  }
0x3fa: {  	vm3 =	vgt.f32 v18, v11;
	v17 =	vadd.s32 s18, v6;
	vm4 =	vgt.f32 v23, v19  }
0x3fb: {  	v24 =	vsel vm3, v11, v18;
	v17 =	vshll.u32 v17, $0x4;
	v25 =	vsel vm4, v23, v19  }
0x3fc: {  	v12 =	vsel vm2, v20, v12;
	vm5 =	vgt.f32 v24, v14;
	v17 =	vor.u32 v0, v17  }
0x3fd: {  	v13 =	vsel vm1, v13, v16;
	v20 =	vadd.s32 s20, v6;
	v11 =	vsel vm3, v18, v11  }
0x3fe: {  	vm1 =	vgt.f32 v13, v15;
	v18 =	vshll.u32 v20, $0x4;
	v19 =	vsel vm4, v19, v23;
	v16 =	vld.idx.msk [tilespmem:v21+s11+$0x0], $0xffff  }
0x3ff: {  	v20 =	vsel vm1, v13, v15;
	v13 =	vsel vm1, v15, v13;
	v18 =	vor.u32 v0, v18  }
0x400: {  	v14 =	vsel vm5, v24, v14;
	vm1 =	vgt.f32 v13, v11;
	vm2 =	vgt.f32 v19, v20;
	v15 =	vld.idx.msk [tilespmem:v22+s11+$0x0], $0xffff  }
0x401: {  	v21 =	vsel vm1, v13, v11;
	v11 =	vsel vm1, v11, v13;
	v13 =	vsel vm2, v20, v19  }
0x402: {  	v19 =	vsel vm2, v19, v20;
	vm1 =	vgt.f32 v11, v14;
	vm2 =	vgt.f32 v13, v21;
	v17 =	vld.idx.msk [tilespmem:v17+s11+$0x0], $0xffff  }
0x403: {  	v11 =	vsel vm1, v11, v14;
	v14 =	vsel vm2, v13, v21;
	v13 =	vsel vm2, v21, v13  }
0x404: {  	v9 =	vsel vm0, v9, v10;
	vm0 =	vgt.f32 v13, v11;
	vm1 =	vgt.f32 v16, v7  }
0x405: {  	v10 =	vsel vm1, v16, v7;
	v7 =	vsel vm1, v7, v16;
	v16 =	vld.idx.msk [tilespmem:v18+s11+$0x0], $0xffff;
	v18 =	vsel vm0, v13, v11  }
0x406: {  	vm0 =	vgt.f32 v7, v8;
	vm1 =	vgt.f32 v15, v10  }
0x407: {  	v11 =	vsel vm0, v7, v8;
	v7 =	vsel vm0, v8, v7;
	v8 =	vsel vm1, v15, v10  }
0x408: {  	v10 =	vsel vm1, v10, v15;
	vm0 =	vgt.f32 v7, v9;
	vm1 =	vgt.f32 v17, v8  }
0x409: {  	v13 =	vsel vm0, v7, v9;
	v9 =	vsel vm0, v9, v7;
	v20 =	vsel vm1, v8, v17  }
0x40a: {  	vm2 =	vgt.f32 v10, v11;
	v8 =	vsel vm1, v17, v8;
	vm0 =	vgt.f32 v9, v12  }
0x40b: {  	v17 =	vsel vm2, v11, v10;
	v15 =	vsel vm0, v12, v9;
	vm1 =	vgt.f32 v16, v8  }
0x40c: {  	v10 =	vsel vm2, v10, v11;
	vm3 =	vgt.f32 v15, v25;
	v7 =	vsel vm1, v16, v8  }
0x40d: {  	vm2 =	vgt.f32 v17, v13;
	v21 =	vsel vm3, v15, v25;
	v11 =	vsel vm3, v25, v15  }
0x40e: {  	v22 =	vsel vm2, v17, v13;
	v13 =	vsel vm2, v13, v17;
	v8 =	vsel vm1, v8, v16  }
0x40f: {  	v9 =	vsel vm0, v9, v12;
	vm1 =	vgt.f32 v20, v10;
	vm0 =	vgt.f32 v11, v19  }
0x410: {  	vm2 =	vgt.f32 v13, v9;
	v16 =	vsel vm1, v10, v20;
	v12 =	vsel vm0, v19, v11  }
0x411: {  	v10 =	vsel vm1, v20, v10;
	v15 =	vsel vm0, v11, v19;
	vm0 =	vgt.f32 v12, v14  }
0x412: {  	vm1 =	vgt.f32 v8, v10;
	v19 =	vsel vm2, v13, v9;
	v11 =	vsel vm0, v12, v14  }
0x413: {  	v14 =	vsel vm0, v14, v12;
	v12 =	vsel vm2, v9, v13;
	v9 =	vsel vm1, v10, v8  }
.Ltmp14:
0x414: {  	vm2 =	vgt.f32 v16, v22;
	v8 =	vsel vm1, v8, v10;
	vm0 =	vgt.f32 v12, v21;
	(pc) =	sbr.rel @p2 .LBB2_27-.Ltmp14, $4  }
0x415: {  	v10 =	vsel vm2, v16, v22;
	v16 =	vsel vm2, v22, v16;
	v13 =	vsel vm0, v12, v21  }
0x416: {  	v17 =	vsel vm0, v21, v12;
	vm1 =	vgt.f32 v16, v19;
	vm0 =	vgt.f32 v9, v10  }
0x417: {  	vm2 =	vgt.f32 v14, v18;
	v12 =	vsel vm1, v16, v19;
	v16 =	vsel vm1, v19, v16  }
0x418: {  	s18 =	smov.u32 s17;
	v14 =	vsel vm2, v14, v18;
	vm3 =	vgt.f32 v17, v15;
	vm1 =	vgt.f32 v16, v13  }
0x419: {  	v6 =	vsel vm0, v10, v9  }
0x41a: {  	v18 =	vsel vm3, v15, v17;
	v5 =	vshll.u32 v5, $0x4;
	v19 =	vsel vm1, v16, v13  }
0x41b: {  	s17 =	simm.s32 $0x0;
	v15 =	vsel vm3, v17, v15;
	v13 =	vsel vm1, v13, v16;
	v5 =	vand.u32 $0x7F0, v5  }
0x41c: {  	v9 =	vsel vm0, v9, v10;
	vm3 =	vgt.f32 v18, v11;
	v17 =	vadd.s32 s17, v5  }
0x41d: {  	s29 =	simm.s32 $0x1;
	vm2 =	vgt.f32 v6, v12;
	v21 =	vsel vm3, v11, v18;
	v17 =	vshll.u32 v17, $0x4  }
0x41e: {  	v11 =	vsel vm3, v18, v11;
	v18 =	vadd.s32 s29, v5;
	v17 =	vor.u32 v0, v17  }
0x41f: {  	s30 =	simm.s32 $0x2;
	vm1 =	vgt.f32 v13, v15;
	v20 =	vsel vm2, v12, v6;
	v18 =	vshll.u32 v18, $0x4  }
0x420: {  	v60 =	vsel vm1, v13, v15;
	v16 =	vor.u32 v0, v18;
	v18 =	vadd.s32 s30, v5  }
0x421: {  	v13 =	vsel vm1, v15, v13;
	vm4 =	vgt.f32 v20, v19;
	v18 =	vshll.u32 v18, $0x4  }
0x422: {  	s31 =	simm.s32 $0x3;
	vm3 =	vgt.f32 v21, v14;
	vm1 =	vgt.f32 v13, v11;
	v15 =	vor.u32 v0, v18  }
0x423: {  	v22 =	vsel vm4, v20, v19;
	v19 =	vsel vm4, v19, v20;
	v18 =	vadd.s32 s31, v5;
	v17 =	vld.idx.msk [tilespmem:v17+s11+$0x0], $0xffff  }
0x424: {  	v14 =	vsel vm3, v21, v14;
	v61 =	vsel vm1, v13, v11;
	v18 =	vshll.u32 v18, $0x4  }
0x425: {  	v11 =	vsel vm1, v11, v13;
	vm3 =	vgt.f32 v19, v60;
	v18 =	vor.u32 v0, v18;
	v16 =	vld.idx.msk [tilespmem:v16+s11+$0x0], $0xffff  }
0x426: {  	v12 =	vsel vm2, v6, v12;
	vm1 =	vgt.f32 v11, v14;
	v13 =	vsel vm3, v60, v19  }
0x427: {  	v19 =	vsel vm3, v19, v60;
	v6 =	vsel vm1, v11, v14;
	vm2 =	vgt.f32 v13, v61;
	v14 =	vld.idx.msk [tilespmem:v15+s11+$0x0], $0xffff  }
0x428: {  	v11 =	vsel vm2, v13, v61;
	v13 =	vsel vm2, v61, v13;
	vm0 =	vgt.f32 v17, v7  }
0x429: {  	vm1 =	vgt.f32 v13, v6;
	v10 =	vsel vm0, v17, v7;
	v7 =	vsel vm0, v7, v17  }
0x42a: {  	v13 =	vsel vm1, v13, v6;
	v15 =	vld.idx.msk [tilespmem:v18+s11+$0x0], $0xffff;
	vm0 =	vgt.f32 v7, v8;
	vm1 =	vgt.f32 v16, v10  }
0x42b: {  	v6 =	vsel vm0, v7, v8;
	v7 =	vsel vm0, v8, v7;
	v8 =	vsel vm1, v16, v10  }
0x42c: {  	v10 =	vsel vm1, v10, v16;
	vm0 =	vgt.f32 v7, v9;
	vm1 =	vgt.f32 v14, v8  }
0x42d: {  	vm2 =	vgt.f32 v10, v6;
	v16 =	vsel vm0, v7, v9;
	v7 =	vsel vm0, v9, v7  }
0x42e: {  	v9 =	vsel vm1, v8, v14;
	v8 =	vsel vm1, v14, v8;
	v17 =	vsel vm2, v6, v10  }
0x42f: {  	v10 =	vsel vm2, v10, v6;
	vm0 =	vgt.f32 v7, v12;
	vm1 =	vgt.f32 v15, v8  }
0x430: {  	vm2 =	vgt.f32 v17, v16;
	v14 =	vsel vm0, v12, v7;
	v6 =	vsel vm1, v15, v8  }
0x431: {  	v62 =	vsel vm2, v17, v16;
	v16 =	vsel vm2, v16, v17;
	vm3 =	vgt.f32 v14, v22  }
0x432: {  	v15 =	vsel vm1, v8, v15;
	v18 =	vsel vm3, v14, v22;
	v14 =	vsel vm3, v22, v14  }
0x433: {  	v7 =	vsel vm0, v7, v12;
	vm1 =	vgt.f32 v9, v10;
	vm0 =	vgt.f32 v14, v19  }
0x434: {  	vm2 =	vgt.f32 v16, v7;
	v17 =	vsel vm1, v10, v9;
	v8 =	vsel vm0, v19, v14  }
0x435: {  	v9 =	vsel vm1, v9, v10;
	v14 =	vsel vm0, v14, v19;
	vm0 =	vgt.f32 v8, v11  }
0x436: {  	vm1 =	vgt.f32 v15, v9;
	v19 =	vsel vm2, v16, v7;
	v10 =	vsel vm0, v8, v11  }
0x437: {  	v63 =	vsel vm0, v11, v8;
	v11 =	vsel vm2, v7, v16;
	v8 =	vsel vm1, v9, v15  }
0x438: {  	vm2 =	vgt.f32 v17, v62;
	v7 =	vsel vm1, v15, v9;
	vm0 =	vgt.f32 v11, v18  }
0x439: {  	v9 =	vsel vm2, v17, v62;
	v15 =	vsel vm2, v62, v17;
	vm2 =	vgt.f32 v63, v13  }
0x43a: {  	v12 =	vsel vm0, v11, v18;
	v16 =	vsel vm0, v18, v11;
	vm1 =	vgt.f32 v15, v19  }
0x43b: {  	vm0 =	vgt.f32 v8, v9;
	v11 =	vsel vm1, v15, v19;
	v15 =	vsel vm1, v19, v15  }
0x43c: {  	s18 =	simm.s32 $0x4;
	v13 =	vsel vm2, v63, v13;
	vm3 =	vgt.f32 v16, v14;
	vm1 =	vgt.f32 v15, v12  }
.LBB2_29:
0x43d: {  	s19 =	sadd.s32 $0x1, s18  }
0x43e: {  	s20 =	sadd.s32 $0x3, s18;
	v17 =	vsel vm3, v14, v16;
	v18 =	vsel vm1, v15, v12;
	v19 =	vsel vm0, v9, v8;
	s21 =	smov.u32 s18;
	s17 =	sadd.s32 $0x4, s18  }
0x43f: {  	p2 =	slt.u32 s18, $0xC;
	v20 =	vadd.s32 s21, v5;
	v21 =	vadd.s32 s19, v5;
	vm2 =	vgt.f32 v19, v11  }
0x440: {  	v20 =	vshll.u32 v20, $0x4;
	v21 =	vshll.u32 v21, $0x4;
	v22 =	vsel vm2, v11, v19  }
0x441: {  	v14 =	vsel vm3, v16, v14;
	s18 =	sadd.s32 $0x2, s21;
	v20 =	vor.u32 v0, v20;
	v21 =	vor.u32 v0, v21  }
0x442: {  	vm3 =	vgt.f32 v17, v10;
	v16 =	vadd.s32 s18, v5;
	vm4 =	vgt.f32 v22, v18  }
0x443: {  	v23 =	vsel vm3, v10, v17;
	v16 =	vshll.u32 v16, $0x4;
	v24 =	vsel vm4, v22, v18  }
0x444: {  	v11 =	vsel vm2, v19, v11;
	vm5 =	vgt.f32 v23, v13;
	v16 =	vor.u32 v0, v16  }
0x445: {  	v12 =	vsel vm1, v12, v15;
	v19 =	vadd.s32 s20, v5;
	v10 =	vsel vm3, v17, v10  }
0x446: {  	vm1 =	vgt.f32 v12, v14;
	v17 =	vshll.u32 v19, $0x4;
	v18 =	vsel vm4, v18, v22;
	v15 =	vld.idx.msk [tilespmem:v20+s11+$0x0], $0xffff  }
0x447: {  	v19 =	vsel vm1, v12, v14;
	v12 =	vsel vm1, v14, v12;
	v17 =	vor.u32 v0, v17  }
0x448: {  	v13 =	vsel vm5, v23, v13;
	vm1 =	vgt.f32 v12, v10;
	vm2 =	vgt.f32 v18, v19;
	v14 =	vld.idx.msk [tilespmem:v21+s11+$0x0], $0xffff  }
0x449: {  	v20 =	vsel vm1, v12, v10;
	v10 =	vsel vm1, v10, v12;
	v12 =	vsel vm2, v19, v18  }
0x44a: {  	v18 =	vsel vm2, v18, v19;
	vm1 =	vgt.f32 v10, v13;
	vm2 =	vgt.f32 v12, v20;
	v16 =	vld.idx.msk [tilespmem:v16+s11+$0x0], $0xffff  }
0x44b: {  	v10 =	vsel vm1, v10, v13;
	v13 =	vsel vm2, v12, v20;
	v12 =	vsel vm2, v20, v12  }
0x44c: {  	v8 =	vsel vm0, v8, v9;
	vm0 =	vgt.f32 v12, v10;
	vm1 =	vgt.f32 v15, v6  }
0x44d: {  	v9 =	vsel vm1, v15, v6;
	v6 =	vsel vm1, v6, v15;
	v15 =	vld.idx.msk [tilespmem:v17+s11+$0x0], $0xffff;
	v17 =	vsel vm0, v12, v10  }
0x44e: {  	vm0 =	vgt.f32 v6, v7;
	vm1 =	vgt.f32 v14, v9  }
0x44f: {  	v10 =	vsel vm0, v6, v7;
	v6 =	vsel vm0, v7, v6;
	v7 =	vsel vm1, v14, v9  }
0x450: {  	v9 =	vsel vm1, v9, v14;
	vm0 =	vgt.f32 v6, v8;
	vm1 =	vgt.f32 v16, v7  }
0x451: {  	v12 =	vsel vm0, v6, v8;
	v8 =	vsel vm0, v8, v6;
	v19 =	vsel vm1, v7, v16  }
0x452: {  	vm2 =	vgt.f32 v9, v10;
	v7 =	vsel vm1, v16, v7;
	vm0 =	vgt.f32 v8, v11  }
0x453: {  	v16 =	vsel vm2, v10, v9;
	v14 =	vsel vm0, v11, v8;
	vm1 =	vgt.f32 v15, v7  }
0x454: {  	v9 =	vsel vm2, v9, v10;
	vm3 =	vgt.f32 v14, v24;
	v6 =	vsel vm1, v15, v7  }
0x455: {  	vm2 =	vgt.f32 v16, v12;
	v20 =	vsel vm3, v14, v24;
	v10 =	vsel vm3, v24, v14  }
0x456: {  	v21 =	vsel vm2, v16, v12;
	v12 =	vsel vm2, v12, v16;
	v7 =	vsel vm1, v7, v15  }
0x457: {  	v8 =	vsel vm0, v8, v11;
	vm1 =	vgt.f32 v19, v9;
	vm0 =	vgt.f32 v10, v18  }
0x458: {  	vm2 =	vgt.f32 v12, v8;
	v15 =	vsel vm1, v9, v19;
	v11 =	vsel vm0, v18, v10  }
0x459: {  	v9 =	vsel vm1, v19, v9;
	v14 =	vsel vm0, v10, v18;
	vm0 =	vgt.f32 v11, v13  }
0x45a: {  	vm1 =	vgt.f32 v7, v9;
	v18 =	vsel vm2, v12, v8;
	v10 =	vsel vm0, v11, v13  }
0x45b: {  	v13 =	vsel vm0, v13, v11;
	v11 =	vsel vm2, v8, v12;
	v8 =	vsel vm1, v9, v7  }
.Ltmp15:
0x45c: {  	vm2 =	vgt.f32 v15, v21;
	v7 =	vsel vm1, v7, v9;
	vm0 =	vgt.f32 v11, v20;
	(pc) =	sbr.rel @p2 .LBB2_29-.Ltmp15, $4  }
0x45d: {  	v9 =	vsel vm2, v15, v21;
	v15 =	vsel vm2, v21, v15;
	v12 =	vsel vm0, v11, v20  }
0x45e: {  	v16 =	vsel vm0, v20, v11;
	vm1 =	vgt.f32 v15, v18;
	vm0 =	vgt.f32 v8, v9  }
0x45f: {  	vm2 =	vgt.f32 v13, v17;
	v11 =	vsel vm1, v15, v18;
	v15 =	vsel vm1, v18, v15  }
0x460: {  	s18 =	smov.u32 s17;
	v13 =	vsel vm2, v13, v17;
	vm3 =	vgt.f32 v16, v14;
	vm1 =	vgt.f32 v15, v12  }
0x461: {  	v5 =	vsel vm0, v9, v8  }
0x462: {  	v17 =	vsel vm3, v14, v16;
	v4 =	vshll.u32 v4, $0x4;
	v18 =	vsel vm1, v15, v12  }
0x463: {  	s17 =	simm.s32 $0x0;
	v14 =	vsel vm3, v16, v14;
	v12 =	vsel vm1, v12, v15;
	v4 =	vand.u32 $0x7F0, v4  }
0x464: {  	v8 =	vsel vm0, v8, v9;
	vm3 =	vgt.f32 v17, v10;
	v16 =	vadd.s32 s17, v4  }
0x465: {  	s29 =	simm.s32 $0x1;
	vm2 =	vgt.f32 v5, v11;
	v20 =	vsel vm3, v10, v17;
	v16 =	vshll.u32 v16, $0x4  }
0x466: {  	v10 =	vsel vm3, v17, v10;
	v17 =	vadd.s32 s29, v4;
	v16 =	vor.u32 v0, v16  }
0x467: {  	s30 =	simm.s32 $0x2;
	vm1 =	vgt.f32 v12, v14;
	v19 =	vsel vm2, v11, v5;
	v17 =	vshll.u32 v17, $0x4  }
0x468: {  	v59 =	vsel vm1, v12, v14;
	v15 =	vor.u32 v0, v17;
	v17 =	vadd.s32 s30, v4  }
0x469: {  	v12 =	vsel vm1, v14, v12;
	vm4 =	vgt.f32 v19, v18;
	v17 =	vshll.u32 v17, $0x4  }
0x46a: {  	s31 =	simm.s32 $0x3;
	vm3 =	vgt.f32 v20, v13;
	vm1 =	vgt.f32 v12, v10;
	v14 =	vor.u32 v0, v17  }
0x46b: {  	v21 =	vsel vm4, v19, v18;
	v18 =	vsel vm4, v18, v19;
	v17 =	vadd.s32 s31, v4;
	v16 =	vld.idx.msk [tilespmem:v16+s11+$0x0], $0xffff  }
0x46c: {  	v13 =	vsel vm3, v20, v13;
	v60 =	vsel vm1, v12, v10;
	v17 =	vshll.u32 v17, $0x4  }
0x46d: {  	v10 =	vsel vm1, v10, v12;
	vm3 =	vgt.f32 v18, v59;
	v17 =	vor.u32 v0, v17;
	v15 =	vld.idx.msk [tilespmem:v15+s11+$0x0], $0xffff  }
0x46e: {  	v11 =	vsel vm2, v5, v11;
	vm1 =	vgt.f32 v10, v13;
	v12 =	vsel vm3, v59, v18  }
0x46f: {  	v18 =	vsel vm3, v18, v59;
	v5 =	vsel vm1, v10, v13;
	vm2 =	vgt.f32 v12, v60;
	v13 =	vld.idx.msk [tilespmem:v14+s11+$0x0], $0xffff  }
0x470: {  	v10 =	vsel vm2, v12, v60;
	v12 =	vsel vm2, v60, v12;
	vm0 =	vgt.f32 v16, v6  }
0x471: {  	vm1 =	vgt.f32 v12, v5;
	v9 =	vsel vm0, v16, v6;
	v6 =	vsel vm0, v6, v16  }
0x472: {  	v12 =	vsel vm1, v12, v5;
	v14 =	vld.idx.msk [tilespmem:v17+s11+$0x0], $0xffff;
	vm0 =	vgt.f32 v6, v7;
	vm1 =	vgt.f32 v15, v9  }
0x473: {  	v5 =	vsel vm0, v6, v7;
	v6 =	vsel vm0, v7, v6;
	v7 =	vsel vm1, v15, v9  }
0x474: {  	v9 =	vsel vm1, v9, v15;
	vm0 =	vgt.f32 v6, v8;
	vm1 =	vgt.f32 v13, v7  }
0x475: {  	vm2 =	vgt.f32 v9, v5;
	v15 =	vsel vm0, v6, v8;
	v6 =	vsel vm0, v8, v6  }
0x476: {  	v8 =	vsel vm1, v7, v13;
	v7 =	vsel vm1, v13, v7;
	v16 =	vsel vm2, v5, v9  }
0x477: {  	v9 =	vsel vm2, v9, v5;
	vm0 =	vgt.f32 v6, v11;
	vm1 =	vgt.f32 v14, v7  }
0x478: {  	vm2 =	vgt.f32 v16, v15;
	v13 =	vsel vm0, v11, v6;
	v5 =	vsel vm1, v14, v7  }
0x479: {  	v61 =	vsel vm2, v16, v15;
	v15 =	vsel vm2, v15, v16;
	vm3 =	vgt.f32 v13, v21  }
0x47a: {  	v14 =	vsel vm1, v7, v14;
	v17 =	vsel vm3, v13, v21;
	v13 =	vsel vm3, v21, v13  }
0x47b: {  	v6 =	vsel vm0, v6, v11;
	vm1 =	vgt.f32 v8, v9;
	vm0 =	vgt.f32 v13, v18  }
0x47c: {  	vm2 =	vgt.f32 v15, v6;
	v16 =	vsel vm1, v9, v8;
	v7 =	vsel vm0, v18, v13  }
0x47d: {  	v8 =	vsel vm1, v8, v9;
	v13 =	vsel vm0, v13, v18;
	vm0 =	vgt.f32 v7, v10  }
0x47e: {  	v62 =	vsel vm2, v15, v6;
	vm1 =	vgt.f32 v14, v8;
	v9 =	vsel vm0, v7, v10  }
0x47f: {  	v63 =	vsel vm0, v10, v7;
	v10 =	vsel vm2, v6, v15;
	v7 =	vsel vm1, v8, v14  }
0x480: {  	vm2 =	vgt.f32 v16, v61;
	v6 =	vsel vm1, v14, v8;
	vm0 =	vgt.f32 v10, v17  }
0x481: {  	v8 =	vsel vm2, v16, v61;
	v14 =	vsel vm2, v61, v16;
	vm2 =	vgt.f32 v63, v12  }
0x482: {  	v11 =	vsel vm0, v10, v17;
	v15 =	vsel vm0, v17, v10;
	vm1 =	vgt.f32 v14, v62  }
0x483: {  	vm0 =	vgt.f32 v7, v8;
	v10 =	vsel vm1, v14, v62;
	v14 =	vsel vm1, v62, v14  }
0x484: {  	s18 =	simm.s32 $0x4;
	v12 =	vsel vm2, v63, v12;
	vm3 =	vgt.f32 v15, v13;
	vm1 =	vgt.f32 v14, v11  }
.LBB2_31:
0x485: {  	s19 =	sadd.s32 $0x1, s18  }
0x486: {  	s20 =	sadd.s32 $0x3, s18;
	v16 =	vsel vm3, v13, v15;
	v17 =	vsel vm1, v14, v11;
	v18 =	vsel vm0, v8, v7;
	s21 =	smov.u32 s18;
	s17 =	sadd.s32 $0x4, s18  }
0x487: {  	p2 =	slt.u32 s18, $0xC;
	v19 =	vadd.s32 s21, v4;
	v20 =	vadd.s32 s19, v4;
	vm2 =	vgt.f32 v18, v10  }
0x488: {  	v19 =	vshll.u32 v19, $0x4;
	v20 =	vshll.u32 v20, $0x4;
	v21 =	vsel vm2, v10, v18  }
0x489: {  	v13 =	vsel vm3, v15, v13;
	s18 =	sadd.s32 $0x2, s21;
	v19 =	vor.u32 v0, v19;
	v20 =	vor.u32 v0, v20  }
0x48a: {  	vm3 =	vgt.f32 v16, v9;
	v15 =	vadd.s32 s18, v4;
	vm4 =	vgt.f32 v21, v17  }
0x48b: {  	v22 =	vsel vm3, v9, v16;
	v15 =	vshll.u32 v15, $0x4;
	v23 =	vsel vm4, v21, v17  }
0x48c: {  	v10 =	vsel vm2, v18, v10;
	vm5 =	vgt.f32 v22, v12;
	v15 =	vor.u32 v0, v15  }
0x48d: {  	v11 =	vsel vm1, v11, v14;
	v18 =	vadd.s32 s20, v4;
	v9 =	vsel vm3, v16, v9  }
0x48e: {  	vm1 =	vgt.f32 v11, v13;
	v16 =	vshll.u32 v18, $0x4;
	v17 =	vsel vm4, v17, v21;
	v14 =	vld.idx.msk [tilespmem:v19+s11+$0x0], $0xffff  }
0x48f: {  	v18 =	vsel vm1, v11, v13;
	v11 =	vsel vm1, v13, v11;
	v16 =	vor.u32 v0, v16  }
0x490: {  	v12 =	vsel vm5, v22, v12;
	vm1 =	vgt.f32 v11, v9;
	vm2 =	vgt.f32 v17, v18;
	v13 =	vld.idx.msk [tilespmem:v20+s11+$0x0], $0xffff  }
0x491: {  	v19 =	vsel vm1, v11, v9;
	v9 =	vsel vm1, v9, v11;
	v11 =	vsel vm2, v18, v17  }
0x492: {  	v17 =	vsel vm2, v17, v18;
	vm1 =	vgt.f32 v9, v12;
	vm2 =	vgt.f32 v11, v19;
	v15 =	vld.idx.msk [tilespmem:v15+s11+$0x0], $0xffff  }
0x493: {  	v9 =	vsel vm1, v9, v12;
	v12 =	vsel vm2, v11, v19;
	v11 =	vsel vm2, v19, v11  }
0x494: {  	v7 =	vsel vm0, v7, v8;
	vm0 =	vgt.f32 v11, v9;
	vm1 =	vgt.f32 v14, v5  }
0x495: {  	v8 =	vsel vm1, v14, v5;
	v5 =	vsel vm1, v5, v14;
	v14 =	vld.idx.msk [tilespmem:v16+s11+$0x0], $0xffff;
	v16 =	vsel vm0, v11, v9  }
0x496: {  	vm0 =	vgt.f32 v5, v6;
	vm1 =	vgt.f32 v13, v8  }
0x497: {  	v9 =	vsel vm0, v5, v6;
	v5 =	vsel vm0, v6, v5;
	v6 =	vsel vm1, v13, v8  }
0x498: {  	v8 =	vsel vm1, v8, v13;
	vm0 =	vgt.f32 v5, v7;
	vm1 =	vgt.f32 v15, v6  }
0x499: {  	v11 =	vsel vm0, v5, v7;
	v7 =	vsel vm0, v7, v5;
	v18 =	vsel vm1, v6, v15  }
0x49a: {  	vm2 =	vgt.f32 v8, v9;
	v6 =	vsel vm1, v15, v6;
	vm0 =	vgt.f32 v7, v10  }
0x49b: {  	v15 =	vsel vm2, v9, v8;
	v13 =	vsel vm0, v10, v7;
	vm1 =	vgt.f32 v14, v6  }
0x49c: {  	v8 =	vsel vm2, v8, v9;
	vm3 =	vgt.f32 v13, v23;
	v5 =	vsel vm1, v14, v6  }
0x49d: {  	vm2 =	vgt.f32 v15, v11;
	v19 =	vsel vm3, v13, v23;
	v9 =	vsel vm3, v23, v13  }
0x49e: {  	v20 =	vsel vm2, v15, v11;
	v11 =	vsel vm2, v11, v15;
	v6 =	vsel vm1, v6, v14  }
0x49f: {  	v7 =	vsel vm0, v7, v10;
	vm1 =	vgt.f32 v18, v8;
	vm0 =	vgt.f32 v9, v17  }
0x4a0: {  	vm2 =	vgt.f32 v11, v7;
	v14 =	vsel vm1, v8, v18;
	v10 =	vsel vm0, v17, v9  }
0x4a1: {  	v8 =	vsel vm1, v18, v8;
	v13 =	vsel vm0, v9, v17;
	vm0 =	vgt.f32 v10, v12  }
0x4a2: {  	vm1 =	vgt.f32 v6, v8;
	v17 =	vsel vm2, v11, v7;
	v9 =	vsel vm0, v10, v12  }
0x4a3: {  	v12 =	vsel vm0, v12, v10;
	v10 =	vsel vm2, v7, v11;
	v7 =	vsel vm1, v8, v6  }
.Ltmp16:
0x4a4: {  	vm2 =	vgt.f32 v14, v20;
	v6 =	vsel vm1, v6, v8;
	vm0 =	vgt.f32 v10, v19;
	(pc) =	sbr.rel @p2 .LBB2_31-.Ltmp16, $4  }
0x4a5: {  	v8 =	vsel vm2, v14, v20;
	v14 =	vsel vm2, v20, v14;
	v11 =	vsel vm0, v10, v19  }
0x4a6: {  	v15 =	vsel vm0, v19, v10;
	vm1 =	vgt.f32 v14, v17;
	vm0 =	vgt.f32 v7, v8  }
0x4a7: {  	vm2 =	vgt.f32 v12, v16;
	v10 =	vsel vm1, v14, v17;
	v14 =	vsel vm1, v17, v14  }
0x4a8: {  	s18 =	smov.u32 s17;
	v12 =	vsel vm2, v12, v16;
	vm3 =	vgt.f32 v15, v13;
	vm1 =	vgt.f32 v14, v11  }
0x4a9: {  	v4 =	vsel vm0, v8, v7  }
0x4aa: {  	v16 =	vsel vm3, v13, v15;
	v3 =	vshll.u32 v3, $0x4;
	v17 =	vsel vm1, v14, v11  }
0x4ab: {  	s17 =	simm.s32 $0x0;
	v13 =	vsel vm3, v15, v13;
	v11 =	vsel vm1, v11, v14;
	v3 =	vand.u32 $0x7F0, v3  }
0x4ac: {  	v7 =	vsel vm0, v7, v8;
	vm2 =	vgt.f32 v4, v10;
	v15 =	vadd.s32 s17, v3  }
0x4ad: {  	s29 =	simm.s32 $0x1;
	vm3 =	vgt.f32 v16, v9;
	vm1 =	vgt.f32 v11, v13;
	v15 =	vshll.u32 v15, $0x4  }
0x4ae: {  	v18 =	vsel vm2, v10, v4;
	v55 =	vadd.s32 s29, v3;
	v15 =	vor.u32 v0, v15  }
0x4af: {  	s30 =	simm.s32 $0x2;
	v19 =	vsel vm3, v9, v16;
	v9 =	vsel vm3, v16, v9;
	v16 =	vshll.u32 v55, $0x4  }
0x4b0: {  	s31 =	simm.s32 $0x3;
	v56 =	vadd.s32 s30, v3;
	v57 =	vsel vm1, v11, v13;
	v14 =	vor.u32 v0, v16  }
0x4b1: {  	v11 =	vsel vm1, v13, v11;
	v58 =	vadd.s32 s31, v3;
	v16 =	vshll.u32 v56, $0x4  }
0x4b2: {  	vm4 =	vgt.f32 v18, v17;
	vm3 =	vgt.f32 v19, v12;
	v13 =	vor.u32 v0, v16  }
0x4b3: {  	vm1 =	vgt.f32 v11, v9;
	v20 =	vsel vm4, v18, v17;
	v17 =	vsel vm4, v17, v18;
	v15 =	vld.idx.msk [tilespmem:v15+s11+$0x0], $0xffff  }
0x4b4: {  	v12 =	vsel vm3, v19, v12;
	v59 =	vsel vm1, v11, v9;
	v16 =	vshll.u32 v58, $0x4  }
0x4b5: {  	v9 =	vsel vm1, v9, v11;
	vm3 =	vgt.f32 v17, v57;
	v16 =	vor.u32 v0, v16;
	v14 =	vld.idx.msk [tilespmem:v14+s11+$0x0], $0xffff  }
0x4b6: {  	v10 =	vsel vm2, v4, v10;
	vm1 =	vgt.f32 v9, v12;
	v11 =	vsel vm3, v57, v17  }
0x4b7: {  	v17 =	vsel vm3, v17, v57;
	v4 =	vsel vm1, v9, v12;
	vm2 =	vgt.f32 v11, v59;
	v12 =	vld.idx.msk [tilespmem:v13+s11+$0x0], $0xffff  }
0x4b8: {  	v9 =	vsel vm2, v11, v59;
	v11 =	vsel vm2, v59, v11;
	vm0 =	vgt.f32 v15, v5  }
0x4b9: {  	vm1 =	vgt.f32 v11, v4;
	v8 =	vsel vm0, v15, v5;
	v5 =	vsel vm0, v5, v15  }
0x4ba: {  	v11 =	vsel vm1, v11, v4;
	v13 =	vld.idx.msk [tilespmem:v16+s11+$0x0], $0xffff;
	vm0 =	vgt.f32 v5, v6;
	vm1 =	vgt.f32 v14, v8  }
0x4bb: {  	v4 =	vsel vm0, v5, v6;
	v5 =	vsel vm0, v6, v5;
	v6 =	vsel vm1, v14, v8  }
0x4bc: {  	v8 =	vsel vm1, v8, v14;
	vm0 =	vgt.f32 v5, v7;
	vm1 =	vgt.f32 v12, v6  }
0x4bd: {  	vm2 =	vgt.f32 v8, v4;
	v14 =	vsel vm0, v5, v7;
	v5 =	vsel vm0, v7, v5  }
0x4be: {  	v7 =	vsel vm1, v6, v12;
	v6 =	vsel vm1, v12, v6;
	v15 =	vsel vm2, v4, v8  }
0x4bf: {  	v8 =	vsel vm2, v8, v4;
	vm0 =	vgt.f32 v5, v10;
	vm1 =	vgt.f32 v13, v6  }
0x4c0: {  	vm2 =	vgt.f32 v15, v14;
	v12 =	vsel vm0, v10, v5;
	v4 =	vsel vm1, v13, v6  }
0x4c1: {  	v61 =	vsel vm2, v15, v14;
	v14 =	vsel vm2, v14, v15;
	vm3 =	vgt.f32 v12, v20  }
0x4c2: {  	v13 =	vsel vm1, v6, v13;
	v60 =	vsel vm3, v12, v20;
	v12 =	vsel vm3, v20, v12  }
0x4c3: {  	v5 =	vsel vm0, v5, v10;
	vm1 =	vgt.f32 v7, v8;
	vm0 =	vgt.f32 v12, v17  }
0x4c4: {  	vm2 =	vgt.f32 v14, v5;
	v15 =	vsel vm1, v8, v7;
	v6 =	vsel vm0, v17, v12  }
0x4c5: {  	v7 =	vsel vm1, v7, v8;
	v12 =	vsel vm0, v12, v17;
	vm0 =	vgt.f32 v6, v9  }
0x4c6: {  	v62 =	vsel vm2, v14, v5;
	vm1 =	vgt.f32 v13, v7;
	v8 =	vsel vm0, v6, v9  }
0x4c7: {  	v63 =	vsel vm0, v9, v6;
	v9 =	vsel vm2, v5, v14;
	v6 =	vsel vm1, v7, v13  }
0x4c8: {  	vm2 =	vgt.f32 v15, v61;
	v5 =	vsel vm1, v13, v7;
	vm0 =	vgt.f32 v9, v60  }
0x4c9: {  	v7 =	vsel vm2, v15, v61;
	v13 =	vsel vm2, v61, v15;
	vm2 =	vgt.f32 v63, v11  }
0x4ca: {  	v10 =	vsel vm0, v9, v60;
	v14 =	vsel vm0, v60, v9;
	vm1 =	vgt.f32 v13, v62  }
0x4cb: {  	vm0 =	vgt.f32 v6, v7;
	v9 =	vsel vm1, v13, v62;
	v13 =	vsel vm1, v62, v13  }
0x4cc: {  	s18 =	simm.s32 $0x4;
	v11 =	vsel vm2, v63, v11;
	vm3 =	vgt.f32 v14, v12;
	vm1 =	vgt.f32 v13, v10  }
.LBB2_33:
0x4cd: {  	s19 =	sadd.s32 $0x1, s18  }
0x4ce: {  	s20 =	sadd.s32 $0x3, s18;
	v15 =	vsel vm3, v12, v14;
	v16 =	vsel vm1, v13, v10;
	v17 =	vsel vm0, v7, v6;
	s21 =	smov.u32 s18;
	s17 =	sadd.s32 $0x4, s18  }
0x4cf: {  	p2 =	slt.u32 s18, $0xC;
	v18 =	vadd.s32 s21, v3;
	v19 =	vadd.s32 s19, v3;
	vm2 =	vgt.f32 v17, v9  }
0x4d0: {  	v18 =	vshll.u32 v18, $0x4;
	v19 =	vshll.u32 v19, $0x4;
	v20 =	vsel vm2, v9, v17  }
0x4d1: {  	v12 =	vsel vm3, v14, v12;
	s18 =	sadd.s32 $0x2, s21;
	v18 =	vor.u32 v0, v18;
	v19 =	vor.u32 v0, v19  }
0x4d2: {  	vm3 =	vgt.f32 v15, v8;
	v14 =	vadd.s32 s18, v3;
	vm4 =	vgt.f32 v20, v16  }
0x4d3: {  	v21 =	vsel vm3, v8, v15;
	v14 =	vshll.u32 v14, $0x4;
	v22 =	vsel vm4, v20, v16  }
0x4d4: {  	v9 =	vsel vm2, v17, v9;
	vm5 =	vgt.f32 v21, v11;
	v14 =	vor.u32 v0, v14  }
0x4d5: {  	v10 =	vsel vm1, v10, v13;
	v17 =	vadd.s32 s20, v3;
	v8 =	vsel vm3, v15, v8  }
0x4d6: {  	vm1 =	vgt.f32 v10, v12;
	v15 =	vshll.u32 v17, $0x4;
	v16 =	vsel vm4, v16, v20;
	v13 =	vld.idx.msk [tilespmem:v18+s11+$0x0], $0xffff  }
0x4d7: {  	v17 =	vsel vm1, v10, v12;
	v10 =	vsel vm1, v12, v10;
	v15 =	vor.u32 v0, v15  }
0x4d8: {  	v11 =	vsel vm5, v21, v11;
	vm1 =	vgt.f32 v10, v8;
	vm2 =	vgt.f32 v16, v17;
	v12 =	vld.idx.msk [tilespmem:v19+s11+$0x0], $0xffff  }
0x4d9: {  	v18 =	vsel vm1, v10, v8;
	v8 =	vsel vm1, v8, v10;
	v10 =	vsel vm2, v17, v16  }
0x4da: {  	v16 =	vsel vm2, v16, v17;
	vm1 =	vgt.f32 v8, v11;
	vm2 =	vgt.f32 v10, v18;
	v14 =	vld.idx.msk [tilespmem:v14+s11+$0x0], $0xffff  }
0x4db: {  	v8 =	vsel vm1, v8, v11;
	v11 =	vsel vm2, v10, v18;
	v10 =	vsel vm2, v18, v10  }
0x4dc: {  	v6 =	vsel vm0, v6, v7;
	vm0 =	vgt.f32 v10, v8;
	vm1 =	vgt.f32 v13, v4  }
0x4dd: {  	v7 =	vsel vm1, v13, v4;
	v4 =	vsel vm1, v4, v13;
	v13 =	vld.idx.msk [tilespmem:v15+s11+$0x0], $0xffff;
	v15 =	vsel vm0, v10, v8  }
0x4de: {  	vm0 =	vgt.f32 v4, v5;
	vm1 =	vgt.f32 v12, v7  }
0x4df: {  	v8 =	vsel vm0, v4, v5;
	v4 =	vsel vm0, v5, v4;
	v5 =	vsel vm1, v12, v7  }
0x4e0: {  	v7 =	vsel vm1, v7, v12;
	vm0 =	vgt.f32 v4, v6;
	vm1 =	vgt.f32 v14, v5  }
0x4e1: {  	v10 =	vsel vm0, v4, v6;
	v6 =	vsel vm0, v6, v4;
	v17 =	vsel vm1, v5, v14  }
0x4e2: {  	vm2 =	vgt.f32 v7, v8;
	v5 =	vsel vm1, v14, v5;
	vm0 =	vgt.f32 v6, v9  }
0x4e3: {  	v14 =	vsel vm2, v8, v7;
	v12 =	vsel vm0, v9, v6;
	vm1 =	vgt.f32 v13, v5  }
0x4e4: {  	v7 =	vsel vm2, v7, v8;
	vm3 =	vgt.f32 v12, v22;
	v4 =	vsel vm1, v13, v5  }
0x4e5: {  	vm2 =	vgt.f32 v14, v10;
	v18 =	vsel vm3, v12, v22;
	v8 =	vsel vm3, v22, v12  }
0x4e6: {  	v19 =	vsel vm2, v14, v10;
	v10 =	vsel vm2, v10, v14;
	v5 =	vsel vm1, v5, v13  }
0x4e7: {  	v6 =	vsel vm0, v6, v9;
	vm1 =	vgt.f32 v17, v7;
	vm0 =	vgt.f32 v8, v16  }
0x4e8: {  	vm2 =	vgt.f32 v10, v6;
	v13 =	vsel vm1, v7, v17;
	v9 =	vsel vm0, v16, v8  }
0x4e9: {  	v7 =	vsel vm1, v17, v7;
	v12 =	vsel vm0, v8, v16;
	vm0 =	vgt.f32 v9, v11  }
0x4ea: {  	vm1 =	vgt.f32 v5, v7;
	v16 =	vsel vm2, v10, v6;
	v8 =	vsel vm0, v9, v11  }
0x4eb: {  	v11 =	vsel vm0, v11, v9;
	v9 =	vsel vm2, v6, v10;
	v6 =	vsel vm1, v7, v5  }
.Ltmp17:
0x4ec: {  	vm2 =	vgt.f32 v13, v19;
	v5 =	vsel vm1, v5, v7;
	vm0 =	vgt.f32 v9, v18;
	(pc) =	sbr.rel @p2 .LBB2_33-.Ltmp17, $4  }
0x4ed: {  	v7 =	vsel vm2, v13, v19;
	v13 =	vsel vm2, v19, v13;
	v10 =	vsel vm0, v9, v18  }
0x4ee: {  	v14 =	vsel vm0, v18, v9;
	vm1 =	vgt.f32 v13, v16;
	vm0 =	vgt.f32 v6, v7  }
0x4ef: {  	vm2 =	vgt.f32 v11, v15;
	v9 =	vsel vm1, v13, v16;
	v13 =	vsel vm1, v16, v13  }
0x4f0: {  	s18 =	smov.u32 s17;
	v11 =	vsel vm2, v11, v15;
	vm3 =	vgt.f32 v14, v12;
	vm1 =	vgt.f32 v13, v10  }
0x4f1: {  	v3 =	vsel vm0, v7, v6  }
0x4f2: {  	v15 =	vsel vm3, v12, v14;
	v2 =	vshll.u32 v2, $0x4;
	v16 =	vsel vm1, v13, v10  }
0x4f3: {  	s17 =	simm.s32 $0x0;
	v12 =	vsel vm3, v14, v12;
	v10 =	vsel vm1, v10, v13;
	v2 =	vand.u32 $0x7F0, v2  }
0x4f4: {  	v6 =	vsel vm0, v6, v7;
	vm3 =	vgt.f32 v15, v8;
	v14 =	vadd.s32 s17, v2  }
0x4f5: {  	s29 =	simm.s32 $0x1;
	vm2 =	vgt.f32 v3, v9;
	v18 =	vsel vm3, v8, v15;
	v14 =	vshll.u32 v14, $0x4  }
0x4f6: {  	v8 =	vsel vm3, v15, v8;
	v15 =	vadd.s32 s29, v2;
	v14 =	vor.u32 v0, v14  }
0x4f7: {  	s30 =	simm.s32 $0x2;
	vm1 =	vgt.f32 v10, v12;
	v17 =	vsel vm2, v9, v3;
	v15 =	vshll.u32 v15, $0x4  }
0x4f8: {  	v59 =	vsel vm1, v10, v12;
	v13 =	vor.u32 v0, v15;
	v15 =	vadd.s32 s30, v2  }
0x4f9: {  	v10 =	vsel vm1, v12, v10;
	vm4 =	vgt.f32 v17, v16;
	v15 =	vshll.u32 v15, $0x4  }
0x4fa: {  	s31 =	simm.s32 $0x3;
	vm3 =	vgt.f32 v18, v11;
	vm1 =	vgt.f32 v10, v8;
	v12 =	vor.u32 v0, v15  }
0x4fb: {  	v19 =	vsel vm4, v17, v16;
	v16 =	vsel vm4, v16, v17;
	v15 =	vadd.s32 s31, v2;
	v14 =	vld.idx.msk [tilespmem:v14+s11+$0x0], $0xffff  }
0x4fc: {  	v11 =	vsel vm3, v18, v11;
	v60 =	vsel vm1, v10, v8;
	v15 =	vshll.u32 v15, $0x4  }
0x4fd: {  	v8 =	vsel vm1, v8, v10;
	vm3 =	vgt.f32 v16, v59;
	v15 =	vor.u32 v0, v15;
	v13 =	vld.idx.msk [tilespmem:v13+s11+$0x0], $0xffff  }
0x4fe: {  	v9 =	vsel vm2, v3, v9;
	vm1 =	vgt.f32 v8, v11;
	v10 =	vsel vm3, v59, v16  }
0x4ff: {  	v16 =	vsel vm3, v16, v59;
	v3 =	vsel vm1, v8, v11;
	vm2 =	vgt.f32 v10, v60;
	v11 =	vld.idx.msk [tilespmem:v12+s11+$0x0], $0xffff  }
0x500: {  	v8 =	vsel vm2, v10, v60;
	v10 =	vsel vm2, v60, v10;
	vm0 =	vgt.f32 v14, v4  }
0x501: {  	vm1 =	vgt.f32 v10, v3;
	v7 =	vsel vm0, v14, v4;
	v4 =	vsel vm0, v4, v14  }
0x502: {  	v10 =	vsel vm1, v10, v3;
	v12 =	vld.idx.msk [tilespmem:v15+s11+$0x0], $0xffff;
	vm0 =	vgt.f32 v4, v5;
	vm1 =	vgt.f32 v13, v7  }
0x503: {  	v3 =	vsel vm0, v4, v5;
	v4 =	vsel vm0, v5, v4;
	v5 =	vsel vm1, v13, v7  }
0x504: {  	v7 =	vsel vm1, v7, v13;
	vm0 =	vgt.f32 v4, v6;
	vm1 =	vgt.f32 v11, v5  }
0x505: {  	vm2 =	vgt.f32 v7, v3;
	v13 =	vsel vm0, v4, v6;
	v4 =	vsel vm0, v6, v4  }
0x506: {  	v6 =	vsel vm1, v5, v11;
	v5 =	vsel vm1, v11, v5;
	v14 =	vsel vm2, v3, v7  }
0x507: {  	v7 =	vsel vm2, v7, v3;
	vm0 =	vgt.f32 v4, v9;
	vm1 =	vgt.f32 v12, v5  }
0x508: {  	vm2 =	vgt.f32 v14, v13;
	v11 =	vsel vm0, v9, v4;
	v3 =	vsel vm1, v12, v5  }
0x509: {  	v61 =	vsel vm2, v14, v13;
	v13 =	vsel vm2, v13, v14;
	vm3 =	vgt.f32 v11, v19  }
0x50a: {  	v12 =	vsel vm1, v5, v12;
	v15 =	vsel vm3, v11, v19;
	v11 =	vsel vm3, v19, v11  }
0x50b: {  	v4 =	vsel vm0, v4, v9;
	vm1 =	vgt.f32 v6, v7;
	vm0 =	vgt.f32 v11, v16  }
0x50c: {  	vm2 =	vgt.f32 v13, v4;
	v14 =	vsel vm1, v7, v6;
	v5 =	vsel vm0, v16, v11  }
0x50d: {  	v6 =	vsel vm1, v6, v7;
	v11 =	vsel vm0, v11, v16;
	vm0 =	vgt.f32 v5, v8  }
0x50e: {  	v62 =	vsel vm2, v13, v4;
	vm1 =	vgt.f32 v12, v6;
	v7 =	vsel vm0, v5, v8  }
0x50f: {  	v63 =	vsel vm0, v8, v5;
	v8 =	vsel vm2, v4, v13;
	v5 =	vsel vm1, v6, v12  }
0x510: {  	vm2 =	vgt.f32 v14, v61;
	v4 =	vsel vm1, v12, v6;
	vm0 =	vgt.f32 v8, v15  }
0x511: {  	v6 =	vsel vm2, v14, v61;
	v12 =	vsel vm2, v61, v14;
	vm2 =	vgt.f32 v63, v10  }
0x512: {  	v9 =	vsel vm0, v8, v15;
	v13 =	vsel vm0, v15, v8;
	vm1 =	vgt.f32 v12, v62  }
0x513: {  	vm0 =	vgt.f32 v5, v6;
	v8 =	vsel vm1, v12, v62;
	v12 =	vsel vm1, v62, v12  }
0x514: {  	s18 =	simm.s32 $0x4;
	v10 =	vsel vm2, v63, v10;
	vm3 =	vgt.f32 v13, v11;
	vm1 =	vgt.f32 v12, v9  }
.LBB2_35:
0x515: {  	s19 =	sadd.s32 $0x1, s18  }
0x516: {  	s20 =	sadd.s32 $0x3, s18;
	v14 =	vsel vm3, v11, v13;
	v15 =	vsel vm1, v12, v9;
	v16 =	vsel vm0, v6, v5;
	s21 =	smov.u32 s18;
	s17 =	sadd.s32 $0x4, s18  }
0x517: {  	p2 =	slt.u32 s18, $0xC;
	v17 =	vadd.s32 s21, v2;
	v18 =	vadd.s32 s19, v2;
	vm2 =	vgt.f32 v16, v8  }
0x518: {  	v17 =	vshll.u32 v17, $0x4;
	v18 =	vshll.u32 v18, $0x4;
	v19 =	vsel vm2, v8, v16  }
0x519: {  	v11 =	vsel vm3, v13, v11;
	s18 =	sadd.s32 $0x2, s21;
	v17 =	vor.u32 v0, v17;
	v18 =	vor.u32 v0, v18  }
0x51a: {  	vm3 =	vgt.f32 v14, v7;
	v13 =	vadd.s32 s18, v2;
	vm4 =	vgt.f32 v19, v15  }
0x51b: {  	v20 =	vsel vm3, v7, v14;
	v13 =	vshll.u32 v13, $0x4;
	v21 =	vsel vm4, v19, v15  }
0x51c: {  	v8 =	vsel vm2, v16, v8;
	vm5 =	vgt.f32 v20, v10;
	v13 =	vor.u32 v0, v13  }
0x51d: {  	v9 =	vsel vm1, v9, v12;
	v16 =	vadd.s32 s20, v2;
	v7 =	vsel vm3, v14, v7  }
0x51e: {  	vm1 =	vgt.f32 v9, v11;
	v14 =	vshll.u32 v16, $0x4;
	v15 =	vsel vm4, v15, v19;
	v12 =	vld.idx.msk [tilespmem:v17+s11+$0x0], $0xffff  }
0x51f: {  	v16 =	vsel vm1, v9, v11;
	v9 =	vsel vm1, v11, v9;
	v14 =	vor.u32 v0, v14  }
0x520: {  	v10 =	vsel vm5, v20, v10;
	vm1 =	vgt.f32 v9, v7;
	vm2 =	vgt.f32 v15, v16;
	v11 =	vld.idx.msk [tilespmem:v18+s11+$0x0], $0xffff  }
0x521: {  	v17 =	vsel vm1, v9, v7;
	v7 =	vsel vm1, v7, v9;
	v9 =	vsel vm2, v16, v15  }
0x522: {  	v15 =	vsel vm2, v15, v16;
	vm1 =	vgt.f32 v7, v10;
	vm2 =	vgt.f32 v9, v17;
	v13 =	vld.idx.msk [tilespmem:v13+s11+$0x0], $0xffff  }
0x523: {  	v7 =	vsel vm1, v7, v10;
	v10 =	vsel vm2, v9, v17;
	v9 =	vsel vm2, v17, v9  }
0x524: {  	v5 =	vsel vm0, v5, v6;
	vm0 =	vgt.f32 v9, v7;
	vm1 =	vgt.f32 v12, v3  }
0x525: {  	v6 =	vsel vm1, v12, v3;
	v3 =	vsel vm1, v3, v12;
	v12 =	vld.idx.msk [tilespmem:v14+s11+$0x0], $0xffff;
	v14 =	vsel vm0, v9, v7  }
0x526: {  	vm0 =	vgt.f32 v3, v4;
	vm1 =	vgt.f32 v11, v6  }
0x527: {  	v7 =	vsel vm0, v3, v4;
	v3 =	vsel vm0, v4, v3;
	v4 =	vsel vm1, v11, v6  }
0x528: {  	v6 =	vsel vm1, v6, v11;
	vm0 =	vgt.f32 v3, v5;
	vm1 =	vgt.f32 v13, v4  }
0x529: {  	v9 =	vsel vm0, v3, v5;
	v5 =	vsel vm0, v5, v3;
	v16 =	vsel vm1, v4, v13  }
0x52a: {  	vm2 =	vgt.f32 v6, v7;
	v4 =	vsel vm1, v13, v4;
	vm0 =	vgt.f32 v5, v8  }
0x52b: {  	v13 =	vsel vm2, v7, v6;
	v11 =	vsel vm0, v8, v5;
	vm1 =	vgt.f32 v12, v4  }
0x52c: {  	v6 =	vsel vm2, v6, v7;
	vm3 =	vgt.f32 v11, v21;
	v3 =	vsel vm1, v12, v4  }
0x52d: {  	vm2 =	vgt.f32 v13, v9;
	v17 =	vsel vm3, v11, v21;
	v7 =	vsel vm3, v21, v11  }
0x52e: {  	v18 =	vsel vm2, v13, v9;
	v9 =	vsel vm2, v9, v13;
	v4 =	vsel vm1, v4, v12  }
0x52f: {  	v5 =	vsel vm0, v5, v8;
	vm1 =	vgt.f32 v16, v6;
	vm0 =	vgt.f32 v7, v15  }
0x530: {  	vm2 =	vgt.f32 v9, v5;
	v12 =	vsel vm1, v6, v16;
	v8 =	vsel vm0, v15, v7  }
0x531: {  	v6 =	vsel vm1, v16, v6;
	v11 =	vsel vm0, v7, v15;
	vm0 =	vgt.f32 v8, v10  }
0x532: {  	vm1 =	vgt.f32 v4, v6;
	v15 =	vsel vm2, v9, v5;
	v7 =	vsel vm0, v8, v10  }
0x533: {  	v10 =	vsel vm0, v10, v8;
	v8 =	vsel vm2, v5, v9;
	v5 =	vsel vm1, v6, v4  }
.Ltmp18:
0x534: {  	vm2 =	vgt.f32 v12, v18;
	v4 =	vsel vm1, v4, v6;
	vm0 =	vgt.f32 v8, v17;
	(pc) =	sbr.rel @p2 .LBB2_35-.Ltmp18, $4  }
0x535: {  	v6 =	vsel vm2, v12, v18;
	v12 =	vsel vm2, v18, v12;
	v9 =	vsel vm0, v8, v17  }
0x536: {  	v13 =	vsel vm0, v17, v8;
	vm1 =	vgt.f32 v12, v15;
	vm0 =	vgt.f32 v5, v6  }
0x537: {  	vm2 =	vgt.f32 v10, v14;
	v8 =	vsel vm1, v12, v15;
	v12 =	vsel vm1, v15, v12  }
0x538: {  	s18 =	smov.u32 s17;
	v10 =	vsel vm2, v10, v14;
	vm3 =	vgt.f32 v13, v11;
	vm1 =	vgt.f32 v12, v9  }
0x539: {  	v2 =	vsel vm0, v6, v5  }
0x53a: {  	v14 =	vsel vm3, v11, v13;
	v1 =	vshll.u32 v1, $0x4;
	v15 =	vsel vm1, v12, v9  }
0x53b: {  	s17 =	simm.s32 $0x0;
	v11 =	vsel vm3, v13, v11;
	v9 =	vsel vm1, v9, v12;
	v1 =	vand.u32 $0x7F0, v1  }
0x53c: {  	v5 =	vsel vm0, v5, v6;
	vm3 =	vgt.f32 v14, v7;
	v13 =	vadd.s32 s17, v1  }
0x53d: {  	s29 =	simm.s32 $0x1;
	vm2 =	vgt.f32 v2, v8;
	v17 =	vsel vm3, v7, v14;
	v13 =	vshll.u32 v13, $0x4  }
0x53e: {  	v7 =	vsel vm3, v14, v7;
	v14 =	vadd.s32 s29, v1;
	v13 =	vor.u32 v0, v13  }
0x53f: {  	s30 =	simm.s32 $0x2;
	vm1 =	vgt.f32 v9, v11;
	v16 =	vsel vm2, v8, v2;
	v14 =	vshll.u32 v14, $0x4  }
0x540: {  	v61 =	vsel vm1, v9, v11;
	v12 =	vor.u32 v0, v14;
	v14 =	vadd.s32 s30, v1  }
0x541: {  	v9 =	vsel vm1, v11, v9;
	vm4 =	vgt.f32 v16, v15;
	v14 =	vshll.u32 v14, $0x4  }
0x542: {  	s31 =	simm.s32 $0x3;
	vm3 =	vgt.f32 v17, v10;
	vm1 =	vgt.f32 v9, v7;
	v11 =	vor.u32 v0, v14  }
0x543: {  	v18 =	vsel vm4, v16, v15;
	v15 =	vsel vm4, v15, v16;
	v14 =	vadd.s32 s31, v1;
	v13 =	vld.idx.msk [tilespmem:v13+s11+$0x0], $0xffff  }
0x544: {  	v10 =	vsel vm3, v17, v10;
	v62 =	vsel vm1, v9, v7;
	v14 =	vshll.u32 v14, $0x4  }
0x545: {  	v7 =	vsel vm1, v7, v9;
	vm3 =	vgt.f32 v15, v61;
	v14 =	vor.u32 v0, v14;
	v12 =	vld.idx.msk [tilespmem:v12+s11+$0x0], $0xffff  }
0x546: {  	v2 =	vsel vm2, v2, v8;
	vm1 =	vgt.f32 v7, v10;
	v9 =	vsel vm3, v61, v15  }
0x547: {  	v8 =	vsel vm3, v15, v61;
	v7 =	vsel vm1, v7, v10;
	vm2 =	vgt.f32 v9, v62;
	v11 =	vld.idx.msk [tilespmem:v11+s11+$0x0], $0xffff  }
0x548: {  	v10 =	vsel vm2, v9, v62;
	v9 =	vsel vm2, v62, v9;
	vm0 =	vgt.f32 v13, v3  }
0x549: {  	vm1 =	vgt.f32 v9, v7;
	v6 =	vsel vm0, v13, v3;
	v3 =	vsel vm0, v3, v13  }
0x54a: {  	v13 =	vsel vm1, v9, v7;
	v7 =	vld.idx.msk [tilespmem:v14+s11+$0x0], $0xffff;
	vm0 =	vgt.f32 v3, v4;
	vm1 =	vgt.f32 v12, v6  }
0x54b: {  	v9 =	vsel vm0, v3, v4;
	v3 =	vsel vm0, v4, v3;
	v4 =	vsel vm1, v12, v6  }
0x54c: {  	v6 =	vsel vm1, v6, v12;
	vm0 =	vgt.f32 v3, v5;
	vm1 =	vgt.f32 v11, v4  }
0x54d: {  	vm2 =	vgt.f32 v6, v9;
	v12 =	vsel vm0, v3, v5;
	v3 =	vsel vm0, v5, v3  }
0x54e: {  	v14 =	vsel vm1, v4, v11;
	v4 =	vsel vm1, v11, v4;
	v11 =	vsel vm2, v9, v6  }
0x54f: {  	v9 =	vsel vm2, v6, v9;
	vm0 =	vgt.f32 v3, v2;
	vm1 =	vgt.f32 v7, v4  }
0x550: {  	vm2 =	vgt.f32 v11, v12;
	v5 =	vsel vm0, v2, v3;
	v6 =	vsel vm1, v7, v4  }
0x551: {  	v63 =	vsel vm2, v11, v12;
	v11 =	vsel vm2, v12, v11;
	vm3 =	vgt.f32 v5, v18  }
0x552: {  	v7 =	vsel vm1, v4, v7;
	v15 =	vsel vm3, v5, v18;
	v5 =	vsel vm3, v18, v5  }
0x553: {  	v2 =	vsel vm0, v3, v2;
	vm1 =	vgt.f32 v14, v9;
	vm0 =	vgt.f32 v5, v8  }
0x554: {  	vm2 =	vgt.f32 v11, v2;
	v12 =	vsel vm1, v9, v14;
	v3 =	vsel vm0, v8, v5  }
0x555: {  	v5 =	vsel vm0, v5, v8;
	v8 =	vsel vm1, v14, v9;
	v14 =	vsel vm2, v11, v2  }
0x556: {  	v9 =	vsel vm2, v2, v11;
	vm2 =	vgt.f32 v12, v63;
	vm0 =	vgt.f32 v3, v10  }
0x557: {  	vm1 =	vgt.f32 v7, v8;
	v11 =	vsel vm2, v63, v12;
	v4 =	vsel vm0, v3, v10  }
0x558: {  	v10 =	vsel vm0, v10, v3;
	v2 =	vsel vm1, v8, v7;
	vm0 =	vgt.f32 v9, v15  }
0x559: {  	v7 =	vsel vm1, v7, v8;
	v3 =	vsel vm2, v12, v63;
	vm1 =	vgt.f32 v11, v14  }
0x55a: {  	v8 =	vsel vm0, v9, v15;
	v12 =	vsel vm0, v15, v9;
	vm0 =	vgt.f32 v2, v3  }
0x55b: {  	vm2 =	vgt.f32 v10, v13;
	v9 =	vsel vm1, v11, v14;
	v11 =	vsel vm1, v14, v11  }
0x55c: {  	s18 =	simm.s32 $0x4;
	v10 =	vsel vm2, v10, v13;
	vm2 =	vgt.f32 v12, v5;
	vm1 =	vgt.f32 v11, v8  }
.LBB2_37:
0x55d: {  	s19 =	sadd.s32 $0x1, s18  }
0x55e: {  	s20 =	sadd.s32 $0x3, s18;
	v13 =	vsel vm2, v5, v12;
	v14 =	vsel vm1, v11, v8;
	v15 =	vsel vm0, v3, v2;
	s21 =	smov.u32 s18;
	s17 =	sadd.s32 $0x4, s18  }
0x55f: {  	p2 =	slt.u32 s18, $0xC;
	v16 =	vadd.s32 s21, v1;
	v17 =	vadd.s32 s19, v1;
	vm3 =	vgt.f32 v15, v9  }
0x560: {  	v16 =	vshll.u32 v16, $0x4;
	v17 =	vshll.u32 v17, $0x4;
	v18 =	vsel vm3, v9, v15  }
0x561: {  	v5 =	vsel vm2, v12, v5;
	s18 =	sadd.s32 $0x2, s21;
	v16 =	vor.u32 v0, v16;
	v17 =	vor.u32 v0, v17  }
0x562: {  	vm2 =	vgt.f32 v13, v4;
	v12 =	vadd.s32 s18, v1;
	vm4 =	vgt.f32 v18, v14  }
0x563: {  	v19 =	vsel vm2, v4, v13;
	v12 =	vshll.u32 v12, $0x4;
	v20 =	vsel vm4, v18, v14  }
0x564: {  	v9 =	vsel vm3, v15, v9;
	vm5 =	vgt.f32 v19, v10;
	v12 =	vor.u32 v0, v12  }
0x565: {  	v8 =	vsel vm1, v8, v11;
	v15 =	vadd.s32 s20, v1;
	v4 =	vsel vm2, v13, v4  }
0x566: {  	vm1 =	vgt.f32 v8, v5;
	v13 =	vshll.u32 v15, $0x4;
	v14 =	vsel vm4, v14, v18;
	v11 =	vld.idx.msk [tilespmem:v16+s11+$0x0], $0xffff  }
0x567: {  	v15 =	vsel vm1, v8, v5;
	v5 =	vsel vm1, v5, v8;
	v13 =	vor.u32 v0, v13  }
0x568: {  	v10 =	vsel vm5, v19, v10;
	vm1 =	vgt.f32 v5, v4;
	vm2 =	vgt.f32 v14, v15;
	v8 =	vld.idx.msk [tilespmem:v17+s11+$0x0], $0xffff  }
0x569: {  	v16 =	vsel vm1, v5, v4;
	v4 =	vsel vm1, v4, v5;
	v5 =	vsel vm2, v15, v14  }
0x56a: {  	v14 =	vsel vm2, v14, v15;
	vm1 =	vgt.f32 v4, v10;
	vm2 =	vgt.f32 v5, v16;
	v12 =	vld.idx.msk [tilespmem:v12+s11+$0x0], $0xffff  }
0x56b: {  	v4 =	vsel vm1, v4, v10;
	v10 =	vsel vm2, v5, v16;
	v5 =	vsel vm2, v16, v5  }
0x56c: {  	v2 =	vsel vm0, v2, v3;
	vm0 =	vgt.f32 v5, v4;
	vm1 =	vgt.f32 v11, v6  }
0x56d: {  	v3 =	vsel vm1, v11, v6;
	v6 =	vsel vm1, v6, v11;
	v11 =	vld.idx.msk [tilespmem:v13+s11+$0x0], $0xffff;
	v13 =	vsel vm0, v5, v4  }
0x56e: {  	vm0 =	vgt.f32 v6, v7;
	vm1 =	vgt.f32 v8, v3  }
0x56f: {  	v4 =	vsel vm0, v6, v7;
	v5 =	vsel vm0, v7, v6;
	v6 =	vsel vm1, v8, v3  }
0x570: {  	v3 =	vsel vm1, v3, v8;
	vm0 =	vgt.f32 v5, v2;
	vm1 =	vgt.f32 v12, v6  }
0x571: {  	v7 =	vsel vm0, v5, v2;
	v2 =	vsel vm0, v2, v5;
	v8 =	vsel vm1, v6, v12  }
0x572: {  	vm2 =	vgt.f32 v3, v4;
	v5 =	vsel vm1, v12, v6;
	vm0 =	vgt.f32 v2, v9  }
0x573: {  	v15 =	vsel vm2, v4, v3;
	v12 =	vsel vm0, v9, v2;
	vm1 =	vgt.f32 v11, v5  }
0x574: {  	v3 =	vsel vm2, v3, v4;
	vm3 =	vgt.f32 v12, v20;
	v6 =	vsel vm1, v11, v5  }
0x575: {  	vm2 =	vgt.f32 v15, v7;
	v16 =	vsel vm3, v12, v20;
	v4 =	vsel vm3, v20, v12  }
0x576: {  	v11 =	vsel vm1, v5, v11;
	v12 =	vsel vm2, v15, v7;
	v7 =	vsel vm2, v7, v15  }
0x577: {  	v2 =	vsel vm0, v2, v9;
	vm1 =	vgt.f32 v8, v3;
	vm0 =	vgt.f32 v4, v14  }
0x578: {  	v15 =	vsel vm1, v3, v8;
	vm2 =	vgt.f32 v7, v2;
	v9 =	vsel vm0, v14, v4  }
0x579: {  	v3 =	vsel vm1, v8, v3;
	v5 =	vsel vm0, v4, v14;
	vm0 =	vgt.f32 v9, v10  }
0x57a: {  	vm1 =	vgt.f32 v11, v3;
	v14 =	vsel vm2, v7, v2;
	v4 =	vsel vm0, v9, v10  }
0x57b: {  	v10 =	vsel vm0, v10, v9;
	v9 =	vsel vm2, v2, v7;
	v2 =	vsel vm1, v3, v11  }
.Ltmp19:
0x57c: {  	vm2 =	vgt.f32 v15, v12;
	v7 =	vsel vm1, v11, v3;
	vm0 =	vgt.f32 v9, v16;
	(pc) =	sbr.rel @p2 .LBB2_37-.Ltmp19, $4  }
0x57d: {  	v3 =	vsel vm2, v15, v12;
	v11 =	vsel vm2, v12, v15;
	v8 =	vsel vm0, v9, v16  }
0x57e: {  	v12 =	vsel vm0, v16, v9;
	vm1 =	vgt.f32 v11, v14;
	vm0 =	vgt.f32 v2, v3  }
0x57f: {  	vm2 =	vgt.f32 v10, v13;
	v9 =	vsel vm1, v11, v14;
	v11 =	vsel vm1, v14, v11  }
0x580: {  	s18 =	smov.u32 s17;
	v10 =	vsel vm2, v10, v13;
	vm2 =	vgt.f32 v12, v5;
	vm1 =	vgt.f32 v11, v8  }
0x581: {  	v1 =	vsel vm0, v3, v2;
	v13 =	vsel vm2, v5, v12;
	v14 =	vsel vm1, v11, v8  }
0x582: {  	v5 =	vsel vm2, v12, v5;
	vm3 =	vgt.f32 v1, v9;
	vm4 =	vgt.f32 v13, v4  }
0x583: {  	v15 =	vsel vm3, v9, v1;
	v12 =	vsel vm4, v4, v13;
	v9 =	vsel vm3, v1, v9  }
0x584: {  	v1 =	vsel vm1, v8, v11;
	v4 =	vsel vm4, v13, v4;
	vm12 =	vgt.f32 v15, v14  }
0x585: {  	vm5 =	vgt.f32 v12, v10;
	vm1 =	vgt.f32 v1, v5;
	v8 =	vsel vm12, v14, v15  }
0x586: {  	[tilespmem:$0x10000] =	vst @!p0 v6;
	v13 =	vsel vm1, v1, v5;
	v1 =	vsel vm1, v5, v1;
	v5 =	vsel vm5, v12, v10  }
0x587: {  	[tilespmem:$0x10010] =	vst @!p0 v7;
	v10 =	vsel vm0, v2, v3;
	vm1 =	vgt.f32 v1, v4;
	vm13 =	vgt.f32 v8, v13  }
0x588: {  	s17 =	sshrl.u32 @!p0 s15, $0x1;
	[tilespmem:$0x10030] =	vst @!p0 v9;
	v2 =	vsel vm1, v1, v4;
	v1 =	vsel vm1, v4, v1;
	v3 =	vsel vm13, v13, v8  }
0x589: {  	s17 =	sadd.s32 @!p0 s4, s17;
	v11 =	vsel vm12, v15, v14;
	[tilespmem:$0x10020] =	vst @!p0 v10;
	vm14 =	vgt.f32 v1, v5;
	vm15 =	vgt.f32 v3, v2  }
0x58a: {  	s18 =	sshll.u32 @!p0 s17, $0x1;
	[tilespmem:$0x10040] =	vst @!p0 v11;
	v12 =	vsel vm13, v8, v13;
	v1 =	vsel vm14, v1, v5;
	v4 =	vsel vm15, v2, v3  }
0x58b: {  	s17 =	sshll.u32 @!p0 s17, $0x4;
	s18 =	sand.u32 @!p0 $0xE, s18;
	[tilespmem:$0x10050] =	vst @!p0 v12;
	v13 =	vsel vm15, v3, v2;
	vm0 =	vgt.f32 v4, v1  }
0x58c: {  	s19 =	simm.s32 @!p0 $0x80;
	s17 =	sand.u32 @!p0 $0xFFFFF80, s17;
	s18 =	sadd.s32 @!p0 s3, s18;
	[tilespmem:$0x10060] =	vst @!p0 v13;
	v14 =	vsel vm0, v4, v1  }
0x58d: {  	s20 =	simm.s32 @!p0 $0x10000;
	s17 =	sadd.s32 @!p0 s17, s18;
	s18 =	simm.s32 @!p0 $0x10;
	[tilespmem:$0x10070] =	vst @!p0 v14  }
0x58e: {  	[hbm4b:s17+s18] =	stream.strided.scatter @!p0 [tilespmem:s20], [sflag:$0x3], $0x80, s19, s18, $0x38;
	[tilespmem:$0x10080] =	vst v63  }
.Ltmp20:
0x58f: {  	_ = 	snop;
	(pc) =	sbr.rel @p1 .LBB2_40-.Ltmp20, $4  }
0x590: {  	s17 =	simm.s32 @!p0 $0x3  }
0x591: {  	_ =	swait.ge @!p0 [sflag:s17], $0x80  }
0x592: {  	[sflag:s17] =	ssyncset.done @!p0 $0x0  }
0x593: {  	[sflag:s17] =	ssyncadd.s32 @!p0 $0xFFFFFF80  }
0x594: {  	s16 =	sadd.s32 $0x3, s16  }
0x595: {  	s17 =	sshrl.u32 s16, $0x2  }
0x596: {  	s16 =	sshll.u32 s16, $0xF;
	s17 =	sadd.s32 s4, s17  }
.Ltmp21:
0x597: {  	s16 =	sand.u32 $0x18000, s16;
	s18 =	sshll.u32 s17, $0xE;
	(pc) =	sbr.rel .LBB2_2-.Ltmp21, $4  }
0x598: {  	s17 =	sshll.u32 s17, $0x1;
	s16 =	sadd.s32 s16, s7;
	s18 =	sand.u32 $0xFFE0000, s18  }
0x599: {  	s17 =	sand.u32 $0xE, s17;
	s16 =	sadd.s32 s18, s16  }
0x59a: {  	s15 =	sadd.s32 $0x1, s15;
	s16 =	sadd.s32 s17, s16  }
0x59b: {  	[tilespmem:s11], [sflag:$0x2] =	stream.strided.gather [hbm4b:s16+s9], $0x8000, s10, s9, $0x38;
	[tilespmem:$0x10080] =	vst v63  }
.LBB2_41:
0x59c: {  	_ =	sfence.sel $0x180000  }
0x59d: {  	[bflag:$0x0] =	sbarrier.arrive $0xFFFF  }
0x59e: {  	p0 =	sne.s32 s0, $0x0;
	_ =	strace $0x90000047  }
0x59f: {  	s0 =	sadd.s32 @!p0 $0x100000, s1;
	[bflag:$0x2] =	sbarrier.arrive $0xFFFF  }
0x5a0: {  	[sflag:s0] =	ssyncadd.tile.s32 @!p0 $0x1;
	_ =	shalt  }
.Lfunc_end2:
_tile_overlayer_lowered:
.L_overlay_start_2:
0x5a1: {  	(tag) =	ssettag $0x2  }
0x5a2: {  	s0 =	rddreg [dreg:$0x0];
	s2 =	stileid.u32  }
0x5a3: {  	s1 =	rddreg [dreg:$0x1];
	p0 =	sne.s32 s2, $0x0  }
0x5a4: {  	s3 =	rddreg [dreg:$0x2];
	[bflag:$0x3] =	sbarrier.arrive $0xFFFF;
	s2 =	simm.s32 @!p0 $0x1C03  }
0x5a5: {  	[timem:s3], [sflag:s2] =	dma.local @!p0 [hbm:s0], s1  }
0x5a6: {  	s0 =	simm.s32 @!p0 $0x3  }
0x5a7: {  	_ =	swait.ge @!p0 [sflag:s0], s1  }
0x5a8: {  	s1 =	ssub.s32 @!p0 $0x0, s1;
	[sflag:s0] =	ssyncset.done @!p0 $0x0  }
0x5a9: {  	[sflag:s0] =	ssyncadd.s32 @!p0 s1  }
0x5aa: {  	[bflag:$0x3] =	sbarrier.arrive $0xFFFF  }
0x5ab: {  	_ =	shalt  }

</sc_bundles>
